<compile_context>
chip_gen: v7x
topology: tpu7x:2x2x1
jax: 0.10.2.dev20260603
libtpu: 0.0.44.dev20260713+nightly
codegen_flags: <defaults>
</compile_context>

<pallas_src>
import functools

import jax
import jax.numpy as jnp
from jax import lax
from jax.experimental import pallas as pl
from jax.experimental.pallas import tpu as pltpu
from jax.experimental.pallas import tpu_sc as plsc


def _proj_body(a_ref, w1_ref, w2_ref, pa_ref, pb_ref):
    a = a_ref[...]
    f = a.shape[1]
    dn = (((1,), (1,)), ((), ()))

    def proj(w_sl):
        return lax.dot_general(a, w_sl, dn, preferred_element_type=jnp.float32)

    w1 = w1_ref[...]
    w2 = w2_ref[...]
    pa_ref[...] = jnp.concatenate(
        [proj(w1[:, :f]), proj(w2[:, :f])], axis=1)
    pb_ref[...] = jnp.concatenate(
        [proj(w1[:, f:2 * f]), proj(w2[:, f:2 * f])], axis=1)


def _node_proj(atom_fea, w1, w2):
    n = atom_fea.shape[0]
    return pl.pallas_call(
        _proj_body,
        out_shape=[jax.ShapeDtypeStruct((n, 32), jnp.float32)] * 2,
    )(atom_fea, w1, w2)


def _gather_sum_sc(pa, pb, nbr_t, unit_lo, unit_hi):
    d = pa.shape[1]
    info = plsc.get_sparse_core_info()
    nc, ns = info.num_cores, info.num_subcores
    nw = nc * ns
    unit = 3200
    n_my = unit_hi - unit_lo
    chunk = 400
    spu = unit // chunk
    npw = n_my * spu // nw
    assert unit_lo % 4 == 0 and unit_hi % 4 == 0 and npw * nw == n_my * spu
    mesh = plsc.VectorSubcoreMesh(core_axis_name="c", subcore_axis_name="s")

    @functools.partial(
        pl.kernel,
        mesh=mesh,
        out_type=jax.ShapeDtypeStruct((n_my * unit // 4, 4 * d), jnp.float32),
        scratch_types=[
            pltpu.VMEM((npw * chunk,), jnp.int32),
            pltpu.VMEM((npw * chunk,), jnp.int32),
            [pltpu.VMEM((chunk, d), jnp.float32) for _ in range(2)],
            [pltpu.VMEM((chunk, d), jnp.float32) for _ in range(2)],
            [pltpu.SemaphoreType.DMA for _ in range(2)],
            [pltpu.SemaphoreType.DMA for _ in range(2)],
            [pltpu.SemaphoreType.DMA for _ in range(2)],
        ],
        compiler_params=pltpu.CompilerParams(use_tc_tiling_on_sc=False),
    )
    def k(pa_hbm, pb_hbm, nbr_hbm, o_hbm, i0_v, i1_v, ga, gb, sa, sb, sw):
        wid = lax.axis_index("s") * nc + lax.axis_index("c")
        sid0 = wid * npw
        e0 = unit_lo * unit + sid0 * chunk
        pltpu.sync_copy(nbr_hbm.at[0, pl.ds(e0, npw * chunk)], i0_v)
        pltpu.sync_copy(nbr_hbm.at[1, pl.ds(e0, npw * chunk)], i1_v)

        def start_gather(kk):
            st = kk % 2
            ca = pltpu.async_copy(
                pa_hbm.at[i0_v.at[pl.ds(kk * chunk, chunk)]], ga[st], sa[st])
            cb = pltpu.async_copy(
                pb_hbm.at[i1_v.at[pl.ds(kk * chunk, chunk)]], gb[st], sb[st])
            return ca, cb

        gops = start_gather(0)
        wops = [None, None]
        for kk in range(npw):
            st = kk % 2
            nxt = None
            if kk + 1 < npw:
                if wops[(kk + 1) % 2] is not None:
                    wops[(kk + 1) % 2].wait()
                    wops[(kk + 1) % 2] = None
                nxt = start_gather(kk + 1)
            gops[0].wait()
            gops[1].wait()
            gops = nxt

            ga_v, gb_v = ga[st], gb[st]

            @pl.loop(0, chunk)
            def _(r):
                for c in range(0, d, 16):
                    slc = (pl.ds(r, 1), pl.ds(c, 16))
                    ga_v.at[*slc][...] = (ga_v.at[*slc][...]
                                          + gb_v.at[*slc][...])

            sid = sid0 + kk
            uid_rel = sid // spu
            g = lax.rem(unit_lo + uid_rel, 4)
            row0 = (uid_rel // 4) * unit + lax.rem(sid, spu) * chunk
            wops[st] = pltpu.async_copy(
                ga_v,
                o_hbm.at[pl.ds(row0, chunk), pl.ds(g * d, d)],
                sw[st])
        for w in wops:
            if w is not None:
                w.wait()

    return k(pa, pb, nbr_t)


def _edge_body(s_ref, et_ref, rt_ref, w12_ref, w3_ref, wr_ref, bias_ref,
               o_ref):
    s2t = s_ref[...].T
    b12 = bias_ref[0:32]
    b3 = bias_ref[32:48]
    br4 = bias_ref[48:64]
    bc = s_ref.shape[0]
    for g in range(4):
        stg = s2t[32 * g:32 * g + 32]
        etg = et_ref[:, g * bc:(g + 1) * bc]
        rtg = rt_ref[:, g * bc:(g + 1) * bc]
        z12 = stg + jnp.dot(w12_ref[...], etg,
                            preferred_element_type=jnp.float32) + b12
        z1 = z12[:16]
        z2 = z12[16:]
        h = (z1 * jax.nn.sigmoid(z1)) * jax.nn.sigmoid(z2)
        t = jnp.dot(w3_ref[...], h, preferred_element_type=jnp.float32) + b3
        gg = jnp.dot(wr_ref[...], rtg, preferred_element_type=jnp.float32) + br4
        o_ref[:, g * bc:(g + 1) * bc] = (t * jax.nn.sigmoid(t)) * gg


def _edge_mlp_t(s128, et, rt, w12, w3, wr, bias_col, blk_lo, n_blk,
                o_prev=None):
    e_total = et.shape[1]
    be = 12800
    bc = be // 4
    small = lambda shp: pl.BlockSpec(shp, lambda b: (0, 0))
    in_specs = [
        pl.BlockSpec((bc, 128), lambda b: (b, 0)),
        pl.BlockSpec((16, be), lambda b: (0, blk_lo + b)),
        pl.BlockSpec((16, be), lambda b: (0, blk_lo + b)),
        small((32, 16)),
        small((16, 16)),
        small((16, 16)),
        small((64, 1)),
    ]
    args = [s128, et, rt, w12, w3, wr, bias_col]
    kwargs = {}
    body = _edge_body
    if o_prev is not None:
        in_specs.append(pl.BlockSpec(memory_space=pl.ANY))
        args.append(o_prev)
        kwargs["input_output_aliases"] = {7: 0}
        body = lambda *refs: _edge_body(*refs[:7], refs[-1])
    return pl.pallas_call(
        body,
        grid=(n_blk,),
        in_specs=in_specs,
        out_specs=pl.BlockSpec((16, be), lambda b: (0, blk_lo + b)),
        out_shape=jax.ShapeDtypeStruct((16, e_total), jnp.float32),
        **kwargs,
    )(*args)


def kernel(atom_fea, edge_ij, nbr_atoms, bonds_r, W1, b1, W2, b2, Wr, br, W3, b3):
    f = atom_fea.shape[1]
    w12 = jnp.concatenate([W1[:, 2 * f:], W2[:, 2 * f:]], axis=0)
    bias_col = jnp.concatenate([b1, b2, b3, br])[:, None]
    pa, pb = _node_proj(atom_fea, W1, W2)
    nbr_t = nbr_atoms.T
    et = edge_ij.T
    rt = bonds_r.T
    chunks = [(0, 32, 0, 8), (32, 64, 8, 8), (64, 88, 16, 6), (88, 100, 22, 3)]
    ss = [_gather_sum_sc(pa, pb, nbr_t, lo, hi) for lo, hi, _, _ in chunks]
    ot = None
    for s128, (_, _, blk_lo, n_blk) in zip(ss, chunks):
        ot = _edge_mlp_t(s128, et, rt, w12, W3, Wr, bias_col,
                         blk_lo, n_blk, o_prev=ot)
    return ot.T

# --- scband reference (transcript-rebuilt; emitter-appended) ---
"""Pipeline reference for scband-edge-update-19593640804837 (READ-ONLY COPY).

The authoritative reference and input builder live on the scoring server;
editing this copy changes nothing except your own understanding.
"""

import jax, jax.numpy as jnp
import numpy as np

N_NODES = 10000
N_EDGES = 320000
ATOM_FEA = 128
NBR_FEA = 16

def _silu(x):
    return x * jax.nn.sigmoid(x)

def setup_inputs(seed: int = 0) -> dict:
    key = jax.random.key(seed)
    ks = jax.random.split(key, 12)
    atom_fea = jax.random.normal(ks[0], (N_NODES, ATOM_FEA), dtype=jnp.float32)
    edge_ij = jax.random.normal(ks[1], (N_EDGES, NBR_FEA), dtype=jnp.float32)
    nbr_atoms = jax.random.randint(ks[2], (N_EDGES, 2), 0, N_NODES, dtype=jnp.int64 if jax.config.jax_enable_x64 else jnp.int32).astype(jnp.int32)
    bonds_r = jax.random.normal(ks[3], (N_EDGES, 16), dtype=jnp.float32)
    d_in = 2 * ATOM_FEA + NBR_FEA
    s1 = 1.0 / np.sqrt(d_in)
    s2 = 1.0 / np.sqrt(16)
    s3 = 1.0 / np.sqrt(NBR_FEA)
    W1 = jax.random.uniform(ks[4], (NBR_FEA, d_in), jnp.float32, -s1, s1)
    b1 = jax.random.uniform(ks[5], (NBR_FEA,), jnp.float32, -s1, s1)
    W2 = jax.random.uniform(ks[6], (NBR_FEA, d_in), jnp.float32, -s1, s1)
    b2 = jax.random.uniform(ks[7], (NBR_FEA,), jnp.float32, -s1, s1)
    Wr = jax.random.uniform(ks[8], (NBR_FEA, 16), jnp.float32, -s2, s2)
    br = jax.random.uniform(ks[9], (NBR_FEA,), jnp.float32, -s2, s2)
    W3 = jax.random.uniform(ks[10], (NBR_FEA, NBR_FEA), jnp.float32, -s3, s3)
    b3 = jax.random.uniform(ks[11], (NBR_FEA,), jnp.float32, -s3, s3)
    return {"atom_fea": atom_fea, "edge_ij": edge_ij, "nbr_atoms": nbr_atoms, "bonds_r": bonds_r,
            "W1": W1, "b1": b1, "W2": W2, "b2": b2, "Wr": Wr, "br": br, "W3": W3, "b3": b3}

def reference(atom_fea, edge_ij, nbr_atoms, bonds_r, W1, b1, W2, b2, Wr, br, W3, b3):
    src = jnp.take(atom_fea, nbr_atoms[:, 0], axis=0)
    dst = jnp.take(atom_fea, nbr_atoms[:, 1], axis=0)
    atom_nbr_fea = jnp.concatenate([src, dst, edge_ij], axis=-1)
    h = _silu(atom_nbr_fea @ W1.T + b1) * jax.nn.sigmoid(atom_nbr_fea @ W2.T + b2)
    out = _silu(h @ W3.T + b3) * (bonds_r @ Wr.T + br)
    return out

if __name__ == "__main__":
    import jax
    _d = setup_inputs()
    print(jax.jit(kernel)(*tuple(_d.values())))

</pallas_src>

<mosaic_0001>
#map = affine_map<(d0, d1) -> (0, 0)>
module attributes {stable_mosaic.version = 14 : i64} {
  func.func @k(%arg0: i32, %arg1: i32, %arg2: memref<10000x32xf32, #tpu.memory_space<hbm>>, %arg3: memref<10000x32xf32, #tpu.memory_space<hbm>>, %arg4: memref<2x320000xi32, #tpu.memory_space<hbm>>, %arg5: memref<25600x128xf32, #tpu.memory_space<hbm>>, %arg6: memref<3200xi32, #tpu.memory_space<vmem>>, %arg7: memref<3200xi32, #tpu.memory_space<vmem>>, %arg8: memref<400x32xf32, #tpu.memory_space<vmem>>, %arg9: memref<400x32xf32, #tpu.memory_space<vmem>>, %arg10: memref<400x32xf32, #tpu.memory_space<vmem>>, %arg11: memref<400x32xf32, #tpu.memory_space<vmem>>, %arg12: memref<!tpu.dma_semaphore, #tpu.memory_space<semaphore_mem>>, %arg13: memref<!tpu.dma_semaphore, #tpu.memory_space<semaphore_mem>>, %arg14: memref<!tpu.dma_semaphore, #tpu.memory_space<semaphore_mem>>, %arg15: memref<!tpu.dma_semaphore, #tpu.memory_space<semaphore_mem>>, %arg16: memref<!tpu.dma_semaphore, #tpu.memory_space<semaphore_mem>>, %arg17: memref<!tpu.dma_semaphore, #tpu.memory_space<semaphore_mem>>) attributes {dimension_semantics = [#tpu.dimension_semantics<core_parallel>, #tpu.dimension_semantics<subcore_parallel>], iteration_bounds = array<i64: 2, 16>, scalar_prefetch = 0 : i64, scratch_operands = 12 : i64, tpu.core_type = #tpu.core_type<sc_vector_subcore>, window_params = [{transform_indices = #map}, {transform_indices = #map}, {transform_indices = #map}, {transform_indices = #map}]} {
    %mul3A = arith.constant 2 : i32
    %mul3A_0 = arith.muli %arg1, %mul3A : i32
    %add3A = arith.addi %mul3A_0, %arg0 : i32
    %mul3A_1 = arith.constant 8 : i32
    %mul3A_2 = arith.muli %add3A, %mul3A_1 : i32
    %mul3A_3 = arith.constant 400 : i32
    %mul3A_4 = arith.muli %mul3A_2, %mul3A_3 : i32
    %add3A_5 = arith.constant 102400 : i32
    %add3A_6 = arith.addi %add3A_5, %mul3A_4 : i32
    %run_scoped3A = arith.constant 0 : i32
    "tpu.region"() ({
      %run_scoped3A_733 = tpu.sem_alloc : memref<!tpu.dma_semaphore, #tpu.memory_space<semaphore_mem>>
      %dma_start3A_734 = tpu.memref_slice %arg4[%run_scoped3A, %add3A_6] : memref<2x320000xi32, #tpu.memory_space<hbm>> -> memref<1x3200xi32, #tpu.memory_space<hbm>>
      %dma_start3A_735 = tpu.memref_squeeze %dma_start3A_734 : memref<1x3200xi32, #tpu.memory_space<hbm>> -> memref<3200xi32, #tpu.memory_space<hbm>>
      %dma_start3A_736 = tpu.memref_slice %arg4[%run_scoped3A, %add3A_6] : memref<2x320000xi32, #tpu.memory_space<hbm>> -> memref<1x3200xi32, #tpu.memory_space<hbm>>
      %dma_start3A_737 = tpu.memref_squeeze %dma_start3A_736 : memref<1x3200xi32, #tpu.memory_space<hbm>> -> memref<3200xi32, #tpu.memory_space<hbm>>
      tpu.enqueue_dma source(%dma_start3A_737 : memref<3200xi32, #tpu.memory_space<hbm>>) target(%arg6 : memref<3200xi32, #tpu.memory_space<vmem>>) target_semaphore(%run_scoped3A_733 : memref<!tpu.dma_semaphore, #tpu.memory_space<semaphore_mem>>)
      %dma_wait3A_738 = tpu.memref_slice %arg4[%run_scoped3A, %add3A_6] : memref<2x320000xi32, #tpu.memory_space<hbm>> -> memref<1x3200xi32, #tpu.memory_space<hbm>>
      %dma_wait3A_739 = tpu.memref_squeeze %dma_wait3A_738 : memref<1x3200xi32, #tpu.memory_space<hbm>> -> memref<3200xi32, #tpu.memory_space<hbm>>
      %dma_wait3A_740 = tpu.memref_slice %arg4[%run_scoped3A, %add3A_6] : memref<2x320000xi32, #tpu.memory_space<hbm>> -> memref<1x3200xi32, #tpu.memory_space<hbm>>
      %dma_wait3A_741 = tpu.memref_squeeze %dma_wait3A_740 : memref<1x3200xi32, #tpu.memory_space<hbm>> -> memref<3200xi32, #tpu.memory_space<hbm>>
      tpu.wait_dma2 semaphore(%run_scoped3A_733 : memref<!tpu.dma_semaphore, #tpu.memory_space<semaphore_mem>>) src(%dma_wait3A_741 : memref<3200xi32, #tpu.memory_space<hbm>>) dst(%arg6 : memref<3200xi32, #tpu.memory_space<vmem>>)
      tpu.yield
    }) : () -> ()
    %run_scoped3A_7 = arith.constant 1 : i32
    "tpu.region"() ({
      %run_scoped3A_733 = tpu.sem_alloc : memref<!tpu.dma_semaphore, #tpu.memory_space<semaphore_mem>>
      %dma_start3A_734 = tpu.memref_slice %arg4[%run_scoped3A_7, %add3A_6] : memref<2x320000xi32, #tpu.memory_space<hbm>> -> memref<1x3200xi32, #tpu.memory_space<hbm>>
      %dma_start3A_735 = tpu.memref_squeeze %dma_start3A_734 : memref<1x3200xi32, #tpu.memory_space<hbm>> -> memref<3200xi32, #tpu.memory_space<hbm>>
      %dma_start3A_736 = tpu.memref_slice %arg4[%run_scoped3A_7, %add3A_6] : memref<2x320000xi32, #tpu.memory_space<hbm>> -> memref<1x3200xi32, #tpu.memory_space<hbm>>
      %dma_start3A_737 = tpu.memref_squeeze %dma_start3A_736 : memref<1x3200xi32, #tpu.memory_space<hbm>> -> memref<3200xi32, #tpu.memory_space<hbm>>
      tpu.enqueue_dma source(%dma_start3A_737 : memref<3200xi32, #tpu.memory_space<hbm>>) target(%arg7 : memref<3200xi32, #tpu.memory_space<vmem>>) target_semaphore(%run_scoped3A_733 : memref<!tpu.dma_semaphore, #tpu.memory_space<semaphore_mem>>)
      %dma_wait3A_738 = tpu.memref_slice %arg4[%run_scoped3A_7, %add3A_6] : memref<2x320000xi32, #tpu.memory_space<hbm>> -> memref<1x3200xi32, #tpu.memory_space<hbm>>
      %dma_wait3A_739 = tpu.memref_squeeze %dma_wait3A_738 : memref<1x3200xi32, #tpu.memory_space<hbm>> -> memref<3200xi32, #tpu.memory_space<hbm>>
      %dma_wait3A_740 = tpu.memref_slice %arg4[%run_scoped3A_7, %add3A_6] : memref<2x320000xi32, #tpu.memory_space<hbm>> -> memref<1x3200xi32, #tpu.memory_space<hbm>>
      %dma_wait3A_741 = tpu.memref_squeeze %dma_wait3A_740 : memref<1x3200xi32, #tpu.memory_space<hbm>> -> memref<3200xi32, #tpu.memory_space<hbm>>
      tpu.wait_dma2 semaphore(%run_scoped3A_733 : memref<!tpu.dma_semaphore, #tpu.memory_space<semaphore_mem>>) src(%dma_wait3A_741 : memref<3200xi32, #tpu.memory_space<hbm>>) dst(%arg7 : memref<3200xi32, #tpu.memory_space<vmem>>)
      tpu.yield
    }) : () -> ()
    %dma_start3A = arith.constant 0 : i32
    %dma_start3A_8 = tpu.memref_slice %arg6[%dma_start3A] : memref<3200xi32, #tpu.memory_space<vmem>> -> memref<400xi32, #tpu.memory_space<vmem>>
    %dma_start3A_9 = arith.constant 0 : i32
    %dma_start3A_10 = arith.constant 0 : i32
    %dma_start3A_11 = tpu.memref_slice %arg2[%dma_start3A_9, %dma_start3A_10] : memref<10000x32xf32, #tpu.memory_space<hbm>> -> memref<10000x32xf32, #tpu.memory_space<hbm>>
    tpu.enqueue_indirect_dma source(%dma_start3A_11 : memref<10000x32xf32, #tpu.memory_space<hbm>>) target(%arg8 : memref<400x32xf32, #tpu.memory_space<vmem>>) offsets(%dma_start3A_8 : memref<400xi32, #tpu.memory_space<vmem>>) semaphore(%arg12 : memref<!tpu.dma_semaphore, #tpu.memory_space<semaphore_mem>>)
    %dma_start3A_12 = arith.constant 0 : i32
    %dma_start3A_13 = tpu.memref_slice %arg7[%dma_start3A_12] : memref<3200xi32, #tpu.memory_space<vmem>> -> memref<400xi32, #tpu.memory_space<vmem>>
    %dma_start3A_14 = arith.constant 0 : i32
    %dma_start3A_15 = arith.constant 0 : i32
    %dma_start3A_16 = tpu.memref_slice %arg3[%dma_start3A_14, %dma_start3A_15] : memref<10000x32xf32, #tpu.memory_space<hbm>> -> memref<10000x32xf32, #tpu.memory_space<hbm>>
    tpu.enqueue_indirect_dma source(%dma_start3A_16 : memref<10000x32xf32, #tpu.memory_space<hbm>>) target(%arg10 : memref<400x32xf32, #tpu.memory_space<vmem>>) offsets(%dma_start3A_13 : memref<400xi32, #tpu.memory_space<vmem>>) semaphore(%arg14 : memref<!tpu.dma_semaphore, #tpu.memory_space<semaphore_mem>>)
    %dma_start3A_17 = arith.constant 400 : i32
    %dma_start3A_18 = tpu.memref_slice %arg6[%dma_start3A_17] : memref<3200xi32, #tpu.memory_space<vmem>> -> memref<400xi32, #tpu.memory_space<vmem>>
    %dma_start3A_19 = arith.constant 0 : i32
    %dma_start3A_20 = arith.constant 0 : i32
    %dma_start3A_21 = tpu.memref_slice %arg2[%dma_start3A_19, %dma_start3A_20] : memref<10000x32xf32, #tpu.memory_space<hbm>> -> memref<10000x32xf32, #tpu.memory_space<hbm>>
    tpu.enqueue_indirect_dma source(%dma_start3A_21 : memref<10000x32xf32, #tpu.memory_space<hbm>>) target(%arg9 : memref<400x32xf32, #tpu.memory_space<vmem>>) offsets(%dma_start3A_18 : memref<400xi32, #tpu.memory_space<vmem>>) semaphore(%arg13 : memref<!tpu.dma_semaphore, #tpu.memory_space<semaphore_mem>>)
    %dma_start3A_22 = arith.constant 400 : i32
    %dma_start3A_23 = tpu.memref_slice %arg7[%dma_start3A_22] : memref<3200xi32, #tpu.memory_space<vmem>> -> memref<400xi32, #tpu.memory_space<vmem>>
    %dma_start3A_24 = arith.constant 0 : i32
    %dma_start3A_25 = arith.constant 0 : i32
    %dma_start3A_26 = tpu.memref_slice %arg3[%dma_start3A_24, %dma_start3A_25] : memref<10000x32xf32, #tpu.memory_space<hbm>> -> memref<10000x32xf32, #tpu.memory_space<hbm>>
    tpu.enqueue_indirect_dma source(%dma_start3A_26 : memref<10000x32xf32, #tpu.memory_space<hbm>>) target(%arg11 : memref<400x32xf32, #tpu.memory_space<vmem>>) offsets(%dma_start3A_23 : memref<400xi32, #tpu.memory_space<vmem>>) semaphore(%arg15 : memref<!tpu.dma_semaphore, #tpu.memory_space<semaphore_mem>>)
    %dma_wait3A = arith.constant 0 : i32
    %dma_wait3A_27 = tpu.memref_slice %arg6[%dma_wait3A] : memref<3200xi32, #tpu.memory_space<vmem>> -> memref<400xi32, #tpu.memory_space<vmem>>
    %dma_wait3A_28 = arith.constant 0 : i32
    %dma_wait3A_29 = arith.constant 0 : i32
    %dma_wait3A_30 = tpu.memref_slice %arg2[%dma_wait3A_28, %dma_wait3A_29] : memref<10000x32xf32, #tpu.memory_space<hbm>> -> memref<10000x32xf32, #tpu.memory_space<hbm>>
    tpu.wait_indirect_dma semaphore(%arg12 : memref<!tpu.dma_semaphore, #tpu.memory_space<semaphore_mem>>) src(%dma_wait3A_30 : memref<10000x32xf32, #tpu.memory_space<hbm>>) dst(%arg8 : memref<400x32xf32, #tpu.memory_space<vmem>>)
    %dma_wait3A_31 = arith.constant 0 : i32
    %dma_wait3A_32 = tpu.memref_slice %arg7[%dma_wait3A_31] : memref<3200xi32, #tpu.memory_space<vmem>> -> memref<400xi32, #tpu.memory_space<vmem>>
    %dma_wait3A_33 = arith.constant 0 : i32
    %dma_wait3A_34 = arith.constant 0 : i32
    %dma_wait3A_35 = tpu.memref_slice %arg3[%dma_wait3A_33, %dma_wait3A_34] : memref<10000x32xf32, #tpu.memory_space<hbm>> -> memref<10000x32xf32, #tpu.memory_space<hbm>>
    tpu.wait_indirect_dma semaphore(%arg14 : memref<!tpu.dma_semaphore, #tpu.memory_space<semaphore_mem>>) src(%dma_wait3A_35 : memref<10000x32xf32, #tpu.memory_space<hbm>>) dst(%arg10 : memref<400x32xf32, #tpu.memory_space<vmem>>)
    %scan3A = arith.constant 0 : i32
    %scan3A_36 = arith.constant 400 : i32
    %scan3A_37 = arith.addi %scan3A, %scan3A_36 : i32
    %scan3A_38 = arith.constant 1 : i32
    scf.for %scan3A_733 = %scan3A to %scan3A_37 step %scan3A_38  : i32 {
      %mul3A_734 = arith.constant 1 : i32
      %mul3A_735 = arith.muli %scan3A_733, %mul3A_734 : i32
      %add3A_736 = arith.constant 0 : i32
      %add3A_737 = arith.addi %add3A_736, %mul3A_735 : i32
      %get3A = arith.index_cast %add3A_737 : i32 to index
      %get3A_738 = arith.constant 0 : index
      %get3A_739 = tpu.vector_load %arg8[%get3A, %get3A_738] {strides = array<i32>} : memref<400x32xf32, #tpu.memory_space<vmem>>, vector<1x16xf32>,
      %get3A_740 = vector.shape_cast %get3A_739 : vector<1x16xf32> to vector<1x16xf32>
      %get3A_741 = arith.index_cast %add3A_737 : i32 to index
      %get3A_742 = arith.constant 0 : index
      %get3A_743 = tpu.vector_load %arg10[%get3A_741, %get3A_742] {strides = array<i32>} : memref<400x32xf32, #tpu.memory_space<vmem>>, vector<1x16xf32>,
      %get3A_744 = vector.shape_cast %get3A_743 : vector<1x16xf32> to vector<1x16xf32>
      %add3A_745 = arith.addf %get3A_740, %get3A_744 : vector<1x16xf32>
      %swap3A = arith.index_cast %add3A_737 : i32 to index
      %swap3A_746 = arith.constant 0 : index
      %swap3A_747 = tpu.vector_load %arg8[%swap3A, %swap3A_746] {strides = array<i32>} : memref<400x32xf32, #tpu.memory_space<vmem>>, vector<1x16xf32>,
      %swap3A_748 = vector.shape_cast %swap3A_747 : vector<1x16xf32> to vector<1x16xf32>
      %swap3A_749 = vector.shape_cast %add3A_745 : vector<1x16xf32> to vector<1x16xf32>
      tpu.vector_store %arg8[%swap3A, %swap3A_746], %swap3A_749 {strides = array<i32>} : memref<400x32xf32, #tpu.memory_space<vmem>>, vector<1x16xf32>,
      %get3A_750 = arith.index_cast %add3A_737 : i32 to index
      %get3A_751 = arith.constant 16 : index
      %get3A_752 = tpu.vector_load %arg8[%get3A_750, %get3A_751] {strides = array<i32>} : memref<400x32xf32, #tpu.memory_space<vmem>>, vector<1x16xf32>,
      %get3A_753 = vector.shape_cast %get3A_752 : vector<1x16xf32> to vector<1x16xf32>
      %get3A_754 = arith.index_cast %add3A_737 : i32 to index
      %get3A_755 = arith.constant 16 : index
      %get3A_756 = tpu.vector_load %arg10[%get3A_754, %get3A_755] {strides = array<i32>} : memref<400x32xf32, #tpu.memory_space<vmem>>, vector<1x16xf32>,
      %get3A_757 = vector.shape_cast %get3A_756 : vector<1x16xf32> to vector<1x16xf32>
      %add3A_758 = arith.addf %get3A_753, %get3A_757 : vector<1x16xf32>
      %swap3A_759 = arith.index_cast %add3A_737 : i32 to index
      %swap3A_760 = arith.constant 16 : index
      %swap3A_761 = tpu.vector_load %arg8[%swap3A_759, %swap3A_760] {strides = array<i32>} : memref<400x32xf32, #tpu.memory_space<vmem>>, vector<1x16xf32>,
      %swap3A_762 = vector.shape_cast %swap3A_761 : vector<1x16xf32> to vector<1x16xf32>
      %swap3A_763 = vector.shape_cast %add3A_758 : vector<1x16xf32> to vector<1x16xf32>
      tpu.vector_store %arg8[%swap3A_759, %swap3A_760], %swap3A_763 {strides = array<i32>} : memref<400x32xf32, #tpu.memory_space<vmem>>, vector<1x16xf32>,
    }
    %scan3A_39 = arith.constant 400 : i32
    %add3A_40 = arith.constant 0 : i32
    %add3A_41 = arith.addi %mul3A_2, %add3A_40 : i32
    %jit3A = arith.constant 8 : i32
    %div3A = arith.divsi %add3A_41, %jit3A : i32
    %sign3A = arith.constant 0 : i32
    %sign3A_42 = arith.cmpi sgt, %add3A_41, %sign3A : i32
    %sign3A_43 = arith.extui %sign3A_42 : i1 to i32
    %sign3A_44 = arith.constant 0 : i32
    %sign3A_45 = arith.cmpi slt, %add3A_41, %sign3A_44 : i32
    %sign3A_46 = arith.extui %sign3A_45 : i1 to i32
    %sign3A_47 = arith.subi %sign3A_43, %sign3A_46 : i32
    %sign3A_48 = arith.constant 0 : i32
    %sign3A_49 = arith.cmpi sgt, %jit3A, %sign3A_48 : i32
    %sign3A_50 = arith.extui %sign3A_49 : i1 to i32
    %sign3A_51 = arith.constant 0 : i32
    %sign3A_52 = arith.cmpi slt, %jit3A, %sign3A_51 : i32
    %sign3A_53 = arith.extui %sign3A_52 : i1 to i32
    %sign3A_54 = arith.subi %sign3A_50, %sign3A_53 : i32
    %ne3A = arith.cmpi ne, %sign3A_47, %sign3A_54 : i32
    %rem3A = arith.remsi %add3A_41, %jit3A : i32
    %ne3A_55 = arith.constant 0 : i32
    %ne3A_56 = arith.cmpi ne, %rem3A, %ne3A_55 : i32
    %and3A = arith.andi %ne3A, %ne3A_56 : i1
    %sub3A = arith.constant 1 : i32
    %sub3A_57 = arith.subi %div3A, %sub3A : i32
    %select_n3A = arith.select %and3A, %sub3A_57, %div3A : i32
    %add3A_58 = arith.constant 32 : i32
    %add3A_59 = arith.addi %add3A_58, %select_n3A : i32
    %rem3A_60 = arith.constant 4 : i32
    %rem3A_61 = arith.remsi %add3A_59, %rem3A_60 : i32
    %jit3A_62 = arith.constant 4 : i32
    %div3A_63 = arith.divsi %select_n3A, %jit3A_62 : i32
    %sign3A_64 = arith.constant 0 : i32
    %sign3A_65 = arith.cmpi sgt, %select_n3A, %sign3A_64 : i32
    %sign3A_66 = arith.extui %sign3A_65 : i1 to i32
    %sign3A_67 = arith.constant 0 : i32
    %sign3A_68 = arith.cmpi slt, %select_n3A, %sign3A_67 : i32
    %sign3A_69 = arith.extui %sign3A_68 : i1 to i32
    %sign3A_70 = arith.subi %sign3A_66, %sign3A_69 : i32
    %sign3A_71 = arith.constant 0 : i32
    %sign3A_72 = arith.cmpi sgt, %jit3A_62, %sign3A_71 : i32
    %sign3A_73 = arith.extui %sign3A_72 : i1 to i32
    %sign3A_74 = arith.constant 0 : i32
    %sign3A_75 = arith.cmpi slt, %jit3A_62, %sign3A_74 : i32
    %sign3A_76 = arith.extui %sign3A_75 : i1 to i32
    %sign3A_77 = arith.subi %sign3A_73, %sign3A_76 : i32
    %ne3A_78 = arith.cmpi ne, %sign3A_70, %sign3A_77 : i32
    %rem3A_79 = arith.remsi %select_n3A, %jit3A_62 : i32
    %ne3A_80 = arith.constant 0 : i32
    %ne3A_81 = arith.cmpi ne, %rem3A_79, %ne3A_80 : i32
    %and3A_82 = arith.andi %ne3A_78, %ne3A_81 : i1
    %sub3A_83 = arith.constant 1 : i32
    %sub3A_84 = arith.subi %div3A_63, %sub3A_83 : i32
    %select_n3A_85 = arith.select %and3A_82, %sub3A_84, %div3A_63 : i32
    %mul3A_86 = arith.constant 3200 : i32
    %mul3A_87 = arith.muli %select_n3A_85, %mul3A_86 : i32
    %rem3A_88 = arith.constant 8 : i32
    %rem3A_89 = arith.remsi %add3A_41, %rem3A_88 : i32
    %mul3A_90 = arith.constant 400 : i32
    %mul3A_91 = arith.muli %rem3A_89, %mul3A_90 : i32
    %add3A_92 = arith.addi %mul3A_87, %mul3A_91 : i32
    %mul3A_93 = arith.constant 32 : i32
    %mul3A_94 = arith.muli %rem3A_61, %mul3A_93 : i32
    %dma_start3A_95 = tpu.memref_slice %arg5[%add3A_92, %mul3A_94] : memref<25600x128xf32, #tpu.memory_space<hbm>> -> memref<400x32xf32, #tpu.memory_space<hbm>>
    %dma_start3A_96 = tpu.memref_slice %arg5[%add3A_92, %mul3A_94] : memref<25600x128xf32, #tpu.memory_space<hbm>> -> memref<400x32xf32, #tpu.memory_space<hbm>>
    tpu.enqueue_dma source(%arg8 : memref<400x32xf32, #tpu.memory_space<vmem>>) target(%dma_start3A_96 : memref<400x32xf32, #tpu.memory_space<hbm>>) target_semaphore(%arg16 : memref<!tpu.dma_semaphore, #tpu.memory_space<semaphore_mem>>)
    %dma_wait3A_97 = tpu.memref_slice %arg5[%add3A_92, %mul3A_94] : memref<25600x128xf32, #tpu.memory_space<hbm>> -> memref<400x32xf32, #tpu.memory_space<hbm>>
    %dma_wait3A_98 = tpu.memref_slice %arg5[%add3A_92, %mul3A_94] : memref<25600x128xf32, #tpu.memory_space<hbm>> -> memref<400x32xf32, #tpu.memory_space<hbm>>
    tpu.wait_dma2 semaphore(%arg16 : memref<!tpu.dma_semaphore, #tpu.memory_space<semaphore_mem>>) src(%arg8 : memref<400x32xf32, #tpu.memory_space<vmem>>) dst(%dma_wait3A_98 : memref<400x32xf32, #tpu.memory_space<hbm>>)
    %dma_start3A_99 = arith.constant 800 : i32
    %dma_start3A_100 = tpu.memref_slice %arg6[%dma_start3A_99] : memref<3200xi32, #tpu.memory_space<vmem>> -> memref<400xi32, #tpu.memory_space<vmem>>
    %dma_start3A_101 = arith.constant 0 : i32
    %dma_start3A_102 = arith.constant 0 : i32
    %dma_start3A_103 = tpu.memref_slice %arg2[%dma_start3A_101, %dma_start3A_102] : memref<10000x32xf32, #tpu.memory_space<hbm>> -> memref<10000x32xf32, #tpu.memory_space<hbm>>
    tpu.enqueue_indirect_dma source(%dma_start3A_103 : memref<10000x32xf32, #tpu.memory_space<hbm>>) target(%arg8 : memref<400x32xf32, #tpu.memory_space<vmem>>) offsets(%dma_start3A_100 : memref<400xi32, #tpu.memory_space<vmem>>) semaphore(%arg12 : memref<!tpu.dma_semaphore, #tpu.memory_space<semaphore_mem>>)
    %dma_start3A_104 = arith.constant 800 : i32
    %dma_start3A_105 = tpu.memref_slice %arg7[%dma_start3A_104] : memref<3200xi32, #tpu.memory_space<vmem>> -> memref<400xi32, #tpu.memory_space<vmem>>
    %dma_start3A_106 = arith.constant 0 : i32
    %dma_start3A_107 = arith.constant 0 : i32
    %dma_start3A_108 = tpu.memref_slice %arg3[%dma_start3A_106, %dma_start3A_107] : memref<10000x32xf32, #tpu.memory_space<hbm>> -> memref<10000x32xf32, #tpu.memory_space<hbm>>
    tpu.enqueue_indirect_dma source(%dma_start3A_108 : memref<10000x32xf32, #tpu.memory_space<hbm>>) target(%arg10 : memref<400x32xf32, #tpu.memory_space<vmem>>) offsets(%dma_start3A_105 : memref<400xi32, #tpu.memory_space<vmem>>) semaphore(%arg14 : memref<!tpu.dma_semaphore, #tpu.memory_space<semaphore_mem>>)
    %dma_wait3A_109 = arith.constant 400 : i32
    %dma_wait3A_110 = tpu.memref_slice %arg6[%dma_wait3A_109] : memref<3200xi32, #tpu.memory_space<vmem>> -> memref<400xi32, #tpu.memory_space<vmem>>
    %dma_wait3A_111 = arith.constant 0 : i32
    %dma_wait3A_112 = arith.constant 0 : i32
    %dma_wait3A_113 = tpu.memref_slice %arg2[%dma_wait3A_111, %dma_wait3A_112] : memref<10000x32xf32, #tpu.memory_space<hbm>> -> memref<10000x32xf32, #tpu.memory_space<hbm>>
    tpu.wait_indirect_dma semaphore(%arg13 : memref<!tpu.dma_semaphore, #tpu.memory_space<semaphore_mem>>) src(%dma_wait3A_113 : memref<10000x32xf32, #tpu.memory_space<hbm>>) dst(%arg9 : memref<400x32xf32, #tpu.memory_space<vmem>>)
    %dma_wait3A_114 = arith.constant 400 : i32
    %dma_wait3A_115 = tpu.memref_slice %arg7[%dma_wait3A_114] : memref<3200xi32, #tpu.memory_space<vmem>> -> memref<400xi32, #tpu.memory_space<vmem>>
    %dma_wait3A_116 = arith.constant 0 : i32
    %dma_wait3A_117 = arith.constant 0 : i32
    %dma_wait3A_118 = tpu.memref_slice %arg3[%dma_wait3A_116, %dma_wait3A_117] : memref<10000x32xf32, #tpu.memory_space<hbm>> -> memref<10000x32xf32, #tpu.memory_space<hbm>>
    tpu.wait_indirect_dma semaphore(%arg15 : memref<!tpu.dma_semaphore, #tpu.memory_space<semaphore_mem>>) src(%dma_wait3A_118 : memref<10000x32xf32, #tpu.memory_space<hbm>>) dst(%arg11 : memref<400x32xf32, #tpu.memory_space<vmem>>)
    %scan3A_119 = arith.constant 0 : i32
    %scan3A_120 = arith.constant 400 : i32
    %scan3A_121 = arith.addi %scan3A_119, %scan3A_120 : i32
    %scan3A_122 = arith.constant 1 : i32
    scf.for %scan3A_733 = %scan3A_119 to %scan3A_121 step %scan3A_122  : i32 {
      %mul3A_734 = arith.constant 1 : i32
      %mul3A_735 = arith.muli %scan3A_733, %mul3A_734 : i32
      %add3A_736 = arith.constant 0 : i32
      %add3A_737 = arith.addi %add3A_736, %mul3A_735 : i32
      %get3A = arith.index_cast %add3A_737 : i32 to index
      %get3A_738 = arith.constant 0 : index
      %get3A_739 = tpu.vector_load %arg9[%get3A, %get3A_738] {strides = array<i32>} : memref<400x32xf32, #tpu.memory_space<vmem>>, vector<1x16xf32>,
      %get3A_740 = vector.shape_cast %get3A_739 : vector<1x16xf32> to vector<1x16xf32>
      %get3A_741 = arith.index_cast %add3A_737 : i32 to index
      %get3A_742 = arith.constant 0 : index
      %get3A_743 = tpu.vector_load %arg11[%get3A_741, %get3A_742] {strides = array<i32>} : memref<400x32xf32, #tpu.memory_space<vmem>>, vector<1x16xf32>,
      %get3A_744 = vector.shape_cast %get3A_743 : vector<1x16xf32> to vector<1x16xf32>
      %add3A_745 = arith.addf %get3A_740, %get3A_744 : vector<1x16xf32>
      %swap3A = arith.index_cast %add3A_737 : i32 to index
      %swap3A_746 = arith.constant 0 : index
      %swap3A_747 = tpu.vector_load %arg9[%swap3A, %swap3A_746] {strides = array<i32>} : memref<400x32xf32, #tpu.memory_space<vmem>>, vector<1x16xf32>,
      %swap3A_748 = vector.shape_cast %swap3A_747 : vector<1x16xf32> to vector<1x16xf32>
      %swap3A_749 = vector.shape_cast %add3A_745 : vector<1x16xf32> to vector<1x16xf32>
      tpu.vector_store %arg9[%swap3A, %swap3A_746], %swap3A_749 {strides = array<i32>} : memref<400x32xf32, #tpu.memory_space<vmem>>, vector<1x16xf32>,
      %get3A_750 = arith.index_cast %add3A_737 : i32 to index
      %get3A_751 = arith.constant 16 : index
      %get3A_752 = tpu.vector_load %arg9[%get3A_750, %get3A_751] {strides = array<i32>} : memref<400x32xf32, #tpu.memory_space<vmem>>, vector<1x16xf32>,
      %get3A_753 = vector.shape_cast %get3A_752 : vector<1x16xf32> to vector<1x16xf32>
      %get3A_754 = arith.index_cast %add3A_737 : i32 to index
      %get3A_755 = arith.constant 16 : index
      %get3A_756 = tpu.vector_load %arg11[%get3A_754, %get3A_755] {strides = array<i32>} : memref<400x32xf32, #tpu.memory_space<vmem>>, vector<1x16xf32>,
      %get3A_757 = vector.shape_cast %get3A_756 : vector<1x16xf32> to vector<1x16xf32>
      %add3A_758 = arith.addf %get3A_753, %get3A_757 : vector<1x16xf32>
      %swap3A_759 = arith.index_cast %add3A_737 : i32 to index
      %swap3A_760 = arith.constant 16 : index
      %swap3A_761 = tpu.vector_load %arg9[%swap3A_759, %swap3A_760] {strides = array<i32>} : memref<400x32xf32, #tpu.memory_space<vmem>>, vector<1x16xf32>,
      %swap3A_762 = vector.shape_cast %swap3A_761 : vector<1x16xf32> to vector<1x16xf32>
      %swap3A_763 = vector.shape_cast %add3A_758 : vector<1x16xf32> to vector<1x16xf32>
      tpu.vector_store %arg9[%swap3A_759, %swap3A_760], %swap3A_763 {strides = array<i32>} : memref<400x32xf32, #tpu.memory_space<vmem>>, vector<1x16xf32>,
    }
    %scan3A_123 = arith.constant 400 : i32
    %add3A_124 = arith.constant 1 : i32
    %add3A_125 = arith.addi %mul3A_2, %add3A_124 : i32
    %jit3A_126 = arith.constant 8 : i32
    %div3A_127 = arith.divsi %add3A_125, %jit3A_126 : i32
    %sign3A_128 = arith.constant 0 : i32
    %sign3A_129 = arith.cmpi sgt, %add3A_125, %sign3A_128 : i32
    %sign3A_130 = arith.extui %sign3A_129 : i1 to i32
    %sign3A_131 = arith.constant 0 : i32
    %sign3A_132 = arith.cmpi slt, %add3A_125, %sign3A_131 : i32
    %sign3A_133 = arith.extui %sign3A_132 : i1 to i32
    %sign3A_134 = arith.subi %sign3A_130, %sign3A_133 : i32
    %sign3A_135 = arith.constant 0 : i32
    %sign3A_136 = arith.cmpi sgt, %jit3A_126, %sign3A_135 : i32
    %sign3A_137 = arith.extui %sign3A_136 : i1 to i32
    %sign3A_138 = arith.constant 0 : i32
    %sign3A_139 = arith.cmpi slt, %jit3A_126, %sign3A_138 : i32
    %sign3A_140 = arith.extui %sign3A_139 : i1 to i32
    %sign3A_141 = arith.subi %sign3A_137, %sign3A_140 : i32
    %ne3A_142 = arith.cmpi ne, %sign3A_134, %sign3A_141 : i32
    %rem3A_143 = arith.remsi %add3A_125, %jit3A_126 : i32
    %ne3A_144 = arith.constant 0 : i32
    %ne3A_145 = arith.cmpi ne, %rem3A_143, %ne3A_144 : i32
    %and3A_146 = arith.andi %ne3A_142, %ne3A_145 : i1
    %sub3A_147 = arith.constant 1 : i32
    %sub3A_148 = arith.subi %div3A_127, %sub3A_147 : i32
    %select_n3A_149 = arith.select %and3A_146, %sub3A_148, %div3A_127 : i32
    %add3A_150 = arith.constant 32 : i32
    %add3A_151 = arith.addi %add3A_150, %select_n3A_149 : i32
    %rem3A_152 = arith.constant 4 : i32
    %rem3A_153 = arith.remsi %add3A_151, %rem3A_152 : i32
    %jit3A_154 = arith.constant 4 : i32
    %div3A_155 = arith.divsi %select_n3A_149, %jit3A_154 : i32
    %sign3A_156 = arith.constant 0 : i32
    %sign3A_157 = arith.cmpi sgt, %select_n3A_149, %sign3A_156 : i32
    %sign3A_158 = arith.extui %sign3A_157 : i1 to i32
    %sign3A_159 = arith.constant 0 : i32
    %sign3A_160 = arith.cmpi slt, %select_n3A_149, %sign3A_159 : i32
    %sign3A_161 = arith.extui %sign3A_160 : i1 to i32
    %sign3A_162 = arith.subi %sign3A_158, %sign3A_161 : i32
    %sign3A_163 = arith.constant 0 : i32
    %sign3A_164 = arith.cmpi sgt, %jit3A_154, %sign3A_163 : i32
    %sign3A_165 = arith.extui %sign3A_164 : i1 to i32
    %sign3A_166 = arith.constant 0 : i32
    %sign3A_167 = arith.cmpi slt, %jit3A_154, %sign3A_166 : i32
    %sign3A_168 = arith.extui %sign3A_167 : i1 to i32
    %sign3A_169 = arith.subi %sign3A_165, %sign3A_168 : i32
    %ne3A_170 = arith.cmpi ne, %sign3A_162, %sign3A_169 : i32
    %rem3A_171 = arith.remsi %select_n3A_149, %jit3A_154 : i32
    %ne3A_172 = arith.constant 0 : i32
    %ne3A_173 = arith.cmpi ne, %rem3A_171, %ne3A_172 : i32
    %and3A_174 = arith.andi %ne3A_170, %ne3A_173 : i1
    %sub3A_175 = arith.constant 1 : i32
    %sub3A_176 = arith.subi %div3A_155, %sub3A_175 : i32
    %select_n3A_177 = arith.select %and3A_174, %sub3A_176, %div3A_155 : i32
    %mul3A_178 = arith.constant 3200 : i32
    %mul3A_179 = arith.muli %select_n3A_177, %mul3A_178 : i32
    %rem3A_180 = arith.constant 8 : i32
    %rem3A_181 = arith.remsi %add3A_125, %rem3A_180 : i32
    %mul3A_182 = arith.constant 400 : i32
    %mul3A_183 = arith.muli %rem3A_181, %mul3A_182 : i32
    %add3A_184 = arith.addi %mul3A_179, %mul3A_183 : i32
    %mul3A_185 = arith.constant 32 : i32
    %mul3A_186 = arith.muli %rem3A_153, %mul3A_185 : i32
    %dma_start3A_187 = tpu.memref_slice %arg5[%add3A_184, %mul3A_186] : memref<25600x128xf32, #tpu.memory_space<hbm>> -> memref<400x32xf32, #tpu.memory_space<hbm>>
    %dma_start3A_188 = tpu.memref_slice %arg5[%add3A_184, %mul3A_186] : memref<25600x128xf32, #tpu.memory_space<hbm>> -> memref<400x32xf32, #tpu.memory_space<hbm>>
    tpu.enqueue_dma source(%arg9 : memref<400x32xf32, #tpu.memory_space<vmem>>) target(%dma_start3A_188 : memref<400x32xf32, #tpu.memory_space<hbm>>) target_semaphore(%arg17 : memref<!tpu.dma_semaphore, #tpu.memory_space<semaphore_mem>>)
    %dma_wait3A_189 = tpu.memref_slice %arg5[%add3A_184, %mul3A_186] : memref<25600x128xf32, #tpu.memory_space<hbm>> -> memref<400x32xf32, #tpu.memory_space<hbm>>
    %dma_wait3A_190 = tpu.memref_slice %arg5[%add3A_184, %mul3A_186] : memref<25600x128xf32, #tpu.memory_space<hbm>> -> memref<400x32xf32, #tpu.memory_space<hbm>>
    tpu.wait_dma2 semaphore(%arg17 : memref<!tpu.dma_semaphore, #tpu.memory_space<semaphore_mem>>) src(%arg9 : memref<400x32xf32, #tpu.memory_space<vmem>>) dst(%dma_wait3A_190 : memref<400x32xf32, #tpu.memory_space<hbm>>)
    %dma_start3A_191 = arith.constant 1200 : i32
    %dma_start3A_192 = tpu.memref_slice %arg6[%dma_start3A_191] : memref<3200xi32, #tpu.memory_space<vmem>> -> memref<400xi32, #tpu.memory_space<vmem>>
    %dma_start3A_193 = arith.constant 0 : i32
    %dma_start3A_194 = arith.constant 0 : i32
    %dma_start3A_195 = tpu.memref_slice %arg2[%dma_start3A_193, %dma_start3A_194] : memref<10000x32xf32, #tpu.memory_space<hbm>> -> memref<10000x32xf32, #tpu.memory_space<hbm>>
    tpu.enqueue_indirect_dma source(%dma_start3A_195 : memref<10000x32xf32, #tpu.memory_space<hbm>>) target(%arg9 : memref<400x32xf32, #tpu.memory_space<vmem>>) offsets(%dma_start3A_192 : memref<400xi32, #tpu.memory_space<vmem>>) semaphore(%arg13 : memref<!tpu.dma_semaphore, #tpu.memory_space<semaphore_mem>>)
    %dma_start3A_196 = arith.constant 1200 : i32
    %dma_start3A_197 = tpu.memref_slice %arg7[%dma_start3A_196] : memref<3200xi32, #tpu.memory_space<vmem>> -> memref<400xi32, #tpu.memory_space<vmem>>
    %dma_start3A_198 = arith.constant 0 : i32
    %dma_start3A_199 = arith.constant 0 : i32
    %dma_start3A_200 = tpu.memref_slice %arg3[%dma_start3A_198, %dma_start3A_199] : memref<10000x32xf32, #tpu.memory_space<hbm>> -> memref<10000x32xf32, #tpu.memory_space<hbm>>
    tpu.enqueue_indirect_dma source(%dma_start3A_200 : memref<10000x32xf32, #tpu.memory_space<hbm>>) target(%arg11 : memref<400x32xf32, #tpu.memory_space<vmem>>) offsets(%dma_start3A_197 : memref<400xi32, #tpu.memory_space<vmem>>) semaphore(%arg15 : memref<!tpu.dma_semaphore, #tpu.memory_space<semaphore_mem>>)
    %dma_wait3A_201 = arith.constant 800 : i32
    %dma_wait3A_202 = tpu.memref_slice %arg6[%dma_wait3A_201] : memref<3200xi32, #tpu.memory_space<vmem>> -> memref<400xi32, #tpu.memory_space<vmem>>
    %dma_wait3A_203 = arith.constant 0 : i32
    %dma_wait3A_204 = arith.constant 0 : i32
    %dma_wait3A_205 = tpu.memref_slice %arg2[%dma_wait3A_203, %dma_wait3A_204] : memref<10000x32xf32, #tpu.memory_space<hbm>> -> memref<10000x32xf32, #tpu.memory_space<hbm>>
    tpu.wait_indirect_dma semaphore(%arg12 : memref<!tpu.dma_semaphore, #tpu.memory_space<semaphore_mem>>) src(%dma_wait3A_205 : memref<10000x32xf32, #tpu.memory_space<hbm>>) dst(%arg8 : memref<400x32xf32, #tpu.memory_space<vmem>>)
    %dma_wait3A_206 = arith.constant 800 : i32
    %dma_wait3A_207 = tpu.memref_slice %arg7[%dma_wait3A_206] : memref<3200xi32, #tpu.memory_space<vmem>> -> memref<400xi32, #tpu.memory_space<vmem>>
    %dma_wait3A_208 = arith.constant 0 : i32
    %dma_wait3A_209 = arith.constant 0 : i32
    %dma_wait3A_210 = tpu.memref_slice %arg3[%dma_wait3A_208, %dma_wait3A_209] : memref<10000x32xf32, #tpu.memory_space<hbm>> -> memref<10000x32xf32, #tpu.memory_space<hbm>>
    tpu.wait_indirect_dma semaphore(%arg14 : memref<!tpu.dma_semaphore, #tpu.memory_space<semaphore_mem>>) src(%dma_wait3A_210 : memref<10000x32xf32, #tpu.memory_space<hbm>>) dst(%arg10 : memref<400x32xf32, #tpu.memory_space<vmem>>)
    %scan3A_211 = arith.constant 0 : i32
    %scan3A_212 = arith.constant 400 : i32
    %scan3A_213 = arith.addi %scan3A_211, %scan3A_212 : i32
    %scan3A_214 = arith.constant 1 : i32
    scf.for %scan3A_733 = %scan3A_211 to %scan3A_213 step %scan3A_214  : i32 {
      %mul3A_734 = arith.constant 1 : i32
      %mul3A_735 = arith.muli %scan3A_733, %mul3A_734 : i32
      %add3A_736 = arith.constant 0 : i32
      %add3A_737 = arith.addi %add3A_736, %mul3A_735 : i32
      %get3A = arith.index_cast %add3A_737 : i32 to index
      %get3A_738 = arith.constant 0 : index
      %get3A_739 = tpu.vector_load %arg8[%get3A, %get3A_738] {strides = array<i32>} : memref<400x32xf32, #tpu.memory_space<vmem>>, vector<1x16xf32>,
      %get3A_740 = vector.shape_cast %get3A_739 : vector<1x16xf32> to vector<1x16xf32>
      %get3A_741 = arith.index_cast %add3A_737 : i32 to index
      %get3A_742 = arith.constant 0 : index
      %get3A_743 = tpu.vector_load %arg10[%get3A_741, %get3A_742] {strides = array<i32>} : memref<400x32xf32, #tpu.memory_space<vmem>>, vector<1x16xf32>,
      %get3A_744 = vector.shape_cast %get3A_743 : vector<1x16xf32> to vector<1x16xf32>
      %add3A_745 = arith.addf %get3A_740, %get3A_744 : vector<1x16xf32>
      %swap3A = arith.index_cast %add3A_737 : i32 to index
      %swap3A_746 = arith.constant 0 : index
      %swap3A_747 = tpu.vector_load %arg8[%swap3A, %swap3A_746] {strides = array<i32>} : memref<400x32xf32, #tpu.memory_space<vmem>>, vector<1x16xf32>,
      %swap3A_748 = vector.shape_cast %swap3A_747 : vector<1x16xf32> to vector<1x16xf32>
      %swap3A_749 = vector.shape_cast %add3A_745 : vector<1x16xf32> to vector<1x16xf32>
      tpu.vector_store %arg8[%swap3A, %swap3A_746], %swap3A_749 {strides = array<i32>} : memref<400x32xf32, #tpu.memory_space<vmem>>, vector<1x16xf32>,
      %get3A_750 = arith.index_cast %add3A_737 : i32 to index
      %get3A_751 = arith.constant 16 : index
      %get3A_752 = tpu.vector_load %arg8[%get3A_750, %get3A_751] {strides = array<i32>} : memref<400x32xf32, #tpu.memory_space<vmem>>, vector<1x16xf32>,
      %get3A_753 = vector.shape_cast %get3A_752 : vector<1x16xf32> to vector<1x16xf32>
      %get3A_754 = arith.index_cast %add3A_737 : i32 to index
      %get3A_755 = arith.constant 16 : index
      %get3A_756 = tpu.vector_load %arg10[%get3A_754, %get3A_755] {strides = array<i32>} : memref<400x32xf32, #tpu.memory_space<vmem>>, vector<1x16xf32>,
      %get3A_757 = vector.shape_cast %get3A_756 : vector<1x16xf32> to vector<1x16xf32>
      %add3A_758 = arith.addf %get3A_753, %get3A_757 : vector<1x16xf32>
      %swap3A_759 = arith.index_cast %add3A_737 : i32 to index
      %swap3A_760 = arith.constant 16 : index
      %swap3A_761 = tpu.vector_load %arg8[%swap3A_759, %swap3A_760] {strides = array<i32>} : memref<400x32xf32, #tpu.memory_space<vmem>>, vector<1x16xf32>,
      %swap3A_762 = vector.shape_cast %swap3A_761 : vector<1x16xf32> to vector<1x16xf32>
      %swap3A_763 = vector.shape_cast %add3A_758 : vector<1x16xf32> to vector<1x16xf32>
      tpu.vector_store %arg8[%swap3A_759, %swap3A_760], %swap3A_763 {strides = array<i32>} : memref<400x32xf32, #tpu.memory_space<vmem>>, vector<1x16xf32>,
    }
    %scan3A_215 = arith.constant 400 : i32
    %add3A_216 = arith.constant 2 : i32
    %add3A_217 = arith.addi %mul3A_2, %add3A_216 : i32
    %jit3A_218 = arith.constant 8 : i32
    %div3A_219 = arith.divsi %add3A_217, %jit3A_218 : i32
    %sign3A_220 = arith.constant 0 : i32
    %sign3A_221 = arith.cmpi sgt, %add3A_217, %sign3A_220 : i32
    %sign3A_222 = arith.extui %sign3A_221 : i1 to i32
    %sign3A_223 = arith.constant 0 : i32
    %sign3A_224 = arith.cmpi slt, %add3A_217, %sign3A_223 : i32
    %sign3A_225 = arith.extui %sign3A_224 : i1 to i32
    %sign3A_226 = arith.subi %sign3A_222, %sign3A_225 : i32
    %sign3A_227 = arith.constant 0 : i32
    %sign3A_228 = arith.cmpi sgt, %jit3A_218, %sign3A_227 : i32
    %sign3A_229 = arith.extui %sign3A_228 : i1 to i32
    %sign3A_230 = arith.constant 0 : i32
    %sign3A_231 = arith.cmpi slt, %jit3A_218, %sign3A_230 : i32
    %sign3A_232 = arith.extui %sign3A_231 : i1 to i32
    %sign3A_233 = arith.subi %sign3A_229, %sign3A_232 : i32
    %ne3A_234 = arith.cmpi ne, %sign3A_226, %sign3A_233 : i32
    %rem3A_235 = arith.remsi %add3A_217, %jit3A_218 : i32
    %ne3A_236 = arith.constant 0 : i32
    %ne3A_237 = arith.cmpi ne, %rem3A_235, %ne3A_236 : i32
    %and3A_238 = arith.andi %ne3A_234, %ne3A_237 : i1
    %sub3A_239 = arith.constant 1 : i32
    %sub3A_240 = arith.subi %div3A_219, %sub3A_239 : i32
    %select_n3A_241 = arith.select %and3A_238, %sub3A_240, %div3A_219 : i32
    %add3A_242 = arith.constant 32 : i32
    %add3A_243 = arith.addi %add3A_242, %select_n3A_241 : i32
    %rem3A_244 = arith.constant 4 : i32
    %rem3A_245 = arith.remsi %add3A_243, %rem3A_244 : i32
    %jit3A_246 = arith.constant 4 : i32
    %div3A_247 = arith.divsi %select_n3A_241, %jit3A_246 : i32
    %sign3A_248 = arith.constant 0 : i32
    %sign3A_249 = arith.cmpi sgt, %select_n3A_241, %sign3A_248 : i32
    %sign3A_250 = arith.extui %sign3A_249 : i1 to i32
    %sign3A_251 = arith.constant 0 : i32
    %sign3A_252 = arith.cmpi slt, %select_n3A_241, %sign3A_251 : i32
    %sign3A_253 = arith.extui %sign3A_252 : i1 to i32
    %sign3A_254 = arith.subi %sign3A_250, %sign3A_253 : i32
    %sign3A_255 = arith.constant 0 : i32
    %sign3A_256 = arith.cmpi sgt, %jit3A_246, %sign3A_255 : i32
    %sign3A_257 = arith.extui %sign3A_256 : i1 to i32
    %sign3A_258 = arith.constant 0 : i32
    %sign3A_259 = arith.cmpi slt, %jit3A_246, %sign3A_258 : i32
    %sign3A_260 = arith.extui %sign3A_259 : i1 to i32
    %sign3A_261 = arith.subi %sign3A_257, %sign3A_260 : i32
    %ne3A_262 = arith.cmpi ne, %sign3A_254, %sign3A_261 : i32
    %rem3A_263 = arith.remsi %select_n3A_241, %jit3A_246 : i32
    %ne3A_264 = arith.constant 0 : i32
    %ne3A_265 = arith.cmpi ne, %rem3A_263, %ne3A_264 : i32
    %and3A_266 = arith.andi %ne3A_262, %ne3A_265 : i1
    %sub3A_267 = arith.constant 1 : i32
    %sub3A_268 = arith.subi %div3A_247, %sub3A_267 : i32
    %select_n3A_269 = arith.select %and3A_266, %sub3A_268, %div3A_247 : i32
    %mul3A_270 = arith.constant 3200 : i32
    %mul3A_271 = arith.muli %select_n3A_269, %mul3A_270 : i32
    %rem3A_272 = arith.constant 8 : i32
    %rem3A_273 = arith.remsi %add3A_217, %rem3A_272 : i32
    %mul3A_274 = arith.constant 400 : i32
    %mul3A_275 = arith.muli %rem3A_273, %mul3A_274 : i32
    %add3A_276 = arith.addi %mul3A_271, %mul3A_275 : i32
    %mul3A_277 = arith.constant 32 : i32
    %mul3A_278 = arith.muli %rem3A_245, %mul3A_277 : i32
    %dma_start3A_279 = tpu.memref_slice %arg5[%add3A_276, %mul3A_278] : memref<25600x128xf32, #tpu.memory_space<hbm>> -> memref<400x32xf32, #tpu.memory_space<hbm>>
    %dma_start3A_280 = tpu.memref_slice %arg5[%add3A_276, %mul3A_278] : memref<25600x128xf32, #tpu.memory_space<hbm>> -> memref<400x32xf32, #tpu.memory_space<hbm>>
    tpu.enqueue_dma source(%arg8 : memref<400x32xf32, #tpu.memory_space<vmem>>) target(%dma_start3A_280 : memref<400x32xf32, #tpu.memory_space<hbm>>) target_semaphore(%arg16 : memref<!tpu.dma_semaphore, #tpu.memory_space<semaphore_mem>>)
    %dma_wait3A_281 = tpu.memref_slice %arg5[%add3A_276, %mul3A_278] : memref<25600x128xf32, #tpu.memory_space<hbm>> -> memref<400x32xf32, #tpu.memory_space<hbm>>
    %dma_wait3A_282 = tpu.memref_slice %arg5[%add3A_276, %mul3A_278] : memref<25600x128xf32, #tpu.memory_space<hbm>> -> memref<400x32xf32, #tpu.memory_space<hbm>>
    tpu.wait_dma2 semaphore(%arg16 : memref<!tpu.dma_semaphore, #tpu.memory_space<semaphore_mem>>) src(%arg8 : memref<400x32xf32, #tpu.memory_space<vmem>>) dst(%dma_wait3A_282 : memref<400x32xf32, #tpu.memory_space<hbm>>)
    %dma_start3A_283 = arith.constant 1600 : i32
    %dma_start3A_284 = tpu.memref_slice %arg6[%dma_start3A_283] : memref<3200xi32, #tpu.memory_space<vmem>> -> memref<400xi32, #tpu.memory_space<vmem>>
    %dma_start3A_285 = arith.constant 0 : i32
    %dma_start3A_286 = arith.constant 0 : i32
    %dma_start3A_287 = tpu.memref_slice %arg2[%dma_start3A_285, %dma_start3A_286] : memref<10000x32xf32, #tpu.memory_space<hbm>> -> memref<10000x32xf32, #tpu.memory_space<hbm>>
    tpu.enqueue_indirect_dma source(%dma_start3A_287 : memref<10000x32xf32, #tpu.memory_space<hbm>>) target(%arg8 : memref<400x32xf32, #tpu.memory_space<vmem>>) offsets(%dma_start3A_284 : memref<400xi32, #tpu.memory_space<vmem>>) semaphore(%arg12 : memref<!tpu.dma_semaphore, #tpu.memory_space<semaphore_mem>>)
    %dma_start3A_288 = arith.constant 1600 : i32
    %dma_start3A_289 = tpu.memref_slice %arg7[%dma_start3A_288] : memref<3200xi32, #tpu.memory_space<vmem>> -> memref<400xi32, #tpu.memory_space<vmem>>
    %dma_start3A_290 = arith.constant 0 : i32
    %dma_start3A_291 = arith.constant 0 : i32
    %dma_start3A_292 = tpu.memref_slice %arg3[%dma_start3A_290, %dma_start3A_291] : memref<10000x32xf32, #tpu.memory_space<hbm>> -> memref<10000x32xf32, #tpu.memory_space<hbm>>
    tpu.enqueue_indirect_dma source(%dma_start3A_292 : memref<10000x32xf32, #tpu.memory_space<hbm>>) target(%arg10 : memref<400x32xf32, #tpu.memory_space<vmem>>) offsets(%dma_start3A_289 : memref<400xi32, #tpu.memory_space<vmem>>) semaphore(%arg14 : memref<!tpu.dma_semaphore, #tpu.memory_space<semaphore_mem>>)
    %dma_wait3A_293 = arith.constant 1200 : i32
    %dma_wait3A_294 = tpu.memref_slice %arg6[%dma_wait3A_293] : memref<3200xi32, #tpu.memory_space<vmem>> -> memref<400xi32, #tpu.memory_space<vmem>>
    %dma_wait3A_295 = arith.constant 0 : i32
    %dma_wait3A_296 = arith.constant 0 : i32
    %dma_wait3A_297 = tpu.memref_slice %arg2[%dma_wait3A_295, %dma_wait3A_296] : memref<10000x32xf32, #tpu.memory_space<hbm>> -> memref<10000x32xf32, #tpu.memory_space<hbm>>
    tpu.wait_indirect_dma semaphore(%arg13 : memref<!tpu.dma_semaphore, #tpu.memory_space<semaphore_mem>>) src(%dma_wait3A_297 : memref<10000x32xf32, #tpu.memory_space<hbm>>) dst(%arg9 : memref<400x32xf32, #tpu.memory_space<vmem>>)
    %dma_wait3A_298 = arith.constant 1200 : i32
    %dma_wait3A_299 = tpu.memref_slice %arg7[%dma_wait3A_298] : memref<3200xi32, #tpu.memory_space<vmem>> -> memref<400xi32, #tpu.memory_space<vmem>>
    %dma_wait3A_300 = arith.constant 0 : i32
    %dma_wait3A_301 = arith.constant 0 : i32
    %dma_wait3A_302 = tpu.memref_slice %arg3[%dma_wait3A_300, %dma_wait3A_301] : memref<10000x32xf32, #tpu.memory_space<hbm>> -> memref<10000x32xf32, #tpu.memory_space<hbm>>
    tpu.wait_indirect_dma semaphore(%arg15 : memref<!tpu.dma_semaphore, #tpu.memory_space<semaphore_mem>>) src(%dma_wait3A_302 : memref<10000x32xf32, #tpu.memory_space<hbm>>) dst(%arg11 : memref<400x32xf32, #tpu.memory_space<vmem>>)
    %scan3A_303 = arith.constant 0 : i32
    %scan3A_304 = arith.constant 400 : i32
    %scan3A_305 = arith.addi %scan3A_303, %scan3A_304 : i32
    %scan3A_306 = arith.constant 1 : i32
    scf.for %scan3A_733 = %scan3A_303 to %scan3A_305 step %scan3A_306  : i32 {
      %mul3A_734 = arith.constant 1 : i32
      %mul3A_735 = arith.muli %scan3A_733, %mul3A_734 : i32
      %add3A_736 = arith.constant 0 : i32
      %add3A_737 = arith.addi %add3A_736, %mul3A_735 : i32
      %get3A = arith.index_cast %add3A_737 : i32 to index
      %get3A_738 = arith.constant 0 : index
      %get3A_739 = tpu.vector_load %arg9[%get3A, %get3A_738] {strides = array<i32>} : memref<400x32xf32, #tpu.memory_space<vmem>>, vector<1x16xf32>,
      %get3A_740 = vector.shape_cast %get3A_739 : vector<1x16xf32> to vector<1x16xf32>
      %get3A_741 = arith.index_cast %add3A_737 : i32 to index
      %get3A_742 = arith.constant 0 : index
      %get3A_743 = tpu.vector_load %arg11[%get3A_741, %get3A_742] {strides = array<i32>} : memref<400x32xf32, #tpu.memory_space<vmem>>, vector<1x16xf32>,
      %get3A_744 = vector.shape_cast %get3A_743 : vector<1x16xf32> to vector<1x16xf32>
      %add3A_745 = arith.addf %get3A_740, %get3A_744 : vector<1x16xf32>
      %swap3A = arith.index_cast %add3A_737 : i32 to index
      %swap3A_746 = arith.constant 0 : index
      %swap3A_747 = tpu.vector_load %arg9[%swap3A, %swap3A_746] {strides = array<i32>} : memref<400x32xf32, #tpu.memory_space<vmem>>, vector<1x16xf32>,
      %swap3A_748 = vector.shape_cast %swap3A_747 : vector<1x16xf32> to vector<1x16xf32>
      %swap3A_749 = vector.shape_cast %add3A_745 : vector<1x16xf32> to vector<1x16xf32>
      tpu.vector_store %arg9[%swap3A, %swap3A_746], %swap3A_749 {strides = array<i32>} : memref<400x32xf32, #tpu.memory_space<vmem>>, vector<1x16xf32>,
      %get3A_750 = arith.index_cast %add3A_737 : i32 to index
      %get3A_751 = arith.constant 16 : index
      %get3A_752 = tpu.vector_load %arg9[%get3A_750, %get3A_751] {strides = array<i32>} : memref<400x32xf32, #tpu.memory_space<vmem>>, vector<1x16xf32>,
      %get3A_753 = vector.shape_cast %get3A_752 : vector<1x16xf32> to vector<1x16xf32>
      %get3A_754 = arith.index_cast %add3A_737 : i32 to index
      %get3A_755 = arith.constant 16 : index
      %get3A_756 = tpu.vector_load %arg11[%get3A_754, %get3A_755] {strides = array<i32>} : memref<400x32xf32, #tpu.memory_space<vmem>>, vector<1x16xf32>,
      %get3A_757 = vector.shape_cast %get3A_756 : vector<1x16xf32> to vector<1x16xf32>
      %add3A_758 = arith.addf %get3A_753, %get3A_757 : vector<1x16xf32>
      %swap3A_759 = arith.index_cast %add3A_737 : i32 to index
      %swap3A_760 = arith.constant 16 : index
      %swap3A_761 = tpu.vector_load %arg9[%swap3A_759, %swap3A_760] {strides = array<i32>} : memref<400x32xf32, #tpu.memory_space<vmem>>, vector<1x16xf32>,
      %swap3A_762 = vector.shape_cast %swap3A_761 : vector<1x16xf32> to vector<1x16xf32>
      %swap3A_763 = vector.shape_cast %add3A_758 : vector<1x16xf32> to vector<1x16xf32>
      tpu.vector_store %arg9[%swap3A_759, %swap3A_760], %swap3A_763 {strides = array<i32>} : memref<400x32xf32, #tpu.memory_space<vmem>>, vector<1x16xf32>,
    }
    %scan3A_307 = arith.constant 400 : i32
    %add3A_308 = arith.constant 3 : i32
    %add3A_309 = arith.addi %mul3A_2, %add3A_308 : i32
    %jit3A_310 = arith.constant 8 : i32
    %div3A_311 = arith.divsi %add3A_309, %jit3A_310 : i32
    %sign3A_312 = arith.constant 0 : i32
    %sign3A_313 = arith.cmpi sgt, %add3A_309, %sign3A_312 : i32
    %sign3A_314 = arith.extui %sign3A_313 : i1 to i32
    %sign3A_315 = arith.constant 0 : i32
    %sign3A_316 = arith.cmpi slt, %add3A_309, %sign3A_315 : i32
    %sign3A_317 = arith.extui %sign3A_316 : i1 to i32
    %sign3A_318 = arith.subi %sign3A_314, %sign3A_317 : i32
    %sign3A_319 = arith.constant 0 : i32
    %sign3A_320 = arith.cmpi sgt, %jit3A_310, %sign3A_319 : i32
    %sign3A_321 = arith.extui %sign3A_320 : i1 to i32
    %sign3A_322 = arith.constant 0 : i32
    %sign3A_323 = arith.cmpi slt, %jit3A_310, %sign3A_322 : i32
    %sign3A_324 = arith.extui %sign3A_323 : i1 to i32
    %sign3A_325 = arith.subi %sign3A_321, %sign3A_324 : i32
    %ne3A_326 = arith.cmpi ne, %sign3A_318, %sign3A_325 : i32
    %rem3A_327 = arith.remsi %add3A_309, %jit3A_310 : i32
    %ne3A_328 = arith.constant 0 : i32
    %ne3A_329 = arith.cmpi ne, %rem3A_327, %ne3A_328 : i32
    %and3A_330 = arith.andi %ne3A_326, %ne3A_329 : i1
    %sub3A_331 = arith.constant 1 : i32
    %sub3A_332 = arith.subi %div3A_311, %sub3A_331 : i32
    %select_n3A_333 = arith.select %and3A_330, %sub3A_332, %div3A_311 : i32
    %add3A_334 = arith.constant 32 : i32
    %add3A_335 = arith.addi %add3A_334, %select_n3A_333 : i32
    %rem3A_336 = arith.constant 4 : i32
    %rem3A_337 = arith.remsi %add3A_335, %rem3A_336 : i32
    %jit3A_338 = arith.constant 4 : i32
    %div3A_339 = arith.divsi %select_n3A_333, %jit3A_338 : i32
    %sign3A_340 = arith.constant 0 : i32
    %sign3A_341 = arith.cmpi sgt, %select_n3A_333, %sign3A_340 : i32
    %sign3A_342 = arith.extui %sign3A_341 : i1 to i32
    %sign3A_343 = arith.constant 0 : i32
    %sign3A_344 = arith.cmpi slt, %select_n3A_333, %sign3A_343 : i32
    %sign3A_345 = arith.extui %sign3A_344 : i1 to i32
    %sign3A_346 = arith.subi %sign3A_342, %sign3A_345 : i32
    %sign3A_347 = arith.constant 0 : i32
    %sign3A_348 = arith.cmpi sgt, %jit3A_338, %sign3A_347 : i32
    %sign3A_349 = arith.extui %sign3A_348 : i1 to i32
    %sign3A_350 = arith.constant 0 : i32
    %sign3A_351 = arith.cmpi slt, %jit3A_338, %sign3A_350 : i32
    %sign3A_352 = arith.extui %sign3A_351 : i1 to i32
    %sign3A_353 = arith.subi %sign3A_349, %sign3A_352 : i32
    %ne3A_354 = arith.cmpi ne, %sign3A_346, %sign3A_353 : i32
    %rem3A_355 = arith.remsi %select_n3A_333, %jit3A_338 : i32
    %ne3A_356 = arith.constant 0 : i32
    %ne3A_357 = arith.cmpi ne, %rem3A_355, %ne3A_356 : i32
    %and3A_358 = arith.andi %ne3A_354, %ne3A_357 : i1
    %sub3A_359 = arith.constant 1 : i32
    %sub3A_360 = arith.subi %div3A_339, %sub3A_359 : i32
    %select_n3A_361 = arith.select %and3A_358, %sub3A_360, %div3A_339 : i32
    %mul3A_362 = arith.constant 3200 : i32
    %mul3A_363 = arith.muli %select_n3A_361, %mul3A_362 : i32
    %rem3A_364 = arith.constant 8 : i32
    %rem3A_365 = arith.remsi %add3A_309, %rem3A_364 : i32
    %mul3A_366 = arith.constant 400 : i32
    %mul3A_367 = arith.muli %rem3A_365, %mul3A_366 : i32
    %add3A_368 = arith.addi %mul3A_363, %mul3A_367 : i32
    %mul3A_369 = arith.constant 32 : i32
    %mul3A_370 = arith.muli %rem3A_337, %mul3A_369 : i32
    %dma_start3A_371 = tpu.memref_slice %arg5[%add3A_368, %mul3A_370] : memref<25600x128xf32, #tpu.memory_space<hbm>> -> memref<400x32xf32, #tpu.memory_space<hbm>>
    %dma_start3A_372 = tpu.memref_slice %arg5[%add3A_368, %mul3A_370] : memref<25600x128xf32, #tpu.memory_space<hbm>> -> memref<400x32xf32, #tpu.memory_space<hbm>>
    tpu.enqueue_dma source(%arg9 : memref<400x32xf32, #tpu.memory_space<vmem>>) target(%dma_start3A_372 : memref<400x32xf32, #tpu.memory_space<hbm>>) target_semaphore(%arg17 : memref<!tpu.dma_semaphore, #tpu.memory_space<semaphore_mem>>)
    %dma_wait3A_373 = tpu.memref_slice %arg5[%add3A_368, %mul3A_370] : memref<25600x128xf32, #tpu.memory_space<hbm>> -> memref<400x32xf32, #tpu.memory_space<hbm>>
    %dma_wait3A_374 = tpu.memref_slice %arg5[%add3A_368, %mul3A_370] : memref<25600x128xf32, #tpu.memory_space<hbm>> -> memref<400x32xf32, #tpu.memory_space<hbm>>
    tpu.wait_dma2 semaphore(%arg17 : memref<!tpu.dma_semaphore, #tpu.memory_space<semaphore_mem>>) src(%arg9 : memref<400x32xf32, #tpu.memory_space<vmem>>) dst(%dma_wait3A_374 : memref<400x32xf32, #tpu.memory_space<hbm>>)
    %dma_start3A_375 = arith.constant 2000 : i32
    %dma_start3A_376 = tpu.memref_slice %arg6[%dma_start3A_375] : memref<3200xi32, #tpu.memory_space<vmem>> -> memref<400xi32, #tpu.memory_space<vmem>>
    %dma_start3A_377 = arith.constant 0 : i32
    %dma_start3A_378 = arith.constant 0 : i32
    %dma_start3A_379 = tpu.memref_slice %arg2[%dma_start3A_377, %dma_start3A_378] : memref<10000x32xf32, #tpu.memory_space<hbm>> -> memref<10000x32xf32, #tpu.memory_space<hbm>>
    tpu.enqueue_indirect_dma source(%dma_start3A_379 : memref<10000x32xf32, #tpu.memory_space<hbm>>) target(%arg9 : memref<400x32xf32, #tpu.memory_space<vmem>>) offsets(%dma_start3A_376 : memref<400xi32, #tpu.memory_space<vmem>>) semaphore(%arg13 : memref<!tpu.dma_semaphore, #tpu.memory_space<semaphore_mem>>)
    %dma_start3A_380 = arith.constant 2000 : i32
    %dma_start3A_381 = tpu.memref_slice %arg7[%dma_start3A_380] : memref<3200xi32, #tpu.memory_space<vmem>> -> memref<400xi32, #tpu.memory_space<vmem>>
    %dma_start3A_382 = arith.constant 0 : i32
    %dma_start3A_383 = arith.constant 0 : i32
    %dma_start3A_384 = tpu.memref_slice %arg3[%dma_start3A_382, %dma_start3A_383] : memref<10000x32xf32, #tpu.memory_space<hbm>> -> memref<10000x32xf32, #tpu.memory_space<hbm>>
    tpu.enqueue_indirect_dma source(%dma_start3A_384 : memref<10000x32xf32, #tpu.memory_space<hbm>>) target(%arg11 : memref<400x32xf32, #tpu.memory_space<vmem>>) offsets(%dma_start3A_381 : memref<400xi32, #tpu.memory_space<vmem>>) semaphore(%arg15 : memref<!tpu.dma_semaphore, #tpu.memory_space<semaphore_mem>>)
    %dma_wait3A_385 = arith.constant 1600 : i32
    %dma_wait3A_386 = tpu.memref_slice %arg6[%dma_wait3A_385] : memref<3200xi32, #tpu.memory_space<vmem>> -> memref<400xi32, #tpu.memory_space<vmem>>
    %dma_wait3A_387 = arith.constant 0 : i32
    %dma_wait3A_388 = arith.constant 0 : i32
    %dma_wait3A_389 = tpu.memref_slice %arg2[%dma_wait3A_387, %dma_wait3A_388] : memref<10000x32xf32, #tpu.memory_space<hbm>> -> memref<10000x32xf32, #tpu.memory_space<hbm>>
    tpu.wait_indirect_dma semaphore(%arg12 : memref<!tpu.dma_semaphore, #tpu.memory_space<semaphore_mem>>) src(%dma_wait3A_389 : memref<10000x32xf32, #tpu.memory_space<hbm>>) dst(%arg8 : memref<400x32xf32, #tpu.memory_space<vmem>>)
    %dma_wait3A_390 = arith.constant 1600 : i32
    %dma_wait3A_391 = tpu.memref_slice %arg7[%dma_wait3A_390] : memref<3200xi32, #tpu.memory_space<vmem>> -> memref<400xi32, #tpu.memory_space<vmem>>
    %dma_wait3A_392 = arith.constant 0 : i32
    %dma_wait3A_393 = arith.constant 0 : i32
    %dma_wait3A_394 = tpu.memref_slice %arg3[%dma_wait3A_392, %dma_wait3A_393] : memref<10000x32xf32, #tpu.memory_space<hbm>> -> memref<10000x32xf32, #tpu.memory_space<hbm>>
    tpu.wait_indirect_dma semaphore(%arg14 : memref<!tpu.dma_semaphore, #tpu.memory_space<semaphore_mem>>) src(%dma_wait3A_394 : memref<10000x32xf32, #tpu.memory_space<hbm>>) dst(%arg10 : memref<400x32xf32, #tpu.memory_space<vmem>>)
    %scan3A_395 = arith.constant 0 : i32
    %scan3A_396 = arith.constant 400 : i32
    %scan3A_397 = arith.addi %scan3A_395, %scan3A_396 : i32
    %scan3A_398 = arith.constant 1 : i32
    scf.for %scan3A_733 = %scan3A_395 to %scan3A_397 step %scan3A_398  : i32 {
      %mul3A_734 = arith.constant 1 : i32
      %mul3A_735 = arith.muli %scan3A_733, %mul3A_734 : i32
      %add3A_736 = arith.constant 0 : i32
      %add3A_737 = arith.addi %add3A_736, %mul3A_735 : i32
      %get3A = arith.index_cast %add3A_737 : i32 to index
      %get3A_738 = arith.constant 0 : index
      %get3A_739 = tpu.vector_load %arg8[%get3A, %get3A_738] {strides = array<i32>} : memref<400x32xf32, #tpu.memory_space<vmem>>, vector<1x16xf32>,
      %get3A_740 = vector.shape_cast %get3A_739 : vector<1x16xf32> to vector<1x16xf32>
      %get3A_741 = arith.index_cast %add3A_737 : i32 to index
      %get3A_742 = arith.constant 0 : index
      %get3A_743 = tpu.vector_load %arg10[%get3A_741, %get3A_742] {strides = array<i32>} : memref<400x32xf32, #tpu.memory_space<vmem>>, vector<1x16xf32>,
      %get3A_744 = vector.shape_cast %get3A_743 : vector<1x16xf32> to vector<1x16xf32>
      %add3A_745 = arith.addf %get3A_740, %get3A_744 : vector<1x16xf32>
      %swap3A = arith.index_cast %add3A_737 : i32 to index
      %swap3A_746 = arith.constant 0 : index
      %swap3A_747 = tpu.vector_load %arg8[%swap3A, %swap3A_746] {strides = array<i32>} : memref<400x32xf32, #tpu.memory_space<vmem>>, vector<1x16xf32>,
      %swap3A_748 = vector.shape_cast %swap3A_747 : vector<1x16xf32> to vector<1x16xf32>
      %swap3A_749 = vector.shape_cast %add3A_745 : vector<1x16xf32> to vector<1x16xf32>
      tpu.vector_store %arg8[%swap3A, %swap3A_746], %swap3A_749 {strides = array<i32>} : memref<400x32xf32, #tpu.memory_space<vmem>>, vector<1x16xf32>,
      %get3A_750 = arith.index_cast %add3A_737 : i32 to index
      %get3A_751 = arith.constant 16 : index
      %get3A_752 = tpu.vector_load %arg8[%get3A_750, %get3A_751] {strides = array<i32>} : memref<400x32xf32, #tpu.memory_space<vmem>>, vector<1x16xf32>,
      %get3A_753 = vector.shape_cast %get3A_752 : vector<1x16xf32> to vector<1x16xf32>
      %get3A_754 = arith.index_cast %add3A_737 : i32 to index
      %get3A_755 = arith.constant 16 : index
      %get3A_756 = tpu.vector_load %arg10[%get3A_754, %get3A_755] {strides = array<i32>} : memref<400x32xf32, #tpu.memory_space<vmem>>, vector<1x16xf32>,
      %get3A_757 = vector.shape_cast %get3A_756 : vector<1x16xf32> to vector<1x16xf32>
      %add3A_758 = arith.addf %get3A_753, %get3A_757 : vector<1x16xf32>
      %swap3A_759 = arith.index_cast %add3A_737 : i32 to index
      %swap3A_760 = arith.constant 16 : index
      %swap3A_761 = tpu.vector_load %arg8[%swap3A_759, %swap3A_760] {strides = array<i32>} : memref<400x32xf32, #tpu.memory_space<vmem>>, vector<1x16xf32>,
      %swap3A_762 = vector.shape_cast %swap3A_761 : vector<1x16xf32> to vector<1x16xf32>
      %swap3A_763 = vector.shape_cast %add3A_758 : vector<1x16xf32> to vector<1x16xf32>
      tpu.vector_store %arg8[%swap3A_759, %swap3A_760], %swap3A_763 {strides = array<i32>} : memref<400x32xf32, #tpu.memory_space<vmem>>, vector<1x16xf32>,
    }
    %scan3A_399 = arith.constant 400 : i32
    %add3A_400 = arith.constant 4 : i32
    %add3A_401 = arith.addi %mul3A_2, %add3A_400 : i32
    %jit3A_402 = arith.constant 8 : i32
    %div3A_403 = arith.divsi %add3A_401, %jit3A_402 : i32
    %sign3A_404 = arith.constant 0 : i32
    %sign3A_405 = arith.cmpi sgt, %add3A_401, %sign3A_404 : i32
    %sign3A_406 = arith.extui %sign3A_405 : i1 to i32
    %sign3A_407 = arith.constant 0 : i32
    %sign3A_408 = arith.cmpi slt, %add3A_401, %sign3A_407 : i32
    %sign3A_409 = arith.extui %sign3A_408 : i1 to i32
    %sign3A_410 = arith.subi %sign3A_406, %sign3A_409 : i32
    %sign3A_411 = arith.constant 0 : i32
    %sign3A_412 = arith.cmpi sgt, %jit3A_402, %sign3A_411 : i32
    %sign3A_413 = arith.extui %sign3A_412 : i1 to i32
    %sign3A_414 = arith.constant 0 : i32
    %sign3A_415 = arith.cmpi slt, %jit3A_402, %sign3A_414 : i32
    %sign3A_416 = arith.extui %sign3A_415 : i1 to i32
    %sign3A_417 = arith.subi %sign3A_413, %sign3A_416 : i32
    %ne3A_418 = arith.cmpi ne, %sign3A_410, %sign3A_417 : i32
    %rem3A_419 = arith.remsi %add3A_401, %jit3A_402 : i32
    %ne3A_420 = arith.constant 0 : i32
    %ne3A_421 = arith.cmpi ne, %rem3A_419, %ne3A_420 : i32
    %and3A_422 = arith.andi %ne3A_418, %ne3A_421 : i1
    %sub3A_423 = arith.constant 1 : i32
    %sub3A_424 = arith.subi %div3A_403, %sub3A_423 : i32
    %select_n3A_425 = arith.select %and3A_422, %sub3A_424, %div3A_403 : i32
    %add3A_426 = arith.constant 32 : i32
    %add3A_427 = arith.addi %add3A_426, %select_n3A_425 : i32
    %rem3A_428 = arith.constant 4 : i32
    %rem3A_429 = arith.remsi %add3A_427, %rem3A_428 : i32
    %jit3A_430 = arith.constant 4 : i32
    %div3A_431 = arith.divsi %select_n3A_425, %jit3A_430 : i32
    %sign3A_432 = arith.constant 0 : i32
    %sign3A_433 = arith.cmpi sgt, %select_n3A_425, %sign3A_432 : i32
    %sign3A_434 = arith.extui %sign3A_433 : i1 to i32
    %sign3A_435 = arith.constant 0 : i32
    %sign3A_436 = arith.cmpi slt, %select_n3A_425, %sign3A_435 : i32
    %sign3A_437 = arith.extui %sign3A_436 : i1 to i32
    %sign3A_438 = arith.subi %sign3A_434, %sign3A_437 : i32
    %sign3A_439 = arith.constant 0 : i32
    %sign3A_440 = arith.cmpi sgt, %jit3A_430, %sign3A_439 : i32
    %sign3A_441 = arith.extui %sign3A_440 : i1 to i32
    %sign3A_442 = arith.constant 0 : i32
    %sign3A_443 = arith.cmpi slt, %jit3A_430, %sign3A_442 : i32
    %sign3A_444 = arith.extui %sign3A_443 : i1 to i32
    %sign3A_445 = arith.subi %sign3A_441, %sign3A_444 : i32
    %ne3A_446 = arith.cmpi ne, %sign3A_438, %sign3A_445 : i32
    %rem3A_447 = arith.remsi %select_n3A_425, %jit3A_430 : i32
    %ne3A_448 = arith.constant 0 : i32
    %ne3A_449 = arith.cmpi ne, %rem3A_447, %ne3A_448 : i32
    %and3A_450 = arith.andi %ne3A_446, %ne3A_449 : i1
    %sub3A_451 = arith.constant 1 : i32
    %sub3A_452 = arith.subi %div3A_431, %sub3A_451 : i32
    %select_n3A_453 = arith.select %and3A_450, %sub3A_452, %div3A_431 : i32
    %mul3A_454 = arith.constant 3200 : i32
    %mul3A_455 = arith.muli %select_n3A_453, %mul3A_454 : i32
    %rem3A_456 = arith.constant 8 : i32
    %rem3A_457 = arith.remsi %add3A_401, %rem3A_456 : i32
    %mul3A_458 = arith.constant 400 : i32
    %mul3A_459 = arith.muli %rem3A_457, %mul3A_458 : i32
    %add3A_460 = arith.addi %mul3A_455, %mul3A_459 : i32
    %mul3A_461 = arith.constant 32 : i32
    %mul3A_462 = arith.muli %rem3A_429, %mul3A_461 : i32
    %dma_start3A_463 = tpu.memref_slice %arg5[%add3A_460, %mul3A_462] : memref<25600x128xf32, #tpu.memory_space<hbm>> -> memref<400x32xf32, #tpu.memory_space<hbm>>
    %dma_start3A_464 = tpu.memref_slice %arg5[%add3A_460, %mul3A_462] : memref<25600x128xf32, #tpu.memory_space<hbm>> -> memref<400x32xf32, #tpu.memory_space<hbm>>
    tpu.enqueue_dma source(%arg8 : memref<400x32xf32, #tpu.memory_space<vmem>>) target(%dma_start3A_464 : memref<400x32xf32, #tpu.memory_space<hbm>>) target_semaphore(%arg16 : memref<!tpu.dma_semaphore, #tpu.memory_space<semaphore_mem>>)
    %dma_wait3A_465 = tpu.memref_slice %arg5[%add3A_460, %mul3A_462] : memref<25600x128xf32, #tpu.memory_space<hbm>> -> memref<400x32xf32, #tpu.memory_space<hbm>>
    %dma_wait3A_466 = tpu.memref_slice %arg5[%add3A_460, %mul3A_462] : memref<25600x128xf32, #tpu.memory_space<hbm>> -> memref<400x32xf32, #tpu.memory_space<hbm>>
    tpu.wait_dma2 semaphore(%arg16 : memref<!tpu.dma_semaphore, #tpu.memory_space<semaphore_mem>>) src(%arg8 : memref<400x32xf32, #tpu.memory_space<vmem>>) dst(%dma_wait3A_466 : memref<400x32xf32, #tpu.memory_space<hbm>>)
    %dma_start3A_467 = arith.constant 2400 : i32
    %dma_start3A_468 = tpu.memref_slice %arg6[%dma_start3A_467] : memref<3200xi32, #tpu.memory_space<vmem>> -> memref<400xi32, #tpu.memory_space<vmem>>
    %dma_start3A_469 = arith.constant 0 : i32
    %dma_start3A_470 = arith.constant 0 : i32
    %dma_start3A_471 = tpu.memref_slice %arg2[%dma_start3A_469, %dma_start3A_470] : memref<10000x32xf32, #tpu.memory_space<hbm>> -> memref<10000x32xf32, #tpu.memory_space<hbm>>
    tpu.enqueue_indirect_dma source(%dma_start3A_471 : memref<10000x32xf32, #tpu.memory_space<hbm>>) target(%arg8 : memref<400x32xf32, #tpu.memory_space<vmem>>) offsets(%dma_start3A_468 : memref<400xi32, #tpu.memory_space<vmem>>) semaphore(%arg12 : memref<!tpu.dma_semaphore, #tpu.memory_space<semaphore_mem>>)
    %dma_start3A_472 = arith.constant 2400 : i32
    %dma_start3A_473 = tpu.memref_slice %arg7[%dma_start3A_472] : memref<3200xi32, #tpu.memory_space<vmem>> -> memref<400xi32, #tpu.memory_space<vmem>>
    %dma_start3A_474 = arith.constant 0 : i32
    %dma_start3A_475 = arith.constant 0 : i32
    %dma_start3A_476 = tpu.memref_slice %arg3[%dma_start3A_474, %dma_start3A_475] : memref<10000x32xf32, #tpu.memory_space<hbm>> -> memref<10000x32xf32, #tpu.memory_space<hbm>>
    tpu.enqueue_indirect_dma source(%dma_start3A_476 : memref<10000x32xf32, #tpu.memory_space<hbm>>) target(%arg10 : memref<400x32xf32, #tpu.memory_space<vmem>>) offsets(%dma_start3A_473 : memref<400xi32, #tpu.memory_space<vmem>>) semaphore(%arg14 : memref<!tpu.dma_semaphore, #tpu.memory_space<semaphore_mem>>)
    %dma_wait3A_477 = arith.constant 2000 : i32
    %dma_wait3A_478 = tpu.memref_slice %arg6[%dma_wait3A_477] : memref<3200xi32, #tpu.memory_space<vmem>> -> memref<400xi32, #tpu.memory_space<vmem>>
    %dma_wait3A_479 = arith.constant 0 : i32
    %dma_wait3A_480 = arith.constant 0 : i32
    %dma_wait3A_481 = tpu.memref_slice %arg2[%dma_wait3A_479, %dma_wait3A_480] : memref<10000x32xf32, #tpu.memory_space<hbm>> -> memref<10000x32xf32, #tpu.memory_space<hbm>>
    tpu.wait_indirect_dma semaphore(%arg13 : memref<!tpu.dma_semaphore, #tpu.memory_space<semaphore_mem>>) src(%dma_wait3A_481 : memref<10000x32xf32, #tpu.memory_space<hbm>>) dst(%arg9 : memref<400x32xf32, #tpu.memory_space<vmem>>)
    %dma_wait3A_482 = arith.constant 2000 : i32
    %dma_wait3A_483 = tpu.memref_slice %arg7[%dma_wait3A_482] : memref<3200xi32, #tpu.memory_space<vmem>> -> memref<400xi32, #tpu.memory_space<vmem>>
    %dma_wait3A_484 = arith.constant 0 : i32
    %dma_wait3A_485 = arith.constant 0 : i32
    %dma_wait3A_486 = tpu.memref_slice %arg3[%dma_wait3A_484, %dma_wait3A_485] : memref<10000x32xf32, #tpu.memory_space<hbm>> -> memref<10000x32xf32, #tpu.memory_space<hbm>>
    tpu.wait_indirect_dma semaphore(%arg15 : memref<!tpu.dma_semaphore, #tpu.memory_space<semaphore_mem>>) src(%dma_wait3A_486 : memref<10000x32xf32, #tpu.memory_space<hbm>>) dst(%arg11 : memref<400x32xf32, #tpu.memory_space<vmem>>)
    %scan3A_487 = arith.constant 0 : i32
    %scan3A_488 = arith.constant 400 : i32
    %scan3A_489 = arith.addi %scan3A_487, %scan3A_488 : i32
    %scan3A_490 = arith.constant 1 : i32
    scf.for %scan3A_733 = %scan3A_487 to %scan3A_489 step %scan3A_490  : i32 {
      %mul3A_734 = arith.constant 1 : i32
      %mul3A_735 = arith.muli %scan3A_733, %mul3A_734 : i32
      %add3A_736 = arith.constant 0 : i32
      %add3A_737 = arith.addi %add3A_736, %mul3A_735 : i32
      %get3A = arith.index_cast %add3A_737 : i32 to index
      %get3A_738 = arith.constant 0 : index
      %get3A_739 = tpu.vector_load %arg9[%get3A, %get3A_738] {strides = array<i32>} : memref<400x32xf32, #tpu.memory_space<vmem>>, vector<1x16xf32>,
      %get3A_740 = vector.shape_cast %get3A_739 : vector<1x16xf32> to vector<1x16xf32>
      %get3A_741 = arith.index_cast %add3A_737 : i32 to index
      %get3A_742 = arith.constant 0 : index
      %get3A_743 = tpu.vector_load %arg11[%get3A_741, %get3A_742] {strides = array<i32>} : memref<400x32xf32, #tpu.memory_space<vmem>>, vector<1x16xf32>,
      %get3A_744 = vector.shape_cast %get3A_743 : vector<1x16xf32> to vector<1x16xf32>
      %add3A_745 = arith.addf %get3A_740, %get3A_744 : vector<1x16xf32>
      %swap3A = arith.index_cast %add3A_737 : i32 to index
      %swap3A_746 = arith.constant 0 : index
      %swap3A_747 = tpu.vector_load %arg9[%swap3A, %swap3A_746] {strides = array<i32>} : memref<400x32xf32, #tpu.memory_space<vmem>>, vector<1x16xf32>,
      %swap3A_748 = vector.shape_cast %swap3A_747 : vector<1x16xf32> to vector<1x16xf32>
      %swap3A_749 = vector.shape_cast %add3A_745 : vector<1x16xf32> to vector<1x16xf32>
      tpu.vector_store %arg9[%swap3A, %swap3A_746], %swap3A_749 {strides = array<i32>} : memref<400x32xf32, #tpu.memory_space<vmem>>, vector<1x16xf32>,
      %get3A_750 = arith.index_cast %add3A_737 : i32 to index
      %get3A_751 = arith.constant 16 : index
      %get3A_752 = tpu.vector_load %arg9[%get3A_750, %get3A_751] {strides = array<i32>} : memref<400x32xf32, #tpu.memory_space<vmem>>, vector<1x16xf32>,
      %get3A_753 = vector.shape_cast %get3A_752 : vector<1x16xf32> to vector<1x16xf32>
      %get3A_754 = arith.index_cast %add3A_737 : i32 to index
      %get3A_755 = arith.constant 16 : index
      %get3A_756 = tpu.vector_load %arg11[%get3A_754, %get3A_755] {strides = array<i32>} : memref<400x32xf32, #tpu.memory_space<vmem>>, vector<1x16xf32>,
      %get3A_757 = vector.shape_cast %get3A_756 : vector<1x16xf32> to vector<1x16xf32>
      %add3A_758 = arith.addf %get3A_753, %get3A_757 : vector<1x16xf32>
      %swap3A_759 = arith.index_cast %add3A_737 : i32 to index
      %swap3A_760 = arith.constant 16 : index
      %swap3A_761 = tpu.vector_load %arg9[%swap3A_759, %swap3A_760] {strides = array<i32>} : memref<400x32xf32, #tpu.memory_space<vmem>>, vector<1x16xf32>,
      %swap3A_762 = vector.shape_cast %swap3A_761 : vector<1x16xf32> to vector<1x16xf32>
      %swap3A_763 = vector.shape_cast %add3A_758 : vector<1x16xf32> to vector<1x16xf32>
      tpu.vector_store %arg9[%swap3A_759, %swap3A_760], %swap3A_763 {strides = array<i32>} : memref<400x32xf32, #tpu.memory_space<vmem>>, vector<1x16xf32>,
    }
    %scan3A_491 = arith.constant 400 : i32
    %add3A_492 = arith.constant 5 : i32
    %add3A_493 = arith.addi %mul3A_2, %add3A_492 : i32
    %jit3A_494 = arith.constant 8 : i32
    %div3A_495 = arith.divsi %add3A_493, %jit3A_494 : i32
    %sign3A_496 = arith.constant 0 : i32
    %sign3A_497 = arith.cmpi sgt, %add3A_493, %sign3A_496 : i32
    %sign3A_498 = arith.extui %sign3A_497 : i1 to i32
    %sign3A_499 = arith.constant 0 : i32
    %sign3A_500 = arith.cmpi slt, %add3A_493, %sign3A_499 : i32
    %sign3A_501 = arith.extui %sign3A_500 : i1 to i32
    %sign3A_502 = arith.subi %sign3A_498, %sign3A_501 : i32
    %sign3A_503 = arith.constant 0 : i32
    %sign3A_504 = arith.cmpi sgt, %jit3A_494, %sign3A_503 : i32
    %sign3A_505 = arith.extui %sign3A_504 : i1 to i32
    %sign3A_506 = arith.constant 0 : i32
    %sign3A_507 = arith.cmpi slt, %jit3A_494, %sign3A_506 : i32
    %sign3A_508 = arith.extui %sign3A_507 : i1 to i32
    %sign3A_509 = arith.subi %sign3A_505, %sign3A_508 : i32
    %ne3A_510 = arith.cmpi ne, %sign3A_502, %sign3A_509 : i32
    %rem3A_511 = arith.remsi %add3A_493, %jit3A_494 : i32
    %ne3A_512 = arith.constant 0 : i32
    %ne3A_513 = arith.cmpi ne, %rem3A_511, %ne3A_512 : i32
    %and3A_514 = arith.andi %ne3A_510, %ne3A_513 : i1
    %sub3A_515 = arith.constant 1 : i32
    %sub3A_516 = arith.subi %div3A_495, %sub3A_515 : i32
    %select_n3A_517 = arith.select %and3A_514, %sub3A_516, %div3A_495 : i32
    %add3A_518 = arith.constant 32 : i32
    %add3A_519 = arith.addi %add3A_518, %select_n3A_517 : i32
    %rem3A_520 = arith.constant 4 : i32
    %rem3A_521 = arith.remsi %add3A_519, %rem3A_520 : i32
    %jit3A_522 = arith.constant 4 : i32
    %div3A_523 = arith.divsi %select_n3A_517, %jit3A_522 : i32
    %sign3A_524 = arith.constant 0 : i32
    %sign3A_525 = arith.cmpi sgt, %select_n3A_517, %sign3A_524 : i32
    %sign3A_526 = arith.extui %sign3A_525 : i1 to i32
    %sign3A_527 = arith.constant 0 : i32
    %sign3A_528 = arith.cmpi slt, %select_n3A_517, %sign3A_527 : i32
    %sign3A_529 = arith.extui %sign3A_528 : i1 to i32
    %sign3A_530 = arith.subi %sign3A_526, %sign3A_529 : i32
    %sign3A_531 = arith.constant 0 : i32
    %sign3A_532 = arith.cmpi sgt, %jit3A_522, %sign3A_531 : i32
    %sign3A_533 = arith.extui %sign3A_532 : i1 to i32
    %sign3A_534 = arith.constant 0 : i32
    %sign3A_535 = arith.cmpi slt, %jit3A_522, %sign3A_534 : i32
    %sign3A_536 = arith.extui %sign3A_535 : i1 to i32
    %sign3A_537 = arith.subi %sign3A_533, %sign3A_536 : i32
    %ne3A_538 = arith.cmpi ne, %sign3A_530, %sign3A_537 : i32
    %rem3A_539 = arith.remsi %select_n3A_517, %jit3A_522 : i32
    %ne3A_540 = arith.constant 0 : i32
    %ne3A_541 = arith.cmpi ne, %rem3A_539, %ne3A_540 : i32
    %and3A_542 = arith.andi %ne3A_538, %ne3A_541 : i1
    %sub3A_543 = arith.constant 1 : i32
    %sub3A_544 = arith.subi %div3A_523, %sub3A_543 : i32
    %select_n3A_545 = arith.select %and3A_542, %sub3A_544, %div3A_523 : i32
    %mul3A_546 = arith.constant 3200 : i32
    %mul3A_547 = arith.muli %select_n3A_545, %mul3A_546 : i32
    %rem3A_548 = arith.constant 8 : i32
    %rem3A_549 = arith.remsi %add3A_493, %rem3A_548 : i32
    %mul3A_550 = arith.constant 400 : i32
    %mul3A_551 = arith.muli %rem3A_549, %mul3A_550 : i32
    %add3A_552 = arith.addi %mul3A_547, %mul3A_551 : i32
    %mul3A_553 = arith.constant 32 : i32
    %mul3A_554 = arith.muli %rem3A_521, %mul3A_553 : i32
    %dma_start3A_555 = tpu.memref_slice %arg5[%add3A_552, %mul3A_554] : memref<25600x128xf32, #tpu.memory_space<hbm>> -> memref<400x32xf32, #tpu.memory_space<hbm>>
    %dma_start3A_556 = tpu.memref_slice %arg5[%add3A_552, %mul3A_554] : memref<25600x128xf32, #tpu.memory_space<hbm>> -> memref<400x32xf32, #tpu.memory_space<hbm>>
    tpu.enqueue_dma source(%arg9 : memref<400x32xf32, #tpu.memory_space<vmem>>) target(%dma_start3A_556 : memref<400x32xf32, #tpu.memory_space<hbm>>) target_semaphore(%arg17 : memref<!tpu.dma_semaphore, #tpu.memory_space<semaphore_mem>>)
    %dma_wait3A_557 = tpu.memref_slice %arg5[%add3A_552, %mul3A_554] : memref<25600x128xf32, #tpu.memory_space<hbm>> -> memref<400x32xf32, #tpu.memory_space<hbm>>
    %dma_wait3A_558 = tpu.memref_slice %arg5[%add3A_552, %mul3A_554] : memref<25600x128xf32, #tpu.memory_space<hbm>> -> memref<400x32xf32, #tpu.memory_space<hbm>>
    tpu.wait_dma2 semaphore(%arg17 : memref<!tpu.dma_semaphore, #tpu.memory_space<semaphore_mem>>) src(%arg9 : memref<400x32xf32, #tpu.memory_space<vmem>>) dst(%dma_wait3A_558 : memref<400x32xf32, #tpu.memory_space<hbm>>)
    %dma_start3A_559 = arith.constant 2800 : i32
    %dma_start3A_560 = tpu.memref_slice %arg6[%dma_start3A_559] : memref<3200xi32, #tpu.memory_space<vmem>> -> memref<400xi32, #tpu.memory_space<vmem>>
    %dma_start3A_561 = arith.constant 0 : i32
    %dma_start3A_562 = arith.constant 0 : i32
    %dma_start3A_563 = tpu.memref_slice %arg2[%dma_start3A_561, %dma_start3A_562] : memref<10000x32xf32, #tpu.memory_space<hbm>> -> memref<10000x32xf32, #tpu.memory_space<hbm>>
    tpu.enqueue_indirect_dma source(%dma_start3A_563 : memref<10000x32xf32, #tpu.memory_space<hbm>>) target(%arg9 : memref<400x32xf32, #tpu.memory_space<vmem>>) offsets(%dma_start3A_560 : memref<400xi32, #tpu.memory_space<vmem>>) semaphore(%arg13 : memref<!tpu.dma_semaphore, #tpu.memory_space<semaphore_mem>>)
    %dma_start3A_564 = arith.constant 2800 : i32
    %dma_start3A_565 = tpu.memref_slice %arg7[%dma_start3A_564] : memref<3200xi32, #tpu.memory_space<vmem>> -> memref<400xi32, #tpu.memory_space<vmem>>
    %dma_start3A_566 = arith.constant 0 : i32
    %dma_start3A_567 = arith.constant 0 : i32
    %dma_start3A_568 = tpu.memref_slice %arg3[%dma_start3A_566, %dma_start3A_567] : memref<10000x32xf32, #tpu.memory_space<hbm>> -> memref<10000x32xf32, #tpu.memory_space<hbm>>
    tpu.enqueue_indirect_dma source(%dma_start3A_568 : memref<10000x32xf32, #tpu.memory_space<hbm>>) target(%arg11 : memref<400x32xf32, #tpu.memory_space<vmem>>) offsets(%dma_start3A_565 : memref<400xi32, #tpu.memory_space<vmem>>) semaphore(%arg15 : memref<!tpu.dma_semaphore, #tpu.memory_space<semaphore_mem>>)
    %dma_wait3A_569 = arith.constant 2400 : i32
    %dma_wait3A_570 = tpu.memref_slice %arg6[%dma_wait3A_569] : memref<3200xi32, #tpu.memory_space<vmem>> -> memref<400xi32, #tpu.memory_space<vmem>>
    %dma_wait3A_571 = arith.constant 0 : i32
    %dma_wait3A_572 = arith.constant 0 : i32
    %dma_wait3A_573 = tpu.memref_slice %arg2[%dma_wait3A_571, %dma_wait3A_572] : memref<10000x32xf32, #tpu.memory_space<hbm>> -> memref<10000x32xf32, #tpu.memory_space<hbm>>
    tpu.wait_indirect_dma semaphore(%arg12 : memref<!tpu.dma_semaphore, #tpu.memory_space<semaphore_mem>>) src(%dma_wait3A_573 : memref<10000x32xf32, #tpu.memory_space<hbm>>) dst(%arg8 : memref<400x32xf32, #tpu.memory_space<vmem>>)
    %dma_wait3A_574 = arith.constant 2400 : i32
    %dma_wait3A_575 = tpu.memref_slice %arg7[%dma_wait3A_574] : memref<3200xi32, #tpu.memory_space<vmem>> -> memref<400xi32, #tpu.memory_space<vmem>>
    %dma_wait3A_576 = arith.constant 0 : i32
    %dma_wait3A_577 = arith.constant 0 : i32
    %dma_wait3A_578 = tpu.memref_slice %arg3[%dma_wait3A_576, %dma_wait3A_577] : memref<10000x32xf32, #tpu.memory_space<hbm>> -> memref<10000x32xf32, #tpu.memory_space<hbm>>
    tpu.wait_indirect_dma semaphore(%arg14 : memref<!tpu.dma_semaphore, #tpu.memory_space<semaphore_mem>>) src(%dma_wait3A_578 : memref<10000x32xf32, #tpu.memory_space<hbm>>) dst(%arg10 : memref<400x32xf32, #tpu.memory_space<vmem>>)
    %scan3A_579 = arith.constant 0 : i32
    %scan3A_580 = arith.constant 400 : i32
    %scan3A_581 = arith.addi %scan3A_579, %scan3A_580 : i32
    %scan3A_582 = arith.constant 1 : i32
    scf.for %scan3A_733 = %scan3A_579 to %scan3A_581 step %scan3A_582  : i32 {
      %mul3A_734 = arith.constant 1 : i32
      %mul3A_735 = arith.muli %scan3A_733, %mul3A_734 : i32
      %add3A_736 = arith.constant 0 : i32
      %add3A_737 = arith.addi %add3A_736, %mul3A_735 : i32
      %get3A = arith.index_cast %add3A_737 : i32 to index
      %get3A_738 = arith.constant 0 : index
      %get3A_739 = tpu.vector_load %arg8[%get3A, %get3A_738] {strides = array<i32>} : memref<400x32xf32, #tpu.memory_space<vmem>>, vector<1x16xf32>,
      %get3A_740 = vector.shape_cast %get3A_739 : vector<1x16xf32> to vector<1x16xf32>
      %get3A_741 = arith.index_cast %add3A_737 : i32 to index
      %get3A_742 = arith.constant 0 : index
      %get3A_743 = tpu.vector_load %arg10[%get3A_741, %get3A_742] {strides = array<i32>} : memref<400x32xf32, #tpu.memory_space<vmem>>, vector<1x16xf32>,
      %get3A_744 = vector.shape_cast %get3A_743 : vector<1x16xf32> to vector<1x16xf32>
      %add3A_745 = arith.addf %get3A_740, %get3A_744 : vector<1x16xf32>
      %swap3A = arith.index_cast %add3A_737 : i32 to index
      %swap3A_746 = arith.constant 0 : index
      %swap3A_747 = tpu.vector_load %arg8[%swap3A, %swap3A_746] {strides = array<i32>} : memref<400x32xf32, #tpu.memory_space<vmem>>, vector<1x16xf32>,
      %swap3A_748 = vector.shape_cast %swap3A_747 : vector<1x16xf32> to vector<1x16xf32>
      %swap3A_749 = vector.shape_cast %add3A_745 : vector<1x16xf32> to vector<1x16xf32>
      tpu.vector_store %arg8[%swap3A, %swap3A_746], %swap3A_749 {strides = array<i32>} : memref<400x32xf32, #tpu.memory_space<vmem>>, vector<1x16xf32>,
      %get3A_750 = arith.index_cast %add3A_737 : i32 to index
      %get3A_751 = arith.constant 16 : index
      %get3A_752 = tpu.vector_load %arg8[%get3A_750, %get3A_751] {strides = array<i32>} : memref<400x32xf32, #tpu.memory_space<vmem>>, vector<1x16xf32>,
      %get3A_753 = vector.shape_cast %get3A_752 : vector<1x16xf32> to vector<1x16xf32>
      %get3A_754 = arith.index_cast %add3A_737 : i32 to index
      %get3A_755 = arith.constant 16 : index
      %get3A_756 = tpu.vector_load %arg10[%get3A_754, %get3A_755] {strides = array<i32>} : memref<400x32xf32, #tpu.memory_space<vmem>>, vector<1x16xf32>,
      %get3A_757 = vector.shape_cast %get3A_756 : vector<1x16xf32> to vector<1x16xf32>
      %add3A_758 = arith.addf %get3A_753, %get3A_757 : vector<1x16xf32>
      %swap3A_759 = arith.index_cast %add3A_737 : i32 to index
      %swap3A_760 = arith.constant 16 : index
      %swap3A_761 = tpu.vector_load %arg8[%swap3A_759, %swap3A_760] {strides = array<i32>} : memref<400x32xf32, #tpu.memory_space<vmem>>, vector<1x16xf32>,
      %swap3A_762 = vector.shape_cast %swap3A_761 : vector<1x16xf32> to vector<1x16xf32>
      %swap3A_763 = vector.shape_cast %add3A_758 : vector<1x16xf32> to vector<1x16xf32>
      tpu.vector_store %arg8[%swap3A_759, %swap3A_760], %swap3A_763 {strides = array<i32>} : memref<400x32xf32, #tpu.memory_space<vmem>>, vector<1x16xf32>,
    }
    %scan3A_583 = arith.constant 400 : i32
    %add3A_584 = arith.constant 6 : i32
    %add3A_585 = arith.addi %mul3A_2, %add3A_584 : i32
    %jit3A_586 = arith.constant 8 : i32
    %div3A_587 = arith.divsi %add3A_585, %jit3A_586 : i32
    %sign3A_588 = arith.constant 0 : i32
    %sign3A_589 = arith.cmpi sgt, %add3A_585, %sign3A_588 : i32
    %sign3A_590 = arith.extui %sign3A_589 : i1 to i32
    %sign3A_591 = arith.constant 0 : i32
    %sign3A_592 = arith.cmpi slt, %add3A_585, %sign3A_591 : i32
    %sign3A_593 = arith.extui %sign3A_592 : i1 to i32
    %sign3A_594 = arith.subi %sign3A_590, %sign3A_593 : i32
    %sign3A_595 = arith.constant 0 : i32
    %sign3A_596 = arith.cmpi sgt, %jit3A_586, %sign3A_595 : i32
    %sign3A_597 = arith.extui %sign3A_596 : i1 to i32
    %sign3A_598 = arith.constant 0 : i32
    %sign3A_599 = arith.cmpi slt, %jit3A_586, %sign3A_598 : i32
    %sign3A_600 = arith.extui %sign3A_599 : i1 to i32
    %sign3A_601 = arith.subi %sign3A_597, %sign3A_600 : i32
    %ne3A_602 = arith.cmpi ne, %sign3A_594, %sign3A_601 : i32
    %rem3A_603 = arith.remsi %add3A_585, %jit3A_586 : i32
    %ne3A_604 = arith.constant 0 : i32
    %ne3A_605 = arith.cmpi ne, %rem3A_603, %ne3A_604 : i32
    %and3A_606 = arith.andi %ne3A_602, %ne3A_605 : i1
    %sub3A_607 = arith.constant 1 : i32
    %sub3A_608 = arith.subi %div3A_587, %sub3A_607 : i32
    %select_n3A_609 = arith.select %and3A_606, %sub3A_608, %div3A_587 : i32
    %add3A_610 = arith.constant 32 : i32
    %add3A_611 = arith.addi %add3A_610, %select_n3A_609 : i32
    %rem3A_612 = arith.constant 4 : i32
    %rem3A_613 = arith.remsi %add3A_611, %rem3A_612 : i32
    %jit3A_614 = arith.constant 4 : i32
    %div3A_615 = arith.divsi %select_n3A_609, %jit3A_614 : i32
    %sign3A_616 = arith.constant 0 : i32
    %sign3A_617 = arith.cmpi sgt, %select_n3A_609, %sign3A_616 : i32
    %sign3A_618 = arith.extui %sign3A_617 : i1 to i32
    %sign3A_619 = arith.constant 0 : i32
    %sign3A_620 = arith.cmpi slt, %select_n3A_609, %sign3A_619 : i32
    %sign3A_621 = arith.extui %sign3A_620 : i1 to i32
    %sign3A_622 = arith.subi %sign3A_618, %sign3A_621 : i32
    %sign3A_623 = arith.constant 0 : i32
    %sign3A_624 = arith.cmpi sgt, %jit3A_614, %sign3A_623 : i32
    %sign3A_625 = arith.extui %sign3A_624 : i1 to i32
    %sign3A_626 = arith.constant 0 : i32
    %sign3A_627 = arith.cmpi slt, %jit3A_614, %sign3A_626 : i32
    %sign3A_628 = arith.extui %sign3A_627 : i1 to i32
    %sign3A_629 = arith.subi %sign3A_625, %sign3A_628 : i32
    %ne3A_630 = arith.cmpi ne, %sign3A_622, %sign3A_629 : i32
    %rem3A_631 = arith.remsi %select_n3A_609, %jit3A_614 : i32
    %ne3A_632 = arith.constant 0 : i32
    %ne3A_633 = arith.cmpi ne, %rem3A_631, %ne3A_632 : i32
    %and3A_634 = arith.andi %ne3A_630, %ne3A_633 : i1
    %sub3A_635 = arith.constant 1 : i32
    %sub3A_636 = arith.subi %div3A_615, %sub3A_635 : i32
    %select_n3A_637 = arith.select %and3A_634, %sub3A_636, %div3A_615 : i32
    %mul3A_638 = arith.constant 3200 : i32
    %mul3A_639 = arith.muli %select_n3A_637, %mul3A_638 : i32
    %rem3A_640 = arith.constant 8 : i32
    %rem3A_641 = arith.remsi %add3A_585, %rem3A_640 : i32
    %mul3A_642 = arith.constant 400 : i32
    %mul3A_643 = arith.muli %rem3A_641, %mul3A_642 : i32
    %add3A_644 = arith.addi %mul3A_639, %mul3A_643 : i32
    %mul3A_645 = arith.constant 32 : i32
    %mul3A_646 = arith.muli %rem3A_613, %mul3A_645 : i32
    %dma_start3A_647 = tpu.memref_slice %arg5[%add3A_644, %mul3A_646] : memref<25600x128xf32, #tpu.memory_space<hbm>> -> memref<400x32xf32, #tpu.memory_space<hbm>>
    %dma_start3A_648 = tpu.memref_slice %arg5[%add3A_644, %mul3A_646] : memref<25600x128xf32, #tpu.memory_space<hbm>> -> memref<400x32xf32, #tpu.memory_space<hbm>>
    tpu.enqueue_dma source(%arg8 : memref<400x32xf32, #tpu.memory_space<vmem>>) target(%dma_start3A_648 : memref<400x32xf32, #tpu.memory_space<hbm>>) target_semaphore(%arg16 : memref<!tpu.dma_semaphore, #tpu.memory_space<semaphore_mem>>)
    %dma_wait3A_649 = arith.constant 2800 : i32
    %dma_wait3A_650 = tpu.memref_slice %arg6[%dma_wait3A_649] : memref<3200xi32, #tpu.memory_space<vmem>> -> memref<400xi32, #tpu.memory_space<vmem>>
    %dma_wait3A_651 = arith.constant 0 : i32
    %dma_wait3A_652 = arith.constant 0 : i32
    %dma_wait3A_653 = tpu.memref_slice %arg2[%dma_wait3A_651, %dma_wait3A_652] : memref<10000x32xf32, #tpu.memory_space<hbm>> -> memref<10000x32xf32, #tpu.memory_space<hbm>>
    tpu.wait_indirect_dma semaphore(%arg13 : memref<!tpu.dma_semaphore, #tpu.memory_space<semaphore_mem>>) src(%dma_wait3A_653 : memref<10000x32xf32, #tpu.memory_space<hbm>>) dst(%arg9 : memref<400x32xf32, #tpu.memory_space<vmem>>)
    %dma_wait3A_654 = arith.constant 2800 : i32
    %dma_wait3A_655 = tpu.memref_slice %arg7[%dma_wait3A_654] : memref<3200xi32, #tpu.memory_space<vmem>> -> memref<400xi32, #tpu.memory_space<vmem>>
    %dma_wait3A_656 = arith.constant 0 : i32
    %dma_wait3A_657 = arith.constant 0 : i32
    %dma_wait3A_658 = tpu.memref_slice %arg3[%dma_wait3A_656, %dma_wait3A_657] : memref<10000x32xf32, #tpu.memory_space<hbm>> -> memref<10000x32xf32, #tpu.memory_space<hbm>>
    tpu.wait_indirect_dma semaphore(%arg15 : memref<!tpu.dma_semaphore, #tpu.memory_space<semaphore_mem>>) src(%dma_wait3A_658 : memref<10000x32xf32, #tpu.memory_space<hbm>>) dst(%arg11 : memref<400x32xf32, #tpu.memory_space<vmem>>)
    %scan3A_659 = arith.constant 0 : i32
    %scan3A_660 = arith.constant 400 : i32
    %scan3A_661 = arith.addi %scan3A_659, %scan3A_660 : i32
    %scan3A_662 = arith.constant 1 : i32
    scf.for %scan3A_733 = %scan3A_659 to %scan3A_661 step %scan3A_662  : i32 {
      %mul3A_734 = arith.constant 1 : i32
      %mul3A_735 = arith.muli %scan3A_733, %mul3A_734 : i32
      %add3A_736 = arith.constant 0 : i32
      %add3A_737 = arith.addi %add3A_736, %mul3A_735 : i32
      %get3A = arith.index_cast %add3A_737 : i32 to index
      %get3A_738 = arith.constant 0 : index
      %get3A_739 = tpu.vector_load %arg9[%get3A, %get3A_738] {strides = array<i32>} : memref<400x32xf32, #tpu.memory_space<vmem>>, vector<1x16xf32>,
      %get3A_740 = vector.shape_cast %get3A_739 : vector<1x16xf32> to vector<1x16xf32>
      %get3A_741 = arith.index_cast %add3A_737 : i32 to index
      %get3A_742 = arith.constant 0 : index
      %get3A_743 = tpu.vector_load %arg11[%get3A_741, %get3A_742] {strides = array<i32>} : memref<400x32xf32, #tpu.memory_space<vmem>>, vector<1x16xf32>,
      %get3A_744 = vector.shape_cast %get3A_743 : vector<1x16xf32> to vector<1x16xf32>
      %add3A_745 = arith.addf %get3A_740, %get3A_744 : vector<1x16xf32>
      %swap3A = arith.index_cast %add3A_737 : i32 to index
      %swap3A_746 = arith.constant 0 : index
      %swap3A_747 = tpu.vector_load %arg9[%swap3A, %swap3A_746] {strides = array<i32>} : memref<400x32xf32, #tpu.memory_space<vmem>>, vector<1x16xf32>,
      %swap3A_748 = vector.shape_cast %swap3A_747 : vector<1x16xf32> to vector<1x16xf32>
      %swap3A_749 = vector.shape_cast %add3A_745 : vector<1x16xf32> to vector<1x16xf32>
      tpu.vector_store %arg9[%swap3A, %swap3A_746], %swap3A_749 {strides = array<i32>} : memref<400x32xf32, #tpu.memory_space<vmem>>, vector<1x16xf32>,
      %get3A_750 = arith.index_cast %add3A_737 : i32 to index
      %get3A_751 = arith.constant 16 : index
      %get3A_752 = tpu.vector_load %arg9[%get3A_750, %get3A_751] {strides = array<i32>} : memref<400x32xf32, #tpu.memory_space<vmem>>, vector<1x16xf32>,
      %get3A_753 = vector.shape_cast %get3A_752 : vector<1x16xf32> to vector<1x16xf32>
      %get3A_754 = arith.index_cast %add3A_737 : i32 to index
      %get3A_755 = arith.constant 16 : index
      %get3A_756 = tpu.vector_load %arg11[%get3A_754, %get3A_755] {strides = array<i32>} : memref<400x32xf32, #tpu.memory_space<vmem>>, vector<1x16xf32>,
      %get3A_757 = vector.shape_cast %get3A_756 : vector<1x16xf32> to vector<1x16xf32>
      %add3A_758 = arith.addf %get3A_753, %get3A_757 : vector<1x16xf32>
      %swap3A_759 = arith.index_cast %add3A_737 : i32 to index
      %swap3A_760 = arith.constant 16 : index
      %swap3A_761 = tpu.vector_load %arg9[%swap3A_759, %swap3A_760] {strides = array<i32>} : memref<400x32xf32, #tpu.memory_space<vmem>>, vector<1x16xf32>,
      %swap3A_762 = vector.shape_cast %swap3A_761 : vector<1x16xf32> to vector<1x16xf32>
      %swap3A_763 = vector.shape_cast %add3A_758 : vector<1x16xf32> to vector<1x16xf32>
      tpu.vector_store %arg9[%swap3A_759, %swap3A_760], %swap3A_763 {strides = array<i32>} : memref<400x32xf32, #tpu.memory_space<vmem>>, vector<1x16xf32>,
    }
    %scan3A_663 = arith.constant 400 : i32
    %add3A_664 = arith.constant 7 : i32
    %add3A_665 = arith.addi %mul3A_2, %add3A_664 : i32
    %jit3A_666 = arith.constant 8 : i32
    %div3A_667 = arith.divsi %add3A_665, %jit3A_666 : i32
    %sign3A_668 = arith.constant 0 : i32
    %sign3A_669 = arith.cmpi sgt, %add3A_665, %sign3A_668 : i32
    %sign3A_670 = arith.extui %sign3A_669 : i1 to i32
    %sign3A_671 = arith.constant 0 : i32
    %sign3A_672 = arith.cmpi slt, %add3A_665, %sign3A_671 : i32
    %sign3A_673 = arith.extui %sign3A_672 : i1 to i32
    %sign3A_674 = arith.subi %sign3A_670, %sign3A_673 : i32
    %sign3A_675 = arith.constant 0 : i32
    %sign3A_676 = arith.cmpi sgt, %jit3A_666, %sign3A_675 : i32
    %sign3A_677 = arith.extui %sign3A_676 : i1 to i32
    %sign3A_678 = arith.constant 0 : i32
    %sign3A_679 = arith.cmpi slt, %jit3A_666, %sign3A_678 : i32
    %sign3A_680 = arith.extui %sign3A_679 : i1 to i32
    %sign3A_681 = arith.subi %sign3A_677, %sign3A_680 : i32
    %ne3A_682 = arith.cmpi ne, %sign3A_674, %sign3A_681 : i32
    %rem3A_683 = arith.remsi %add3A_665, %jit3A_666 : i32
    %ne3A_684 = arith.constant 0 : i32
    %ne3A_685 = arith.cmpi ne, %rem3A_683, %ne3A_684 : i32
    %and3A_686 = arith.andi %ne3A_682, %ne3A_685 : i1
    %sub3A_687 = arith.constant 1 : i32
    %sub3A_688 = arith.subi %div3A_667, %sub3A_687 : i32
    %select_n3A_689 = arith.select %and3A_686, %sub3A_688, %div3A_667 : i32
    %add3A_690 = arith.constant 32 : i32
    %add3A_691 = arith.addi %add3A_690, %select_n3A_689 : i32
    %rem3A_692 = arith.constant 4 : i32
    %rem3A_693 = arith.remsi %add3A_691, %rem3A_692 : i32
    %jit3A_694 = arith.constant 4 : i32
    %div3A_695 = arith.divsi %select_n3A_689, %jit3A_694 : i32
    %sign3A_696 = arith.constant 0 : i32
    %sign3A_697 = arith.cmpi sgt, %select_n3A_689, %sign3A_696 : i32
    %sign3A_698 = arith.extui %sign3A_697 : i1 to i32
    %sign3A_699 = arith.constant 0 : i32
    %sign3A_700 = arith.cmpi slt, %select_n3A_689, %sign3A_699 : i32
    %sign3A_701 = arith.extui %sign3A_700 : i1 to i32
    %sign3A_702 = arith.subi %sign3A_698, %sign3A_701 : i32
    %sign3A_703 = arith.constant 0 : i32
    %sign3A_704 = arith.cmpi sgt, %jit3A_694, %sign3A_703 : i32
    %sign3A_705 = arith.extui %sign3A_704 : i1 to i32
    %sign3A_706 = arith.constant 0 : i32
    %sign3A_707 = arith.cmpi slt, %jit3A_694, %sign3A_706 : i32
    %sign3A_708 = arith.extui %sign3A_707 : i1 to i32
    %sign3A_709 = arith.subi %sign3A_705, %sign3A_708 : i32
    %ne3A_710 = arith.cmpi ne, %sign3A_702, %sign3A_709 : i32
    %rem3A_711 = arith.remsi %select_n3A_689, %jit3A_694 : i32
    %ne3A_712 = arith.constant 0 : i32
    %ne3A_713 = arith.cmpi ne, %rem3A_711, %ne3A_712 : i32
    %and3A_714 = arith.andi %ne3A_710, %ne3A_713 : i1
    %sub3A_715 = arith.constant 1 : i32
    %sub3A_716 = arith.subi %div3A_695, %sub3A_715 : i32
    %select_n3A_717 = arith.select %and3A_714, %sub3A_716, %div3A_695 : i32
    %mul3A_718 = arith.constant 3200 : i32
    %mul3A_719 = arith.muli %select_n3A_717, %mul3A_718 : i32
    %rem3A_720 = arith.constant 8 : i32
    %rem3A_721 = arith.remsi %add3A_665, %rem3A_720 : i32
    %mul3A_722 = arith.constant 400 : i32
    %mul3A_723 = arith.muli %rem3A_721, %mul3A_722 : i32
    %add3A_724 = arith.addi %mul3A_719, %mul3A_723 : i32
    %mul3A_725 = arith.constant 32 : i32
    %mul3A_726 = arith.muli %rem3A_693, %mul3A_725 : i32
    %dma_start3A_727 = tpu.memref_slice %arg5[%add3A_724, %mul3A_726] : memref<25600x128xf32, #tpu.memory_space<hbm>> -> memref<400x32xf32, #tpu.memory_space<hbm>>
    %dma_start3A_728 = tpu.memref_slice %arg5[%add3A_724, %mul3A_726] : memref<25600x128xf32, #tpu.memory_space<hbm>> -> memref<400x32xf32, #tpu.memory_space<hbm>>
    tpu.enqueue_dma source(%arg9 : memref<400x32xf32, #tpu.memory_space<vmem>>) target(%dma_start3A_728 : memref<400x32xf32, #tpu.memory_space<hbm>>) target_semaphore(%arg17 : memref<!tpu.dma_semaphore, #tpu.memory_space<semaphore_mem>>)
    %dma_wait3A_729 = tpu.memref_slice %arg5[%add3A_644, %mul3A_646] : memref<25600x128xf32, #tpu.memory_space<hbm>> -> memref<400x32xf32, #tpu.memory_space<hbm>>
    %dma_wait3A_730 = tpu.memref_slice %arg5[%add3A_644, %mul3A_646] : memref<25600x128xf32, #tpu.memory_space<hbm>> -> memref<400x32xf32, #tpu.memory_space<hbm>>
    tpu.wait_dma2 semaphore(%arg16 : memref<!tpu.dma_semaphore, #tpu.memory_space<semaphore_mem>>) src(%arg8 : memref<400x32xf32, #tpu.memory_space<vmem>>) dst(%dma_wait3A_730 : memref<400x32xf32, #tpu.memory_space<hbm>>)
    %dma_wait3A_731 = tpu.memref_slice %arg5[%add3A_724, %mul3A_726] : memref<25600x128xf32, #tpu.memory_space<hbm>> -> memref<400x32xf32, #tpu.memory_space<hbm>>
    %dma_wait3A_732 = tpu.memref_slice %arg5[%add3A_724, %mul3A_726] : memref<25600x128xf32, #tpu.memory_space<hbm>> -> memref<400x32xf32, #tpu.memory_space<hbm>>
    tpu.wait_dma2 semaphore(%arg17 : memref<!tpu.dma_semaphore, #tpu.memory_space<semaphore_mem>>) src(%arg9 : memref<400x32xf32, #tpu.memory_space<vmem>>) dst(%dma_wait3A_732 : memref<400x32xf32, #tpu.memory_space<hbm>>)
    return
  }
}

#map = affine_map<(d0, d1) -> (0, 0)>
module attributes {stable_mosaic.version = 14 : i64} {
  func.func @k(%arg0: i32, %arg1: i32, %arg2: memref<10000x32xf32, #tpu.memory_space<hbm>>, %arg3: memref<10000x32xf32, #tpu.memory_space<hbm>>, %arg4: memref<2x320000xi32, #tpu.memory_space<hbm>>, %arg5: memref<25600x128xf32, #tpu.memory_space<hbm>>, %arg6: memref<3200xi32, #tpu.memory_space<vmem>>, %arg7: memref<3200xi32, #tpu.memory_space<vmem>>, %arg8: memref<400x32xf32, #tpu.memory_space<vmem>>, %arg9: memref<400x32xf32, #tpu.memory_space<vmem>>, %arg10: memref<400x32xf32, #tpu.memory_space<vmem>>, %arg11: memref<400x32xf32, #tpu.memory_space<vmem>>, %arg12: memref<!tpu.dma_semaphore, #tpu.memory_space<semaphore_mem>>, %arg13: memref<!tpu.dma_semaphore, #tpu.memory_space<semaphore_mem>>, %arg14: memref<!tpu.dma_semaphore, #tpu.memory_space<semaphore_mem>>, %arg15: memref<!tpu.dma_semaphore, #tpu.memory_space<semaphore_mem>>, %arg16: memref<!tpu.dma_semaphore, #tpu.memory_space<semaphore_mem>>, %arg17: memref<!tpu.dma_semaphore, #tpu.memory_space<semaphore_mem>>) attributes {dimension_semantics = [#tpu.dimension_semantics<core_parallel>, #tpu.dimension_semantics<subcore_parallel>], iteration_bounds = array<i64: 2, 16>, scalar_prefetch = 0 : i64, scratch_operands = 12 : i64, tpu.core_type = #tpu.core_type<sc_vector_subcore>, window_params = [{transform_indices = #map}, {transform_indices = #map}, {transform_indices = #map}, {transform_indices = #map}]} {
    %mul3A = arith.constant 2 : i32
    %mul3A_0 = arith.muli %arg1, %mul3A : i32
    %add3A = arith.addi %mul3A_0, %arg0 : i32
    %mul3A_1 = arith.constant 8 : i32
    %mul3A_2 = arith.muli %add3A, %mul3A_1 : i32
    %mul3A_3 = arith.constant 400 : i32
    %mul3A_4 = arith.muli %mul3A_2, %mul3A_3 : i32
    %add3A_5 = arith.constant 0 : i32
    %add3A_6 = arith.addi %add3A_5, %mul3A_4 : i32
    %run_scoped3A = arith.constant 0 : i32
    "tpu.region"() ({
      %run_scoped3A_733 = tpu.sem_alloc : memref<!tpu.dma_semaphore, #tpu.memory_space<semaphore_mem>>
      %dma_start3A_734 = tpu.memref_slice %arg4[%run_scoped3A, %add3A_6] : memref<2x320000xi32, #tpu.memory_space<hbm>> -> memref<1x3200xi32, #tpu.memory_space<hbm>>
      %dma_start3A_735 = tpu.memref_squeeze %dma_start3A_734 : memref<1x3200xi32, #tpu.memory_space<hbm>> -> memref<3200xi32, #tpu.memory_space<hbm>>
      %dma_start3A_736 = tpu.memref_slice %arg4[%run_scoped3A, %add3A_6] : memref<2x320000xi32, #tpu.memory_space<hbm>> -> memref<1x3200xi32, #tpu.memory_space<hbm>>
      %dma_start3A_737 = tpu.memref_squeeze %dma_start3A_736 : memref<1x3200xi32, #tpu.memory_space<hbm>> -> memref<3200xi32, #tpu.memory_space<hbm>>
      tpu.enqueue_dma source(%dma_start3A_737 : memref<3200xi32, #tpu.memory_space<hbm>>) target(%arg6 : memref<3200xi32, #tpu.memory_space<vmem>>) target_semaphore(%run_scoped3A_733 : memref<!tpu.dma_semaphore, #tpu.memory_space<semaphore_mem>>)
      %dma_wait3A_738 = tpu.memref_slice %arg4[%run_scoped3A, %add3A_6] : memref<2x320000xi32, #tpu.memory_space<hbm>> -> memref<1x3200xi32, #tpu.memory_space<hbm>>
      %dma_wait3A_739 = tpu.memref_squeeze %dma_wait3A_738 : memref<1x3200xi32, #tpu.memory_space<hbm>> -> memref<3200xi32, #tpu.memory_space<hbm>>
      %dma_wait3A_740 = tpu.memref_slice %arg4[%run_scoped3A, %add3A_6] : memref<2x320000xi32, #tpu.memory_space<hbm>> -> memref<1x3200xi32, #tpu.memory_space<hbm>>
      %dma_wait3A_741 = tpu.memref_squeeze %dma_wait3A_740 : memref<1x3200xi32, #tpu.memory_space<hbm>> -> memref<3200xi32, #tpu.memory_space<hbm>>
      tpu.wait_dma2 semaphore(%run_scoped3A_733 : memref<!tpu.dma_semaphore, #tpu.memory_space<semaphore_mem>>) src(%dma_wait3A_741 : memref<3200xi32, #tpu.memory_space<hbm>>) dst(%arg6 : memref<3200xi32, #tpu.memory_space<vmem>>)
      tpu.yield
    }) : () -> ()
    %run_scoped3A_7 = arith.constant 1 : i32
    "tpu.region"() ({
      %run_scoped3A_733 = tpu.sem_alloc : memref<!tpu.dma_semaphore, #tpu.memory_space<semaphore_mem>>
      %dma_start3A_734 = tpu.memref_slice %arg4[%run_scoped3A_7, %add3A_6] : memref<2x320000xi32, #tpu.memory_space<hbm>> -> memref<1x3200xi32, #tpu.memory_space<hbm>>
      %dma_start3A_735 = tpu.memref_squeeze %dma_start3A_734 : memref<1x3200xi32, #tpu.memory_space<hbm>> -> memref<3200xi32, #tpu.memory_space<hbm>>
      %dma_start3A_736 = tpu.memref_slice %arg4[%run_scoped3A_7, %add3A_6] : memref<2x320000xi32, #tpu.memory_space<hbm>> -> memref<1x3200xi32, #tpu.memory_space<hbm>>
      %dma_start3A_737 = tpu.memref_squeeze %dma_start3A_736 : memref<1x3200xi32, #tpu.memory_space<hbm>> -> memref<3200xi32, #tpu.memory_space<hbm>>
      tpu.enqueue_dma source(%dma_start3A_737 : memref<3200xi32, #tpu.memory_space<hbm>>) target(%arg7 : memref<3200xi32, #tpu.memory_space<vmem>>) target_semaphore(%run_scoped3A_733 : memref<!tpu.dma_semaphore, #tpu.memory_space<semaphore_mem>>)
      %dma_wait3A_738 = tpu.memref_slice %arg4[%run_scoped3A_7, %add3A_6] : memref<2x320000xi32, #tpu.memory_space<hbm>> -> memref<1x3200xi32, #tpu.memory_space<hbm>>
      %dma_wait3A_739 = tpu.memref_squeeze %dma_wait3A_738 : memref<1x3200xi32, #tpu.memory_space<hbm>> -> memref<3200xi32, #tpu.memory_space<hbm>>
      %dma_wait3A_740 = tpu.memref_slice %arg4[%run_scoped3A_7, %add3A_6] : memref<2x320000xi32, #tpu.memory_space<hbm>> -> memref<1x3200xi32, #tpu.memory_space<hbm>>
      %dma_wait3A_741 = tpu.memref_squeeze %dma_wait3A_740 : memref<1x3200xi32, #tpu.memory_space<hbm>> -> memref<3200xi32, #tpu.memory_space<hbm>>
      tpu.wait_dma2 semaphore(%run_scoped3A_733 : memref<!tpu.dma_semaphore, #tpu.memory_space<semaphore_mem>>) src(%dma_wait3A_741 : memref<3200xi32, #tpu.memory_space<hbm>>) dst(%arg7 : memref<3200xi32, #tpu.memory_space<vmem>>)
      tpu.yield
    }) : () -> ()
    %dma_start3A = arith.constant 0 : i32
    %dma_start3A_8 = tpu.memref_slice %arg6[%dma_start3A] : memref<3200xi32, #tpu.memory_space<vmem>> -> memref<400xi32, #tpu.memory_space<vmem>>
    %dma_start3A_9 = arith.constant 0 : i32
    %dma_start3A_10 = arith.constant 0 : i32
    %dma_start3A_11 = tpu.memref_slice %arg2[%dma_start3A_9, %dma_start3A_10] : memref<10000x32xf32, #tpu.memory_space<hbm>> -> memref<10000x32xf32, #tpu.memory_space<hbm>>
    tpu.enqueue_indirect_dma source(%dma_start3A_11 : memref<10000x32xf32, #tpu.memory_space<hbm>>) target(%arg8 : memref<400x32xf32, #tpu.memory_space<vmem>>) offsets(%dma_start3A_8 : memref<400xi32, #tpu.memory_space<vmem>>) semaphore(%arg12 : memref<!tpu.dma_semaphore, #tpu.memory_space<semaphore_mem>>)
    %dma_start3A_12 = arith.constant 0 : i32
    %dma_start3A_13 = tpu.memref_slice %arg7[%dma_start3A_12] : memref<3200xi32, #tpu.memory_space<vmem>> -> memref<400xi32, #tpu.memory_space<vmem>>
    %dma_start3A_14 = arith.constant 0 : i32
    %dma_start3A_15 = arith.constant 0 : i32
    %dma_start3A_16 = tpu.memref_slice %arg3[%dma_start3A_14, %dma_start3A_15] : memref<10000x32xf32, #tpu.memory_space<hbm>> -> memref<10000x32xf32, #tpu.memory_space<hbm>>
    tpu.enqueue_indirect_dma source(%dma_start3A_16 : memref<10000x32xf32, #tpu.memory_space<hbm>>) target(%arg10 : memref<400x32xf32, #tpu.memory_space<vmem>>) offsets(%dma_start3A_13 : memref<400xi32, #tpu.memory_space<vmem>>) semaphore(%arg14 : memref<!tpu.dma_semaphore, #tpu.memory_space<semaphore_mem>>)
    %dma_start3A_17 = arith.constant 400 : i32
    %dma_start3A_18 = tpu.memref_slice %arg6[%dma_start3A_17] : memref<3200xi32, #tpu.memory_space<vmem>> -> memref<400xi32, #tpu.memory_space<vmem>>
    %dma_start3A_19 = arith.constant 0 : i32
    %dma_start3A_20 = arith.constant 0 : i32
    %dma_start3A_21 = tpu.memref_slice %arg2[%dma_start3A_19, %dma_start3A_20] : memref<10000x32xf32, #tpu.memory_space<hbm>> -> memref<10000x32xf32, #tpu.memory_space<hbm>>
    tpu.enqueue_indirect_dma source(%dma_start3A_21 : memref<10000x32xf32, #tpu.memory_space<hbm>>) target(%arg9 : memref<400x32xf32, #tpu.memory_space<vmem>>) offsets(%dma_start3A_18 : memref<400xi32, #tpu.memory_space<vmem>>) semaphore(%arg13 : memref<!tpu.dma_semaphore, #tpu.memory_space<semaphore_mem>>)
    %dma_start3A_22 = arith.constant 400 : i32
    %dma_start3A_23 = tpu.memref_slice %arg7[%dma_start3A_22] : memref<3200xi32, #tpu.memory_space<vmem>> -> memref<400xi32, #tpu.memory_space<vmem>>
    %dma_start3A_24 = arith.constant 0 : i32
    %dma_start3A_25 = arith.constant 0 : i32
    %dma_start3A_26 = tpu.memref_slice %arg3[%dma_start3A_24, %dma_start3A_25] : memref<10000x32xf32, #tpu.memory_space<hbm>> -> memref<10000x32xf32, #tpu.memory_space<hbm>>
    tpu.enqueue_indirect_dma source(%dma_start3A_26 : memref<10000x32xf32, #tpu.memory_space<hbm>>) target(%arg11 : memref<400x32xf32, #tpu.memory_space<vmem>>) offsets(%dma_start3A_23 : memref<400xi32, #tpu.memory_space<vmem>>) semaphore(%arg15 : memref<!tpu.dma_semaphore, #tpu.memory_space<semaphore_mem>>)
    %dma_wait3A = arith.constant 0 : i32
    %dma_wait3A_27 = tpu.memref_slice %arg6[%dma_wait3A] : memref<3200xi32, #tpu.memory_space<vmem>> -> memref<400xi32, #tpu.memory_space<vmem>>
    %dma_wait3A_28 = arith.constant 0 : i32
    %dma_wait3A_29 = arith.constant 0 : i32
    %dma_wait3A_30 = tpu.memref_slice %arg2[%dma_wait3A_28, %dma_wait3A_29] : memref<10000x32xf32, #tpu.memory_space<hbm>> -> memref<10000x32xf32, #tpu.memory_space<hbm>>
    tpu.wait_indirect_dma semaphore(%arg12 : memref<!tpu.dma_semaphore, #tpu.memory_space<semaphore_mem>>) src(%dma_wait3A_30 : memref<10000x32xf32, #tpu.memory_space<hbm>>) dst(%arg8 : memref<400x32xf32, #tpu.memory_space<vmem>>)
    %dma_wait3A_31 = arith.constant 0 : i32
    %dma_wait3A_32 = tpu.memref_slice %arg7[%dma_wait3A_31] : memref<3200xi32, #tpu.memory_space<vmem>> -> memref<400xi32, #tpu.memory_space<vmem>>
    %dma_wait3A_33 = arith.constant 0 : i32
    %dma_wait3A_34 = arith.constant 0 : i32
    %dma_wait3A_35 = tpu.memref_slice %arg3[%dma_wait3A_33, %dma_wait3A_34] : memref<10000x32xf32, #tpu.memory_space<hbm>> -> memref<10000x32xf32, #tpu.memory_space<hbm>>
    tpu.wait_indirect_dma semaphore(%arg14 : memref<!tpu.dma_semaphore, #tpu.memory_space<semaphore_mem>>) src(%dma_wait3A_35 : memref<10000x32xf32, #tpu.memory_space<hbm>>) dst(%arg10 : memref<400x32xf32, #tpu.memory_space<vmem>>)
    %scan3A = arith.constant 0 : i32
    %scan3A_36 = arith.constant 400 : i32
    %scan3A_37 = arith.addi %scan3A, %scan3A_36 : i32
    %scan3A_38 = arith.constant 1 : i32
    scf.for %scan3A_733 = %scan3A to %scan3A_37 step %scan3A_38  : i32 {
      %mul3A_734 = arith.constant 1 : i32
      %mul3A_735 = arith.muli %scan3A_733, %mul3A_734 : i32
      %add3A_736 = arith.constant 0 : i32
      %add3A_737 = arith.addi %add3A_736, %mul3A_735 : i32
      %get3A = arith.index_cast %add3A_737 : i32 to index
      %get3A_738 = arith.constant 0 : index
      %get3A_739 = tpu.vector_load %arg8[%get3A, %get3A_738] {strides = array<i32>} : memref<400x32xf32, #tpu.memory_space<vmem>>, vector<1x16xf32>,
      %get3A_740 = vector.shape_cast %get3A_739 : vector<1x16xf32> to vector<1x16xf32>
      %get3A_741 = arith.index_cast %add3A_737 : i32 to index
      %get3A_742 = arith.constant 0 : index
      %get3A_743 = tpu.vector_load %arg10[%get3A_741, %get3A_742] {strides = array<i32>} : memref<400x32xf32, #tpu.memory_space<vmem>>, vector<1x16xf32>,
      %get3A_744 = vector.shape_cast %get3A_743 : vector<1x16xf32> to vector<1x16xf32>
      %add3A_745 = arith.addf %get3A_740, %get3A_744 : vector<1x16xf32>
      %swap3A = arith.index_cast %add3A_737 : i32 to index
      %swap3A_746 = arith.constant 0 : index
      %swap3A_747 = tpu.vector_load %arg8[%swap3A, %swap3A_746] {strides = array<i32>} : memref<400x32xf32, #tpu.memory_space<vmem>>, vector<1x16xf32>,
      %swap3A_748 = vector.shape_cast %swap3A_747 : vector<1x16xf32> to vector<1x16xf32>
      %swap3A_749 = vector.shape_cast %add3A_745 : vector<1x16xf32> to vector<1x16xf32>
      tpu.vector_store %arg8[%swap3A, %swap3A_746], %swap3A_749 {strides = array<i32>} : memref<400x32xf32, #tpu.memory_space<vmem>>, vector<1x16xf32>,
      %get3A_750 = arith.index_cast %add3A_737 : i32 to index
      %get3A_751 = arith.constant 16 : index
      %get3A_752 = tpu.vector_load %arg8[%get3A_750, %get3A_751] {strides = array<i32>} : memref<400x32xf32, #tpu.memory_space<vmem>>, vector<1x16xf32>,
      %get3A_753 = vector.shape_cast %get3A_752 : vector<1x16xf32> to vector<1x16xf32>
      %get3A_754 = arith.index_cast %add3A_737 : i32 to index
      %get3A_755 = arith.constant 16 : index
      %get3A_756 = tpu.vector_load %arg10[%get3A_754, %get3A_755] {strides = array<i32>} : memref<400x32xf32, #tpu.memory_space<vmem>>, vector<1x16xf32>,
      %get3A_757 = vector.shape_cast %get3A_756 : vector<1x16xf32> to vector<1x16xf32>
      %add3A_758 = arith.addf %get3A_753, %get3A_757 : vector<1x16xf32>
      %swap3A_759 = arith.index_cast %add3A_737 : i32 to index
      %swap3A_760 = arith.constant 16 : index
      %swap3A_761 = tpu.vector_load %arg8[%swap3A_759, %swap3A_760] {strides = array<i32>} : memref<400x32xf32, #tpu.memory_space<vmem>>, vector<1x16xf32>,
      %swap3A_762 = vector.shape_cast %swap3A_761 : vector<1x16xf32> to vector<1x16xf32>
      %swap3A_763 = vector.shape_cast %add3A_758 : vector<1x16xf32> to vector<1x16xf32>
      tpu.vector_store %arg8[%swap3A_759, %swap3A_760], %swap3A_763 {strides = array<i32>} : memref<400x32xf32, #tpu.memory_space<vmem>>, vector<1x16xf32>,
    }
    %scan3A_39 = arith.constant 400 : i32
    %add3A_40 = arith.constant 0 : i32
    %add3A_41 = arith.addi %mul3A_2, %add3A_40 : i32
    %jit3A = arith.constant 8 : i32
    %div3A = arith.divsi %add3A_41, %jit3A : i32
    %sign3A = arith.constant 0 : i32
    %sign3A_42 = arith.cmpi sgt, %add3A_41, %sign3A : i32
    %sign3A_43 = arith.extui %sign3A_42 : i1 to i32
    %sign3A_44 = arith.constant 0 : i32
    %sign3A_45 = arith.cmpi slt, %add3A_41, %sign3A_44 : i32
    %sign3A_46 = arith.extui %sign3A_45 : i1 to i32
    %sign3A_47 = arith.subi %sign3A_43, %sign3A_46 : i32
    %sign3A_48 = arith.constant 0 : i32
    %sign3A_49 = arith.cmpi sgt, %jit3A, %sign3A_48 : i32
    %sign3A_50 = arith.extui %sign3A_49 : i1 to i32
    %sign3A_51 = arith.constant 0 : i32
    %sign3A_52 = arith.cmpi slt, %jit3A, %sign3A_51 : i32
    %sign3A_53 = arith.extui %sign3A_52 : i1 to i32
    %sign3A_54 = arith.subi %sign3A_50, %sign3A_53 : i32
    %ne3A = arith.cmpi ne, %sign3A_47, %sign3A_54 : i32
    %rem3A = arith.remsi %add3A_41, %jit3A : i32
    %ne3A_55 = arith.constant 0 : i32
    %ne3A_56 = arith.cmpi ne, %rem3A, %ne3A_55 : i32
    %and3A = arith.andi %ne3A, %ne3A_56 : i1
    %sub3A = arith.constant 1 : i32
    %sub3A_57 = arith.subi %div3A, %sub3A : i32
    %select_n3A = arith.select %and3A, %sub3A_57, %div3A : i32
    %add3A_58 = arith.constant 0 : i32
    %add3A_59 = arith.addi %add3A_58, %select_n3A : i32
    %rem3A_60 = arith.constant 4 : i32
    %rem3A_61 = arith.remsi %add3A_59, %rem3A_60 : i32
    %jit3A_62 = arith.constant 4 : i32
    %div3A_63 = arith.divsi %select_n3A, %jit3A_62 : i32
    %sign3A_64 = arith.constant 0 : i32
    %sign3A_65 = arith.cmpi sgt, %select_n3A, %sign3A_64 : i32
    %sign3A_66 = arith.extui %sign3A_65 : i1 to i32
    %sign3A_67 = arith.constant 0 : i32
    %sign3A_68 = arith.cmpi slt, %select_n3A, %sign3A_67 : i32
    %sign3A_69 = arith.extui %sign3A_68 : i1 to i32
    %sign3A_70 = arith.subi %sign3A_66, %sign3A_69 : i32
    %sign3A_71 = arith.constant 0 : i32
    %sign3A_72 = arith.cmpi sgt, %jit3A_62, %sign3A_71 : i32
    %sign3A_73 = arith.extui %sign3A_72 : i1 to i32
    %sign3A_74 = arith.constant 0 : i32
    %sign3A_75 = arith.cmpi slt, %jit3A_62, %sign3A_74 : i32
    %sign3A_76 = arith.extui %sign3A_75 : i1 to i32
    %sign3A_77 = arith.subi %sign3A_73, %sign3A_76 : i32
    %ne3A_78 = arith.cmpi ne, %sign3A_70, %sign3A_77 : i32
    %rem3A_79 = arith.remsi %select_n3A, %jit3A_62 : i32
    %ne3A_80 = arith.constant 0 : i32
    %ne3A_81 = arith.cmpi ne, %rem3A_79, %ne3A_80 : i32
    %and3A_82 = arith.andi %ne3A_78, %ne3A_81 : i1
    %sub3A_83 = arith.constant 1 : i32
    %sub3A_84 = arith.subi %div3A_63, %sub3A_83 : i32
    %select_n3A_85 = arith.select %and3A_82, %sub3A_84, %div3A_63 : i32
    %mul3A_86 = arith.constant 3200 : i32
    %mul3A_87 = arith.muli %select_n3A_85, %mul3A_86 : i32
    %rem3A_88 = arith.constant 8 : i32
    %rem3A_89 = arith.remsi %add3A_41, %rem3A_88 : i32
    %mul3A_90 = arith.constant 400 : i32
    %mul3A_91 = arith.muli %rem3A_89, %mul3A_90 : i32
    %add3A_92 = arith.addi %mul3A_87, %mul3A_91 : i32
    %mul3A_93 = arith.constant 32 : i32
    %mul3A_94 = arith.muli %rem3A_61, %mul3A_93 : i32
    %dma_start3A_95 = tpu.memref_slice %arg5[%add3A_92, %mul3A_94] : memref<25600x128xf32, #tpu.memory_space<hbm>> -> memref<400x32xf32, #tpu.memory_space<hbm>>
    %dma_start3A_96 = tpu.memref_slice %arg5[%add3A_92, %mul3A_94] : memref<25600x128xf32, #tpu.memory_space<hbm>> -> memref<400x32xf32, #tpu.memory_space<hbm>>
    tpu.enqueue_dma source(%arg8 : memref<400x32xf32, #tpu.memory_space<vmem>>) target(%dma_start3A_96 : memref<400x32xf32, #tpu.memory_space<hbm>>) target_semaphore(%arg16 : memref<!tpu.dma_semaphore, #tpu.memory_space<semaphore_mem>>)
    %dma_wait3A_97 = tpu.memref_slice %arg5[%add3A_92, %mul3A_94] : memref<25600x128xf32, #tpu.memory_space<hbm>> -> memref<400x32xf32, #tpu.memory_space<hbm>>
    %dma_wait3A_98 = tpu.memref_slice %arg5[%add3A_92, %mul3A_94] : memref<25600x128xf32, #tpu.memory_space<hbm>> -> memref<400x32xf32, #tpu.memory_space<hbm>>
    tpu.wait_dma2 semaphore(%arg16 : memref<!tpu.dma_semaphore, #tpu.memory_space<semaphore_mem>>) src(%arg8 : memref<400x32xf32, #tpu.memory_space<vmem>>) dst(%dma_wait3A_98 : memref<400x32xf32, #tpu.memory_space<hbm>>)
    %dma_start3A_99 = arith.constant 800 : i32
    %dma_start3A_100 = tpu.memref_slice %arg6[%dma_start3A_99] : memref<3200xi32, #tpu.memory_space<vmem>> -> memref<400xi32, #tpu.memory_space<vmem>>
    %dma_start3A_101 = arith.constant 0 : i32
    %dma_start3A_102 = arith.constant 0 : i32
    %dma_start3A_103 = tpu.memref_slice %arg2[%dma_start3A_101, %dma_start3A_102] : memref<10000x32xf32, #tpu.memory_space<hbm>> -> memref<10000x32xf32, #tpu.memory_space<hbm>>
    tpu.enqueue_indirect_dma source(%dma_start3A_103 : memref<10000x32xf32, #tpu.memory_space<hbm>>) target(%arg8 : memref<400x32xf32, #tpu.memory_space<vmem>>) offsets(%dma_start3A_100 : memref<400xi32, #tpu.memory_space<vmem>>) semaphore(%arg12 : memref<!tpu.dma_semaphore, #tpu.memory_space<semaphore_mem>>)
    %dma_start3A_104 = arith.constant 800 : i32
    %dma_start3A_105 = tpu.memref_slice %arg7[%dma_start3A_104] : memref<3200xi32, #tpu.memory_space<vmem>> -> memref<400xi32, #tpu.memory_space<vmem>>
    %dma_start3A_106 = arith.constant 0 : i32
    %dma_start3A_107 = arith.constant 0 : i32
    %dma_start3A_108 = tpu.memref_slice %arg3[%dma_start3A_106, %dma_start3A_107] : memref<10000x32xf32, #tpu.memory_space<hbm>> -> memref<10000x32xf32, #tpu.memory_space<hbm>>
    tpu.enqueue_indirect_dma source(%dma_start3A_108 : memref<10000x32xf32, #tpu.memory_space<hbm>>) target(%arg10 : memref<400x32xf32, #tpu.memory_space<vmem>>) offsets(%dma_start3A_105 : memref<400xi32, #tpu.memory_space<vmem>>) semaphore(%arg14 : memref<!tpu.dma_semaphore, #tpu.memory_space<semaphore_mem>>)
    %dma_wait3A_109 = arith.constant 400 : i32
    %dma_wait3A_110 = tpu.memref_slice %arg6[%dma_wait3A_109] : memref<3200xi32, #tpu.memory_space<vmem>> -> memref<400xi32, #tpu.memory_space<vmem>>
    %dma_wait3A_111 = arith.constant 0 : i32
    %dma_wait3A_112 = arith.constant 0 : i32
    %dma_wait3A_113 = tpu.memref_slice %arg2[%dma_wait3A_111, %dma_wait3A_112] : memref<10000x32xf32, #tpu.memory_space<hbm>> -> memref<10000x32xf32, #tpu.memory_space<hbm>>
    tpu.wait_indirect_dma semaphore(%arg13 : memref<!tpu.dma_semaphore, #tpu.memory_space<semaphore_mem>>) src(%dma_wait3A_113 : memref<10000x32xf32, #tpu.memory_space<hbm>>) dst(%arg9 : memref<400x32xf32, #tpu.memory_space<vmem>>)
    %dma_wait3A_114 = arith.constant 400 : i32
    %dma_wait3A_115 = tpu.memref_slice %arg7[%dma_wait3A_114] : memref<3200xi32, #tpu.memory_space<vmem>> -> memref<400xi32, #tpu.memory_space<vmem>>
    %dma_wait3A_116 = arith.constant 0 : i32
    %dma_wait3A_117 = arith.constant 0 : i32
    %dma_wait3A_118 = tpu.memref_slice %arg3[%dma_wait3A_116, %dma_wait3A_117] : memref<10000x32xf32, #tpu.memory_space<hbm>> -> memref<10000x32xf32, #tpu.memory_space<hbm>>
    tpu.wait_indirect_dma semaphore(%arg15 : memref<!tpu.dma_semaphore, #tpu.memory_space<semaphore_mem>>) src(%dma_wait3A_118 : memref<10000x32xf32, #tpu.memory_space<hbm>>) dst(%arg11 : memref<400x32xf32, #tpu.memory_space<vmem>>)
    %scan3A_119 = arith.constant 0 : i32
    %scan3A_120 = arith.constant 400 : i32
    %scan3A_121 = arith.addi %scan3A_119, %scan3A_120 : i32
    %scan3A_122 = arith.constant 1 : i32
    scf.for %scan3A_733 = %scan3A_119 to %scan3A_121 step %scan3A_122  : i32 {
      %mul3A_734 = arith.constant 1 : i32
      %mul3A_735 = arith.muli %scan3A_733, %mul3A_734 : i32
      %add3A_736 = arith.constant 0 : i32
      %add3A_737 = arith.addi %add3A_736, %mul3A_735 : i32
      %get3A = arith.index_cast %add3A_737 : i32 to index
      %get3A_738 = arith.constant 0 : index
      %get3A_739 = tpu.vector_load %arg9[%get3A, %get3A_738] {strides = array<i32>} : memref<400x32xf32, #tpu.memory_space<vmem>>, vector<1x16xf32>,
      %get3A_740 = vector.shape_cast %get3A_739 : vector<1x16xf32> to vector<1x16xf32>
      %get3A_741 = arith.index_cast %add3A_737 : i32 to index
      %get3A_742 = arith.constant 0 : index
      %get3A_743 = tpu.vector_load %arg11[%get3A_741, %get3A_742] {strides = array<i32>} : memref<400x32xf32, #tpu.memory_space<vmem>>, vector<1x16xf32>,
      %get3A_744 = vector.shape_cast %get3A_743 : vector<1x16xf32> to vector<1x16xf32>
      %add3A_745 = arith.addf %get3A_740, %get3A_744 : vector<1x16xf32>
      %swap3A = arith.index_cast %add3A_737 : i32 to index
      %swap3A_746 = arith.constant 0 : index
      %swap3A_747 = tpu.vector_load %arg9[%swap3A, %swap3A_746] {strides = array<i32>} : memref<400x32xf32, #tpu.memory_space<vmem>>, vector<1x16xf32>,
      %swap3A_748 = vector.shape_cast %swap3A_747 : vector<1x16xf32> to vector<1x16xf32>
      %swap3A_749 = vector.shape_cast %add3A_745 : vector<1x16xf32> to vector<1x16xf32>
      tpu.vector_store %arg9[%swap3A, %swap3A_746], %swap3A_749 {strides = array<i32>} : memref<400x32xf32, #tpu.memory_space<vmem>>, vector<1x16xf32>,
      %get3A_750 = arith.index_cast %add3A_737 : i32 to index
      %get3A_751 = arith.constant 16 : index
      %get3A_752 = tpu.vector_load %arg9[%get3A_750, %get3A_751] {strides = array<i32>} : memref<400x32xf32, #tpu.memory_space<vmem>>, vector<1x16xf32>,
      %get3A_753 = vector.shape_cast %get3A_752 : vector<1x16xf32> to vector<1x16xf32>
      %get3A_754 = arith.index_cast %add3A_737 : i32 to index
      %get3A_755 = arith.constant 16 : index
      %get3A_756 = tpu.vector_load %arg11[%get3A_754, %get3A_755] {strides = array<i32>} : memref<400x32xf32, #tpu.memory_space<vmem>>, vector<1x16xf32>,
      %get3A_757 = vector.shape_cast %get3A_756 : vector<1x16xf32> to vector<1x16xf32>
      %add3A_758 = arith.addf %get3A_753, %get3A_757 : vector<1x16xf32>
      %swap3A_759 = arith.index_cast %add3A_737 : i32 to index
      %swap3A_760 = arith.constant 16 : index
      %swap3A_761 = tpu.vector_load %arg9[%swap3A_759, %swap3A_760] {strides = array<i32>} : memref<400x32xf32, #tpu.memory_space<vmem>>, vector<1x16xf32>,
      %swap3A_762 = vector.shape_cast %swap3A_761 : vector<1x16xf32> to vector<1x16xf32>
      %swap3A_763 = vector.shape_cast %add3A_758 : vector<1x16xf32> to vector<1x16xf32>
      tpu.vector_store %arg9[%swap3A_759, %swap3A_760], %swap3A_763 {strides = array<i32>} : memref<400x32xf32, #tpu.memory_space<vmem>>, vector<1x16xf32>,
    }
    %scan3A_123 = arith.constant 400 : i32
    %add3A_124 = arith.constant 1 : i32
    %add3A_125 = arith.addi %mul3A_2, %add3A_124 : i32
    %jit3A_126 = arith.constant 8 : i32
    %div3A_127 = arith.divsi %add3A_125, %jit3A_126 : i32
    %sign3A_128 = arith.constant 0 : i32
    %sign3A_129 = arith.cmpi sgt, %add3A_125, %sign3A_128 : i32
    %sign3A_130 = arith.extui %sign3A_129 : i1 to i32
    %sign3A_131 = arith.constant 0 : i32
    %sign3A_132 = arith.cmpi slt, %add3A_125, %sign3A_131 : i32
    %sign3A_133 = arith.extui %sign3A_132 : i1 to i32
    %sign3A_134 = arith.subi %sign3A_130, %sign3A_133 : i32
    %sign3A_135 = arith.constant 0 : i32
    %sign3A_136 = arith.cmpi sgt, %jit3A_126, %sign3A_135 : i32
    %sign3A_137 = arith.extui %sign3A_136 : i1 to i32
    %sign3A_138 = arith.constant 0 : i32
    %sign3A_139 = arith.cmpi slt, %jit3A_126, %sign3A_138 : i32
    %sign3A_140 = arith.extui %sign3A_139 : i1 to i32
    %sign3A_141 = arith.subi %sign3A_137, %sign3A_140 : i32
    %ne3A_142 = arith.cmpi ne, %sign3A_134, %sign3A_141 : i32
    %rem3A_143 = arith.remsi %add3A_125, %jit3A_126 : i32
    %ne3A_144 = arith.constant 0 : i32
    %ne3A_145 = arith.cmpi ne, %rem3A_143, %ne3A_144 : i32
    %and3A_146 = arith.andi %ne3A_142, %ne3A_145 : i1
    %sub3A_147 = arith.constant 1 : i32
    %sub3A_148 = arith.subi %div3A_127, %sub3A_147 : i32
    %select_n3A_149 = arith.select %and3A_146, %sub3A_148, %div3A_127 : i32
    %add3A_150 = arith.constant 0 : i32
    %add3A_151 = arith.addi %add3A_150, %select_n3A_149 : i32
    %rem3A_152 = arith.constant 4 : i32
    %rem3A_153 = arith.remsi %add3A_151, %rem3A_152 : i32
    %jit3A_154 = arith.constant 4 : i32
    %div3A_155 = arith.divsi %select_n3A_149, %jit3A_154 : i32
    %sign3A_156 = arith.constant 0 : i32
    %sign3A_157 = arith.cmpi sgt, %select_n3A_149, %sign3A_156 : i32
    %sign3A_158 = arith.extui %sign3A_157 : i1 to i32
    %sign3A_159 = arith.constant 0 : i32
    %sign3A_160 = arith.cmpi slt, %select_n3A_149, %sign3A_159 : i32
    %sign3A_161 = arith.extui %sign3A_160 : i1 to i32
    %sign3A_162 = arith.subi %sign3A_158, %sign3A_161 : i32
    %sign3A_163 = arith.constant 0 : i32
    %sign3A_164 = arith.cmpi sgt, %jit3A_154, %sign3A_163 : i32
    %sign3A_165 = arith.extui %sign3A_164 : i1 to i32
    %sign3A_166 = arith.constant 0 : i32
    %sign3A_167 = arith.cmpi slt, %jit3A_154, %sign3A_166 : i32
    %sign3A_168 = arith.extui %sign3A_167 : i1 to i32
    %sign3A_169 = arith.subi %sign3A_165, %sign3A_168 : i32
    %ne3A_170 = arith.cmpi ne, %sign3A_162, %sign3A_169 : i32
    %rem3A_171 = arith.remsi %select_n3A_149, %jit3A_154 : i32
    %ne3A_172 = arith.constant 0 : i32
    %ne3A_173 = arith.cmpi ne, %rem3A_171, %ne3A_172 : i32
    %and3A_174 = arith.andi %ne3A_170, %ne3A_173 : i1
    %sub3A_175 = arith.constant 1 : i32
    %sub3A_176 = arith.subi %div3A_155, %sub3A_175 : i32
    %select_n3A_177 = arith.select %and3A_174, %sub3A_176, %div3A_155 : i32
    %mul3A_178 = arith.constant 3200 : i32
    %mul3A_179 = arith.muli %select_n3A_177, %mul3A_178 : i32
    %rem3A_180 = arith.constant 8 : i32
    %rem3A_181 = arith.remsi %add3A_125, %rem3A_180 : i32
    %mul3A_182 = arith.constant 400 : i32
    %mul3A_183 = arith.muli %rem3A_181, %mul3A_182 : i32
    %add3A_184 = arith.addi %mul3A_179, %mul3A_183 : i32
    %mul3A_185 = arith.constant 32 : i32
    %mul3A_186 = arith.muli %rem3A_153, %mul3A_185 : i32
    %dma_start3A_187 = tpu.memref_slice %arg5[%add3A_184, %mul3A_186] : memref<25600x128xf32, #tpu.memory_space<hbm>> -> memref<400x32xf32, #tpu.memory_space<hbm>>
    %dma_start3A_188 = tpu.memref_slice %arg5[%add3A_184, %mul3A_186] : memref<25600x128xf32, #tpu.memory_space<hbm>> -> memref<400x32xf32, #tpu.memory_space<hbm>>
    tpu.enqueue_dma source(%arg9 : memref<400x32xf32, #tpu.memory_space<vmem>>) target(%dma_start3A_188 : memref<400x32xf32, #tpu.memory_space<hbm>>) target_semaphore(%arg17 : memref<!tpu.dma_semaphore, #tpu.memory_space<semaphore_mem>>)
    %dma_wait3A_189 = tpu.memref_slice %arg5[%add3A_184, %mul3A_186] : memref<25600x128xf32, #tpu.memory_space<hbm>> -> memref<400x32xf32, #tpu.memory_space<hbm>>
    %dma_wait3A_190 = tpu.memref_slice %arg5[%add3A_184, %mul3A_186] : memref<25600x128xf32, #tpu.memory_space<hbm>> -> memref<400x32xf32, #tpu.memory_space<hbm>>
    tpu.wait_dma2 semaphore(%arg17 : memref<!tpu.dma_semaphore, #tpu.memory_space<semaphore_mem>>) src(%arg9 : memref<400x32xf32, #tpu.memory_space<vmem>>) dst(%dma_wait3A_190 : memref<400x32xf32, #tpu.memory_space<hbm>>)
    %dma_start3A_191 = arith.constant 1200 : i32
    %dma_start3A_192 = tpu.memref_slice %arg6[%dma_start3A_191] : memref<3200xi32, #tpu.memory_space<vmem>> -> memref<400xi32, #tpu.memory_space<vmem>>
    %dma_start3A_193 = arith.constant 0 : i32
    %dma_start3A_194 = arith.constant 0 : i32
    %dma_start3A_195 = tpu.memref_slice %arg2[%dma_start3A_193, %dma_start3A_194] : memref<10000x32xf32, #tpu.memory_space<hbm>> -> memref<10000x32xf32, #tpu.memory_space<hbm>>
    tpu.enqueue_indirect_dma source(%dma_start3A_195 : memref<10000x32xf32, #tpu.memory_space<hbm>>) target(%arg9 : memref<400x32xf32, #tpu.memory_space<vmem>>) offsets(%dma_start3A_192 : memref<400xi32, #tpu.memory_space<vmem>>) semaphore(%arg13 : memref<!tpu.dma_semaphore, #tpu.memory_space<semaphore_mem>>)
    %dma_start3A_196 = arith.constant 1200 : i32
    %dma_start3A_197 = tpu.memref_slice %arg7[%dma_start3A_196] : memref<3200xi32, #tpu.memory_space<vmem>> -> memref<400xi32, #tpu.memory_space<vmem>>
    %dma_start3A_198 = arith.constant 0 : i32
    %dma_start3A_199 = arith.constant 0 : i32
    %dma_start3A_200 = tpu.memref_slice %arg3[%dma_start3A_198, %dma_start3A_199] : memref<10000x32xf32, #tpu.memory_space<hbm>> -> memref<10000x32xf32, #tpu.memory_space<hbm>>
    tpu.enqueue_indirect_dma source(%dma_start3A_200 : memref<10000x32xf32, #tpu.memory_space<hbm>>) target(%arg11 : memref<400x32xf32, #tpu.memory_space<vmem>>) offsets(%dma_start3A_197 : memref<400xi32, #tpu.memory_space<vmem>>) semaphore(%arg15 : memref<!tpu.dma_semaphore, #tpu.memory_space<semaphore_mem>>)
    %dma_wait3A_201 = arith.constant 800 : i32
    %dma_wait3A_202 = tpu.memref_slice %arg6[%dma_wait3A_201] : memref<3200xi32, #tpu.memory_space<vmem>> -> memref<400xi32, #tpu.memory_space<vmem>>
    %dma_wait3A_203 = arith.constant 0 : i32
    %dma_wait3A_204 = arith.constant 0 : i32
    %dma_wait3A_205 = tpu.memref_slice %arg2[%dma_wait3A_203, %dma_wait3A_204] : memref<10000x32xf32, #tpu.memory_space<hbm>> -> memref<10000x32xf32, #tpu.memory_space<hbm>>
    tpu.wait_indirect_dma semaphore(%arg12 : memref<!tpu.dma_semaphore, #tpu.memory_space<semaphore_mem>>) src(%dma_wait3A_205 : memref<10000x32xf32, #tpu.memory_space<hbm>>) dst(%arg8 : memref<400x32xf32, #tpu.memory_space<vmem>>)
    %dma_wait3A_206 = arith.constant 800 : i32
    %dma_wait3A_207 = tpu.memref_slice %arg7[%dma_wait3A_206] : memref<3200xi32, #tpu.memory_space<vmem>> -> memref<400xi32, #tpu.memory_space<vmem>>
    %dma_wait3A_208 = arith.constant 0 : i32
    %dma_wait3A_209 = arith.constant 0 : i32
    %dma_wait3A_210 = tpu.memref_slice %arg3[%dma_wait3A_208, %dma_wait3A_209] : memref<10000x32xf32, #tpu.memory_space<hbm>> -> memref<10000x32xf32, #tpu.memory_space<hbm>>
    tpu.wait_indirect_dma semaphore(%arg14 : memref<!tpu.dma_semaphore, #tpu.memory_space<semaphore_mem>>) src(%dma_wait3A_210 : memref<10000x32xf32, #tpu.memory_space<hbm>>) dst(%arg10 : memref<400x32xf32, #tpu.memory_space<vmem>>)
    %scan3A_211 = arith.constant 0 : i32
    %scan3A_212 = arith.constant 400 : i32
    %scan3A_213 = arith.addi %scan3A_211, %scan3A_212 : i32
    %scan3A_214 = arith.constant 1 : i32
    scf.for %scan3A_733 = %scan3A_211 to %scan3A_213 step %scan3A_214  : i32 {
      %mul3A_734 = arith.constant 1 : i32
      %mul3A_735 = arith.muli %scan3A_733, %mul3A_734 : i32
      %add3A_736 = arith.constant 0 : i32
      %add3A_737 = arith.addi %add3A_736, %mul3A_735 : i32
      %get3A = arith.index_cast %add3A_737 : i32 to index
      %get3A_738 = arith.constant 0 : index
      %get3A_739 = tpu.vector_load %arg8[%get3A, %get3A_738] {strides = array<i32>} : memref<400x32xf32, #tpu.memory_space<vmem>>, vector<1x16xf32>,
      %get3A_740 = vector.shape_cast %get3A_739 : vector<1x16xf32> to vector<1x16xf32>
      %get3A_741 = arith.index_cast %add3A_737 : i32 to index
      %get3A_742 = arith.constant 0 : index
      %get3A_743 = tpu.vector_load %arg10[%get3A_741, %get3A_742] {strides = array<i32>} : memref<400x32xf32, #tpu.memory_space<vmem>>, vector<1x16xf32>,
      %get3A_744 = vector.shape_cast %get3A_743 : vector<1x16xf32> to vector<1x16xf32>
      %add3A_745 = arith.addf %get3A_740, %get3A_744 : vector<1x16xf32>
      %swap3A = arith.index_cast %add3A_737 : i32 to index
      %swap3A_746 = arith.constant 0 : index
      %swap3A_747 = tpu.vector_load %arg8[%swap3A, %swap3A_746] {strides = array<i32>} : memref<400x32xf32, #tpu.memory_space<vmem>>, vector<1x16xf32>,
      %swap3A_748 = vector.shape_cast %swap3A_747 : vector<1x16xf32> to vector<1x16xf32>
      %swap3A_749 = vector.shape_cast %add3A_745 : vector<1x16xf32> to vector<1x16xf32>
      tpu.vector_store %arg8[%swap3A, %swap3A_746], %swap3A_749 {strides = array<i32>} : memref<400x32xf32, #tpu.memory_space<vmem>>, vector<1x16xf32>,
      %get3A_750 = arith.index_cast %add3A_737 : i32 to index
      %get3A_751 = arith.constant 16 : index
      %get3A_752 = tpu.vector_load %arg8[%get3A_750, %get3A_751] {strides = array<i32>} : memref<400x32xf32, #tpu.memory_space<vmem>>, vector<1x16xf32>,
      %get3A_753 = vector.shape_cast %get3A_752 : vector<1x16xf32> to vector<1x16xf32>
      %get3A_754 = arith.index_cast %add3A_737 : i32 to index
      %get3A_755 = arith.constant 16 : index
      %get3A_756 = tpu.vector_load %arg10[%get3A_754, %get3A_755] {strides = array<i32>} : memref<400x32xf32, #tpu.memory_space<vmem>>, vector<1x16xf32>,
      %get3A_757 = vector.shape_cast %get3A_756 : vector<1x16xf32> to vector<1x16xf32>
      %add3A_758 = arith.addf %get3A_753, %get3A_757 : vector<1x16xf32>
      %swap3A_759 = arith.index_cast %add3A_737 : i32 to index
      %swap3A_760 = arith.constant 16 : index
      %swap3A_761 = tpu.vector_load %arg8[%swap3A_759, %swap3A_760] {strides = array<i32>} : memref<400x32xf32, #tpu.memory_space<vmem>>, vector<1x16xf32>,
      %swap3A_762 = vector.shape_cast %swap3A_761 : vector<1x16xf32> to vector<1x16xf32>
      %swap3A_763 = vector.shape_cast %add3A_758 : vector<1x16xf32> to vector<1x16xf32>
      tpu.vector_store %arg8[%swap3A_759, %swap3A_760], %swap3A_763 {strides = array<i32>} : memref<400x32xf32, #tpu.memory_space<vmem>>, vector<1x16xf32>,
    }
    %scan3A_215 = arith.constant 400 : i32
    %add3A_216 = arith.constant 2 : i32
    %add3A_217 = arith.addi %mul3A_2, %add3A_216 : i32
    %jit3A_218 = arith.constant 8 : i32
    %div3A_219 = arith.divsi %add3A_217, %jit3A_218 : i32
    %sign3A_220 = arith.constant 0 : i32
    %sign3A_221 = arith.cmpi sgt, %add3A_217, %sign3A_220 : i32
    %sign3A_222 = arith.extui %sign3A_221 : i1 to i32
    %sign3A_223 = arith.constant 0 : i32
    %sign3A_224 = arith.cmpi slt, %add3A_217, %sign3A_223 : i32
    %sign3A_225 = arith.extui %sign3A_224 : i1 to i32
    %sign3A_226 = arith.subi %sign3A_222, %sign3A_225 : i32
    %sign3A_227 = arith.constant 0 : i32
    %sign3A_228 = arith.cmpi sgt, %jit3A_218, %sign3A_227 : i32
    %sign3A_229 = arith.extui %sign3A_228 : i1 to i32
    %sign3A_230 = arith.constant 0 : i32
    %sign3A_231 = arith.cmpi slt, %jit3A_218, %sign3A_230 : i32
    %sign3A_232 = arith.extui %sign3A_231 : i1 to i32
    %sign3A_233 = arith.subi %sign3A_229, %sign3A_232 : i32
    %ne3A_234 = arith.cmpi ne, %sign3A_226, %sign3A_233 : i32
    %rem3A_235 = arith.remsi %add3A_217, %jit3A_218 : i32
    %ne3A_236 = arith.constant 0 : i32
    %ne3A_237 = arith.cmpi ne, %rem3A_235, %ne3A_236 : i32
    %and3A_238 = arith.andi %ne3A_234, %ne3A_237 : i1
    %sub3A_239 = arith.constant 1 : i32
    %sub3A_240 = arith.subi %div3A_219, %sub3A_239 : i32
    %select_n3A_241 = arith.select %and3A_238, %sub3A_240, %div3A_219 : i32
    %add3A_242 = arith.constant 0 : i32
    %add3A_243 = arith.addi %add3A_242, %select_n3A_241 : i32
    %rem3A_244 = arith.constant 4 : i32
    %rem3A_245 = arith.remsi %add3A_243, %rem3A_244 : i32
    %jit3A_246 = arith.constant 4 : i32
    %div3A_247 = arith.divsi %select_n3A_241, %jit3A_246 : i32
    %sign3A_248 = arith.constant 0 : i32
    %sign3A_249 = arith.cmpi sgt, %select_n3A_241, %sign3A_248 : i32
    %sign3A_250 = arith.extui %sign3A_249 : i1 to i32
    %sign3A_251 = arith.constant 0 : i32
    %sign3A_252 = arith.cmpi slt, %select_n3A_241, %sign3A_251 : i32
    %sign3A_253 = arith.extui %sign3A_252 : i1 to i32
    %sign3A_254 = arith.subi %sign3A_250, %sign3A_253 : i32
    %sign3A_255 = arith.constant 0 : i32
    %sign3A_256 = arith.cmpi sgt, %jit3A_246, %sign3A_255 : i32
    %sign3A_257 = arith.extui %sign3A_256 : i1 to i32
    %sign3A_258 = arith.constant 0 : i32
    %sign3A_259 = arith.cmpi slt, %jit3A_246, %sign3A_258 : i32
    %sign3A_260 = arith.extui %sign3A_259 : i1 to i32
    %sign3A_261 = arith.subi %sign3A_257, %sign3A_260 : i32
    %ne3A_262 = arith.cmpi ne, %sign3A_254, %sign3A_261 : i32
    %rem3A_263 = arith.remsi %select_n3A_241, %jit3A_246 : i32
    %ne3A_264 = arith.constant 0 : i32
    %ne3A_265 = arith.cmpi ne, %rem3A_263, %ne3A_264 : i32
    %and3A_266 = arith.andi %ne3A_262, %ne3A_265 : i1
    %sub3A_267 = arith.constant 1 : i32
    %sub3A_268 = arith.subi %div3A_247, %sub3A_267 : i32
    %select_n3A_269 = arith.select %and3A_266, %sub3A_268, %div3A_247 : i32
    %mul3A_270 = arith.constant 3200 : i32
    %mul3A_271 = arith.muli %select_n3A_269, %mul3A_270 : i32
    %rem3A_272 = arith.constant 8 : i32
    %rem3A_273 = arith.remsi %add3A_217, %rem3A_272 : i32
    %mul3A_274 = arith.constant 400 : i32
    %mul3A_275 = arith.muli %rem3A_273, %mul3A_274 : i32
    %add3A_276 = arith.addi %mul3A_271, %mul3A_275 : i32
    %mul3A_277 = arith.constant 32 : i32
    %mul3A_278 = arith.muli %rem3A_245, %mul3A_277 : i32
    %dma_start3A_279 = tpu.memref_slice %arg5[%add3A_276, %mul3A_278] : memref<25600x128xf32, #tpu.memory_space<hbm>> -> memref<400x32xf32, #tpu.memory_space<hbm>>
    %dma_start3A_280 = tpu.memref_slice %arg5[%add3A_276, %mul3A_278] : memref<25600x128xf32, #tpu.memory_space<hbm>> -> memref<400x32xf32, #tpu.memory_space<hbm>>
    tpu.enqueue_dma source(%arg8 : memref<400x32xf32, #tpu.memory_space<vmem>>) target(%dma_start3A_280 : memref<400x32xf32, #tpu.memory_space<hbm>>) target_semaphore(%arg16 : memref<!tpu.dma_semaphore, #tpu.memory_space<semaphore_mem>>)
    %dma_wait3A_281 = tpu.memref_slice %arg5[%add3A_276, %mul3A_278] : memref<25600x128xf32, #tpu.memory_space<hbm>> -> memref<400x32xf32, #tpu.memory_space<hbm>>
    %dma_wait3A_282 = tpu.memref_slice %arg5[%add3A_276, %mul3A_278] : memref<25600x128xf32, #tpu.memory_space<hbm>> -> memref<400x32xf32, #tpu.memory_space<hbm>>
    tpu.wait_dma2 semaphore(%arg16 : memref<!tpu.dma_semaphore, #tpu.memory_space<semaphore_mem>>) src(%arg8 : memref<400x32xf32, #tpu.memory_space<vmem>>) dst(%dma_wait3A_282 : memref<400x32xf32, #tpu.memory_space<hbm>>)
    %dma_start3A_283 = arith.constant 1600 : i32
    %dma_start3A_284 = tpu.memref_slice %arg6[%dma_start3A_283] : memref<3200xi32, #tpu.memory_space<vmem>> -> memref<400xi32, #tpu.memory_space<vmem>>
    %dma_start3A_285 = arith.constant 0 : i32
    %dma_start3A_286 = arith.constant 0 : i32
    %dma_start3A_287 = tpu.memref_slice %arg2[%dma_start3A_285, %dma_start3A_286] : memref<10000x32xf32, #tpu.memory_space<hbm>> -> memref<10000x32xf32, #tpu.memory_space<hbm>>
    tpu.enqueue_indirect_dma source(%dma_start3A_287 : memref<10000x32xf32, #tpu.memory_space<hbm>>) target(%arg8 : memref<400x32xf32, #tpu.memory_space<vmem>>) offsets(%dma_start3A_284 : memref<400xi32, #tpu.memory_space<vmem>>) semaphore(%arg12 : memref<!tpu.dma_semaphore, #tpu.memory_space<semaphore_mem>>)
    %dma_start3A_288 = arith.constant 1600 : i32
    %dma_start3A_289 = tpu.memref_slice %arg7[%dma_start3A_288] : memref<3200xi32, #tpu.memory_space<vmem>> -> memref<400xi32, #tpu.memory_space<vmem>>
    %dma_start3A_290 = arith.constant 0 : i32
    %dma_start3A_291 = arith.constant 0 : i32
    %dma_start3A_292 = tpu.memref_slice %arg3[%dma_start3A_290, %dma_start3A_291] : memref<10000x32xf32, #tpu.memory_space<hbm>> -> memref<10000x32xf32, #tpu.memory_space<hbm>>
    tpu.enqueue_indirect_dma source(%dma_start3A_292 : memref<10000x32xf32, #tpu.memory_space<hbm>>) target(%arg10 : memref<400x32xf32, #tpu.memory_space<vmem>>) offsets(%dma_start3A_289 : memref<400xi32, #tpu.memory_space<vmem>>) semaphore(%arg14 : memref<!tpu.dma_semaphore, #tpu.memory_space<semaphore_mem>>)
    %dma_wait3A_293 = arith.constant 1200 : i32
    %dma_wait3A_294 = tpu.memref_slice %arg6[%dma_wait3A_293] : memref<3200xi32, #tpu.memory_space<vmem>> -> memref<400xi32, #tpu.memory_space<vmem>>
    %dma_wait3A_295 = arith.constant 0 : i32
    %dma_wait3A_296 = arith.constant 0 : i32
    %dma_wait3A_297 = tpu.memref_slice %arg2[%dma_wait3A_295, %dma_wait3A_296] : memref<10000x32xf32, #tpu.memory_space<hbm>> -> memref<10000x32xf32, #tpu.memory_space<hbm>>
    tpu.wait_indirect_dma semaphore(%arg13 : memref<!tpu.dma_semaphore, #tpu.memory_space<semaphore_mem>>) src(%dma_wait3A_297 : memref<10000x32xf32, #tpu.memory_space<hbm>>) dst(%arg9 : memref<400x32xf32, #tpu.memory_space<vmem>>)
    %dma_wait3A_298 = arith.constant 1200 : i32
    %dma_wait3A_299 = tpu.memref_slice %arg7[%dma_wait3A_298] : memref<3200xi32, #tpu.memory_space<vmem>> -> memref<400xi32, #tpu.memory_space<vmem>>
    %dma_wait3A_300 = arith.constant 0 : i32
    %dma_wait3A_301 = arith.constant 0 : i32
    %dma_wait3A_302 = tpu.memref_slice %arg3[%dma_wait3A_300, %dma_wait3A_301] : memref<10000x32xf32, #tpu.memory_space<hbm>> -> memref<10000x32xf32, #tpu.memory_space<hbm>>
    tpu.wait_indirect_dma semaphore(%arg15 : memref<!tpu.dma_semaphore, #tpu.memory_space<semaphore_mem>>) src(%dma_wait3A_302 : memref<10000x32xf32, #tpu.memory_space<hbm>>) dst(%arg11 : memref<400x32xf32, #tpu.memory_space<vmem>>)
    %scan3A_303 = arith.constant 0 : i32
    %scan3A_304 = arith.constant 400 : i32
    %scan3A_305 = arith.addi %scan3A_303, %scan3A_304 : i32
    %scan3A_306 = arith.constant 1 : i32
    scf.for %scan3A_733 = %scan3A_303 to %scan3A_305 step %scan3A_306  : i32 {
      %mul3A_734 = arith.constant 1 : i32
      %mul3A_735 = arith.muli %scan3A_733, %mul3A_734 : i32
      %add3A_736 = arith.constant 0 : i32
      %add3A_737 = arith.addi %add3A_736, %mul3A_735 : i32
      %get3A = arith.index_cast %add3A_737 : i32 to index
      %get3A_738 = arith.constant 0 : index
      %get3A_739 = tpu.vector_load %arg9[%get3A, %get3A_738] {strides = array<i32>} : memref<400x32xf32, #tpu.memory_space<vmem>>, vector<1x16xf32>,
      %get3A_740 = vector.shape_cast %get3A_739 : vector<1x16xf32> to vector<1x16xf32>
      %get3A_741 = arith.index_cast %add3A_737 : i32 to index
      %get3A_742 = arith.constant 0 : index
      %get3A_743 = tpu.vector_load %arg11[%get3A_741, %get3A_742] {strides = array<i32>} : memref<400x32xf32, #tpu.memory_space<vmem>>, vector<1x16xf32>,
      %get3A_744 = vector.shape_cast %get3A_743 : vector<1x16xf32> to vector<1x16xf32>
      %add3A_745 = arith.addf %get3A_740, %get3A_744 : vector<1x16xf32>
      %swap3A = arith.index_cast %add3A_737 : i32 to index
      %swap3A_746 = arith.constant 0 : index
      %swap3A_747 = tpu.vector_load %arg9[%swap3A, %swap3A_746] {strides = array<i32>} : memref<400x32xf32, #tpu.memory_space<vmem>>, vector<1x16xf32>,
      %swap3A_748 = vector.shape_cast %swap3A_747 : vector<1x16xf32> to vector<1x16xf32>
      %swap3A_749 = vector.shape_cast %add3A_745 : vector<1x16xf32> to vector<1x16xf32>
      tpu.vector_store %arg9[%swap3A, %swap3A_746], %swap3A_749 {strides = array<i32>} : memref<400x32xf32, #tpu.memory_space<vmem>>, vector<1x16xf32>,
      %get3A_750 = arith.index_cast %add3A_737 : i32 to index
      %get3A_751 = arith.constant 16 : index
      %get3A_752 = tpu.vector_load %arg9[%get3A_750, %get3A_751] {strides = array<i32>} : memref<400x32xf32, #tpu.memory_space<vmem>>, vector<1x16xf32>,
      %get3A_753 = vector.shape_cast %get3A_752 : vector<1x16xf32> to vector<1x16xf32>
      %get3A_754 = arith.index_cast %add3A_737 : i32 to index
      %get3A_755 = arith.constant 16 : index
      %get3A_756 = tpu.vector_load %arg11[%get3A_754, %get3A_755] {strides = array<i32>} : memref<400x32xf32, #tpu.memory_space<vmem>>, vector<1x16xf32>,
      %get3A_757 = vector.shape_cast %get3A_756 : vector<1x16xf32> to vector<1x16xf32>
      %add3A_758 = arith.addf %get3A_753, %get3A_757 : vector<1x16xf32>
      %swap3A_759 = arith.index_cast %add3A_737 : i32 to index
      %swap3A_760 = arith.constant 16 : index
      %swap3A_761 = tpu.vector_load %arg9[%swap3A_759, %swap3A_760] {strides = array<i32>} : memref<400x32xf32, #tpu.memory_space<vmem>>, vector<1x16xf32>,
      %swap3A_762 = vector.shape_cast %swap3A_761 : vector<1x16xf32> to vector<1x16xf32>
      %swap3A_763 = vector.shape_cast %add3A_758 : vector<1x16xf32> to vector<1x16xf32>
      tpu.vector_store %arg9[%swap3A_759, %swap3A_760], %swap3A_763 {strides = array<i32>} : memref<400x32xf32, #tpu.memory_space<vmem>>, vector<1x16xf32>,
    }
    %scan3A_307 = arith.constant 400 : i32
    %add3A_308 = arith.constant 3 : i32
    %add3A_309 = arith.addi %mul3A_2, %add3A_308 : i32
    %jit3A_310 = arith.constant 8 : i32
    %div3A_311 = arith.divsi %add3A_309, %jit3A_310 : i32
    %sign3A_312 = arith.constant 0 : i32
    %sign3A_313 = arith.cmpi sgt, %add3A_309, %sign3A_312 : i32
    %sign3A_314 = arith.extui %sign3A_313 : i1 to i32
    %sign3A_315 = arith.constant 0 : i32
    %sign3A_316 = arith.cmpi slt, %add3A_309, %sign3A_315 : i32
    %sign3A_317 = arith.extui %sign3A_316 : i1 to i32
    %sign3A_318 = arith.subi %sign3A_314, %sign3A_317 : i32
    %sign3A_319 = arith.constant 0 : i32
    %sign3A_320 = arith.cmpi sgt, %jit3A_310, %sign3A_319 : i32
    %sign3A_321 = arith.extui %sign3A_320 : i1 to i32
    %sign3A_322 = arith.constant 0 : i32
    %sign3A_323 = arith.cmpi slt, %jit3A_310, %sign3A_322 : i32
    %sign3A_324 = arith.extui %sign3A_323 : i1 to i32
    %sign3A_325 = arith.subi %sign3A_321, %sign3A_324 : i32
    %ne3A_326 = arith.cmpi ne, %sign3A_318, %sign3A_325 : i32
    %rem3A_327 = arith.remsi %add3A_309, %jit3A_310 : i32
    %ne3A_328 = arith.constant 0 : i32
    %ne3A_329 = arith.cmpi ne, %rem3A_327, %ne3A_328 : i32
    %and3A_330 = arith.andi %ne3A_326, %ne3A_329 : i1
    %sub3A_331 = arith.constant 1 : i32
    %sub3A_332 = arith.subi %div3A_311, %sub3A_331 : i32
    %select_n3A_333 = arith.select %and3A_330, %sub3A_332, %div3A_311 : i32
    %add3A_334 = arith.constant 0 : i32
    %add3A_335 = arith.addi %add3A_334, %select_n3A_333 : i32
    %rem3A_336 = arith.constant 4 : i32
    %rem3A_337 = arith.remsi %add3A_335, %rem3A_336 : i32
    %jit3A_338 = arith.constant 4 : i32
    %div3A_339 = arith.divsi %select_n3A_333, %jit3A_338 : i32
    %sign3A_340 = arith.constant 0 : i32
    %sign3A_341 = arith.cmpi sgt, %select_n3A_333, %sign3A_340 : i32
    %sign3A_342 = arith.extui %sign3A_341 : i1 to i32
    %sign3A_343 = arith.constant 0 : i32
    %sign3A_344 = arith.cmpi slt, %select_n3A_333, %sign3A_343 : i32
    %sign3A_345 = arith.extui %sign3A_344 : i1 to i32
    %sign3A_346 = arith.subi %sign3A_342, %sign3A_345 : i32
    %sign3A_347 = arith.constant 0 : i32
    %sign3A_348 = arith.cmpi sgt, %jit3A_338, %sign3A_347 : i32
    %sign3A_349 = arith.extui %sign3A_348 : i1 to i32
    %sign3A_350 = arith.constant 0 : i32
    %sign3A_351 = arith.cmpi slt, %jit3A_338, %sign3A_350 : i32
    %sign3A_352 = arith.extui %sign3A_351 : i1 to i32
    %sign3A_353 = arith.subi %sign3A_349, %sign3A_352 : i32
    %ne3A_354 = arith.cmpi ne, %sign3A_346, %sign3A_353 : i32
    %rem3A_355 = arith.remsi %select_n3A_333, %jit3A_338 : i32
    %ne3A_356 = arith.constant 0 : i32
    %ne3A_357 = arith.cmpi ne, %rem3A_355, %ne3A_356 : i32
    %and3A_358 = arith.andi %ne3A_354, %ne3A_357 : i1
    %sub3A_359 = arith.constant 1 : i32
    %sub3A_360 = arith.subi %div3A_339, %sub3A_359 : i32
    %select_n3A_361 = arith.select %and3A_358, %sub3A_360, %div3A_339 : i32
    %mul3A_362 = arith.constant 3200 : i32
    %mul3A_363 = arith.muli %select_n3A_361, %mul3A_362 : i32
    %rem3A_364 = arith.constant 8 : i32
    %rem3A_365 = arith.remsi %add3A_309, %rem3A_364 : i32
    %mul3A_366 = arith.constant 400 : i32
    %mul3A_367 = arith.muli %rem3A_365, %mul3A_366 : i32
    %add3A_368 = arith.addi %mul3A_363, %mul3A_367 : i32
    %mul3A_369 = arith.constant 32 : i32
    %mul3A_370 = arith.muli %rem3A_337, %mul3A_369 : i32
    %dma_start3A_371 = tpu.memref_slice %arg5[%add3A_368, %mul3A_370] : memref<25600x128xf32, #tpu.memory_space<hbm>> -> memref<400x32xf32, #tpu.memory_space<hbm>>
    %dma_start3A_372 = tpu.memref_slice %arg5[%add3A_368, %mul3A_370] : memref<25600x128xf32, #tpu.memory_space<hbm>> -> memref<400x32xf32, #tpu.memory_space<hbm>>
    tpu.enqueue_dma source(%arg9 : memref<400x32xf32, #tpu.memory_space<vmem>>) target(%dma_start3A_372 : memref<400x32xf32, #tpu.memory_space<hbm>>) target_semaphore(%arg17 : memref<!tpu.dma_semaphore, #tpu.memory_space<semaphore_mem>>)
    %dma_wait3A_373 = tpu.memref_slice %arg5[%add3A_368, %mul3A_370] : memref<25600x128xf32, #tpu.memory_space<hbm>> -> memref<400x32xf32, #tpu.memory_space<hbm>>
    %dma_wait3A_374 = tpu.memref_slice %arg5[%add3A_368, %mul3A_370] : memref<25600x128xf32, #tpu.memory_space<hbm>> -> memref<400x32xf32, #tpu.memory_space<hbm>>
    tpu.wait_dma2 semaphore(%arg17 : memref<!tpu.dma_semaphore, #tpu.memory_space<semaphore_mem>>) src(%arg9 : memref<400x32xf32, #tpu.memory_space<vmem>>) dst(%dma_wait3A_374 : memref<400x32xf32, #tpu.memory_space<hbm>>)
    %dma_start3A_375 = arith.constant 2000 : i32
    %dma_start3A_376 = tpu.memref_slice %arg6[%dma_start3A_375] : memref<3200xi32, #tpu.memory_space<vmem>> -> memref<400xi32, #tpu.memory_space<vmem>>
    %dma_start3A_377 = arith.constant 0 : i32
    %dma_start3A_378 = arith.constant 0 : i32
    %dma_start3A_379 = tpu.memref_slice %arg2[%dma_start3A_377, %dma_start3A_378] : memref<10000x32xf32, #tpu.memory_space<hbm>> -> memref<10000x32xf32, #tpu.memory_space<hbm>>
    tpu.enqueue_indirect_dma source(%dma_start3A_379 : memref<10000x32xf32, #tpu.memory_space<hbm>>) target(%arg9 : memref<400x32xf32, #tpu.memory_space<vmem>>) offsets(%dma_start3A_376 : memref<400xi32, #tpu.memory_space<vmem>>) semaphore(%arg13 : memref<!tpu.dma_semaphore, #tpu.memory_space<semaphore_mem>>)
    %dma_start3A_380 = arith.constant 2000 : i32
    %dma_start3A_381 = tpu.memref_slice %arg7[%dma_start3A_380] : memref<3200xi32, #tpu.memory_space<vmem>> -> memref<400xi32, #tpu.memory_space<vmem>>
    %dma_start3A_382 = arith.constant 0 : i32
    %dma_start3A_383 = arith.constant 0 : i32
    %dma_start3A_384 = tpu.memref_slice %arg3[%dma_start3A_382, %dma_start3A_383] : memref<10000x32xf32, #tpu.memory_space<hbm>> -> memref<10000x32xf32, #tpu.memory_space<hbm>>
    tpu.enqueue_indirect_dma source(%dma_start3A_384 : memref<10000x32xf32, #tpu.memory_space<hbm>>) target(%arg11 : memref<400x32xf32, #tpu.memory_space<vmem>>) offsets(%dma_start3A_381 : memref<400xi32, #tpu.memory_space<vmem>>) semaphore(%arg15 : memref<!tpu.dma_semaphore, #tpu.memory_space<semaphore_mem>>)
    %dma_wait3A_385 = arith.constant 1600 : i32
    %dma_wait3A_386 = tpu.memref_slice %arg6[%dma_wait3A_385] : memref<3200xi32, #tpu.memory_space<vmem>> -> memref<400xi32, #tpu.memory_space<vmem>>
    %dma_wait3A_387 = arith.constant 0 : i32
    %dma_wait3A_388 = arith.constant 0 : i32
    %dma_wait3A_389 = tpu.memref_slice %arg2[%dma_wait3A_387, %dma_wait3A_388] : memref<10000x32xf32, #tpu.memory_space<hbm>> -> memref<10000x32xf32, #tpu.memory_space<hbm>>
    tpu.wait_indirect_dma semaphore(%arg12 : memref<!tpu.dma_semaphore, #tpu.memory_space<semaphore_mem>>) src(%dma_wait3A_389 : memref<10000x32xf32, #tpu.memory_space<hbm>>) dst(%arg8 : memref<400x32xf32, #tpu.memory_space<vmem>>)
    %dma_wait3A_390 = arith.constant 1600 : i32
    %dma_wait3A_391 = tpu.memref_slice %arg7[%dma_wait3A_390] : memref<3200xi32, #tpu.memory_space<vmem>> -> memref<400xi32, #tpu.memory_space<vmem>>
    %dma_wait3A_392 = arith.constant 0 : i32
    %dma_wait3A_393 = arith.constant 0 : i32
    %dma_wait3A_394 = tpu.memref_slice %arg3[%dma_wait3A_392, %dma_wait3A_393] : memref<10000x32xf32, #tpu.memory_space<hbm>> -> memref<10000x32xf32, #tpu.memory_space<hbm>>
    tpu.wait_indirect_dma semaphore(%arg14 : memref<!tpu.dma_semaphore, #tpu.memory_space<semaphore_mem>>) src(%dma_wait3A_394 : memref<10000x32xf32, #tpu.memory_space<hbm>>) dst(%arg10 : memref<400x32xf32, #tpu.memory_space<vmem>>)
    %scan3A_395 = arith.constant 0 : i32
    %scan3A_396 = arith.constant 400 : i32
    %scan3A_397 = arith.addi %scan3A_395, %scan3A_396 : i32
    %scan3A_398 = arith.constant 1 : i32
    scf.for %scan3A_733 = %scan3A_395 to %scan3A_397 step %scan3A_398  : i32 {
      %mul3A_734 = arith.constant 1 : i32
      %mul3A_735 = arith.muli %scan3A_733, %mul3A_734 : i32
      %add3A_736 = arith.constant 0 : i32
      %add3A_737 = arith.addi %add3A_736, %mul3A_735 : i32
      %get3A = arith.index_cast %add3A_737 : i32 to index
      %get3A_738 = arith.constant 0 : index
      %get3A_739 = tpu.vector_load %arg8[%get3A, %get3A_738] {strides = array<i32>} : memref<400x32xf32, #tpu.memory_space<vmem>>, vector<1x16xf32>,
      %get3A_740 = vector.shape_cast %get3A_739 : vector<1x16xf32> to vector<1x16xf32>
      %get3A_741 = arith.index_cast %add3A_737 : i32 to index
      %get3A_742 = arith.constant 0 : index
      %get3A_743 = tpu.vector_load %arg10[%get3A_741, %get3A_742] {strides = array<i32>} : memref<400x32xf32, #tpu.memory_space<vmem>>, vector<1x16xf32>,
      %get3A_744 = vector.shape_cast %get3A_743 : vector<1x16xf32> to vector<1x16xf32>
      %add3A_745 = arith.addf %get3A_740, %get3A_744 : vector<1x16xf32>
      %swap3A = arith.index_cast %add3A_737 : i32 to index
      %swap3A_746 = arith.constant 0 : index
      %swap3A_747 = tpu.vector_load %arg8[%swap3A, %swap3A_746] {strides = array<i32>} : memref<400x32xf32, #tpu.memory_space<vmem>>, vector<1x16xf32>,
      %swap3A_748 = vector.shape_cast %swap3A_747 : vector<1x16xf32> to vector<1x16xf32>
      %swap3A_749 = vector.shape_cast %add3A_745 : vector<1x16xf32> to vector<1x16xf32>
      tpu.vector_store %arg8[%swap3A, %swap3A_746], %swap3A_749 {strides = array<i32>} : memref<400x32xf32, #tpu.memory_space<vmem>>, vector<1x16xf32>,
      %get3A_750 = arith.index_cast %add3A_737 : i32 to index
      %get3A_751 = arith.constant 16 : index
      %get3A_752 = tpu.vector_load %arg8[%get3A_750, %get3A_751] {strides = array<i32>} : memref<400x32xf32, #tpu.memory_space<vmem>>, vector<1x16xf32>,
      %get3A_753 = vector.shape_cast %get3A_752 : vector<1x16xf32> to vector<1x16xf32>
      %get3A_754 = arith.index_cast %add3A_737 : i32 to index
      %get3A_755 = arith.constant 16 : index
      %get3A_756 = tpu.vector_load %arg10[%get3A_754, %get3A_755] {strides = array<i32>} : memref<400x32xf32, #tpu.memory_space<vmem>>, vector<1x16xf32>,
      %get3A_757 = vector.shape_cast %get3A_756 : vector<1x16xf32> to vector<1x16xf32>
      %add3A_758 = arith.addf %get3A_753, %get3A_757 : vector<1x16xf32>
      %swap3A_759 = arith.index_cast %add3A_737 : i32 to index
      %swap3A_760 = arith.constant 16 : index
      %swap3A_761 = tpu.vector_load %arg8[%swap3A_759, %swap3A_760] {strides = array<i32>} : memref<400x32xf32, #tpu.memory_space<vmem>>, vector<1x16xf32>,
      %swap3A_762 = vector.shape_cast %swap3A_761 : vector<1x16xf32> to vector<1x16xf32>
      %swap3A_763 = vector.shape_cast %add3A_758 : vector<1x16xf32> to vector<1x16xf32>
      tpu.vector_store %arg8[%swap3A_759, %swap3A_760], %swap3A_763 {strides = array<i32>} : memref<400x32xf32, #tpu.memory_space<vmem>>, vector<1x16xf32>,
    }
    %scan3A_399 = arith.constant 400 : i32
    %add3A_400 = arith.constant 4 : i32
    %add3A_401 = arith.addi %mul3A_2, %add3A_400 : i32
    %jit3A_402 = arith.constant 8 : i32
    %div3A_403 = arith.divsi %add3A_401, %jit3A_402 : i32
    %sign3A_404 = arith.constant 0 : i32
    %sign3A_405 = arith.cmpi sgt, %add3A_401, %sign3A_404 : i32
    %sign3A_406 = arith.extui %sign3A_405 : i1 to i32
    %sign3A_407 = arith.constant 0 : i32
    %sign3A_408 = arith.cmpi slt, %add3A_401, %sign3A_407 : i32
    %sign3A_409 = arith.extui %sign3A_408 : i1 to i32
    %sign3A_410 = arith.subi %sign3A_406, %sign3A_409 : i32
    %sign3A_411 = arith.constant 0 : i32
    %sign3A_412 = arith.cmpi sgt, %jit3A_402, %sign3A_411 : i32
    %sign3A_413 = arith.extui %sign3A_412 : i1 to i32
    %sign3A_414 = arith.constant 0 : i32
    %sign3A_415 = arith.cmpi slt, %jit3A_402, %sign3A_414 : i32
    %sign3A_416 = arith.extui %sign3A_415 : i1 to i32
    %sign3A_417 = arith.subi %sign3A_413, %sign3A_416 : i32
    %ne3A_418 = arith.cmpi ne, %sign3A_410, %sign3A_417 : i32
    %rem3A_419 = arith.remsi %add3A_401, %jit3A_402 : i32
    %ne3A_420 = arith.constant 0 : i32
    %ne3A_421 = arith.cmpi ne, %rem3A_419, %ne3A_420 : i32
    %and3A_422 = arith.andi %ne3A_418, %ne3A_421 : i1
    %sub3A_423 = arith.constant 1 : i32
    %sub3A_424 = arith.subi %div3A_403, %sub3A_423 : i32
    %select_n3A_425 = arith.select %and3A_422, %sub3A_424, %div3A_403 : i32
    %add3A_426 = arith.constant 0 : i32
    %add3A_427 = arith.addi %add3A_426, %select_n3A_425 : i32
    %rem3A_428 = arith.constant 4 : i32
    %rem3A_429 = arith.remsi %add3A_427, %rem3A_428 : i32
    %jit3A_430 = arith.constant 4 : i32
    %div3A_431 = arith.divsi %select_n3A_425, %jit3A_430 : i32
    %sign3A_432 = arith.constant 0 : i32
    %sign3A_433 = arith.cmpi sgt, %select_n3A_425, %sign3A_432 : i32
    %sign3A_434 = arith.extui %sign3A_433 : i1 to i32
    %sign3A_435 = arith.constant 0 : i32
    %sign3A_436 = arith.cmpi slt, %select_n3A_425, %sign3A_435 : i32
    %sign3A_437 = arith.extui %sign3A_436 : i1 to i32
    %sign3A_438 = arith.subi %sign3A_434, %sign3A_437 : i32
    %sign3A_439 = arith.constant 0 : i32
    %sign3A_440 = arith.cmpi sgt, %jit3A_430, %sign3A_439 : i32
    %sign3A_441 = arith.extui %sign3A_440 : i1 to i32
    %sign3A_442 = arith.constant 0 : i32
    %sign3A_443 = arith.cmpi slt, %jit3A_430, %sign3A_442 : i32
    %sign3A_444 = arith.extui %sign3A_443 : i1 to i32
    %sign3A_445 = arith.subi %sign3A_441, %sign3A_444 : i32
    %ne3A_446 = arith.cmpi ne, %sign3A_438, %sign3A_445 : i32
    %rem3A_447 = arith.remsi %select_n3A_425, %jit3A_430 : i32
    %ne3A_448 = arith.constant 0 : i32
    %ne3A_449 = arith.cmpi ne, %rem3A_447, %ne3A_448 : i32
    %and3A_450 = arith.andi %ne3A_446, %ne3A_449 : i1
    %sub3A_451 = arith.constant 1 : i32
    %sub3A_452 = arith.subi %div3A_431, %sub3A_451 : i32
    %select_n3A_453 = arith.select %and3A_450, %sub3A_452, %div3A_431 : i32
    %mul3A_454 = arith.constant 3200 : i32
    %mul3A_455 = arith.muli %select_n3A_453, %mul3A_454 : i32
    %rem3A_456 = arith.constant 8 : i32
    %rem3A_457 = arith.remsi %add3A_401, %rem3A_456 : i32
    %mul3A_458 = arith.constant 400 : i32
    %mul3A_459 = arith.muli %rem3A_457, %mul3A_458 : i32
    %add3A_460 = arith.addi %mul3A_455, %mul3A_459 : i32
    %mul3A_461 = arith.constant 32 : i32
    %mul3A_462 = arith.muli %rem3A_429, %mul3A_461 : i32
    %dma_start3A_463 = tpu.memref_slice %arg5[%add3A_460, %mul3A_462] : memref<25600x128xf32, #tpu.memory_space<hbm>> -> memref<400x32xf32, #tpu.memory_space<hbm>>
    %dma_start3A_464 = tpu.memref_slice %arg5[%add3A_460, %mul3A_462] : memref<25600x128xf32, #tpu.memory_space<hbm>> -> memref<400x32xf32, #tpu.memory_space<hbm>>
    tpu.enqueue_dma source(%arg8 : memref<400x32xf32, #tpu.memory_space<vmem>>) target(%dma_start3A_464 : memref<400x32xf32, #tpu.memory_space<hbm>>) target_semaphore(%arg16 : memref<!tpu.dma_semaphore, #tpu.memory_space<semaphore_mem>>)
    %dma_wait3A_465 = tpu.memref_slice %arg5[%add3A_460, %mul3A_462] : memref<25600x128xf32, #tpu.memory_space<hbm>> -> memref<400x32xf32, #tpu.memory_space<hbm>>
    %dma_wait3A_466 = tpu.memref_slice %arg5[%add3A_460, %mul3A_462] : memref<25600x128xf32, #tpu.memory_space<hbm>> -> memref<400x32xf32, #tpu.memory_space<hbm>>
    tpu.wait_dma2 semaphore(%arg16 : memref<!tpu.dma_semaphore, #tpu.memory_space<semaphore_mem>>) src(%arg8 : memref<400x32xf32, #tpu.memory_space<vmem>>) dst(%dma_wait3A_466 : memref<400x32xf32, #tpu.memory_space<hbm>>)
    %dma_start3A_467 = arith.constant 2400 : i32
    %dma_start3A_468 = tpu.memref_slice %arg6[%dma_start3A_467] : memref<3200xi32, #tpu.memory_space<vmem>> -> memref<400xi32, #tpu.memory_space<vmem>>
    %dma_start3A_469 = arith.constant 0 : i32
    %dma_start3A_470 = arith.constant 0 : i32
    %dma_start3A_471 = tpu.memref_slice %arg2[%dma_start3A_469, %dma_start3A_470] : memref<10000x32xf32, #tpu.memory_space<hbm>> -> memref<10000x32xf32, #tpu.memory_space<hbm>>
    tpu.enqueue_indirect_dma source(%dma_start3A_471 : memref<10000x32xf32, #tpu.memory_space<hbm>>) target(%arg8 : memref<400x32xf32, #tpu.memory_space<vmem>>) offsets(%dma_start3A_468 : memref<400xi32, #tpu.memory_space<vmem>>) semaphore(%arg12 : memref<!tpu.dma_semaphore, #tpu.memory_space<semaphore_mem>>)
    %dma_start3A_472 = arith.constant 2400 : i32
    %dma_start3A_473 = tpu.memref_slice %arg7[%dma_start3A_472] : memref<3200xi32, #tpu.memory_space<vmem>> -> memref<400xi32, #tpu.memory_space<vmem>>
    %dma_start3A_474 = arith.constant 0 : i32
    %dma_start3A_475 = arith.constant 0 : i32
    %dma_start3A_476 = tpu.memref_slice %arg3[%dma_start3A_474, %dma_start3A_475] : memref<10000x32xf32, #tpu.memory_space<hbm>> -> memref<10000x32xf32, #tpu.memory_space<hbm>>
    tpu.enqueue_indirect_dma source(%dma_start3A_476 : memref<10000x32xf32, #tpu.memory_space<hbm>>) target(%arg10 : memref<400x32xf32, #tpu.memory_space<vmem>>) offsets(%dma_start3A_473 : memref<400xi32, #tpu.memory_space<vmem>>) semaphore(%arg14 : memref<!tpu.dma_semaphore, #tpu.memory_space<semaphore_mem>>)
    %dma_wait3A_477 = arith.constant 2000 : i32
    %dma_wait3A_478 = tpu.memref_slice %arg6[%dma_wait3A_477] : memref<3200xi32, #tpu.memory_space<vmem>> -> memref<400xi32, #tpu.memory_space<vmem>>
    %dma_wait3A_479 = arith.constant 0 : i32
    %dma_wait3A_480 = arith.constant 0 : i32
    %dma_wait3A_481 = tpu.memref_slice %arg2[%dma_wait3A_479, %dma_wait3A_480] : memref<10000x32xf32, #tpu.memory_space<hbm>> -> memref<10000x32xf32, #tpu.memory_space<hbm>>
    tpu.wait_indirect_dma semaphore(%arg13 : memref<!tpu.dma_semaphore, #tpu.memory_space<semaphore_mem>>) src(%dma_wait3A_481 : memref<10000x32xf32, #tpu.memory_space<hbm>>) dst(%arg9 : memref<400x32xf32, #tpu.memory_space<vmem>>)
    %dma_wait3A_482 = arith.constant 2000 : i32
    %dma_wait3A_483 = tpu.memref_slice %arg7[%dma_wait3A_482] : memref<3200xi32, #tpu.memory_space<vmem>> -> memref<400xi32, #tpu.memory_space<vmem>>
    %dma_wait3A_484 = arith.constant 0 : i32
    %dma_wait3A_485 = arith.constant 0 : i32
    %dma_wait3A_486 = tpu.memref_slice %arg3[%dma_wait3A_484, %dma_wait3A_485] : memref<10000x32xf32, #tpu.memory_space<hbm>> -> memref<10000x32xf32, #tpu.memory_space<hbm>>
    tpu.wait_indirect_dma semaphore(%arg15 : memref<!tpu.dma_semaphore, #tpu.memory_space<semaphore_mem>>) src(%dma_wait3A_486 : memref<10000x32xf32, #tpu.memory_space<hbm>>) dst(%arg11 : memref<400x32xf32, #tpu.memory_space<vmem>>)
    %scan3A_487 = arith.constant 0 : i32
    %scan3A_488 = arith.constant 400 : i32
    %scan3A_489 = arith.addi %scan3A_487, %scan3A_488 : i32
    %scan3A_490 = arith.constant 1 : i32
    scf.for %scan3A_733 = %scan3A_487 to %scan3A_489 step %scan3A_490  : i32 {
      %mul3A_734 = arith.constant 1 : i32
      %mul3A_735 = arith.muli %scan3A_733, %mul3A_734 : i32
      %add3A_736 = arith.constant 0 : i32
      %add3A_737 = arith.addi %add3A_736, %mul3A_735 : i32
      %get3A = arith.index_cast %add3A_737 : i32 to index
      %get3A_738 = arith.constant 0 : index
      %get3A_739 = tpu.vector_load %arg9[%get3A, %get3A_738] {strides = array<i32>} : memref<400x32xf32, #tpu.memory_space<vmem>>, vector<1x16xf32>,
      %get3A_740 = vector.shape_cast %get3A_739 : vector<1x16xf32> to vector<1x16xf32>
      %get3A_741 = arith.index_cast %add3A_737 : i32 to index
      %get3A_742 = arith.constant 0 : index
      %get3A_743 = tpu.vector_load %arg11[%get3A_741, %get3A_742] {strides = array<i32>} : memref<400x32xf32, #tpu.memory_space<vmem>>, vector<1x16xf32>,
      %get3A_744 = vector.shape_cast %get3A_743 : vector<1x16xf32> to vector<1x16xf32>
      %add3A_745 = arith.addf %get3A_740, %get3A_744 : vector<1x16xf32>
      %swap3A = arith.index_cast %add3A_737 : i32 to index
      %swap3A_746 = arith.constant 0 : index
      %swap3A_747 = tpu.vector_load %arg9[%swap3A, %swap3A_746] {strides = array<i32>} : memref<400x32xf32, #tpu.memory_space<vmem>>, vector<1x16xf32>,
      %swap3A_748 = vector.shape_cast %swap3A_747 : vector<1x16xf32> to vector<1x16xf32>
      %swap3A_749 = vector.shape_cast %add3A_745 : vector<1x16xf32> to vector<1x16xf32>
      tpu.vector_store %arg9[%swap3A, %swap3A_746], %swap3A_749 {strides = array<i32>} : memref<400x32xf32, #tpu.memory_space<vmem>>, vector<1x16xf32>,
      %get3A_750 = arith.index_cast %add3A_737 : i32 to index
      %get3A_751 = arith.constant 16 : index
      %get3A_752 = tpu.vector_load %arg9[%get3A_750, %get3A_751] {strides = array<i32>} : memref<400x32xf32, #tpu.memory_space<vmem>>, vector<1x16xf32>,
      %get3A_753 = vector.shape_cast %get3A_752 : vector<1x16xf32> to vector<1x16xf32>
      %get3A_754 = arith.index_cast %add3A_737 : i32 to index
      %get3A_755 = arith.constant 16 : index
      %get3A_756 = tpu.vector_load %arg11[%get3A_754, %get3A_755] {strides = array<i32>} : memref<400x32xf32, #tpu.memory_space<vmem>>, vector<1x16xf32>,
      %get3A_757 = vector.shape_cast %get3A_756 : vector<1x16xf32> to vector<1x16xf32>
      %add3A_758 = arith.addf %get3A_753, %get3A_757 : vector<1x16xf32>
      %swap3A_759 = arith.index_cast %add3A_737 : i32 to index
      %swap3A_760 = arith.constant 16 : index
      %swap3A_761 = tpu.vector_load %arg9[%swap3A_759, %swap3A_760] {strides = array<i32>} : memref<400x32xf32, #tpu.memory_space<vmem>>, vector<1x16xf32>,
      %swap3A_762 = vector.shape_cast %swap3A_761 : vector<1x16xf32> to vector<1x16xf32>
      %swap3A_763 = vector.shape_cast %add3A_758 : vector<1x16xf32> to vector<1x16xf32>
      tpu.vector_store %arg9[%swap3A_759, %swap3A_760], %swap3A_763 {strides = array<i32>} : memref<400x32xf32, #tpu.memory_space<vmem>>, vector<1x16xf32>,
    }
    %scan3A_491 = arith.constant 400 : i32
    %add3A_492 = arith.constant 5 : i32
    %add3A_493 = arith.addi %mul3A_2, %add3A_492 : i32
    %jit3A_494 = arith.constant 8 : i32
    %div3A_495 = arith.divsi %add3A_493, %jit3A_494 : i32
    %sign3A_496 = arith.constant 0 : i32
    %sign3A_497 = arith.cmpi sgt, %add3A_493, %sign3A_496 : i32
    %sign3A_498 = arith.extui %sign3A_497 : i1 to i32
    %sign3A_499 = arith.constant 0 : i32
    %sign3A_500 = arith.cmpi slt, %add3A_493, %sign3A_499 : i32
    %sign3A_501 = arith.extui %sign3A_500 : i1 to i32
    %sign3A_502 = arith.subi %sign3A_498, %sign3A_501 : i32
    %sign3A_503 = arith.constant 0 : i32
    %sign3A_504 = arith.cmpi sgt, %jit3A_494, %sign3A_503 : i32
    %sign3A_505 = arith.extui %sign3A_504 : i1 to i32
    %sign3A_506 = arith.constant 0 : i32
    %sign3A_507 = arith.cmpi slt, %jit3A_494, %sign3A_506 : i32
    %sign3A_508 = arith.extui %sign3A_507 : i1 to i32
    %sign3A_509 = arith.subi %sign3A_505, %sign3A_508 : i32
    %ne3A_510 = arith.cmpi ne, %sign3A_502, %sign3A_509 : i32
    %rem3A_511 = arith.remsi %add3A_493, %jit3A_494 : i32
    %ne3A_512 = arith.constant 0 : i32
    %ne3A_513 = arith.cmpi ne, %rem3A_511, %ne3A_512 : i32
    %and3A_514 = arith.andi %ne3A_510, %ne3A_513 : i1
    %sub3A_515 = arith.constant 1 : i32
    %sub3A_516 = arith.subi %div3A_495, %sub3A_515 : i32
    %select_n3A_517 = arith.select %and3A_514, %sub3A_516, %div3A_495 : i32
    %add3A_518 = arith.constant 0 : i32
    %add3A_519 = arith.addi %add3A_518, %select_n3A_517 : i32
    %rem3A_520 = arith.constant 4 : i32
    %rem3A_521 = arith.remsi %add3A_519, %rem3A_520 : i32
    %jit3A_522 = arith.constant 4 : i32
    %div3A_523 = arith.divsi %select_n3A_517, %jit3A_522 : i32
    %sign3A_524 = arith.constant 0 : i32
    %sign3A_525 = arith.cmpi sgt, %select_n3A_517, %sign3A_524 : i32
    %sign3A_526 = arith.extui %sign3A_525 : i1 to i32
    %sign3A_527 = arith.constant 0 : i32
    %sign3A_528 = arith.cmpi slt, %select_n3A_517, %sign3A_527 : i32
    %sign3A_529 = arith.extui %sign3A_528 : i1 to i32
    %sign3A_530 = arith.subi %sign3A_526, %sign3A_529 : i32
    %sign3A_531 = arith.constant 0 : i32
    %sign3A_532 = arith.cmpi sgt, %jit3A_522, %sign3A_531 : i32
    %sign3A_533 = arith.extui %sign3A_532 : i1 to i32
    %sign3A_534 = arith.constant 0 : i32
    %sign3A_535 = arith.cmpi slt, %jit3A_522, %sign3A_534 : i32
    %sign3A_536 = arith.extui %sign3A_535 : i1 to i32
    %sign3A_537 = arith.subi %sign3A_533, %sign3A_536 : i32
    %ne3A_538 = arith.cmpi ne, %sign3A_530, %sign3A_537 : i32
    %rem3A_539 = arith.remsi %select_n3A_517, %jit3A_522 : i32
    %ne3A_540 = arith.constant 0 : i32
    %ne3A_541 = arith.cmpi ne, %rem3A_539, %ne3A_540 : i32
    %and3A_542 = arith.andi %ne3A_538, %ne3A_541 : i1
    %sub3A_543 = arith.constant 1 : i32
    %sub3A_544 = arith.subi %div3A_523, %sub3A_543 : i32
    %select_n3A_545 = arith.select %and3A_542, %sub3A_544, %div3A_523 : i32
    %mul3A_546 = arith.constant 3200 : i32
    %mul3A_547 = arith.muli %select_n3A_545, %mul3A_546 : i32
    %rem3A_548 = arith.constant 8 : i32
    %rem3A_549 = arith.remsi %add3A_493, %rem3A_548 : i32
    %mul3A_550 = arith.constant 400 : i32
    %mul3A_551 = arith.muli %rem3A_549, %mul3A_550 : i32
    %add3A_552 = arith.addi %mul3A_547, %mul3A_551 : i32
    %mul3A_553 = arith.constant 32 : i32
    %mul3A_554 = arith.muli %rem3A_521, %mul3A_553 : i32
    %dma_start3A_555 = tpu.memref_slice %arg5[%add3A_552, %mul3A_554] : memref<25600x128xf32, #tpu.memory_space<hbm>> -> memref<400x32xf32, #tpu.memory_space<hbm>>
    %dma_start3A_556 = tpu.memref_slice %arg5[%add3A_552, %mul3A_554] : memref<25600x128xf32, #tpu.memory_space<hbm>> -> memref<400x32xf32, #tpu.memory_space<hbm>>
    tpu.enqueue_dma source(%arg9 : memref<400x32xf32, #tpu.memory_space<vmem>>) target(%dma_start3A_556 : memref<400x32xf32, #tpu.memory_space<hbm>>) target_semaphore(%arg17 : memref<!tpu.dma_semaphore, #tpu.memory_space<semaphore_mem>>)
    %dma_wait3A_557 = tpu.memref_slice %arg5[%add3A_552, %mul3A_554] : memref<25600x128xf32, #tpu.memory_space<hbm>> -> memref<400x32xf32, #tpu.memory_space<hbm>>
    %dma_wait3A_558 = tpu.memref_slice %arg5[%add3A_552, %mul3A_554] : memref<25600x128xf32, #tpu.memory_space<hbm>> -> memref<400x32xf32, #tpu.memory_space<hbm>>
    tpu.wait_dma2 semaphore(%arg17 : memref<!tpu.dma_semaphore, #tpu.memory_space<semaphore_mem>>) src(%arg9 : memref<400x32xf32, #tpu.memory_space<vmem>>) dst(%dma_wait3A_558 : memref<400x32xf32, #tpu.memory_space<hbm>>)
    %dma_start3A_559 = arith.constant 2800 : i32
    %dma_start3A_560 = tpu.memref_slice %arg6[%dma_start3A_559] : memref<3200xi32, #tpu.memory_space<vmem>> -> memref<400xi32, #tpu.memory_space<vmem>>
    %dma_start3A_561 = arith.constant 0 : i32
    %dma_start3A_562 = arith.constant 0 : i32
    %dma_start3A_563 = tpu.memref_slice %arg2[%dma_start3A_561, %dma_start3A_562] : memref<10000x32xf32, #tpu.memory_space<hbm>> -> memref<10000x32xf32, #tpu.memory_space<hbm>>
    tpu.enqueue_indirect_dma source(%dma_start3A_563 : memref<10000x32xf32, #tpu.memory_space<hbm>>) target(%arg9 : memref<400x32xf32, #tpu.memory_space<vmem>>) offsets(%dma_start3A_560 : memref<400xi32, #tpu.memory_space<vmem>>) semaphore(%arg13 : memref<!tpu.dma_semaphore, #tpu.memory_space<semaphore_mem>>)
    %dma_start3A_564 = arith.constant 2800 : i32
    %dma_start3A_565 = tpu.memref_slice %arg7[%dma_start3A_564] : memref<3200xi32, #tpu.memory_space<vmem>> -> memref<400xi32, #tpu.memory_space<vmem>>
    %dma_start3A_566 = arith.constant 0 : i32
    %dma_start3A_567 = arith.constant 0 : i32
    %dma_start3A_568 = tpu.memref_slice %arg3[%dma_start3A_566, %dma_start3A_567] : memref<10000x32xf32, #tpu.memory_space<hbm>> -> memref<10000x32xf32, #tpu.memory_space<hbm>>
    tpu.enqueue_indirect_dma source(%dma_start3A_568 : memref<10000x32xf32, #tpu.memory_space<hbm>>) target(%arg11 : memref<400x32xf32, #tpu.memory_space<vmem>>) offsets(%dma_start3A_565 : memref<400xi32, #tpu.memory_space<vmem>>) semaphore(%arg15 : memref<!tpu.dma_semaphore, #tpu.memory_space<semaphore_mem>>)
    %dma_wait3A_569 = arith.constant 2400 : i32
    %dma_wait3A_570 = tpu.memref_slice %arg6[%dma_wait3A_569] : memref<3200xi32, #tpu.memory_space<vmem>> -> memref<400xi32, #tpu.memory_space<vmem>>
    %dma_wait3A_571 = arith.constant 0 : i32
    %dma_wait3A_572 = arith.constant 0 : i32
    %dma_wait3A_573 = tpu.memref_slice %arg2[%dma_wait3A_571, %dma_wait3A_572] : memref<10000x32xf32, #tpu.memory_space<hbm>> -> memref<10000x32xf32, #tpu.memory_space<hbm>>
    tpu.wait_indirect_dma semaphore(%arg12 : memref<!tpu.dma_semaphore, #tpu.memory_space<semaphore_mem>>) src(%dma_wait3A_573 : memref<10000x32xf32, #tpu.memory_space<hbm>>) dst(%arg8 : memref<400x32xf32, #tpu.memory_space<vmem>>)
    %dma_wait3A_574 = arith.constant 2400 : i32
    %dma_wait3A_575 = tpu.memref_slice %arg7[%dma_wait3A_574] : memref<3200xi32, #tpu.memory_space<vmem>> -> memref<400xi32, #tpu.memory_space<vmem>>
    %dma_wait3A_576 = arith.constant 0 : i32
    %dma_wait3A_577 = arith.constant 0 : i32
    %dma_wait3A_578 = tpu.memref_slice %arg3[%dma_wait3A_576, %dma_wait3A_577] : memref<10000x32xf32, #tpu.memory_space<hbm>> -> memref<10000x32xf32, #tpu.memory_space<hbm>>
    tpu.wait_indirect_dma semaphore(%arg14 : memref<!tpu.dma_semaphore, #tpu.memory_space<semaphore_mem>>) src(%dma_wait3A_578 : memref<10000x32xf32, #tpu.memory_space<hbm>>) dst(%arg10 : memref<400x32xf32, #tpu.memory_space<vmem>>)
    %scan3A_579 = arith.constant 0 : i32
    %scan3A_580 = arith.constant 400 : i32
    %scan3A_581 = arith.addi %scan3A_579, %scan3A_580 : i32
    %scan3A_582 = arith.constant 1 : i32
    scf.for %scan3A_733 = %scan3A_579 to %scan3A_581 step %scan3A_582  : i32 {
      %mul3A_734 = arith.constant 1 : i32
      %mul3A_735 = arith.muli %scan3A_733, %mul3A_734 : i32
      %add3A_736 = arith.constant 0 : i32
      %add3A_737 = arith.addi %add3A_736, %mul3A_735 : i32
      %get3A = arith.index_cast %add3A_737 : i32 to index
      %get3A_738 = arith.constant 0 : index
      %get3A_739 = tpu.vector_load %arg8[%get3A, %get3A_738] {strides = array<i32>} : memref<400x32xf32, #tpu.memory_space<vmem>>, vector<1x16xf32>,
      %get3A_740 = vector.shape_cast %get3A_739 : vector<1x16xf32> to vector<1x16xf32>
      %get3A_741 = arith.index_cast %add3A_737 : i32 to index
      %get3A_742 = arith.constant 0 : index
      %get3A_743 = tpu.vector_load %arg10[%get3A_741, %get3A_742] {strides = array<i32>} : memref<400x32xf32, #tpu.memory_space<vmem>>, vector<1x16xf32>,
      %get3A_744 = vector.shape_cast %get3A_743 : vector<1x16xf32> to vector<1x16xf32>
      %add3A_745 = arith.addf %get3A_740, %get3A_744 : vector<1x16xf32>
      %swap3A = arith.index_cast %add3A_737 : i32 to index
      %swap3A_746 = arith.constant 0 : index
      %swap3A_747 = tpu.vector_load %arg8[%swap3A, %swap3A_746] {strides = array<i32>} : memref<400x32xf32, #tpu.memory_space<vmem>>, vector<1x16xf32>,
      %swap3A_748 = vector.shape_cast %swap3A_747 : vector<1x16xf32> to vector<1x16xf32>
      %swap3A_749 = vector.shape_cast %add3A_745 : vector<1x16xf32> to vector<1x16xf32>
      tpu.vector_store %arg8[%swap3A, %swap3A_746], %swap3A_749 {strides = array<i32>} : memref<400x32xf32, #tpu.memory_space<vmem>>, vector<1x16xf32>,
      %get3A_750 = arith.index_cast %add3A_737 : i32 to index
      %get3A_751 = arith.constant 16 : index
      %get3A_752 = tpu.vector_load %arg8[%get3A_750, %get3A_751] {strides = array<i32>} : memref<400x32xf32, #tpu.memory_space<vmem>>, vector<1x16xf32>,
      %get3A_753 = vector.shape_cast %get3A_752 : vector<1x16xf32> to vector<1x16xf32>
      %get3A_754 = arith.index_cast %add3A_737 : i32 to index
      %get3A_755 = arith.constant 16 : index
      %get3A_756 = tpu.vector_load %arg10[%get3A_754, %get3A_755] {strides = array<i32>} : memref<400x32xf32, #tpu.memory_space<vmem>>, vector<1x16xf32>,
      %get3A_757 = vector.shape_cast %get3A_756 : vector<1x16xf32> to vector<1x16xf32>
      %add3A_758 = arith.addf %get3A_753, %get3A_757 : vector<1x16xf32>
      %swap3A_759 = arith.index_cast %add3A_737 : i32 to index
      %swap3A_760 = arith.constant 16 : index
      %swap3A_761 = tpu.vector_load %arg8[%swap3A_759, %swap3A_760] {strides = array<i32>} : memref<400x32xf32, #tpu.memory_space<vmem>>, vector<1x16xf32>,
      %swap3A_762 = vector.shape_cast %swap3A_761 : vector<1x16xf32> to vector<1x16xf32>
      %swap3A_763 = vector.shape_cast %add3A_758 : vector<1x16xf32> to vector<1x16xf32>
      tpu.vector_store %arg8[%swap3A_759, %swap3A_760], %swap3A_763 {strides = array<i32>} : memref<400x32xf32, #tpu.memory_space<vmem>>, vector<1x16xf32>,
    }
    %scan3A_583 = arith.constant 400 : i32
    %add3A_584 = arith.constant 6 : i32
    %add3A_585 = arith.addi %mul3A_2, %add3A_584 : i32
    %jit3A_586 = arith.constant 8 : i32
    %div3A_587 = arith.divsi %add3A_585, %jit3A_586 : i32
    %sign3A_588 = arith.constant 0 : i32
    %sign3A_589 = arith.cmpi sgt, %add3A_585, %sign3A_588 : i32
    %sign3A_590 = arith.extui %sign3A_589 : i1 to i32
    %sign3A_591 = arith.constant 0 : i32
    %sign3A_592 = arith.cmpi slt, %add3A_585, %sign3A_591 : i32
    %sign3A_593 = arith.extui %sign3A_592 : i1 to i32
    %sign3A_594 = arith.subi %sign3A_590, %sign3A_593 : i32
    %sign3A_595 = arith.constant 0 : i32
    %sign3A_596 = arith.cmpi sgt, %jit3A_586, %sign3A_595 : i32
    %sign3A_597 = arith.extui %sign3A_596 : i1 to i32
    %sign3A_598 = arith.constant 0 : i32
    %sign3A_599 = arith.cmpi slt, %jit3A_586, %sign3A_598 : i32
    %sign3A_600 = arith.extui %sign3A_599 : i1 to i32
    %sign3A_601 = arith.subi %sign3A_597, %sign3A_600 : i32
    %ne3A_602 = arith.cmpi ne, %sign3A_594, %sign3A_601 : i32
    %rem3A_603 = arith.remsi %add3A_585, %jit3A_586 : i32
    %ne3A_604 = arith.constant 0 : i32
    %ne3A_605 = arith.cmpi ne, %rem3A_603, %ne3A_604 : i32
    %and3A_606 = arith.andi %ne3A_602, %ne3A_605 : i1
    %sub3A_607 = arith.constant 1 : i32
    %sub3A_608 = arith.subi %div3A_587, %sub3A_607 : i32
    %select_n3A_609 = arith.select %and3A_606, %sub3A_608, %div3A_587 : i32
    %add3A_610 = arith.constant 0 : i32
    %add3A_611 = arith.addi %add3A_610, %select_n3A_609 : i32
    %rem3A_612 = arith.constant 4 : i32
    %rem3A_613 = arith.remsi %add3A_611, %rem3A_612 : i32
    %jit3A_614 = arith.constant 4 : i32
    %div3A_615 = arith.divsi %select_n3A_609, %jit3A_614 : i32
    %sign3A_616 = arith.constant 0 : i32
    %sign3A_617 = arith.cmpi sgt, %select_n3A_609, %sign3A_616 : i32
    %sign3A_618 = arith.extui %sign3A_617 : i1 to i32
    %sign3A_619 = arith.constant 0 : i32
    %sign3A_620 = arith.cmpi slt, %select_n3A_609, %sign3A_619 : i32
    %sign3A_621 = arith.extui %sign3A_620 : i1 to i32
    %sign3A_622 = arith.subi %sign3A_618, %sign3A_621 : i32
    %sign3A_623 = arith.constant 0 : i32
    %sign3A_624 = arith.cmpi sgt, %jit3A_614, %sign3A_623 : i32
    %sign3A_625 = arith.extui %sign3A_624 : i1 to i32
    %sign3A_626 = arith.constant 0 : i32
    %sign3A_627 = arith.cmpi slt, %jit3A_614, %sign3A_626 : i32
    %sign3A_628 = arith.extui %sign3A_627 : i1 to i32
    %sign3A_629 = arith.subi %sign3A_625, %sign3A_628 : i32
    %ne3A_630 = arith.cmpi ne, %sign3A_622, %sign3A_629 : i32
    %rem3A_631 = arith.remsi %select_n3A_609, %jit3A_614 : i32
    %ne3A_632 = arith.constant 0 : i32
    %ne3A_633 = arith.cmpi ne, %rem3A_631, %ne3A_632 : i32
    %and3A_634 = arith.andi %ne3A_630, %ne3A_633 : i1
    %sub3A_635 = arith.constant 1 : i32
    %sub3A_636 = arith.subi %div3A_615, %sub3A_635 : i32
    %select_n3A_637 = arith.select %and3A_634, %sub3A_636, %div3A_615 : i32
    %mul3A_638 = arith.constant 3200 : i32
    %mul3A_639 = arith.muli %select_n3A_637, %mul3A_638 : i32
    %rem3A_640 = arith.constant 8 : i32
    %rem3A_641 = arith.remsi %add3A_585, %rem3A_640 : i32
    %mul3A_642 = arith.constant 400 : i32
    %mul3A_643 = arith.muli %rem3A_641, %mul3A_642 : i32
    %add3A_644 = arith.addi %mul3A_639, %mul3A_643 : i32
    %mul3A_645 = arith.constant 32 : i32
    %mul3A_646 = arith.muli %rem3A_613, %mul3A_645 : i32
    %dma_start3A_647 = tpu.memref_slice %arg5[%add3A_644, %mul3A_646] : memref<25600x128xf32, #tpu.memory_space<hbm>> -> memref<400x32xf32, #tpu.memory_space<hbm>>
    %dma_start3A_648 = tpu.memref_slice %arg5[%add3A_644, %mul3A_646] : memref<25600x128xf32, #tpu.memory_space<hbm>> -> memref<400x32xf32, #tpu.memory_space<hbm>>
    tpu.enqueue_dma source(%arg8 : memref<400x32xf32, #tpu.memory_space<vmem>>) target(%dma_start3A_648 : memref<400x32xf32, #tpu.memory_space<hbm>>) target_semaphore(%arg16 : memref<!tpu.dma_semaphore, #tpu.memory_space<semaphore_mem>>)
    %dma_wait3A_649 = arith.constant 2800 : i32
    %dma_wait3A_650 = tpu.memref_slice %arg6[%dma_wait3A_649] : memref<3200xi32, #tpu.memory_space<vmem>> -> memref<400xi32, #tpu.memory_space<vmem>>
    %dma_wait3A_651 = arith.constant 0 : i32
    %dma_wait3A_652 = arith.constant 0 : i32
    %dma_wait3A_653 = tpu.memref_slice %arg2[%dma_wait3A_651, %dma_wait3A_652] : memref<10000x32xf32, #tpu.memory_space<hbm>> -> memref<10000x32xf32, #tpu.memory_space<hbm>>
    tpu.wait_indirect_dma semaphore(%arg13 : memref<!tpu.dma_semaphore, #tpu.memory_space<semaphore_mem>>) src(%dma_wait3A_653 : memref<10000x32xf32, #tpu.memory_space<hbm>>) dst(%arg9 : memref<400x32xf32, #tpu.memory_space<vmem>>)
    %dma_wait3A_654 = arith.constant 2800 : i32
    %dma_wait3A_655 = tpu.memref_slice %arg7[%dma_wait3A_654] : memref<3200xi32, #tpu.memory_space<vmem>> -> memref<400xi32, #tpu.memory_space<vmem>>
    %dma_wait3A_656 = arith.constant 0 : i32
    %dma_wait3A_657 = arith.constant 0 : i32
    %dma_wait3A_658 = tpu.memref_slice %arg3[%dma_wait3A_656, %dma_wait3A_657] : memref<10000x32xf32, #tpu.memory_space<hbm>> -> memref<10000x32xf32, #tpu.memory_space<hbm>>
    tpu.wait_indirect_dma semaphore(%arg15 : memref<!tpu.dma_semaphore, #tpu.memory_space<semaphore_mem>>) src(%dma_wait3A_658 : memref<10000x32xf32, #tpu.memory_space<hbm>>) dst(%arg11 : memref<400x32xf32, #tpu.memory_space<vmem>>)
    %scan3A_659 = arith.constant 0 : i32
    %scan3A_660 = arith.constant 400 : i32
    %scan3A_661 = arith.addi %scan3A_659, %scan3A_660 : i32
    %scan3A_662 = arith.constant 1 : i32
    scf.for %scan3A_733 = %scan3A_659 to %scan3A_661 step %scan3A_662  : i32 {
      %mul3A_734 = arith.constant 1 : i32
      %mul3A_735 = arith.muli %scan3A_733, %mul3A_734 : i32
      %add3A_736 = arith.constant 0 : i32
      %add3A_737 = arith.addi %add3A_736, %mul3A_735 : i32
      %get3A = arith.index_cast %add3A_737 : i32 to index
      %get3A_738 = arith.constant 0 : index
      %get3A_739 = tpu.vector_load %arg9[%get3A, %get3A_738] {strides = array<i32>} : memref<400x32xf32, #tpu.memory_space<vmem>>, vector<1x16xf32>,
      %get3A_740 = vector.shape_cast %get3A_739 : vector<1x16xf32> to vector<1x16xf32>
      %get3A_741 = arith.index_cast %add3A_737 : i32 to index
      %get3A_742 = arith.constant 0 : index
      %get3A_743 = tpu.vector_load %arg11[%get3A_741, %get3A_742] {strides = array<i32>} : memref<400x32xf32, #tpu.memory_space<vmem>>, vector<1x16xf32>,
      %get3A_744 = vector.shape_cast %get3A_743 : vector<1x16xf32> to vector<1x16xf32>
      %add3A_745 = arith.addf %get3A_740, %get3A_744 : vector<1x16xf32>
      %swap3A = arith.index_cast %add3A_737 : i32 to index
      %swap3A_746 = arith.constant 0 : index
      %swap3A_747 = tpu.vector_load %arg9[%swap3A, %swap3A_746] {strides = array<i32>} : memref<400x32xf32, #tpu.memory_space<vmem>>, vector<1x16xf32>,
      %swap3A_748 = vector.shape_cast %swap3A_747 : vector<1x16xf32> to vector<1x16xf32>
      %swap3A_749 = vector.shape_cast %add3A_745 : vector<1x16xf32> to vector<1x16xf32>
      tpu.vector_store %arg9[%swap3A, %swap3A_746], %swap3A_749 {strides = array<i32>} : memref<400x32xf32, #tpu.memory_space<vmem>>, vector<1x16xf32>,
      %get3A_750 = arith.index_cast %add3A_737 : i32 to index
      %get3A_751 = arith.constant 16 : index
      %get3A_752 = tpu.vector_load %arg9[%get3A_750, %get3A_751] {strides = array<i32>} : memref<400x32xf32, #tpu.memory_space<vmem>>, vector<1x16xf32>,
      %get3A_753 = vector.shape_cast %get3A_752 : vector<1x16xf32> to vector<1x16xf32>
      %get3A_754 = arith.index_cast %add3A_737 : i32 to index
      %get3A_755 = arith.constant 16 : index
      %get3A_756 = tpu.vector_load %arg11[%get3A_754, %get3A_755] {strides = array<i32>} : memref<400x32xf32, #tpu.memory_space<vmem>>, vector<1x16xf32>,
      %get3A_757 = vector.shape_cast %get3A_756 : vector<1x16xf32> to vector<1x16xf32>
      %add3A_758 = arith.addf %get3A_753, %get3A_757 : vector<1x16xf32>
      %swap3A_759 = arith.index_cast %add3A_737 : i32 to index
      %swap3A_760 = arith.constant 16 : index
      %swap3A_761 = tpu.vector_load %arg9[%swap3A_759, %swap3A_760] {strides = array<i32>} : memref<400x32xf32, #tpu.memory_space<vmem>>, vector<1x16xf32>,
      %swap3A_762 = vector.shape_cast %swap3A_761 : vector<1x16xf32> to vector<1x16xf32>
      %swap3A_763 = vector.shape_cast %add3A_758 : vector<1x16xf32> to vector<1x16xf32>
      tpu.vector_store %arg9[%swap3A_759, %swap3A_760], %swap3A_763 {strides = array<i32>} : memref<400x32xf32, #tpu.memory_space<vmem>>, vector<1x16xf32>,
    }
    %scan3A_663 = arith.constant 400 : i32
    %add3A_664 = arith.constant 7 : i32
    %add3A_665 = arith.addi %mul3A_2, %add3A_664 : i32
    %jit3A_666 = arith.constant 8 : i32
    %div3A_667 = arith.divsi %add3A_665, %jit3A_666 : i32
    %sign3A_668 = arith.constant 0 : i32
    %sign3A_669 = arith.cmpi sgt, %add3A_665, %sign3A_668 : i32
    %sign3A_670 = arith.extui %sign3A_669 : i1 to i32
    %sign3A_671 = arith.constant 0 : i32
    %sign3A_672 = arith.cmpi slt, %add3A_665, %sign3A_671 : i32
    %sign3A_673 = arith.extui %sign3A_672 : i1 to i32
    %sign3A_674 = arith.subi %sign3A_670, %sign3A_673 : i32
    %sign3A_675 = arith.constant 0 : i32
    %sign3A_676 = arith.cmpi sgt, %jit3A_666, %sign3A_675 : i32
    %sign3A_677 = arith.extui %sign3A_676 : i1 to i32
    %sign3A_678 = arith.constant 0 : i32
    %sign3A_679 = arith.cmpi slt, %jit3A_666, %sign3A_678 : i32
    %sign3A_680 = arith.extui %sign3A_679 : i1 to i32
    %sign3A_681 = arith.subi %sign3A_677, %sign3A_680 : i32
    %ne3A_682 = arith.cmpi ne, %sign3A_674, %sign3A_681 : i32
    %rem3A_683 = arith.remsi %add3A_665, %jit3A_666 : i32
    %ne3A_684 = arith.constant 0 : i32
    %ne3A_685 = arith.cmpi ne, %rem3A_683, %ne3A_684 : i32
    %and3A_686 = arith.andi %ne3A_682, %ne3A_685 : i1
    %sub3A_687 = arith.constant 1 : i32
    %sub3A_688 = arith.subi %div3A_667, %sub3A_687 : i32
    %select_n3A_689 = arith.select %and3A_686, %sub3A_688, %div3A_667 : i32
    %add3A_690 = arith.constant 0 : i32
    %add3A_691 = arith.addi %add3A_690, %select_n3A_689 : i32
    %rem3A_692 = arith.constant 4 : i32
    %rem3A_693 = arith.remsi %add3A_691, %rem3A_692 : i32
    %jit3A_694 = arith.constant 4 : i32
    %div3A_695 = arith.divsi %select_n3A_689, %jit3A_694 : i32
    %sign3A_696 = arith.constant 0 : i32
    %sign3A_697 = arith.cmpi sgt, %select_n3A_689, %sign3A_696 : i32
    %sign3A_698 = arith.extui %sign3A_697 : i1 to i32
    %sign3A_699 = arith.constant 0 : i32
    %sign3A_700 = arith.cmpi slt, %select_n3A_689, %sign3A_699 : i32
    %sign3A_701 = arith.extui %sign3A_700 : i1 to i32
    %sign3A_702 = arith.subi %sign3A_698, %sign3A_701 : i32
    %sign3A_703 = arith.constant 0 : i32
    %sign3A_704 = arith.cmpi sgt, %jit3A_694, %sign3A_703 : i32
    %sign3A_705 = arith.extui %sign3A_704 : i1 to i32
    %sign3A_706 = arith.constant 0 : i32
    %sign3A_707 = arith.cmpi slt, %jit3A_694, %sign3A_706 : i32
    %sign3A_708 = arith.extui %sign3A_707 : i1 to i32
    %sign3A_709 = arith.subi %sign3A_705, %sign3A_708 : i32
    %ne3A_710 = arith.cmpi ne, %sign3A_702, %sign3A_709 : i32
    %rem3A_711 = arith.remsi %select_n3A_689, %jit3A_694 : i32
    %ne3A_712 = arith.constant 0 : i32
    %ne3A_713 = arith.cmpi ne, %rem3A_711, %ne3A_712 : i32
    %and3A_714 = arith.andi %ne3A_710, %ne3A_713 : i1
    %sub3A_715 = arith.constant 1 : i32
    %sub3A_716 = arith.subi %div3A_695, %sub3A_715 : i32
    %select_n3A_717 = arith.select %and3A_714, %sub3A_716, %div3A_695 : i32
    %mul3A_718 = arith.constant 3200 : i32
    %mul3A_719 = arith.muli %select_n3A_717, %mul3A_718 : i32
    %rem3A_720 = arith.constant 8 : i32
    %rem3A_721 = arith.remsi %add3A_665, %rem3A_720 : i32
    %mul3A_722 = arith.constant 400 : i32
    %mul3A_723 = arith.muli %rem3A_721, %mul3A_722 : i32
    %add3A_724 = arith.addi %mul3A_719, %mul3A_723 : i32
    %mul3A_725 = arith.constant 32 : i32
    %mul3A_726 = arith.muli %rem3A_693, %mul3A_725 : i32
    %dma_start3A_727 = tpu.memref_slice %arg5[%add3A_724, %mul3A_726] : memref<25600x128xf32, #tpu.memory_space<hbm>> -> memref<400x32xf32, #tpu.memory_space<hbm>>
    %dma_start3A_728 = tpu.memref_slice %arg5[%add3A_724, %mul3A_726] : memref<25600x128xf32, #tpu.memory_space<hbm>> -> memref<400x32xf32, #tpu.memory_space<hbm>>
    tpu.enqueue_dma source(%arg9 : memref<400x32xf32, #tpu.memory_space<vmem>>) target(%dma_start3A_728 : memref<400x32xf32, #tpu.memory_space<hbm>>) target_semaphore(%arg17 : memref<!tpu.dma_semaphore, #tpu.memory_space<semaphore_mem>>)
    %dma_wait3A_729 = tpu.memref_slice %arg5[%add3A_644, %mul3A_646] : memref<25600x128xf32, #tpu.memory_space<hbm>> -> memref<400x32xf32, #tpu.memory_space<hbm>>
    %dma_wait3A_730 = tpu.memref_slice %arg5[%add3A_644, %mul3A_646] : memref<25600x128xf32, #tpu.memory_space<hbm>> -> memref<400x32xf32, #tpu.memory_space<hbm>>
    tpu.wait_dma2 semaphore(%arg16 : memref<!tpu.dma_semaphore, #tpu.memory_space<semaphore_mem>>) src(%arg8 : memref<400x32xf32, #tpu.memory_space<vmem>>) dst(%dma_wait3A_730 : memref<400x32xf32, #tpu.memory_space<hbm>>)
    %dma_wait3A_731 = tpu.memref_slice %arg5[%add3A_724, %mul3A_726] : memref<25600x128xf32, #tpu.memory_space<hbm>> -> memref<400x32xf32, #tpu.memory_space<hbm>>
    %dma_wait3A_732 = tpu.memref_slice %arg5[%add3A_724, %mul3A_726] : memref<25600x128xf32, #tpu.memory_space<hbm>> -> memref<400x32xf32, #tpu.memory_space<hbm>>
    tpu.wait_dma2 semaphore(%arg17 : memref<!tpu.dma_semaphore, #tpu.memory_space<semaphore_mem>>) src(%arg9 : memref<400x32xf32, #tpu.memory_space<vmem>>) dst(%dma_wait3A_732 : memref<400x32xf32, #tpu.memory_space<hbm>>)
    return
  }
}

#map = affine_map<(d0, d1) -> (0, 0)>
module attributes {stable_mosaic.version = 14 : i64} {
  func.func @k(%arg0: i32, %arg1: i32, %arg2: memref<10000x32xf32, #tpu.memory_space<hbm>>, %arg3: memref<10000x32xf32, #tpu.memory_space<hbm>>, %arg4: memref<2x320000xi32, #tpu.memory_space<hbm>>, %arg5: memref<19200x128xf32, #tpu.memory_space<hbm>>, %arg6: memref<2400xi32, #tpu.memory_space<vmem>>, %arg7: memref<2400xi32, #tpu.memory_space<vmem>>, %arg8: memref<400x32xf32, #tpu.memory_space<vmem>>, %arg9: memref<400x32xf32, #tpu.memory_space<vmem>>, %arg10: memref<400x32xf32, #tpu.memory_space<vmem>>, %arg11: memref<400x32xf32, #tpu.memory_space<vmem>>, %arg12: memref<!tpu.dma_semaphore, #tpu.memory_space<semaphore_mem>>, %arg13: memref<!tpu.dma_semaphore, #tpu.memory_space<semaphore_mem>>, %arg14: memref<!tpu.dma_semaphore, #tpu.memory_space<semaphore_mem>>, %arg15: memref<!tpu.dma_semaphore, #tpu.memory_space<semaphore_mem>>, %arg16: memref<!tpu.dma_semaphore, #tpu.memory_space<semaphore_mem>>, %arg17: memref<!tpu.dma_semaphore, #tpu.memory_space<semaphore_mem>>) attributes {dimension_semantics = [#tpu.dimension_semantics<core_parallel>, #tpu.dimension_semantics<subcore_parallel>], iteration_bounds = array<i64: 2, 16>, scalar_prefetch = 0 : i64, scratch_operands = 12 : i64, tpu.core_type = #tpu.core_type<sc_vector_subcore>, window_params = [{transform_indices = #map}, {transform_indices = #map}, {transform_indices = #map}, {transform_indices = #map}]} {
    %mul3A = arith.constant 2 : i32
    %mul3A_0 = arith.muli %arg1, %mul3A : i32
    %add3A = arith.addi %mul3A_0, %arg0 : i32
    %mul3A_1 = arith.constant 6 : i32
    %mul3A_2 = arith.muli %add3A, %mul3A_1 : i32
    %mul3A_3 = arith.constant 400 : i32
    %mul3A_4 = arith.muli %mul3A_2, %mul3A_3 : i32
    %add3A_5 = arith.constant 204800 : i32
    %add3A_6 = arith.addi %add3A_5, %mul3A_4 : i32
    %run_scoped3A = arith.constant 0 : i32
    "tpu.region"() ({
      %run_scoped3A_549 = tpu.sem_alloc : memref<!tpu.dma_semaphore, #tpu.memory_space<semaphore_mem>>
      %dma_start3A_550 = tpu.memref_slice %arg4[%run_scoped3A, %add3A_6] : memref<2x320000xi32, #tpu.memory_space<hbm>> -> memref<1x2400xi32, #tpu.memory_space<hbm>>
      %dma_start3A_551 = tpu.memref_squeeze %dma_start3A_550 : memref<1x2400xi32, #tpu.memory_space<hbm>> -> memref<2400xi32, #tpu.memory_space<hbm>>
      %dma_start3A_552 = tpu.memref_slice %arg4[%run_scoped3A, %add3A_6] : memref<2x320000xi32, #tpu.memory_space<hbm>> -> memref<1x2400xi32, #tpu.memory_space<hbm>>
      %dma_start3A_553 = tpu.memref_squeeze %dma_start3A_552 : memref<1x2400xi32, #tpu.memory_space<hbm>> -> memref<2400xi32, #tpu.memory_space<hbm>>
      tpu.enqueue_dma source(%dma_start3A_553 : memref<2400xi32, #tpu.memory_space<hbm>>) target(%arg6 : memref<2400xi32, #tpu.memory_space<vmem>>) target_semaphore(%run_scoped3A_549 : memref<!tpu.dma_semaphore, #tpu.memory_space<semaphore_mem>>)
      %dma_wait3A_554 = tpu.memref_slice %arg4[%run_scoped3A, %add3A_6] : memref<2x320000xi32, #tpu.memory_space<hbm>> -> memref<1x2400xi32, #tpu.memory_space<hbm>>
      %dma_wait3A_555 = tpu.memref_squeeze %dma_wait3A_554 : memref<1x2400xi32, #tpu.memory_space<hbm>> -> memref<2400xi32, #tpu.memory_space<hbm>>
      %dma_wait3A_556 = tpu.memref_slice %arg4[%run_scoped3A, %add3A_6] : memref<2x320000xi32, #tpu.memory_space<hbm>> -> memref<1x2400xi32, #tpu.memory_space<hbm>>
      %dma_wait3A_557 = tpu.memref_squeeze %dma_wait3A_556 : memref<1x2400xi32, #tpu.memory_space<hbm>> -> memref<2400xi32, #tpu.memory_space<hbm>>
      tpu.wait_dma2 semaphore(%run_scoped3A_549 : memref<!tpu.dma_semaphore, #tpu.memory_space<semaphore_mem>>) src(%dma_wait3A_557 : memref<2400xi32, #tpu.memory_space<hbm>>) dst(%arg6 : memref<2400xi32, #tpu.memory_space<vmem>>)
      tpu.yield
    }) : () -> ()
    %run_scoped3A_7 = arith.constant 1 : i32
    "tpu.region"() ({
      %run_scoped3A_549 = tpu.sem_alloc : memref<!tpu.dma_semaphore, #tpu.memory_space<semaphore_mem>>
      %dma_start3A_550 = tpu.memref_slice %arg4[%run_scoped3A_7, %add3A_6] : memref<2x320000xi32, #tpu.memory_space<hbm>> -> memref<1x2400xi32, #tpu.memory_space<hbm>>
      %dma_start3A_551 = tpu.memref_squeeze %dma_start3A_550 : memref<1x2400xi32, #tpu.memory_space<hbm>> -> memref<2400xi32, #tpu.memory_space<hbm>>
      %dma_start3A_552 = tpu.memref_slice %arg4[%run_scoped3A_7, %add3A_6] : memref<2x320000xi32, #tpu.memory_space<hbm>> -> memref<1x2400xi32, #tpu.memory_space<hbm>>
      %dma_start3A_553 = tpu.memref_squeeze %dma_start3A_552 : memref<1x2400xi32, #tpu.memory_space<hbm>> -> memref<2400xi32, #tpu.memory_space<hbm>>
      tpu.enqueue_dma source(%dma_start3A_553 : memref<2400xi32, #tpu.memory_space<hbm>>) target(%arg7 : memref<2400xi32, #tpu.memory_space<vmem>>) target_semaphore(%run_scoped3A_549 : memref<!tpu.dma_semaphore, #tpu.memory_space<semaphore_mem>>)
      %dma_wait3A_554 = tpu.memref_slice %arg4[%run_scoped3A_7, %add3A_6] : memref<2x320000xi32, #tpu.memory_space<hbm>> -> memref<1x2400xi32, #tpu.memory_space<hbm>>
      %dma_wait3A_555 = tpu.memref_squeeze %dma_wait3A_554 : memref<1x2400xi32, #tpu.memory_space<hbm>> -> memref<2400xi32, #tpu.memory_space<hbm>>
      %dma_wait3A_556 = tpu.memref_slice %arg4[%run_scoped3A_7, %add3A_6] : memref<2x320000xi32, #tpu.memory_space<hbm>> -> memref<1x2400xi32, #tpu.memory_space<hbm>>
      %dma_wait3A_557 = tpu.memref_squeeze %dma_wait3A_556 : memref<1x2400xi32, #tpu.memory_space<hbm>> -> memref<2400xi32, #tpu.memory_space<hbm>>
      tpu.wait_dma2 semaphore(%run_scoped3A_549 : memref<!tpu.dma_semaphore, #tpu.memory_space<semaphore_mem>>) src(%dma_wait3A_557 : memref<2400xi32, #tpu.memory_space<hbm>>) dst(%arg7 : memref<2400xi32, #tpu.memory_space<vmem>>)
      tpu.yield
    }) : () -> ()
    %dma_start3A = arith.constant 0 : i32
    %dma_start3A_8 = tpu.memref_slice %arg6[%dma_start3A] : memref<2400xi32, #tpu.memory_space<vmem>> -> memref<400xi32, #tpu.memory_space<vmem>>
    %dma_start3A_9 = arith.constant 0 : i32
    %dma_start3A_10 = arith.constant 0 : i32
    %dma_start3A_11 = tpu.memref_slice %arg2[%dma_start3A_9, %dma_start3A_10] : memref<10000x32xf32, #tpu.memory_space<hbm>> -> memref<10000x32xf32, #tpu.memory_space<hbm>>
    tpu.enqueue_indirect_dma source(%dma_start3A_11 : memref<10000x32xf32, #tpu.memory_space<hbm>>) target(%arg8 : memref<400x32xf32, #tpu.memory_space<vmem>>) offsets(%dma_start3A_8 : memref<400xi32, #tpu.memory_space<vmem>>) semaphore(%arg12 : memref<!tpu.dma_semaphore, #tpu.memory_space<semaphore_mem>>)
    %dma_start3A_12 = arith.constant 0 : i32
    %dma_start3A_13 = tpu.memref_slice %arg7[%dma_start3A_12] : memref<2400xi32, #tpu.memory_space<vmem>> -> memref<400xi32, #tpu.memory_space<vmem>>
    %dma_start3A_14 = arith.constant 0 : i32
    %dma_start3A_15 = arith.constant 0 : i32
    %dma_start3A_16 = tpu.memref_slice %arg3[%dma_start3A_14, %dma_start3A_15] : memref<10000x32xf32, #tpu.memory_space<hbm>> -> memref<10000x32xf32, #tpu.memory_space<hbm>>
    tpu.enqueue_indirect_dma source(%dma_start3A_16 : memref<10000x32xf32, #tpu.memory_space<hbm>>) target(%arg10 : memref<400x32xf32, #tpu.memory_space<vmem>>) offsets(%dma_start3A_13 : memref<400xi32, #tpu.memory_space<vmem>>) semaphore(%arg14 : memref<!tpu.dma_semaphore, #tpu.memory_space<semaphore_mem>>)
    %dma_start3A_17 = arith.constant 400 : i32
    %dma_start3A_18 = tpu.memref_slice %arg6[%dma_start3A_17] : memref<2400xi32, #tpu.memory_space<vmem>> -> memref<400xi32, #tpu.memory_space<vmem>>
    %dma_start3A_19 = arith.constant 0 : i32
    %dma_start3A_20 = arith.constant 0 : i32
    %dma_start3A_21 = tpu.memref_slice %arg2[%dma_start3A_19, %dma_start3A_20] : memref<10000x32xf32, #tpu.memory_space<hbm>> -> memref<10000x32xf32, #tpu.memory_space<hbm>>
    tpu.enqueue_indirect_dma source(%dma_start3A_21 : memref<10000x32xf32, #tpu.memory_space<hbm>>) target(%arg9 : memref<400x32xf32, #tpu.memory_space<vmem>>) offsets(%dma_start3A_18 : memref<400xi32, #tpu.memory_space<vmem>>) semaphore(%arg13 : memref<!tpu.dma_semaphore, #tpu.memory_space<semaphore_mem>>)
    %dma_start3A_22 = arith.constant 400 : i32
    %dma_start3A_23 = tpu.memref_slice %arg7[%dma_start3A_22] : memref<2400xi32, #tpu.memory_space<vmem>> -> memref<400xi32, #tpu.memory_space<vmem>>
    %dma_start3A_24 = arith.constant 0 : i32
    %dma_start3A_25 = arith.constant 0 : i32
    %dma_start3A_26 = tpu.memref_slice %arg3[%dma_start3A_24, %dma_start3A_25] : memref<10000x32xf32, #tpu.memory_space<hbm>> -> memref<10000x32xf32, #tpu.memory_space<hbm>>
    tpu.enqueue_indirect_dma source(%dma_start3A_26 : memref<10000x32xf32, #tpu.memory_space<hbm>>) target(%arg11 : memref<400x32xf32, #tpu.memory_space<vmem>>) offsets(%dma_start3A_23 : memref<400xi32, #tpu.memory_space<vmem>>) semaphore(%arg15 : memref<!tpu.dma_semaphore, #tpu.memory_space<semaphore_mem>>)
    %dma_wait3A = arith.constant 0 : i32
    %dma_wait3A_27 = tpu.memref_slice %arg6[%dma_wait3A] : memref<2400xi32, #tpu.memory_space<vmem>> -> memref<400xi32, #tpu.memory_space<vmem>>
    %dma_wait3A_28 = arith.constant 0 : i32
    %dma_wait3A_29 = arith.constant 0 : i32
    %dma_wait3A_30 = tpu.memref_slice %arg2[%dma_wait3A_28, %dma_wait3A_29] : memref<10000x32xf32, #tpu.memory_space<hbm>> -> memref<10000x32xf32, #tpu.memory_space<hbm>>
    tpu.wait_indirect_dma semaphore(%arg12 : memref<!tpu.dma_semaphore, #tpu.memory_space<semaphore_mem>>) src(%dma_wait3A_30 : memref<10000x32xf32, #tpu.memory_space<hbm>>) dst(%arg8 : memref<400x32xf32, #tpu.memory_space<vmem>>)
    %dma_wait3A_31 = arith.constant 0 : i32
    %dma_wait3A_32 = tpu.memref_slice %arg7[%dma_wait3A_31] : memref<2400xi32, #tpu.memory_space<vmem>> -> memref<400xi32, #tpu.memory_space<vmem>>
    %dma_wait3A_33 = arith.constant 0 : i32
    %dma_wait3A_34 = arith.constant 0 : i32
    %dma_wait3A_35 = tpu.memref_slice %arg3[%dma_wait3A_33, %dma_wait3A_34] : memref<10000x32xf32, #tpu.memory_space<hbm>> -> memref<10000x32xf32, #tpu.memory_space<hbm>>
    tpu.wait_indirect_dma semaphore(%arg14 : memref<!tpu.dma_semaphore, #tpu.memory_space<semaphore_mem>>) src(%dma_wait3A_35 : memref<10000x32xf32, #tpu.memory_space<hbm>>) dst(%arg10 : memref<400x32xf32, #tpu.memory_space<vmem>>)
    %scan3A = arith.constant 0 : i32
    %scan3A_36 = arith.constant 400 : i32
    %scan3A_37 = arith.addi %scan3A, %scan3A_36 : i32
    %scan3A_38 = arith.constant 1 : i32
    scf.for %scan3A_549 = %scan3A to %scan3A_37 step %scan3A_38  : i32 {
      %mul3A_550 = arith.constant 1 : i32
      %mul3A_551 = arith.muli %scan3A_549, %mul3A_550 : i32
      %add3A_552 = arith.constant 0 : i32
      %add3A_553 = arith.addi %add3A_552, %mul3A_551 : i32
      %get3A = arith.index_cast %add3A_553 : i32 to index
      %get3A_554 = arith.constant 0 : index
      %get3A_555 = tpu.vector_load %arg8[%get3A, %get3A_554] {strides = array<i32>} : memref<400x32xf32, #tpu.memory_space<vmem>>, vector<1x16xf32>,
      %get3A_556 = vector.shape_cast %get3A_555 : vector<1x16xf32> to vector<1x16xf32>
      %get3A_557 = arith.index_cast %add3A_553 : i32 to index
      %get3A_558 = arith.constant 0 : index
      %get3A_559 = tpu.vector_load %arg10[%get3A_557, %get3A_558] {strides = array<i32>} : memref<400x32xf32, #tpu.memory_space<vmem>>, vector<1x16xf32>,
      %get3A_560 = vector.shape_cast %get3A_559 : vector<1x16xf32> to vector<1x16xf32>
      %add3A_561 = arith.addf %get3A_556, %get3A_560 : vector<1x16xf32>
      %swap3A = arith.index_cast %add3A_553 : i32 to index
      %swap3A_562 = arith.constant 0 : index
      %swap3A_563 = tpu.vector_load %arg8[%swap3A, %swap3A_562] {strides = array<i32>} : memref<400x32xf32, #tpu.memory_space<vmem>>, vector<1x16xf32>,
      %swap3A_564 = vector.shape_cast %swap3A_563 : vector<1x16xf32> to vector<1x16xf32>
      %swap3A_565 = vector.shape_cast %add3A_561 : vector<1x16xf32> to vector<1x16xf32>
      tpu.vector_store %arg8[%swap3A, %swap3A_562], %swap3A_565 {strides = array<i32>} : memref<400x32xf32, #tpu.memory_space<vmem>>, vector<1x16xf32>,
      %get3A_566 = arith.index_cast %add3A_553 : i32 to index
      %get3A_567 = arith.constant 16 : index
      %get3A_568 = tpu.vector_load %arg8[%get3A_566, %get3A_567] {strides = array<i32>} : memref<400x32xf32, #tpu.memory_space<vmem>>, vector<1x16xf32>,
      %get3A_569 = vector.shape_cast %get3A_568 : vector<1x16xf32> to vector<1x16xf32>
      %get3A_570 = arith.index_cast %add3A_553 : i32 to index
      %get3A_571 = arith.constant 16 : index
      %get3A_572 = tpu.vector_load %arg10[%get3A_570, %get3A_571] {strides = array<i32>} : memref<400x32xf32, #tpu.memory_space<vmem>>, vector<1x16xf32>,
      %get3A_573 = vector.shape_cast %get3A_572 : vector<1x16xf32> to vector<1x16xf32>
      %add3A_574 = arith.addf %get3A_569, %get3A_573 : vector<1x16xf32>
      %swap3A_575 = arith.index_cast %add3A_553 : i32 to index
      %swap3A_576 = arith.constant 16 : index
      %swap3A_577 = tpu.vector_load %arg8[%swap3A_575, %swap3A_576] {strides = array<i32>} : memref<400x32xf32, #tpu.memory_space<vmem>>, vector<1x16xf32>,
      %swap3A_578 = vector.shape_cast %swap3A_577 : vector<1x16xf32> to vector<1x16xf32>
      %swap3A_579 = vector.shape_cast %add3A_574 : vector<1x16xf32> to vector<1x16xf32>
      tpu.vector_store %arg8[%swap3A_575, %swap3A_576], %swap3A_579 {strides = array<i32>} : memref<400x32xf32, #tpu.memory_space<vmem>>, vector<1x16xf32>,
    }
    %scan3A_39 = arith.constant 400 : i32
    %add3A_40 = arith.constant 0 : i32
    %add3A_41 = arith.addi %mul3A_2, %add3A_40 : i32
    %jit3A = arith.constant 8 : i32
    %div3A = arith.divsi %add3A_41, %jit3A : i32
    %sign3A = arith.constant 0 : i32
    %sign3A_42 = arith.cmpi sgt, %add3A_41, %sign3A : i32
    %sign3A_43 = arith.extui %sign3A_42 : i1 to i32
    %sign3A_44 = arith.constant 0 : i32
    %sign3A_45 = arith.cmpi slt, %add3A_41, %sign3A_44 : i32
    %sign3A_46 = arith.extui %sign3A_45 : i1 to i32
    %sign3A_47 = arith.subi %sign3A_43, %sign3A_46 : i32
    %sign3A_48 = arith.constant 0 : i32
    %sign3A_49 = arith.cmpi sgt, %jit3A, %sign3A_48 : i32
    %sign3A_50 = arith.extui %sign3A_49 : i1 to i32
    %sign3A_51 = arith.constant 0 : i32
    %sign3A_52 = arith.cmpi slt, %jit3A, %sign3A_51 : i32
    %sign3A_53 = arith.extui %sign3A_52 : i1 to i32
    %sign3A_54 = arith.subi %sign3A_50, %sign3A_53 : i32
    %ne3A = arith.cmpi ne, %sign3A_47, %sign3A_54 : i32
    %rem3A = arith.remsi %add3A_41, %jit3A : i32
    %ne3A_55 = arith.constant 0 : i32
    %ne3A_56 = arith.cmpi ne, %rem3A, %ne3A_55 : i32
    %and3A = arith.andi %ne3A, %ne3A_56 : i1
    %sub3A = arith.constant 1 : i32
    %sub3A_57 = arith.subi %div3A, %sub3A : i32
    %select_n3A = arith.select %and3A, %sub3A_57, %div3A : i32
    %add3A_58 = arith.constant 64 : i32
    %add3A_59 = arith.addi %add3A_58, %select_n3A : i32
    %rem3A_60 = arith.constant 4 : i32
    %rem3A_61 = arith.remsi %add3A_59, %rem3A_60 : i32
    %jit3A_62 = arith.constant 4 : i32
    %div3A_63 = arith.divsi %select_n3A, %jit3A_62 : i32
    %sign3A_64 = arith.constant 0 : i32
    %sign3A_65 = arith.cmpi sgt, %select_n3A, %sign3A_64 : i32
    %sign3A_66 = arith.extui %sign3A_65 : i1 to i32
    %sign3A_67 = arith.constant 0 : i32
    %sign3A_68 = arith.cmpi slt, %select_n3A, %sign3A_67 : i32
    %sign3A_69 = arith.extui %sign3A_68 : i1 to i32
    %sign3A_70 = arith.subi %sign3A_66, %sign3A_69 : i32
    %sign3A_71 = arith.constant 0 : i32
    %sign3A_72 = arith.cmpi sgt, %jit3A_62, %sign3A_71 : i32
    %sign3A_73 = arith.extui %sign3A_72 : i1 to i32
    %sign3A_74 = arith.constant 0 : i32
    %sign3A_75 = arith.cmpi slt, %jit3A_62, %sign3A_74 : i32
    %sign3A_76 = arith.extui %sign3A_75 : i1 to i32
    %sign3A_77 = arith.subi %sign3A_73, %sign3A_76 : i32
    %ne3A_78 = arith.cmpi ne, %sign3A_70, %sign3A_77 : i32
    %rem3A_79 = arith.remsi %select_n3A, %jit3A_62 : i32
    %ne3A_80 = arith.constant 0 : i32
    %ne3A_81 = arith.cmpi ne, %rem3A_79, %ne3A_80 : i32
    %and3A_82 = arith.andi %ne3A_78, %ne3A_81 : i1
    %sub3A_83 = arith.constant 1 : i32
    %sub3A_84 = arith.subi %div3A_63, %sub3A_83 : i32
    %select_n3A_85 = arith.select %and3A_82, %sub3A_84, %div3A_63 : i32
    %mul3A_86 = arith.constant 3200 : i32
    %mul3A_87 = arith.muli %select_n3A_85, %mul3A_86 : i32
    %rem3A_88 = arith.constant 8 : i32
    %rem3A_89 = arith.remsi %add3A_41, %rem3A_88 : i32
    %mul3A_90 = arith.constant 400 : i32
    %mul3A_91 = arith.muli %rem3A_89, %mul3A_90 : i32
    %add3A_92 = arith.addi %mul3A_87, %mul3A_91 : i32
    %mul3A_93 = arith.constant 32 : i32
    %mul3A_94 = arith.muli %rem3A_61, %mul3A_93 : i32
    %dma_start3A_95 = tpu.memref_slice %arg5[%add3A_92, %mul3A_94] : memref<19200x128xf32, #tpu.memory_space<hbm>> -> memref<400x32xf32, #tpu.memory_space<hbm>>
    %dma_start3A_96 = tpu.memref_slice %arg5[%add3A_92, %mul3A_94] : memref<19200x128xf32, #tpu.memory_space<hbm>> -> memref<400x32xf32, #tpu.memory_space<hbm>>
    tpu.enqueue_dma source(%arg8 : memref<400x32xf32, #tpu.memory_space<vmem>>) target(%dma_start3A_96 : memref<400x32xf32, #tpu.memory_space<hbm>>) target_semaphore(%arg16 : memref<!tpu.dma_semaphore, #tpu.memory_space<semaphore_mem>>)
    %dma_wait3A_97 = tpu.memref_slice %arg5[%add3A_92, %mul3A_94] : memref<19200x128xf32, #tpu.memory_space<hbm>> -> memref<400x32xf32, #tpu.memory_space<hbm>>
    %dma_wait3A_98 = tpu.memref_slice %arg5[%add3A_92, %mul3A_94] : memref<19200x128xf32, #tpu.memory_space<hbm>> -> memref<400x32xf32, #tpu.memory_space<hbm>>
    tpu.wait_dma2 semaphore(%arg16 : memref<!tpu.dma_semaphore, #tpu.memory_space<semaphore_mem>>) src(%arg8 : memref<400x32xf32, #tpu.memory_space<vmem>>) dst(%dma_wait3A_98 : memref<400x32xf32, #tpu.memory_space<hbm>>)
    %dma_start3A_99 = arith.constant 800 : i32
    %dma_start3A_100 = tpu.memref_slice %arg6[%dma_start3A_99] : memref<2400xi32, #tpu.memory_space<vmem>> -> memref<400xi32, #tpu.memory_space<vmem>>
    %dma_start3A_101 = arith.constant 0 : i32
    %dma_start3A_102 = arith.constant 0 : i32
    %dma_start3A_103 = tpu.memref_slice %arg2[%dma_start3A_101, %dma_start3A_102] : memref<10000x32xf32, #tpu.memory_space<hbm>> -> memref<10000x32xf32, #tpu.memory_space<hbm>>
    tpu.enqueue_indirect_dma source(%dma_start3A_103 : memref<10000x32xf32, #tpu.memory_space<hbm>>) target(%arg8 : memref<400x32xf32, #tpu.memory_space<vmem>>) offsets(%dma_start3A_100 : memref<400xi32, #tpu.memory_space<vmem>>) semaphore(%arg12 : memref<!tpu.dma_semaphore, #tpu.memory_space<semaphore_mem>>)
    %dma_start3A_104 = arith.constant 800 : i32
    %dma_start3A_105 = tpu.memref_slice %arg7[%dma_start3A_104] : memref<2400xi32, #tpu.memory_space<vmem>> -> memref<400xi32, #tpu.memory_space<vmem>>
    %dma_start3A_106 = arith.constant 0 : i32
    %dma_start3A_107 = arith.constant 0 : i32
    %dma_start3A_108 = tpu.memref_slice %arg3[%dma_start3A_106, %dma_start3A_107] : memref<10000x32xf32, #tpu.memory_space<hbm>> -> memref<10000x32xf32, #tpu.memory_space<hbm>>
    tpu.enqueue_indirect_dma source(%dma_start3A_108 : memref<10000x32xf32, #tpu.memory_space<hbm>>) target(%arg10 : memref<400x32xf32, #tpu.memory_space<vmem>>) offsets(%dma_start3A_105 : memref<400xi32, #tpu.memory_space<vmem>>) semaphore(%arg14 : memref<!tpu.dma_semaphore, #tpu.memory_space<semaphore_mem>>)
    %dma_wait3A_109 = arith.constant 400 : i32
    %dma_wait3A_110 = tpu.memref_slice %arg6[%dma_wait3A_109] : memref<2400xi32, #tpu.memory_space<vmem>> -> memref<400xi32, #tpu.memory_space<vmem>>
    %dma_wait3A_111 = arith.constant 0 : i32
    %dma_wait3A_112 = arith.constant 0 : i32
    %dma_wait3A_113 = tpu.memref_slice %arg2[%dma_wait3A_111, %dma_wait3A_112] : memref<10000x32xf32, #tpu.memory_space<hbm>> -> memref<10000x32xf32, #tpu.memory_space<hbm>>
    tpu.wait_indirect_dma semaphore(%arg13 : memref<!tpu.dma_semaphore, #tpu.memory_space<semaphore_mem>>) src(%dma_wait3A_113 : memref<10000x32xf32, #tpu.memory_space<hbm>>) dst(%arg9 : memref<400x32xf32, #tpu.memory_space<vmem>>)
    %dma_wait3A_114 = arith.constant 400 : i32
    %dma_wait3A_115 = tpu.memref_slice %arg7[%dma_wait3A_114] : memref<2400xi32, #tpu.memory_space<vmem>> -> memref<400xi32, #tpu.memory_space<vmem>>
    %dma_wait3A_116 = arith.constant 0 : i32
    %dma_wait3A_117 = arith.constant 0 : i32
    %dma_wait3A_118 = tpu.memref_slice %arg3[%dma_wait3A_116, %dma_wait3A_117] : memref<10000x32xf32, #tpu.memory_space<hbm>> -> memref<10000x32xf32, #tpu.memory_space<hbm>>
    tpu.wait_indirect_dma semaphore(%arg15 : memref<!tpu.dma_semaphore, #tpu.memory_space<semaphore_mem>>) src(%dma_wait3A_118 : memref<10000x32xf32, #tpu.memory_space<hbm>>) dst(%arg11 : memref<400x32xf32, #tpu.memory_space<vmem>>)
    %scan3A_119 = arith.constant 0 : i32
    %scan3A_120 = arith.constant 400 : i32
    %scan3A_121 = arith.addi %scan3A_119, %scan3A_120 : i32
    %scan3A_122 = arith.constant 1 : i32
    scf.for %scan3A_549 = %scan3A_119 to %scan3A_121 step %scan3A_122  : i32 {
      %mul3A_550 = arith.constant 1 : i32
      %mul3A_551 = arith.muli %scan3A_549, %mul3A_550 : i32
      %add3A_552 = arith.constant 0 : i32
      %add3A_553 = arith.addi %add3A_552, %mul3A_551 : i32
      %get3A = arith.index_cast %add3A_553 : i32 to index
      %get3A_554 = arith.constant 0 : index
      %get3A_555 = tpu.vector_load %arg9[%get3A, %get3A_554] {strides = array<i32>} : memref<400x32xf32, #tpu.memory_space<vmem>>, vector<1x16xf32>,
      %get3A_556 = vector.shape_cast %get3A_555 : vector<1x16xf32> to vector<1x16xf32>
      %get3A_557 = arith.index_cast %add3A_553 : i32 to index
      %get3A_558 = arith.constant 0 : index
      %get3A_559 = tpu.vector_load %arg11[%get3A_557, %get3A_558] {strides = array<i32>} : memref<400x32xf32, #tpu.memory_space<vmem>>, vector<1x16xf32>,
      %get3A_560 = vector.shape_cast %get3A_559 : vector<1x16xf32> to vector<1x16xf32>
      %add3A_561 = arith.addf %get3A_556, %get3A_560 : vector<1x16xf32>
      %swap3A = arith.index_cast %add3A_553 : i32 to index
      %swap3A_562 = arith.constant 0 : index
      %swap3A_563 = tpu.vector_load %arg9[%swap3A, %swap3A_562] {strides = array<i32>} : memref<400x32xf32, #tpu.memory_space<vmem>>, vector<1x16xf32>,
      %swap3A_564 = vector.shape_cast %swap3A_563 : vector<1x16xf32> to vector<1x16xf32>
      %swap3A_565 = vector.shape_cast %add3A_561 : vector<1x16xf32> to vector<1x16xf32>
      tpu.vector_store %arg9[%swap3A, %swap3A_562], %swap3A_565 {strides = array<i32>} : memref<400x32xf32, #tpu.memory_space<vmem>>, vector<1x16xf32>,
      %get3A_566 = arith.index_cast %add3A_553 : i32 to index
      %get3A_567 = arith.constant 16 : index
      %get3A_568 = tpu.vector_load %arg9[%get3A_566, %get3A_567] {strides = array<i32>} : memref<400x32xf32, #tpu.memory_space<vmem>>, vector<1x16xf32>,
      %get3A_569 = vector.shape_cast %get3A_568 : vector<1x16xf32> to vector<1x16xf32>
      %get3A_570 = arith.index_cast %add3A_553 : i32 to index
      %get3A_571 = arith.constant 16 : index
      %get3A_572 = tpu.vector_load %arg11[%get3A_570, %get3A_571] {strides = array<i32>} : memref<400x32xf32, #tpu.memory_space<vmem>>, vector<1x16xf32>,
      %get3A_573 = vector.shape_cast %get3A_572 : vector<1x16xf32> to vector<1x16xf32>
      %add3A_574 = arith.addf %get3A_569, %get3A_573 : vector<1x16xf32>
      %swap3A_575 = arith.index_cast %add3A_553 : i32 to index
      %swap3A_576 = arith.constant 16 : index
      %swap3A_577 = tpu.vector_load %arg9[%swap3A_575, %swap3A_576] {strides = array<i32>} : memref<400x32xf32, #tpu.memory_space<vmem>>, vector<1x16xf32>,
      %swap3A_578 = vector.shape_cast %swap3A_577 : vector<1x16xf32> to vector<1x16xf32>
      %swap3A_579 = vector.shape_cast %add3A_574 : vector<1x16xf32> to vector<1x16xf32>
      tpu.vector_store %arg9[%swap3A_575, %swap3A_576], %swap3A_579 {strides = array<i32>} : memref<400x32xf32, #tpu.memory_space<vmem>>, vector<1x16xf32>,
    }
    %scan3A_123 = arith.constant 400 : i32
    %add3A_124 = arith.constant 1 : i32
    %add3A_125 = arith.addi %mul3A_2, %add3A_124 : i32
    %jit3A_126 = arith.constant 8 : i32
    %div3A_127 = arith.divsi %add3A_125, %jit3A_126 : i32
    %sign3A_128 = arith.constant 0 : i32
    %sign3A_129 = arith.cmpi sgt, %add3A_125, %sign3A_128 : i32
    %sign3A_130 = arith.extui %sign3A_129 : i1 to i32
    %sign3A_131 = arith.constant 0 : i32
    %sign3A_132 = arith.cmpi slt, %add3A_125, %sign3A_131 : i32
    %sign3A_133 = arith.extui %sign3A_132 : i1 to i32
    %sign3A_134 = arith.subi %sign3A_130, %sign3A_133 : i32
    %sign3A_135 = arith.constant 0 : i32
    %sign3A_136 = arith.cmpi sgt, %jit3A_126, %sign3A_135 : i32
    %sign3A_137 = arith.extui %sign3A_136 : i1 to i32
    %sign3A_138 = arith.constant 0 : i32
    %sign3A_139 = arith.cmpi slt, %jit3A_126, %sign3A_138 : i32
    %sign3A_140 = arith.extui %sign3A_139 : i1 to i32
    %sign3A_141 = arith.subi %sign3A_137, %sign3A_140 : i32
    %ne3A_142 = arith.cmpi ne, %sign3A_134, %sign3A_141 : i32
    %rem3A_143 = arith.remsi %add3A_125, %jit3A_126 : i32
    %ne3A_144 = arith.constant 0 : i32
    %ne3A_145 = arith.cmpi ne, %rem3A_143, %ne3A_144 : i32
    %and3A_146 = arith.andi %ne3A_142, %ne3A_145 : i1
    %sub3A_147 = arith.constant 1 : i32
    %sub3A_148 = arith.subi %div3A_127, %sub3A_147 : i32
    %select_n3A_149 = arith.select %and3A_146, %sub3A_148, %div3A_127 : i32
    %add3A_150 = arith.constant 64 : i32
    %add3A_151 = arith.addi %add3A_150, %select_n3A_149 : i32
    %rem3A_152 = arith.constant 4 : i32
    %rem3A_153 = arith.remsi %add3A_151, %rem3A_152 : i32
    %jit3A_154 = arith.constant 4 : i32
    %div3A_155 = arith.divsi %select_n3A_149, %jit3A_154 : i32
    %sign3A_156 = arith.constant 0 : i32
    %sign3A_157 = arith.cmpi sgt, %select_n3A_149, %sign3A_156 : i32
    %sign3A_158 = arith.extui %sign3A_157 : i1 to i32
    %sign3A_159 = arith.constant 0 : i32
    %sign3A_160 = arith.cmpi slt, %select_n3A_149, %sign3A_159 : i32
    %sign3A_161 = arith.extui %sign3A_160 : i1 to i32
    %sign3A_162 = arith.subi %sign3A_158, %sign3A_161 : i32
    %sign3A_163 = arith.constant 0 : i32
    %sign3A_164 = arith.cmpi sgt, %jit3A_154, %sign3A_163 : i32
    %sign3A_165 = arith.extui %sign3A_164 : i1 to i32
    %sign3A_166 = arith.constant 0 : i32
    %sign3A_167 = arith.cmpi slt, %jit3A_154, %sign3A_166 : i32
    %sign3A_168 = arith.extui %sign3A_167 : i1 to i32
    %sign3A_169 = arith.subi %sign3A_165, %sign3A_168 : i32
    %ne3A_170 = arith.cmpi ne, %sign3A_162, %sign3A_169 : i32
    %rem3A_171 = arith.remsi %select_n3A_149, %jit3A_154 : i32
    %ne3A_172 = arith.constant 0 : i32
    %ne3A_173 = arith.cmpi ne, %rem3A_171, %ne3A_172 : i32
    %and3A_174 = arith.andi %ne3A_170, %ne3A_173 : i1
    %sub3A_175 = arith.constant 1 : i32
    %sub3A_176 = arith.subi %div3A_155, %sub3A_175 : i32
    %select_n3A_177 = arith.select %and3A_174, %sub3A_176, %div3A_155 : i32
    %mul3A_178 = arith.constant 3200 : i32
    %mul3A_179 = arith.muli %select_n3A_177, %mul3A_178 : i32
    %rem3A_180 = arith.constant 8 : i32
    %rem3A_181 = arith.remsi %add3A_125, %rem3A_180 : i32
    %mul3A_182 = arith.constant 400 : i32
    %mul3A_183 = arith.muli %rem3A_181, %mul3A_182 : i32
    %add3A_184 = arith.addi %mul3A_179, %mul3A_183 : i32
    %mul3A_185 = arith.constant 32 : i32
    %mul3A_186 = arith.muli %rem3A_153, %mul3A_185 : i32
    %dma_start3A_187 = tpu.memref_slice %arg5[%add3A_184, %mul3A_186] : memref<19200x128xf32, #tpu.memory_space<hbm>> -> memref<400x32xf32, #tpu.memory_space<hbm>>
    %dma_start3A_188 = tpu.memref_slice %arg5[%add3A_184, %mul3A_186] : memref<19200x128xf32, #tpu.memory_space<hbm>> -> memref<400x32xf32, #tpu.memory_space<hbm>>
    tpu.enqueue_dma source(%arg9 : memref<400x32xf32, #tpu.memory_space<vmem>>) target(%dma_start3A_188 : memref<400x32xf32, #tpu.memory_space<hbm>>) target_semaphore(%arg17 : memref<!tpu.dma_semaphore, #tpu.memory_space<semaphore_mem>>)
    %dma_wait3A_189 = tpu.memref_slice %arg5[%add3A_184, %mul3A_186] : memref<19200x128xf32, #tpu.memory_space<hbm>> -> memref<400x32xf32, #tpu.memory_space<hbm>>
    %dma_wait3A_190 = tpu.memref_slice %arg5[%add3A_184, %mul3A_186] : memref<19200x128xf32, #tpu.memory_space<hbm>> -> memref<400x32xf32, #tpu.memory_space<hbm>>
    tpu.wait_dma2 semaphore(%arg17 : memref<!tpu.dma_semaphore, #tpu.memory_space<semaphore_mem>>) src(%arg9 : memref<400x32xf32, #tpu.memory_space<vmem>>) dst(%dma_wait3A_190 : memref<400x32xf32, #tpu.memory_space<hbm>>)
    %dma_start3A_191 = arith.constant 1200 : i32
    %dma_start3A_192 = tpu.memref_slice %arg6[%dma_start3A_191] : memref<2400xi32, #tpu.memory_space<vmem>> -> memref<400xi32, #tpu.memory_space<vmem>>
    %dma_start3A_193 = arith.constant 0 : i32
    %dma_start3A_194 = arith.constant 0 : i32
    %dma_start3A_195 = tpu.memref_slice %arg2[%dma_start3A_193, %dma_start3A_194] : memref<10000x32xf32, #tpu.memory_space<hbm>> -> memref<10000x32xf32, #tpu.memory_space<hbm>>
    tpu.enqueue_indirect_dma source(%dma_start3A_195 : memref<10000x32xf32, #tpu.memory_space<hbm>>) target(%arg9 : memref<400x32xf32, #tpu.memory_space<vmem>>) offsets(%dma_start3A_192 : memref<400xi32, #tpu.memory_space<vmem>>) semaphore(%arg13 : memref<!tpu.dma_semaphore, #tpu.memory_space<semaphore_mem>>)
    %dma_start3A_196 = arith.constant 1200 : i32
    %dma_start3A_197 = tpu.memref_slice %arg7[%dma_start3A_196] : memref<2400xi32, #tpu.memory_space<vmem>> -> memref<400xi32, #tpu.memory_space<vmem>>
    %dma_start3A_198 = arith.constant 0 : i32
    %dma_start3A_199 = arith.constant 0 : i32
    %dma_start3A_200 = tpu.memref_slice %arg3[%dma_start3A_198, %dma_start3A_199] : memref<10000x32xf32, #tpu.memory_space<hbm>> -> memref<10000x32xf32, #tpu.memory_space<hbm>>
    tpu.enqueue_indirect_dma source(%dma_start3A_200 : memref<10000x32xf32, #tpu.memory_space<hbm>>) target(%arg11 : memref<400x32xf32, #tpu.memory_space<vmem>>) offsets(%dma_start3A_197 : memref<400xi32, #tpu.memory_space<vmem>>) semaphore(%arg15 : memref<!tpu.dma_semaphore, #tpu.memory_space<semaphore_mem>>)
    %dma_wait3A_201 = arith.constant 800 : i32
    %dma_wait3A_202 = tpu.memref_slice %arg6[%dma_wait3A_201] : memref<2400xi32, #tpu.memory_space<vmem>> -> memref<400xi32, #tpu.memory_space<vmem>>
    %dma_wait3A_203 = arith.constant 0 : i32
    %dma_wait3A_204 = arith.constant 0 : i32
    %dma_wait3A_205 = tpu.memref_slice %arg2[%dma_wait3A_203, %dma_wait3A_204] : memref<10000x32xf32, #tpu.memory_space<hbm>> -> memref<10000x32xf32, #tpu.memory_space<hbm>>
    tpu.wait_indirect_dma semaphore(%arg12 : memref<!tpu.dma_semaphore, #tpu.memory_space<semaphore_mem>>) src(%dma_wait3A_205 : memref<10000x32xf32, #tpu.memory_space<hbm>>) dst(%arg8 : memref<400x32xf32, #tpu.memory_space<vmem>>)
    %dma_wait3A_206 = arith.constant 800 : i32
    %dma_wait3A_207 = tpu.memref_slice %arg7[%dma_wait3A_206] : memref<2400xi32, #tpu.memory_space<vmem>> -> memref<400xi32, #tpu.memory_space<vmem>>
    %dma_wait3A_208 = arith.constant 0 : i32
    %dma_wait3A_209 = arith.constant 0 : i32
    %dma_wait3A_210 = tpu.memref_slice %arg3[%dma_wait3A_208, %dma_wait3A_209] : memref<10000x32xf32, #tpu.memory_space<hbm>> -> memref<10000x32xf32, #tpu.memory_space<hbm>>
    tpu.wait_indirect_dma semaphore(%arg14 : memref<!tpu.dma_semaphore, #tpu.memory_space<semaphore_mem>>) src(%dma_wait3A_210 : memref<10000x32xf32, #tpu.memory_space<hbm>>) dst(%arg10 : memref<400x32xf32, #tpu.memory_space<vmem>>)
    %scan3A_211 = arith.constant 0 : i32
    %scan3A_212 = arith.constant 400 : i32
    %scan3A_213 = arith.addi %scan3A_211, %scan3A_212 : i32
    %scan3A_214 = arith.constant 1 : i32
    scf.for %scan3A_549 = %scan3A_211 to %scan3A_213 step %scan3A_214  : i32 {
      %mul3A_550 = arith.constant 1 : i32
      %mul3A_551 = arith.muli %scan3A_549, %mul3A_550 : i32
      %add3A_552 = arith.constant 0 : i32
      %add3A_553 = arith.addi %add3A_552, %mul3A_551 : i32
      %get3A = arith.index_cast %add3A_553 : i32 to index
      %get3A_554 = arith.constant 0 : index
      %get3A_555 = tpu.vector_load %arg8[%get3A, %get3A_554] {strides = array<i32>} : memref<400x32xf32, #tpu.memory_space<vmem>>, vector<1x16xf32>,
      %get3A_556 = vector.shape_cast %get3A_555 : vector<1x16xf32> to vector<1x16xf32>
      %get3A_557 = arith.index_cast %add3A_553 : i32 to index
      %get3A_558 = arith.constant 0 : index
      %get3A_559 = tpu.vector_load %arg10[%get3A_557, %get3A_558] {strides = array<i32>} : memref<400x32xf32, #tpu.memory_space<vmem>>, vector<1x16xf32>,
      %get3A_560 = vector.shape_cast %get3A_559 : vector<1x16xf32> to vector<1x16xf32>
      %add3A_561 = arith.addf %get3A_556, %get3A_560 : vector<1x16xf32>
      %swap3A = arith.index_cast %add3A_553 : i32 to index
      %swap3A_562 = arith.constant 0 : index
      %swap3A_563 = tpu.vector_load %arg8[%swap3A, %swap3A_562] {strides = array<i32>} : memref<400x32xf32, #tpu.memory_space<vmem>>, vector<1x16xf32>,
      %swap3A_564 = vector.shape_cast %swap3A_563 : vector<1x16xf32> to vector<1x16xf32>
      %swap3A_565 = vector.shape_cast %add3A_561 : vector<1x16xf32> to vector<1x16xf32>
      tpu.vector_store %arg8[%swap3A, %swap3A_562], %swap3A_565 {strides = array<i32>} : memref<400x32xf32, #tpu.memory_space<vmem>>, vector<1x16xf32>,
      %get3A_566 = arith.index_cast %add3A_553 : i32 to index
      %get3A_567 = arith.constant 16 : index
      %get3A_568 = tpu.vector_load %arg8[%get3A_566, %get3A_567] {strides = array<i32>} : memref<400x32xf32, #tpu.memory_space<vmem>>, vector<1x16xf32>,
      %get3A_569 = vector.shape_cast %get3A_568 : vector<1x16xf32> to vector<1x16xf32>
      %get3A_570 = arith.index_cast %add3A_553 : i32 to index
      %get3A_571 = arith.constant 16 : index
      %get3A_572 = tpu.vector_load %arg10[%get3A_570, %get3A_571] {strides = array<i32>} : memref<400x32xf32, #tpu.memory_space<vmem>>, vector<1x16xf32>,
      %get3A_573 = vector.shape_cast %get3A_572 : vector<1x16xf32> to vector<1x16xf32>
      %add3A_574 = arith.addf %get3A_569, %get3A_573 : vector<1x16xf32>
      %swap3A_575 = arith.index_cast %add3A_553 : i32 to index
      %swap3A_576 = arith.constant 16 : index
      %swap3A_577 = tpu.vector_load %arg8[%swap3A_575, %swap3A_576] {strides = array<i32>} : memref<400x32xf32, #tpu.memory_space<vmem>>, vector<1x16xf32>,
      %swap3A_578 = vector.shape_cast %swap3A_577 : vector<1x16xf32> to vector<1x16xf32>
      %swap3A_579 = vector.shape_cast %add3A_574 : vector<1x16xf32> to vector<1x16xf32>
      tpu.vector_store %arg8[%swap3A_575, %swap3A_576], %swap3A_579 {strides = array<i32>} : memref<400x32xf32, #tpu.memory_space<vmem>>, vector<1x16xf32>,
    }
    %scan3A_215 = arith.constant 400 : i32
    %add3A_216 = arith.constant 2 : i32
    %add3A_217 = arith.addi %mul3A_2, %add3A_216 : i32
    %jit3A_218 = arith.constant 8 : i32
    %div3A_219 = arith.divsi %add3A_217, %jit3A_218 : i32
    %sign3A_220 = arith.constant 0 : i32
    %sign3A_221 = arith.cmpi sgt, %add3A_217, %sign3A_220 : i32
    %sign3A_222 = arith.extui %sign3A_221 : i1 to i32
    %sign3A_223 = arith.constant 0 : i32
    %sign3A_224 = arith.cmpi slt, %add3A_217, %sign3A_223 : i32
    %sign3A_225 = arith.extui %sign3A_224 : i1 to i32
    %sign3A_226 = arith.subi %sign3A_222, %sign3A_225 : i32
    %sign3A_227 = arith.constant 0 : i32
    %sign3A_228 = arith.cmpi sgt, %jit3A_218, %sign3A_227 : i32
    %sign3A_229 = arith.extui %sign3A_228 : i1 to i32
    %sign3A_230 = arith.constant 0 : i32
    %sign3A_231 = arith.cmpi slt, %jit3A_218, %sign3A_230 : i32
    %sign3A_232 = arith.extui %sign3A_231 : i1 to i32
    %sign3A_233 = arith.subi %sign3A_229, %sign3A_232 : i32
    %ne3A_234 = arith.cmpi ne, %sign3A_226, %sign3A_233 : i32
    %rem3A_235 = arith.remsi %add3A_217, %jit3A_218 : i32
    %ne3A_236 = arith.constant 0 : i32
    %ne3A_237 = arith.cmpi ne, %rem3A_235, %ne3A_236 : i32
    %and3A_238 = arith.andi %ne3A_234, %ne3A_237 : i1
    %sub3A_239 = arith.constant 1 : i32
    %sub3A_240 = arith.subi %div3A_219, %sub3A_239 : i32
    %select_n3A_241 = arith.select %and3A_238, %sub3A_240, %div3A_219 : i32
    %add3A_242 = arith.constant 64 : i32
    %add3A_243 = arith.addi %add3A_242, %select_n3A_241 : i32
    %rem3A_244 = arith.constant 4 : i32
    %rem3A_245 = arith.remsi %add3A_243, %rem3A_244 : i32
    %jit3A_246 = arith.constant 4 : i32
    %div3A_247 = arith.divsi %select_n3A_241, %jit3A_246 : i32
    %sign3A_248 = arith.constant 0 : i32
    %sign3A_249 = arith.cmpi sgt, %select_n3A_241, %sign3A_248 : i32
    %sign3A_250 = arith.extui %sign3A_249 : i1 to i32
    %sign3A_251 = arith.constant 0 : i32
    %sign3A_252 = arith.cmpi slt, %select_n3A_241, %sign3A_251 : i32
    %sign3A_253 = arith.extui %sign3A_252 : i1 to i32
    %sign3A_254 = arith.subi %sign3A_250, %sign3A_253 : i32
    %sign3A_255 = arith.constant 0 : i32
    %sign3A_256 = arith.cmpi sgt, %jit3A_246, %sign3A_255 : i32
    %sign3A_257 = arith.extui %sign3A_256 : i1 to i32
    %sign3A_258 = arith.constant 0 : i32
    %sign3A_259 = arith.cmpi slt, %jit3A_246, %sign3A_258 : i32
    %sign3A_260 = arith.extui %sign3A_259 : i1 to i32
    %sign3A_261 = arith.subi %sign3A_257, %sign3A_260 : i32
    %ne3A_262 = arith.cmpi ne, %sign3A_254, %sign3A_261 : i32
    %rem3A_263 = arith.remsi %select_n3A_241, %jit3A_246 : i32
    %ne3A_264 = arith.constant 0 : i32
    %ne3A_265 = arith.cmpi ne, %rem3A_263, %ne3A_264 : i32
    %and3A_266 = arith.andi %ne3A_262, %ne3A_265 : i1
    %sub3A_267 = arith.constant 1 : i32
    %sub3A_268 = arith.subi %div3A_247, %sub3A_267 : i32
    %select_n3A_269 = arith.select %and3A_266, %sub3A_268, %div3A_247 : i32
    %mul3A_270 = arith.constant 3200 : i32
    %mul3A_271 = arith.muli %select_n3A_269, %mul3A_270 : i32
    %rem3A_272 = arith.constant 8 : i32
    %rem3A_273 = arith.remsi %add3A_217, %rem3A_272 : i32
    %mul3A_274 = arith.constant 400 : i32
    %mul3A_275 = arith.muli %rem3A_273, %mul3A_274 : i32
    %add3A_276 = arith.addi %mul3A_271, %mul3A_275 : i32
    %mul3A_277 = arith.constant 32 : i32
    %mul3A_278 = arith.muli %rem3A_245, %mul3A_277 : i32
    %dma_start3A_279 = tpu.memref_slice %arg5[%add3A_276, %mul3A_278] : memref<19200x128xf32, #tpu.memory_space<hbm>> -> memref<400x32xf32, #tpu.memory_space<hbm>>
    %dma_start3A_280 = tpu.memref_slice %arg5[%add3A_276, %mul3A_278] : memref<19200x128xf32, #tpu.memory_space<hbm>> -> memref<400x32xf32, #tpu.memory_space<hbm>>
    tpu.enqueue_dma source(%arg8 : memref<400x32xf32, #tpu.memory_space<vmem>>) target(%dma_start3A_280 : memref<400x32xf32, #tpu.memory_space<hbm>>) target_semaphore(%arg16 : memref<!tpu.dma_semaphore, #tpu.memory_space<semaphore_mem>>)
    %dma_wait3A_281 = tpu.memref_slice %arg5[%add3A_276, %mul3A_278] : memref<19200x128xf32, #tpu.memory_space<hbm>> -> memref<400x32xf32, #tpu.memory_space<hbm>>
    %dma_wait3A_282 = tpu.memref_slice %arg5[%add3A_276, %mul3A_278] : memref<19200x128xf32, #tpu.memory_space<hbm>> -> memref<400x32xf32, #tpu.memory_space<hbm>>
    tpu.wait_dma2 semaphore(%arg16 : memref<!tpu.dma_semaphore, #tpu.memory_space<semaphore_mem>>) src(%arg8 : memref<400x32xf32, #tpu.memory_space<vmem>>) dst(%dma_wait3A_282 : memref<400x32xf32, #tpu.memory_space<hbm>>)
    %dma_start3A_283 = arith.constant 1600 : i32
    %dma_start3A_284 = tpu.memref_slice %arg6[%dma_start3A_283] : memref<2400xi32, #tpu.memory_space<vmem>> -> memref<400xi32, #tpu.memory_space<vmem>>
    %dma_start3A_285 = arith.constant 0 : i32
    %dma_start3A_286 = arith.constant 0 : i32
    %dma_start3A_287 = tpu.memref_slice %arg2[%dma_start3A_285, %dma_start3A_286] : memref<10000x32xf32, #tpu.memory_space<hbm>> -> memref<10000x32xf32, #tpu.memory_space<hbm>>
    tpu.enqueue_indirect_dma source(%dma_start3A_287 : memref<10000x32xf32, #tpu.memory_space<hbm>>) target(%arg8 : memref<400x32xf32, #tpu.memory_space<vmem>>) offsets(%dma_start3A_284 : memref<400xi32, #tpu.memory_space<vmem>>) semaphore(%arg12 : memref<!tpu.dma_semaphore, #tpu.memory_space<semaphore_mem>>)
    %dma_start3A_288 = arith.constant 1600 : i32
    %dma_start3A_289 = tpu.memref_slice %arg7[%dma_start3A_288] : memref<2400xi32, #tpu.memory_space<vmem>> -> memref<400xi32, #tpu.memory_space<vmem>>
    %dma_start3A_290 = arith.constant 0 : i32
    %dma_start3A_291 = arith.constant 0 : i32
    %dma_start3A_292 = tpu.memref_slice %arg3[%dma_start3A_290, %dma_start3A_291] : memref<10000x32xf32, #tpu.memory_space<hbm>> -> memref<10000x32xf32, #tpu.memory_space<hbm>>
    tpu.enqueue_indirect_dma source(%dma_start3A_292 : memref<10000x32xf32, #tpu.memory_space<hbm>>) target(%arg10 : memref<400x32xf32, #tpu.memory_space<vmem>>) offsets(%dma_start3A_289 : memref<400xi32, #tpu.memory_space<vmem>>) semaphore(%arg14 : memref<!tpu.dma_semaphore, #tpu.memory_space<semaphore_mem>>)
    %dma_wait3A_293 = arith.constant 1200 : i32
    %dma_wait3A_294 = tpu.memref_slice %arg6[%dma_wait3A_293] : memref<2400xi32, #tpu.memory_space<vmem>> -> memref<400xi32, #tpu.memory_space<vmem>>
    %dma_wait3A_295 = arith.constant 0 : i32
    %dma_wait3A_296 = arith.constant 0 : i32
    %dma_wait3A_297 = tpu.memref_slice %arg2[%dma_wait3A_295, %dma_wait3A_296] : memref<10000x32xf32, #tpu.memory_space<hbm>> -> memref<10000x32xf32, #tpu.memory_space<hbm>>
    tpu.wait_indirect_dma semaphore(%arg13 : memref<!tpu.dma_semaphore, #tpu.memory_space<semaphore_mem>>) src(%dma_wait3A_297 : memref<10000x32xf32, #tpu.memory_space<hbm>>) dst(%arg9 : memref<400x32xf32, #tpu.memory_space<vmem>>)
    %dma_wait3A_298 = arith.constant 1200 : i32
    %dma_wait3A_299 = tpu.memref_slice %arg7[%dma_wait3A_298] : memref<2400xi32, #tpu.memory_space<vmem>> -> memref<400xi32, #tpu.memory_space<vmem>>
    %dma_wait3A_300 = arith.constant 0 : i32
    %dma_wait3A_301 = arith.constant 0 : i32
    %dma_wait3A_302 = tpu.memref_slice %arg3[%dma_wait3A_300, %dma_wait3A_301] : memref<10000x32xf32, #tpu.memory_space<hbm>> -> memref<10000x32xf32, #tpu.memory_space<hbm>>
    tpu.wait_indirect_dma semaphore(%arg15 : memref<!tpu.dma_semaphore, #tpu.memory_space<semaphore_mem>>) src(%dma_wait3A_302 : memref<10000x32xf32, #tpu.memory_space<hbm>>) dst(%arg11 : memref<400x32xf32, #tpu.memory_space<vmem>>)
    %scan3A_303 = arith.constant 0 : i32
    %scan3A_304 = arith.constant 400 : i32
    %scan3A_305 = arith.addi %scan3A_303, %scan3A_304 : i32
    %scan3A_306 = arith.constant 1 : i32
    scf.for %scan3A_549 = %scan3A_303 to %scan3A_305 step %scan3A_306  : i32 {
      %mul3A_550 = arith.constant 1 : i32
      %mul3A_551 = arith.muli %scan3A_549, %mul3A_550 : i32
      %add3A_552 = arith.constant 0 : i32
      %add3A_553 = arith.addi %add3A_552, %mul3A_551 : i32
      %get3A = arith.index_cast %add3A_553 : i32 to index
      %get3A_554 = arith.constant 0 : index
      %get3A_555 = tpu.vector_load %arg9[%get3A, %get3A_554] {strides = array<i32>} : memref<400x32xf32, #tpu.memory_space<vmem>>, vector<1x16xf32>,
      %get3A_556 = vector.shape_cast %get3A_555 : vector<1x16xf32> to vector<1x16xf32>
      %get3A_557 = arith.index_cast %add3A_553 : i32 to index
      %get3A_558 = arith.constant 0 : index
      %get3A_559 = tpu.vector_load %arg11[%get3A_557, %get3A_558] {strides = array<i32>} : memref<400x32xf32, #tpu.memory_space<vmem>>, vector<1x16xf32>,
      %get3A_560 = vector.shape_cast %get3A_559 : vector<1x16xf32> to vector<1x16xf32>
      %add3A_561 = arith.addf %get3A_556, %get3A_560 : vector<1x16xf32>
      %swap3A = arith.index_cast %add3A_553 : i32 to index
      %swap3A_562 = arith.constant 0 : index
      %swap3A_563 = tpu.vector_load %arg9[%swap3A, %swap3A_562] {strides = array<i32>} : memref<400x32xf32, #tpu.memory_space<vmem>>, vector<1x16xf32>,
      %swap3A_564 = vector.shape_cast %swap3A_563 : vector<1x16xf32> to vector<1x16xf32>
      %swap3A_565 = vector.shape_cast %add3A_561 : vector<1x16xf32> to vector<1x16xf32>
      tpu.vector_store %arg9[%swap3A, %swap3A_562], %swap3A_565 {strides = array<i32>} : memref<400x32xf32, #tpu.memory_space<vmem>>, vector<1x16xf32>,
      %get3A_566 = arith.index_cast %add3A_553 : i32 to index
      %get3A_567 = arith.constant 16 : index
      %get3A_568 = tpu.vector_load %arg9[%get3A_566, %get3A_567] {strides = array<i32>} : memref<400x32xf32, #tpu.memory_space<vmem>>, vector<1x16xf32>,
      %get3A_569 = vector.shape_cast %get3A_568 : vector<1x16xf32> to vector<1x16xf32>
      %get3A_570 = arith.index_cast %add3A_553 : i32 to index
      %get3A_571 = arith.constant 16 : index
      %get3A_572 = tpu.vector_load %arg11[%get3A_570, %get3A_571] {strides = array<i32>} : memref<400x32xf32, #tpu.memory_space<vmem>>, vector<1x16xf32>,
      %get3A_573 = vector.shape_cast %get3A_572 : vector<1x16xf32> to vector<1x16xf32>
      %add3A_574 = arith.addf %get3A_569, %get3A_573 : vector<1x16xf32>
      %swap3A_575 = arith.index_cast %add3A_553 : i32 to index
      %swap3A_576 = arith.constant 16 : index
      %swap3A_577 = tpu.vector_load %arg9[%swap3A_575, %swap3A_576] {strides = array<i32>} : memref<400x32xf32, #tpu.memory_space<vmem>>, vector<1x16xf32>,
      %swap3A_578 = vector.shape_cast %swap3A_577 : vector<1x16xf32> to vector<1x16xf32>
      %swap3A_579 = vector.shape_cast %add3A_574 : vector<1x16xf32> to vector<1x16xf32>
      tpu.vector_store %arg9[%swap3A_575, %swap3A_576], %swap3A_579 {strides = array<i32>} : memref<400x32xf32, #tpu.memory_space<vmem>>, vector<1x16xf32>,
    }
    %scan3A_307 = arith.constant 400 : i32
    %add3A_308 = arith.constant 3 : i32
    %add3A_309 = arith.addi %mul3A_2, %add3A_308 : i32
    %jit3A_310 = arith.constant 8 : i32
    %div3A_311 = arith.divsi %add3A_309, %jit3A_310 : i32
    %sign3A_312 = arith.constant 0 : i32
    %sign3A_313 = arith.cmpi sgt, %add3A_309, %sign3A_312 : i32
    %sign3A_314 = arith.extui %sign3A_313 : i1 to i32
    %sign3A_315 = arith.constant 0 : i32
    %sign3A_316 = arith.cmpi slt, %add3A_309, %sign3A_315 : i32
    %sign3A_317 = arith.extui %sign3A_316 : i1 to i32
    %sign3A_318 = arith.subi %sign3A_314, %sign3A_317 : i32
    %sign3A_319 = arith.constant 0 : i32
    %sign3A_320 = arith.cmpi sgt, %jit3A_310, %sign3A_319 : i32
    %sign3A_321 = arith.extui %sign3A_320 : i1 to i32
    %sign3A_322 = arith.constant 0 : i32
    %sign3A_323 = arith.cmpi slt, %jit3A_310, %sign3A_322 : i32
    %sign3A_324 = arith.extui %sign3A_323 : i1 to i32
    %sign3A_325 = arith.subi %sign3A_321, %sign3A_324 : i32
    %ne3A_326 = arith.cmpi ne, %sign3A_318, %sign3A_325 : i32
    %rem3A_327 = arith.remsi %add3A_309, %jit3A_310 : i32
    %ne3A_328 = arith.constant 0 : i32
    %ne3A_329 = arith.cmpi ne, %rem3A_327, %ne3A_328 : i32
    %and3A_330 = arith.andi %ne3A_326, %ne3A_329 : i1
    %sub3A_331 = arith.constant 1 : i32
    %sub3A_332 = arith.subi %div3A_311, %sub3A_331 : i32
    %select_n3A_333 = arith.select %and3A_330, %sub3A_332, %div3A_311 : i32
    %add3A_334 = arith.constant 64 : i32
    %add3A_335 = arith.addi %add3A_334, %select_n3A_333 : i32
    %rem3A_336 = arith.constant 4 : i32
    %rem3A_337 = arith.remsi %add3A_335, %rem3A_336 : i32
    %jit3A_338 = arith.constant 4 : i32
    %div3A_339 = arith.divsi %select_n3A_333, %jit3A_338 : i32
    %sign3A_340 = arith.constant 0 : i32
    %sign3A_341 = arith.cmpi sgt, %select_n3A_333, %sign3A_340 : i32
    %sign3A_342 = arith.extui %sign3A_341 : i1 to i32
    %sign3A_343 = arith.constant 0 : i32
    %sign3A_344 = arith.cmpi slt, %select_n3A_333, %sign3A_343 : i32
    %sign3A_345 = arith.extui %sign3A_344 : i1 to i32
    %sign3A_346 = arith.subi %sign3A_342, %sign3A_345 : i32
    %sign3A_347 = arith.constant 0 : i32
    %sign3A_348 = arith.cmpi sgt, %jit3A_338, %sign3A_347 : i32
    %sign3A_349 = arith.extui %sign3A_348 : i1 to i32
    %sign3A_350 = arith.constant 0 : i32
    %sign3A_351 = arith.cmpi slt, %jit3A_338, %sign3A_350 : i32
    %sign3A_352 = arith.extui %sign3A_351 : i1 to i32
    %sign3A_353 = arith.subi %sign3A_349, %sign3A_352 : i32
    %ne3A_354 = arith.cmpi ne, %sign3A_346, %sign3A_353 : i32
    %rem3A_355 = arith.remsi %select_n3A_333, %jit3A_338 : i32
    %ne3A_356 = arith.constant 0 : i32
    %ne3A_357 = arith.cmpi ne, %rem3A_355, %ne3A_356 : i32
    %and3A_358 = arith.andi %ne3A_354, %ne3A_357 : i1
    %sub3A_359 = arith.constant 1 : i32
    %sub3A_360 = arith.subi %div3A_339, %sub3A_359 : i32
    %select_n3A_361 = arith.select %and3A_358, %sub3A_360, %div3A_339 : i32
    %mul3A_362 = arith.constant 3200 : i32
    %mul3A_363 = arith.muli %select_n3A_361, %mul3A_362 : i32
    %rem3A_364 = arith.constant 8 : i32
    %rem3A_365 = arith.remsi %add3A_309, %rem3A_364 : i32
    %mul3A_366 = arith.constant 400 : i32
    %mul3A_367 = arith.muli %rem3A_365, %mul3A_366 : i32
    %add3A_368 = arith.addi %mul3A_363, %mul3A_367 : i32
    %mul3A_369 = arith.constant 32 : i32
    %mul3A_370 = arith.muli %rem3A_337, %mul3A_369 : i32
    %dma_start3A_371 = tpu.memref_slice %arg5[%add3A_368, %mul3A_370] : memref<19200x128xf32, #tpu.memory_space<hbm>> -> memref<400x32xf32, #tpu.memory_space<hbm>>
    %dma_start3A_372 = tpu.memref_slice %arg5[%add3A_368, %mul3A_370] : memref<19200x128xf32, #tpu.memory_space<hbm>> -> memref<400x32xf32, #tpu.memory_space<hbm>>
    tpu.enqueue_dma source(%arg9 : memref<400x32xf32, #tpu.memory_space<vmem>>) target(%dma_start3A_372 : memref<400x32xf32, #tpu.memory_space<hbm>>) target_semaphore(%arg17 : memref<!tpu.dma_semaphore, #tpu.memory_space<semaphore_mem>>)
    %dma_wait3A_373 = tpu.memref_slice %arg5[%add3A_368, %mul3A_370] : memref<19200x128xf32, #tpu.memory_space<hbm>> -> memref<400x32xf32, #tpu.memory_space<hbm>>
    %dma_wait3A_374 = tpu.memref_slice %arg5[%add3A_368, %mul3A_370] : memref<19200x128xf32, #tpu.memory_space<hbm>> -> memref<400x32xf32, #tpu.memory_space<hbm>>
    tpu.wait_dma2 semaphore(%arg17 : memref<!tpu.dma_semaphore, #tpu.memory_space<semaphore_mem>>) src(%arg9 : memref<400x32xf32, #tpu.memory_space<vmem>>) dst(%dma_wait3A_374 : memref<400x32xf32, #tpu.memory_space<hbm>>)
    %dma_start3A_375 = arith.constant 2000 : i32
    %dma_start3A_376 = tpu.memref_slice %arg6[%dma_start3A_375] : memref<2400xi32, #tpu.memory_space<vmem>> -> memref<400xi32, #tpu.memory_space<vmem>>
    %dma_start3A_377 = arith.constant 0 : i32
    %dma_start3A_378 = arith.constant 0 : i32
    %dma_start3A_379 = tpu.memref_slice %arg2[%dma_start3A_377, %dma_start3A_378] : memref<10000x32xf32, #tpu.memory_space<hbm>> -> memref<10000x32xf32, #tpu.memory_space<hbm>>
    tpu.enqueue_indirect_dma source(%dma_start3A_379 : memref<10000x32xf32, #tpu.memory_space<hbm>>) target(%arg9 : memref<400x32xf32, #tpu.memory_space<vmem>>) offsets(%dma_start3A_376 : memref<400xi32, #tpu.memory_space<vmem>>) semaphore(%arg13 : memref<!tpu.dma_semaphore, #tpu.memory_space<semaphore_mem>>)
    %dma_start3A_380 = arith.constant 2000 : i32
    %dma_start3A_381 = tpu.memref_slice %arg7[%dma_start3A_380] : memref<2400xi32, #tpu.memory_space<vmem>> -> memref<400xi32, #tpu.memory_space<vmem>>
    %dma_start3A_382 = arith.constant 0 : i32
    %dma_start3A_383 = arith.constant 0 : i32
    %dma_start3A_384 = tpu.memref_slice %arg3[%dma_start3A_382, %dma_start3A_383] : memref<10000x32xf32, #tpu.memory_space<hbm>> -> memref<10000x32xf32, #tpu.memory_space<hbm>>
    tpu.enqueue_indirect_dma source(%dma_start3A_384 : memref<10000x32xf32, #tpu.memory_space<hbm>>) target(%arg11 : memref<400x32xf32, #tpu.memory_space<vmem>>) offsets(%dma_start3A_381 : memref<400xi32, #tpu.memory_space<vmem>>) semaphore(%arg15 : memref<!tpu.dma_semaphore, #tpu.memory_space<semaphore_mem>>)
    %dma_wait3A_385 = arith.constant 1600 : i32
    %dma_wait3A_386 = tpu.memref_slice %arg6[%dma_wait3A_385] : memref<2400xi32, #tpu.memory_space<vmem>> -> memref<400xi32, #tpu.memory_space<vmem>>
    %dma_wait3A_387 = arith.constant 0 : i32
    %dma_wait3A_388 = arith.constant 0 : i32
    %dma_wait3A_389 = tpu.memref_slice %arg2[%dma_wait3A_387, %dma_wait3A_388] : memref<10000x32xf32, #tpu.memory_space<hbm>> -> memref<10000x32xf32, #tpu.memory_space<hbm>>
    tpu.wait_indirect_dma semaphore(%arg12 : memref<!tpu.dma_semaphore, #tpu.memory_space<semaphore_mem>>) src(%dma_wait3A_389 : memref<10000x32xf32, #tpu.memory_space<hbm>>) dst(%arg8 : memref<400x32xf32, #tpu.memory_space<vmem>>)
    %dma_wait3A_390 = arith.constant 1600 : i32
    %dma_wait3A_391 = tpu.memref_slice %arg7[%dma_wait3A_390] : memref<2400xi32, #tpu.memory_space<vmem>> -> memref<400xi32, #tpu.memory_space<vmem>>
    %dma_wait3A_392 = arith.constant 0 : i32
    %dma_wait3A_393 = arith.constant 0 : i32
    %dma_wait3A_394 = tpu.memref_slice %arg3[%dma_wait3A_392, %dma_wait3A_393] : memref<10000x32xf32, #tpu.memory_space<hbm>> -> memref<10000x32xf32, #tpu.memory_space<hbm>>
    tpu.wait_indirect_dma semaphore(%arg14 : memref<!tpu.dma_semaphore, #tpu.memory_space<semaphore_mem>>) src(%dma_wait3A_394 : memref<10000x32xf32, #tpu.memory_space<hbm>>) dst(%arg10 : memref<400x32xf32, #tpu.memory_space<vmem>>)
    %scan3A_395 = arith.constant 0 : i32
    %scan3A_396 = arith.constant 400 : i32
    %scan3A_397 = arith.addi %scan3A_395, %scan3A_396 : i32
    %scan3A_398 = arith.constant 1 : i32
    scf.for %scan3A_549 = %scan3A_395 to %scan3A_397 step %scan3A_398  : i32 {
      %mul3A_550 = arith.constant 1 : i32
      %mul3A_551 = arith.muli %scan3A_549, %mul3A_550 : i32
      %add3A_552 = arith.constant 0 : i32
      %add3A_553 = arith.addi %add3A_552, %mul3A_551 : i32
      %get3A = arith.index_cast %add3A_553 : i32 to index
      %get3A_554 = arith.constant 0 : index
      %get3A_555 = tpu.vector_load %arg8[%get3A, %get3A_554] {strides = array<i32>} : memref<400x32xf32, #tpu.memory_space<vmem>>, vector<1x16xf32>,
      %get3A_556 = vector.shape_cast %get3A_555 : vector<1x16xf32> to vector<1x16xf32>
      %get3A_557 = arith.index_cast %add3A_553 : i32 to index
      %get3A_558 = arith.constant 0 : index
      %get3A_559 = tpu.vector_load %arg10[%get3A_557, %get3A_558] {strides = array<i32>} : memref<400x32xf32, #tpu.memory_space<vmem>>, vector<1x16xf32>,
      %get3A_560 = vector.shape_cast %get3A_559 : vector<1x16xf32> to vector<1x16xf32>
      %add3A_561 = arith.addf %get3A_556, %get3A_560 : vector<1x16xf32>
      %swap3A = arith.index_cast %add3A_553 : i32 to index
      %swap3A_562 = arith.constant 0 : index
      %swap3A_563 = tpu.vector_load %arg8[%swap3A, %swap3A_562] {strides = array<i32>} : memref<400x32xf32, #tpu.memory_space<vmem>>, vector<1x16xf32>,
      %swap3A_564 = vector.shape_cast %swap3A_563 : vector<1x16xf32> to vector<1x16xf32>
      %swap3A_565 = vector.shape_cast %add3A_561 : vector<1x16xf32> to vector<1x16xf32>
      tpu.vector_store %arg8[%swap3A, %swap3A_562], %swap3A_565 {strides = array<i32>} : memref<400x32xf32, #tpu.memory_space<vmem>>, vector<1x16xf32>,
      %get3A_566 = arith.index_cast %add3A_553 : i32 to index
      %get3A_567 = arith.constant 16 : index
      %get3A_568 = tpu.vector_load %arg8[%get3A_566, %get3A_567] {strides = array<i32>} : memref<400x32xf32, #tpu.memory_space<vmem>>, vector<1x16xf32>,
      %get3A_569 = vector.shape_cast %get3A_568 : vector<1x16xf32> to vector<1x16xf32>
      %get3A_570 = arith.index_cast %add3A_553 : i32 to index
      %get3A_571 = arith.constant 16 : index
      %get3A_572 = tpu.vector_load %arg10[%get3A_570, %get3A_571] {strides = array<i32>} : memref<400x32xf32, #tpu.memory_space<vmem>>, vector<1x16xf32>,
      %get3A_573 = vector.shape_cast %get3A_572 : vector<1x16xf32> to vector<1x16xf32>
      %add3A_574 = arith.addf %get3A_569, %get3A_573 : vector<1x16xf32>
      %swap3A_575 = arith.index_cast %add3A_553 : i32 to index
      %swap3A_576 = arith.constant 16 : index
      %swap3A_577 = tpu.vector_load %arg8[%swap3A_575, %swap3A_576] {strides = array<i32>} : memref<400x32xf32, #tpu.memory_space<vmem>>, vector<1x16xf32>,
      %swap3A_578 = vector.shape_cast %swap3A_577 : vector<1x16xf32> to vector<1x16xf32>
      %swap3A_579 = vector.shape_cast %add3A_574 : vector<1x16xf32> to vector<1x16xf32>
      tpu.vector_store %arg8[%swap3A_575, %swap3A_576], %swap3A_579 {strides = array<i32>} : memref<400x32xf32, #tpu.memory_space<vmem>>, vector<1x16xf32>,
    }
    %scan3A_399 = arith.constant 400 : i32
    %add3A_400 = arith.constant 4 : i32
    %add3A_401 = arith.addi %mul3A_2, %add3A_400 : i32
    %jit3A_402 = arith.constant 8 : i32
    %div3A_403 = arith.divsi %add3A_401, %jit3A_402 : i32
    %sign3A_404 = arith.constant 0 : i32
    %sign3A_405 = arith.cmpi sgt, %add3A_401, %sign3A_404 : i32
    %sign3A_406 = arith.extui %sign3A_405 : i1 to i32
    %sign3A_407 = arith.constant 0 : i32
    %sign3A_408 = arith.cmpi slt, %add3A_401, %sign3A_407 : i32
    %sign3A_409 = arith.extui %sign3A_408 : i1 to i32
    %sign3A_410 = arith.subi %sign3A_406, %sign3A_409 : i32
    %sign3A_411 = arith.constant 0 : i32
    %sign3A_412 = arith.cmpi sgt, %jit3A_402, %sign3A_411 : i32
    %sign3A_413 = arith.extui %sign3A_412 : i1 to i32
    %sign3A_414 = arith.constant 0 : i32
    %sign3A_415 = arith.cmpi slt, %jit3A_402, %sign3A_414 : i32
    %sign3A_416 = arith.extui %sign3A_415 : i1 to i32
    %sign3A_417 = arith.subi %sign3A_413, %sign3A_416 : i32
    %ne3A_418 = arith.cmpi ne, %sign3A_410, %sign3A_417 : i32
    %rem3A_419 = arith.remsi %add3A_401, %jit3A_402 : i32
    %ne3A_420 = arith.constant 0 : i32
    %ne3A_421 = arith.cmpi ne, %rem3A_419, %ne3A_420 : i32
    %and3A_422 = arith.andi %ne3A_418, %ne3A_421 : i1
    %sub3A_423 = arith.constant 1 : i32
    %sub3A_424 = arith.subi %div3A_403, %sub3A_423 : i32
    %select_n3A_425 = arith.select %and3A_422, %sub3A_424, %div3A_403 : i32
    %add3A_426 = arith.constant 64 : i32
    %add3A_427 = arith.addi %add3A_426, %select_n3A_425 : i32
    %rem3A_428 = arith.constant 4 : i32
    %rem3A_429 = arith.remsi %add3A_427, %rem3A_428 : i32
    %jit3A_430 = arith.constant 4 : i32
    %div3A_431 = arith.divsi %select_n3A_425, %jit3A_430 : i32
    %sign3A_432 = arith.constant 0 : i32
    %sign3A_433 = arith.cmpi sgt, %select_n3A_425, %sign3A_432 : i32
    %sign3A_434 = arith.extui %sign3A_433 : i1 to i32
    %sign3A_435 = arith.constant 0 : i32
    %sign3A_436 = arith.cmpi slt, %select_n3A_425, %sign3A_435 : i32
    %sign3A_437 = arith.extui %sign3A_436 : i1 to i32
    %sign3A_438 = arith.subi %sign3A_434, %sign3A_437 : i32
    %sign3A_439 = arith.constant 0 : i32
    %sign3A_440 = arith.cmpi sgt, %jit3A_430, %sign3A_439 : i32
    %sign3A_441 = arith.extui %sign3A_440 : i1 to i32
    %sign3A_442 = arith.constant 0 : i32
    %sign3A_443 = arith.cmpi slt, %jit3A_430, %sign3A_442 : i32
    %sign3A_444 = arith.extui %sign3A_443 : i1 to i32
    %sign3A_445 = arith.subi %sign3A_441, %sign3A_444 : i32
    %ne3A_446 = arith.cmpi ne, %sign3A_438, %sign3A_445 : i32
    %rem3A_447 = arith.remsi %select_n3A_425, %jit3A_430 : i32
    %ne3A_448 = arith.constant 0 : i32
    %ne3A_449 = arith.cmpi ne, %rem3A_447, %ne3A_448 : i32
    %and3A_450 = arith.andi %ne3A_446, %ne3A_449 : i1
    %sub3A_451 = arith.constant 1 : i32
    %sub3A_452 = arith.subi %div3A_431, %sub3A_451 : i32
    %select_n3A_453 = arith.select %and3A_450, %sub3A_452, %div3A_431 : i32
    %mul3A_454 = arith.constant 3200 : i32
    %mul3A_455 = arith.muli %select_n3A_453, %mul3A_454 : i32
    %rem3A_456 = arith.constant 8 : i32
    %rem3A_457 = arith.remsi %add3A_401, %rem3A_456 : i32
    %mul3A_458 = arith.constant 400 : i32
    %mul3A_459 = arith.muli %rem3A_457, %mul3A_458 : i32
    %add3A_460 = arith.addi %mul3A_455, %mul3A_459 : i32
    %mul3A_461 = arith.constant 32 : i32
    %mul3A_462 = arith.muli %rem3A_429, %mul3A_461 : i32
    %dma_start3A_463 = tpu.memref_slice %arg5[%add3A_460, %mul3A_462] : memref<19200x128xf32, #tpu.memory_space<hbm>> -> memref<400x32xf32, #tpu.memory_space<hbm>>
    %dma_start3A_464 = tpu.memref_slice %arg5[%add3A_460, %mul3A_462] : memref<19200x128xf32, #tpu.memory_space<hbm>> -> memref<400x32xf32, #tpu.memory_space<hbm>>
    tpu.enqueue_dma source(%arg8 : memref<400x32xf32, #tpu.memory_space<vmem>>) target(%dma_start3A_464 : memref<400x32xf32, #tpu.memory_space<hbm>>) target_semaphore(%arg16 : memref<!tpu.dma_semaphore, #tpu.memory_space<semaphore_mem>>)
    %dma_wait3A_465 = arith.constant 2000 : i32
    %dma_wait3A_466 = tpu.memref_slice %arg6[%dma_wait3A_465] : memref<2400xi32, #tpu.memory_space<vmem>> -> memref<400xi32, #tpu.memory_space<vmem>>
    %dma_wait3A_467 = arith.constant 0 : i32
    %dma_wait3A_468 = arith.constant 0 : i32
    %dma_wait3A_469 = tpu.memref_slice %arg2[%dma_wait3A_467, %dma_wait3A_468] : memref<10000x32xf32, #tpu.memory_space<hbm>> -> memref<10000x32xf32, #tpu.memory_space<hbm>>
    tpu.wait_indirect_dma semaphore(%arg13 : memref<!tpu.dma_semaphore, #tpu.memory_space<semaphore_mem>>) src(%dma_wait3A_469 : memref<10000x32xf32, #tpu.memory_space<hbm>>) dst(%arg9 : memref<400x32xf32, #tpu.memory_space<vmem>>)
    %dma_wait3A_470 = arith.constant 2000 : i32
    %dma_wait3A_471 = tpu.memref_slice %arg7[%dma_wait3A_470] : memref<2400xi32, #tpu.memory_space<vmem>> -> memref<400xi32, #tpu.memory_space<vmem>>
    %dma_wait3A_472 = arith.constant 0 : i32
    %dma_wait3A_473 = arith.constant 0 : i32
    %dma_wait3A_474 = tpu.memref_slice %arg3[%dma_wait3A_472, %dma_wait3A_473] : memref<10000x32xf32, #tpu.memory_space<hbm>> -> memref<10000x32xf32, #tpu.memory_space<hbm>>
    tpu.wait_indirect_dma semaphore(%arg15 : memref<!tpu.dma_semaphore, #tpu.memory_space<semaphore_mem>>) src(%dma_wait3A_474 : memref<10000x32xf32, #tpu.memory_space<hbm>>) dst(%arg11 : memref<400x32xf32, #tpu.memory_space<vmem>>)
    %scan3A_475 = arith.constant 0 : i32
    %scan3A_476 = arith.constant 400 : i32
    %scan3A_477 = arith.addi %scan3A_475, %scan3A_476 : i32
    %scan3A_478 = arith.constant 1 : i32
    scf.for %scan3A_549 = %scan3A_475 to %scan3A_477 step %scan3A_478  : i32 {
      %mul3A_550 = arith.constant 1 : i32
      %mul3A_551 = arith.muli %scan3A_549, %mul3A_550 : i32
      %add3A_552 = arith.constant 0 : i32
      %add3A_553 = arith.addi %add3A_552, %mul3A_551 : i32
      %get3A = arith.index_cast %add3A_553 : i32 to index
      %get3A_554 = arith.constant 0 : index
      %get3A_555 = tpu.vector_load %arg9[%get3A, %get3A_554] {strides = array<i32>} : memref<400x32xf32, #tpu.memory_space<vmem>>, vector<1x16xf32>,
      %get3A_556 = vector.shape_cast %get3A_555 : vector<1x16xf32> to vector<1x16xf32>
      %get3A_557 = arith.index_cast %add3A_553 : i32 to index
      %get3A_558 = arith.constant 0 : index
      %get3A_559 = tpu.vector_load %arg11[%get3A_557, %get3A_558] {strides = array<i32>} : memref<400x32xf32, #tpu.memory_space<vmem>>, vector<1x16xf32>,
      %get3A_560 = vector.shape_cast %get3A_559 : vector<1x16xf32> to vector<1x16xf32>
      %add3A_561 = arith.addf %get3A_556, %get3A_560 : vector<1x16xf32>
      %swap3A = arith.index_cast %add3A_553 : i32 to index
      %swap3A_562 = arith.constant 0 : index
      %swap3A_563 = tpu.vector_load %arg9[%swap3A, %swap3A_562] {strides = array<i32>} : memref<400x32xf32, #tpu.memory_space<vmem>>, vector<1x16xf32>,
      %swap3A_564 = vector.shape_cast %swap3A_563 : vector<1x16xf32> to vector<1x16xf32>
      %swap3A_565 = vector.shape_cast %add3A_561 : vector<1x16xf32> to vector<1x16xf32>
      tpu.vector_store %arg9[%swap3A, %swap3A_562], %swap3A_565 {strides = array<i32>} : memref<400x32xf32, #tpu.memory_space<vmem>>, vector<1x16xf32>,
      %get3A_566 = arith.index_cast %add3A_553 : i32 to index
      %get3A_567 = arith.constant 16 : index
      %get3A_568 = tpu.vector_load %arg9[%get3A_566, %get3A_567] {strides = array<i32>} : memref<400x32xf32, #tpu.memory_space<vmem>>, vector<1x16xf32>,
      %get3A_569 = vector.shape_cast %get3A_568 : vector<1x16xf32> to vector<1x16xf32>
      %get3A_570 = arith.index_cast %add3A_553 : i32 to index
      %get3A_571 = arith.constant 16 : index
      %get3A_572 = tpu.vector_load %arg11[%get3A_570, %get3A_571] {strides = array<i32>} : memref<400x32xf32, #tpu.memory_space<vmem>>, vector<1x16xf32>,
      %get3A_573 = vector.shape_cast %get3A_572 : vector<1x16xf32> to vector<1x16xf32>
      %add3A_574 = arith.addf %get3A_569, %get3A_573 : vector<1x16xf32>
      %swap3A_575 = arith.index_cast %add3A_553 : i32 to index
      %swap3A_576 = arith.constant 16 : index
      %swap3A_577 = tpu.vector_load %arg9[%swap3A_575, %swap3A_576] {strides = array<i32>} : memref<400x32xf32, #tpu.memory_space<vmem>>, vector<1x16xf32>,
      %swap3A_578 = vector.shape_cast %swap3A_577 : vector<1x16xf32> to vector<1x16xf32>
      %swap3A_579 = vector.shape_cast %add3A_574 : vector<1x16xf32> to vector<1x16xf32>
      tpu.vector_store %arg9[%swap3A_575, %swap3A_576], %swap3A_579 {strides = array<i32>} : memref<400x32xf32, #tpu.memory_space<vmem>>, vector<1x16xf32>,
    }
    %scan3A_479 = arith.constant 400 : i32
    %add3A_480 = arith.constant 5 : i32
    %add3A_481 = arith.addi %mul3A_2, %add3A_480 : i32
    %jit3A_482 = arith.constant 8 : i32
    %div3A_483 = arith.divsi %add3A_481, %jit3A_482 : i32
    %sign3A_484 = arith.constant 0 : i32
    %sign3A_485 = arith.cmpi sgt, %add3A_481, %sign3A_484 : i32
    %sign3A_486 = arith.extui %sign3A_485 : i1 to i32
    %sign3A_487 = arith.constant 0 : i32
    %sign3A_488 = arith.cmpi slt, %add3A_481, %sign3A_487 : i32
    %sign3A_489 = arith.extui %sign3A_488 : i1 to i32
    %sign3A_490 = arith.subi %sign3A_486, %sign3A_489 : i32
    %sign3A_491 = arith.constant 0 : i32
    %sign3A_492 = arith.cmpi sgt, %jit3A_482, %sign3A_491 : i32
    %sign3A_493 = arith.extui %sign3A_492 : i1 to i32
    %sign3A_494 = arith.constant 0 : i32
    %sign3A_495 = arith.cmpi slt, %jit3A_482, %sign3A_494 : i32
    %sign3A_496 = arith.extui %sign3A_495 : i1 to i32
    %sign3A_497 = arith.subi %sign3A_493, %sign3A_496 : i32
    %ne3A_498 = arith.cmpi ne, %sign3A_490, %sign3A_497 : i32
    %rem3A_499 = arith.remsi %add3A_481, %jit3A_482 : i32
    %ne3A_500 = arith.constant 0 : i32
    %ne3A_501 = arith.cmpi ne, %rem3A_499, %ne3A_500 : i32
    %and3A_502 = arith.andi %ne3A_498, %ne3A_501 : i1
    %sub3A_503 = arith.constant 1 : i32
    %sub3A_504 = arith.subi %div3A_483, %sub3A_503 : i32
    %select_n3A_505 = arith.select %and3A_502, %sub3A_504, %div3A_483 : i32
    %add3A_506 = arith.constant 64 : i32
    %add3A_507 = arith.addi %add3A_506, %select_n3A_505 : i32
    %rem3A_508 = arith.constant 4 : i32
    %rem3A_509 = arith.remsi %add3A_507, %rem3A_508 : i32
    %jit3A_510 = arith.constant 4 : i32
    %div3A_511 = arith.divsi %select_n3A_505, %jit3A_510 : i32
    %sign3A_512 = arith.constant 0 : i32
    %sign3A_513 = arith.cmpi sgt, %select_n3A_505, %sign3A_512 : i32
    %sign3A_514 = arith.extui %sign3A_513 : i1 to i32
    %sign3A_515 = arith.constant 0 : i32
    %sign3A_516 = arith.cmpi slt, %select_n3A_505, %sign3A_515 : i32
    %sign3A_517 = arith.extui %sign3A_516 : i1 to i32
    %sign3A_518 = arith.subi %sign3A_514, %sign3A_517 : i32
    %sign3A_519 = arith.constant 0 : i32
    %sign3A_520 = arith.cmpi sgt, %jit3A_510, %sign3A_519 : i32
    %sign3A_521 = arith.extui %sign3A_520 : i1 to i32
    %sign3A_522 = arith.constant 0 : i32
    %sign3A_523 = arith.cmpi slt, %jit3A_510, %sign3A_522 : i32
    %sign3A_524 = arith.extui %sign3A_523 : i1 to i32
    %sign3A_525 = arith.subi %sign3A_521, %sign3A_524 : i32
    %ne3A_526 = arith.cmpi ne, %sign3A_518, %sign3A_525 : i32
    %rem3A_527 = arith.remsi %select_n3A_505, %jit3A_510 : i32
    %ne3A_528 = arith.constant 0 : i32
    %ne3A_529 = arith.cmpi ne, %rem3A_527, %ne3A_528 : i32
    %and3A_530 = arith.andi %ne3A_526, %ne3A_529 : i1
    %sub3A_531 = arith.constant 1 : i32
    %sub3A_532 = arith.subi %div3A_511, %sub3A_531 : i32
    %select_n3A_533 = arith.select %and3A_530, %sub3A_532, %div3A_511 : i32
    %mul3A_534 = arith.constant 3200 : i32
    %mul3A_535 = arith.muli %select_n3A_533, %mul3A_534 : i32
    %rem3A_536 = arith.constant 8 : i32
    %rem3A_537 = arith.remsi %add3A_481, %rem3A_536 : i32
    %mul3A_538 = arith.constant 400 : i32
    %mul3A_539 = arith.muli %rem3A_537, %mul3A_538 : i32
    %add3A_540 = arith.addi %mul3A_535, %mul3A_539 : i32
    %mul3A_541 = arith.constant 32 : i32
    %mul3A_542 = arith.muli %rem3A_509, %mul3A_541 : i32
    %dma_start3A_543 = tpu.memref_slice %arg5[%add3A_540, %mul3A_542] : memref<19200x128xf32, #tpu.memory_space<hbm>> -> memref<400x32xf32, #tpu.memory_space<hbm>>
    %dma_start3A_544 = tpu.memref_slice %arg5[%add3A_540, %mul3A_542] : memref<19200x128xf32, #tpu.memory_space<hbm>> -> memref<400x32xf32, #tpu.memory_space<hbm>>
    tpu.enqueue_dma source(%arg9 : memref<400x32xf32, #tpu.memory_space<vmem>>) target(%dma_start3A_544 : memref<400x32xf32, #tpu.memory_space<hbm>>) target_semaphore(%arg17 : memref<!tpu.dma_semaphore, #tpu.memory_space<semaphore_mem>>)
    %dma_wait3A_545 = tpu.memref_slice %arg5[%add3A_460, %mul3A_462] : memref<19200x128xf32, #tpu.memory_space<hbm>> -> memref<400x32xf32, #tpu.memory_space<hbm>>
    %dma_wait3A_546 = tpu.memref_slice %arg5[%add3A_460, %mul3A_462] : memref<19200x128xf32, #tpu.memory_space<hbm>> -> memref<400x32xf32, #tpu.memory_space<hbm>>
    tpu.wait_dma2 semaphore(%arg16 : memref<!tpu.dma_semaphore, #tpu.memory_space<semaphore_mem>>) src(%arg8 : memref<400x32xf32, #tpu.memory_space<vmem>>) dst(%dma_wait3A_546 : memref<400x32xf32, #tpu.memory_space<hbm>>)
    %dma_wait3A_547 = tpu.memref_slice %arg5[%add3A_540, %mul3A_542] : memref<19200x128xf32, #tpu.memory_space<hbm>> -> memref<400x32xf32, #tpu.memory_space<hbm>>
    %dma_wait3A_548 = tpu.memref_slice %arg5[%add3A_540, %mul3A_542] : memref<19200x128xf32, #tpu.memory_space<hbm>> -> memref<400x32xf32, #tpu.memory_space<hbm>>
    tpu.wait_dma2 semaphore(%arg17 : memref<!tpu.dma_semaphore, #tpu.memory_space<semaphore_mem>>) src(%arg9 : memref<400x32xf32, #tpu.memory_space<vmem>>) dst(%dma_wait3A_548 : memref<400x32xf32, #tpu.memory_space<hbm>>)
    return
  }
}

#map = affine_map<(d0, d1) -> (0, 0)>
module attributes {stable_mosaic.version = 14 : i64} {
  func.func @k(%arg0: i32, %arg1: i32, %arg2: memref<10000x32xf32, #tpu.memory_space<hbm>>, %arg3: memref<10000x32xf32, #tpu.memory_space<hbm>>, %arg4: memref<2x320000xi32, #tpu.memory_space<hbm>>, %arg5: memref<9600x128xf32, #tpu.memory_space<hbm>>, %arg6: memref<1200xi32, #tpu.memory_space<vmem>>, %arg7: memref<1200xi32, #tpu.memory_space<vmem>>, %arg8: memref<400x32xf32, #tpu.memory_space<vmem>>, %arg9: memref<400x32xf32, #tpu.memory_space<vmem>>, %arg10: memref<400x32xf32, #tpu.memory_space<vmem>>, %arg11: memref<400x32xf32, #tpu.memory_space<vmem>>, %arg12: memref<!tpu.dma_semaphore, #tpu.memory_space<semaphore_mem>>, %arg13: memref<!tpu.dma_semaphore, #tpu.memory_space<semaphore_mem>>, %arg14: memref<!tpu.dma_semaphore, #tpu.memory_space<semaphore_mem>>, %arg15: memref<!tpu.dma_semaphore, #tpu.memory_space<semaphore_mem>>, %arg16: memref<!tpu.dma_semaphore, #tpu.memory_space<semaphore_mem>>, %arg17: memref<!tpu.dma_semaphore, #tpu.memory_space<semaphore_mem>>) attributes {dimension_semantics = [#tpu.dimension_semantics<core_parallel>, #tpu.dimension_semantics<subcore_parallel>], iteration_bounds = array<i64: 2, 16>, scalar_prefetch = 0 : i64, scratch_operands = 12 : i64, tpu.core_type = #tpu.core_type<sc_vector_subcore>, window_params = [{transform_indices = #map}, {transform_indices = #map}, {transform_indices = #map}, {transform_indices = #map}]} {
    %mul3A = arith.constant 2 : i32
    %mul3A_0 = arith.muli %arg1, %mul3A : i32
    %add3A = arith.addi %mul3A_0, %arg0 : i32
    %mul3A_1 = arith.constant 3 : i32
    %mul3A_2 = arith.muli %add3A, %mul3A_1 : i32
    %mul3A_3 = arith.constant 400 : i32
    %mul3A_4 = arith.muli %mul3A_2, %mul3A_3 : i32
    %add3A_5 = arith.constant 281600 : i32
    %add3A_6 = arith.addi %add3A_5, %mul3A_4 : i32
    %run_scoped3A = arith.constant 0 : i32
    "tpu.region"() ({
      %run_scoped3A_273 = tpu.sem_alloc : memref<!tpu.dma_semaphore, #tpu.memory_space<semaphore_mem>>
      %dma_start3A_274 = tpu.memref_slice %arg4[%run_scoped3A, %add3A_6] : memref<2x320000xi32, #tpu.memory_space<hbm>> -> memref<1x1200xi32, #tpu.memory_space<hbm>>
      %dma_start3A_275 = tpu.memref_squeeze %dma_start3A_274 : memref<1x1200xi32, #tpu.memory_space<hbm>> -> memref<1200xi32, #tpu.memory_space<hbm>>
      %dma_start3A_276 = tpu.memref_slice %arg4[%run_scoped3A, %add3A_6] : memref<2x320000xi32, #tpu.memory_space<hbm>> -> memref<1x1200xi32, #tpu.memory_space<hbm>>
      %dma_start3A_277 = tpu.memref_squeeze %dma_start3A_276 : memref<1x1200xi32, #tpu.memory_space<hbm>> -> memref<1200xi32, #tpu.memory_space<hbm>>
      tpu.enqueue_dma source(%dma_start3A_277 : memref<1200xi32, #tpu.memory_space<hbm>>) target(%arg6 : memref<1200xi32, #tpu.memory_space<vmem>>) target_semaphore(%run_scoped3A_273 : memref<!tpu.dma_semaphore, #tpu.memory_space<semaphore_mem>>)
      %dma_wait3A_278 = tpu.memref_slice %arg4[%run_scoped3A, %add3A_6] : memref<2x320000xi32, #tpu.memory_space<hbm>> -> memref<1x1200xi32, #tpu.memory_space<hbm>>
      %dma_wait3A_279 = tpu.memref_squeeze %dma_wait3A_278 : memref<1x1200xi32, #tpu.memory_space<hbm>> -> memref<1200xi32, #tpu.memory_space<hbm>>
      %dma_wait3A_280 = tpu.memref_slice %arg4[%run_scoped3A, %add3A_6] : memref<2x320000xi32, #tpu.memory_space<hbm>> -> memref<1x1200xi32, #tpu.memory_space<hbm>>
      %dma_wait3A_281 = tpu.memref_squeeze %dma_wait3A_280 : memref<1x1200xi32, #tpu.memory_space<hbm>> -> memref<1200xi32, #tpu.memory_space<hbm>>
      tpu.wait_dma2 semaphore(%run_scoped3A_273 : memref<!tpu.dma_semaphore, #tpu.memory_space<semaphore_mem>>) src(%dma_wait3A_281 : memref<1200xi32, #tpu.memory_space<hbm>>) dst(%arg6 : memref<1200xi32, #tpu.memory_space<vmem>>)
      tpu.yield
    }) : () -> ()
    %run_scoped3A_7 = arith.constant 1 : i32
    "tpu.region"() ({
      %run_scoped3A_273 = tpu.sem_alloc : memref<!tpu.dma_semaphore, #tpu.memory_space<semaphore_mem>>
      %dma_start3A_274 = tpu.memref_slice %arg4[%run_scoped3A_7, %add3A_6] : memref<2x320000xi32, #tpu.memory_space<hbm>> -> memref<1x1200xi32, #tpu.memory_space<hbm>>
      %dma_start3A_275 = tpu.memref_squeeze %dma_start3A_274 : memref<1x1200xi32, #tpu.memory_space<hbm>> -> memref<1200xi32, #tpu.memory_space<hbm>>
      %dma_start3A_276 = tpu.memref_slice %arg4[%run_scoped3A_7, %add3A_6] : memref<2x320000xi32, #tpu.memory_space<hbm>> -> memref<1x1200xi32, #tpu.memory_space<hbm>>
      %dma_start3A_277 = tpu.memref_squeeze %dma_start3A_276 : memref<1x1200xi32, #tpu.memory_space<hbm>> -> memref<1200xi32, #tpu.memory_space<hbm>>
      tpu.enqueue_dma source(%dma_start3A_277 : memref<1200xi32, #tpu.memory_space<hbm>>) target(%arg7 : memref<1200xi32, #tpu.memory_space<vmem>>) target_semaphore(%run_scoped3A_273 : memref<!tpu.dma_semaphore, #tpu.memory_space<semaphore_mem>>)
      %dma_wait3A_278 = tpu.memref_slice %arg4[%run_scoped3A_7, %add3A_6] : memref<2x320000xi32, #tpu.memory_space<hbm>> -> memref<1x1200xi32, #tpu.memory_space<hbm>>
      %dma_wait3A_279 = tpu.memref_squeeze %dma_wait3A_278 : memref<1x1200xi32, #tpu.memory_space<hbm>> -> memref<1200xi32, #tpu.memory_space<hbm>>
      %dma_wait3A_280 = tpu.memref_slice %arg4[%run_scoped3A_7, %add3A_6] : memref<2x320000xi32, #tpu.memory_space<hbm>> -> memref<1x1200xi32, #tpu.memory_space<hbm>>
      %dma_wait3A_281 = tpu.memref_squeeze %dma_wait3A_280 : memref<1x1200xi32, #tpu.memory_space<hbm>> -> memref<1200xi32, #tpu.memory_space<hbm>>
      tpu.wait_dma2 semaphore(%run_scoped3A_273 : memref<!tpu.dma_semaphore, #tpu.memory_space<semaphore_mem>>) src(%dma_wait3A_281 : memref<1200xi32, #tpu.memory_space<hbm>>) dst(%arg7 : memref<1200xi32, #tpu.memory_space<vmem>>)
      tpu.yield
    }) : () -> ()
    %dma_start3A = arith.constant 0 : i32
    %dma_start3A_8 = tpu.memref_slice %arg6[%dma_start3A] : memref<1200xi32, #tpu.memory_space<vmem>> -> memref<400xi32, #tpu.memory_space<vmem>>
    %dma_start3A_9 = arith.constant 0 : i32
    %dma_start3A_10 = arith.constant 0 : i32
    %dma_start3A_11 = tpu.memref_slice %arg2[%dma_start3A_9, %dma_start3A_10] : memref<10000x32xf32, #tpu.memory_space<hbm>> -> memref<10000x32xf32, #tpu.memory_space<hbm>>
    tpu.enqueue_indirect_dma source(%dma_start3A_11 : memref<10000x32xf32, #tpu.memory_space<hbm>>) target(%arg8 : memref<400x32xf32, #tpu.memory_space<vmem>>) offsets(%dma_start3A_8 : memref<400xi32, #tpu.memory_space<vmem>>) semaphore(%arg12 : memref<!tpu.dma_semaphore, #tpu.memory_space<semaphore_mem>>)
    %dma_start3A_12 = arith.constant 0 : i32
    %dma_start3A_13 = tpu.memref_slice %arg7[%dma_start3A_12] : memref<1200xi32, #tpu.memory_space<vmem>> -> memref<400xi32, #tpu.memory_space<vmem>>
    %dma_start3A_14 = arith.constant 0 : i32
    %dma_start3A_15 = arith.constant 0 : i32
    %dma_start3A_16 = tpu.memref_slice %arg3[%dma_start3A_14, %dma_start3A_15] : memref<10000x32xf32, #tpu.memory_space<hbm>> -> memref<10000x32xf32, #tpu.memory_space<hbm>>
    tpu.enqueue_indirect_dma source(%dma_start3A_16 : memref<10000x32xf32, #tpu.memory_space<hbm>>) target(%arg10 : memref<400x32xf32, #tpu.memory_space<vmem>>) offsets(%dma_start3A_13 : memref<400xi32, #tpu.memory_space<vmem>>) semaphore(%arg14 : memref<!tpu.dma_semaphore, #tpu.memory_space<semaphore_mem>>)
    %dma_start3A_17 = arith.constant 400 : i32
    %dma_start3A_18 = tpu.memref_slice %arg6[%dma_start3A_17] : memref<1200xi32, #tpu.memory_space<vmem>> -> memref<400xi32, #tpu.memory_space<vmem>>
    %dma_start3A_19 = arith.constant 0 : i32
    %dma_start3A_20 = arith.constant 0 : i32
    %dma_start3A_21 = tpu.memref_slice %arg2[%dma_start3A_19, %dma_start3A_20] : memref<10000x32xf32, #tpu.memory_space<hbm>> -> memref<10000x32xf32, #tpu.memory_space<hbm>>
    tpu.enqueue_indirect_dma source(%dma_start3A_21 : memref<10000x32xf32, #tpu.memory_space<hbm>>) target(%arg9 : memref<400x32xf32, #tpu.memory_space<vmem>>) offsets(%dma_start3A_18 : memref<400xi32, #tpu.memory_space<vmem>>) semaphore(%arg13 : memref<!tpu.dma_semaphore, #tpu.memory_space<semaphore_mem>>)
    %dma_start3A_22 = arith.constant 400 : i32
    %dma_start3A_23 = tpu.memref_slice %arg7[%dma_start3A_22] : memref<1200xi32, #tpu.memory_space<vmem>> -> memref<400xi32, #tpu.memory_space<vmem>>
    %dma_start3A_24 = arith.constant 0 : i32
    %dma_start3A_25 = arith.constant 0 : i32
    %dma_start3A_26 = tpu.memref_slice %arg3[%dma_start3A_24, %dma_start3A_25] : memref<10000x32xf32, #tpu.memory_space<hbm>> -> memref<10000x32xf32, #tpu.memory_space<hbm>>
    tpu.enqueue_indirect_dma source(%dma_start3A_26 : memref<10000x32xf32, #tpu.memory_space<hbm>>) target(%arg11 : memref<400x32xf32, #tpu.memory_space<vmem>>) offsets(%dma_start3A_23 : memref<400xi32, #tpu.memory_space<vmem>>) semaphore(%arg15 : memref<!tpu.dma_semaphore, #tpu.memory_space<semaphore_mem>>)
    %dma_wait3A = arith.constant 0 : i32
    %dma_wait3A_27 = tpu.memref_slice %arg6[%dma_wait3A] : memref<1200xi32, #tpu.memory_space<vmem>> -> memref<400xi32, #tpu.memory_space<vmem>>
    %dma_wait3A_28 = arith.constant 0 : i32
    %dma_wait3A_29 = arith.constant 0 : i32
    %dma_wait3A_30 = tpu.memref_slice %arg2[%dma_wait3A_28, %dma_wait3A_29] : memref<10000x32xf32, #tpu.memory_space<hbm>> -> memref<10000x32xf32, #tpu.memory_space<hbm>>
    tpu.wait_indirect_dma semaphore(%arg12 : memref<!tpu.dma_semaphore, #tpu.memory_space<semaphore_mem>>) src(%dma_wait3A_30 : memref<10000x32xf32, #tpu.memory_space<hbm>>) dst(%arg8 : memref<400x32xf32, #tpu.memory_space<vmem>>)
    %dma_wait3A_31 = arith.constant 0 : i32
    %dma_wait3A_32 = tpu.memref_slice %arg7[%dma_wait3A_31] : memref<1200xi32, #tpu.memory_space<vmem>> -> memref<400xi32, #tpu.memory_space<vmem>>
    %dma_wait3A_33 = arith.constant 0 : i32
    %dma_wait3A_34 = arith.constant 0 : i32
    %dma_wait3A_35 = tpu.memref_slice %arg3[%dma_wait3A_33, %dma_wait3A_34] : memref<10000x32xf32, #tpu.memory_space<hbm>> -> memref<10000x32xf32, #tpu.memory_space<hbm>>
    tpu.wait_indirect_dma semaphore(%arg14 : memref<!tpu.dma_semaphore, #tpu.memory_space<semaphore_mem>>) src(%dma_wait3A_35 : memref<10000x32xf32, #tpu.memory_space<hbm>>) dst(%arg10 : memref<400x32xf32, #tpu.memory_space<vmem>>)
    %scan3A = arith.constant 0 : i32
    %scan3A_36 = arith.constant 400 : i32
    %scan3A_37 = arith.addi %scan3A, %scan3A_36 : i32
    %scan3A_38 = arith.constant 1 : i32
    scf.for %scan3A_273 = %scan3A to %scan3A_37 step %scan3A_38  : i32 {
      %mul3A_274 = arith.constant 1 : i32
      %mul3A_275 = arith.muli %scan3A_273, %mul3A_274 : i32
      %add3A_276 = arith.constant 0 : i32
      %add3A_277 = arith.addi %add3A_276, %mul3A_275 : i32
      %get3A = arith.index_cast %add3A_277 : i32 to index
      %get3A_278 = arith.constant 0 : index
      %get3A_279 = tpu.vector_load %arg8[%get3A, %get3A_278] {strides = array<i32>} : memref<400x32xf32, #tpu.memory_space<vmem>>, vector<1x16xf32>,
      %get3A_280 = vector.shape_cast %get3A_279 : vector<1x16xf32> to vector<1x16xf32>
      %get3A_281 = arith.index_cast %add3A_277 : i32 to index
      %get3A_282 = arith.constant 0 : index
      %get3A_283 = tpu.vector_load %arg10[%get3A_281, %get3A_282] {strides = array<i32>} : memref<400x32xf32, #tpu.memory_space<vmem>>, vector<1x16xf32>,
      %get3A_284 = vector.shape_cast %get3A_283 : vector<1x16xf32> to vector<1x16xf32>
      %add3A_285 = arith.addf %get3A_280, %get3A_284 : vector<1x16xf32>
      %swap3A = arith.index_cast %add3A_277 : i32 to index
      %swap3A_286 = arith.constant 0 : index
      %swap3A_287 = tpu.vector_load %arg8[%swap3A, %swap3A_286] {strides = array<i32>} : memref<400x32xf32, #tpu.memory_space<vmem>>, vector<1x16xf32>,
      %swap3A_288 = vector.shape_cast %swap3A_287 : vector<1x16xf32> to vector<1x16xf32>
      %swap3A_289 = vector.shape_cast %add3A_285 : vector<1x16xf32> to vector<1x16xf32>
      tpu.vector_store %arg8[%swap3A, %swap3A_286], %swap3A_289 {strides = array<i32>} : memref<400x32xf32, #tpu.memory_space<vmem>>, vector<1x16xf32>,
      %get3A_290 = arith.index_cast %add3A_277 : i32 to index
      %get3A_291 = arith.constant 16 : index
      %get3A_292 = tpu.vector_load %arg8[%get3A_290, %get3A_291] {strides = array<i32>} : memref<400x32xf32, #tpu.memory_space<vmem>>, vector<1x16xf32>,
      %get3A_293 = vector.shape_cast %get3A_292 : vector<1x16xf32> to vector<1x16xf32>
      %get3A_294 = arith.index_cast %add3A_277 : i32 to index
      %get3A_295 = arith.constant 16 : index
      %get3A_296 = tpu.vector_load %arg10[%get3A_294, %get3A_295] {strides = array<i32>} : memref<400x32xf32, #tpu.memory_space<vmem>>, vector<1x16xf32>,
      %get3A_297 = vector.shape_cast %get3A_296 : vector<1x16xf32> to vector<1x16xf32>
      %add3A_298 = arith.addf %get3A_293, %get3A_297 : vector<1x16xf32>
      %swap3A_299 = arith.index_cast %add3A_277 : i32 to index
      %swap3A_300 = arith.constant 16 : index
      %swap3A_301 = tpu.vector_load %arg8[%swap3A_299, %swap3A_300] {strides = array<i32>} : memref<400x32xf32, #tpu.memory_space<vmem>>, vector<1x16xf32>,
      %swap3A_302 = vector.shape_cast %swap3A_301 : vector<1x16xf32> to vector<1x16xf32>
      %swap3A_303 = vector.shape_cast %add3A_298 : vector<1x16xf32> to vector<1x16xf32>
      tpu.vector_store %arg8[%swap3A_299, %swap3A_300], %swap3A_303 {strides = array<i32>} : memref<400x32xf32, #tpu.memory_space<vmem>>, vector<1x16xf32>,
    }
    %scan3A_39 = arith.constant 400 : i32
    %add3A_40 = arith.constant 0 : i32
    %add3A_41 = arith.addi %mul3A_2, %add3A_40 : i32
    %jit3A = arith.constant 8 : i32
    %div3A = arith.divsi %add3A_41, %jit3A : i32
    %sign3A = arith.constant 0 : i32
    %sign3A_42 = arith.cmpi sgt, %add3A_41, %sign3A : i32
    %sign3A_43 = arith.extui %sign3A_42 : i1 to i32
    %sign3A_44 = arith.constant 0 : i32
    %sign3A_45 = arith.cmpi slt, %add3A_41, %sign3A_44 : i32
    %sign3A_46 = arith.extui %sign3A_45 : i1 to i32
    %sign3A_47 = arith.subi %sign3A_43, %sign3A_46 : i32
    %sign3A_48 = arith.constant 0 : i32
    %sign3A_49 = arith.cmpi sgt, %jit3A, %sign3A_48 : i32
    %sign3A_50 = arith.extui %sign3A_49 : i1 to i32
    %sign3A_51 = arith.constant 0 : i32
    %sign3A_52 = arith.cmpi slt, %jit3A, %sign3A_51 : i32
    %sign3A_53 = arith.extui %sign3A_52 : i1 to i32
    %sign3A_54 = arith.subi %sign3A_50, %sign3A_53 : i32
    %ne3A = arith.cmpi ne, %sign3A_47, %sign3A_54 : i32
    %rem3A = arith.remsi %add3A_41, %jit3A : i32
    %ne3A_55 = arith.constant 0 : i32
    %ne3A_56 = arith.cmpi ne, %rem3A, %ne3A_55 : i32
    %and3A = arith.andi %ne3A, %ne3A_56 : i1
    %sub3A = arith.constant 1 : i32
    %sub3A_57 = arith.subi %div3A, %sub3A : i32
    %select_n3A = arith.select %and3A, %sub3A_57, %div3A : i32
    %add3A_58 = arith.constant 88 : i32
    %add3A_59 = arith.addi %add3A_58, %select_n3A : i32
    %rem3A_60 = arith.constant 4 : i32
    %rem3A_61 = arith.remsi %add3A_59, %rem3A_60 : i32
    %jit3A_62 = arith.constant 4 : i32
    %div3A_63 = arith.divsi %select_n3A, %jit3A_62 : i32
    %sign3A_64 = arith.constant 0 : i32
    %sign3A_65 = arith.cmpi sgt, %select_n3A, %sign3A_64 : i32
    %sign3A_66 = arith.extui %sign3A_65 : i1 to i32
    %sign3A_67 = arith.constant 0 : i32
    %sign3A_68 = arith.cmpi slt, %select_n3A, %sign3A_67 : i32
    %sign3A_69 = arith.extui %sign3A_68 : i1 to i32
    %sign3A_70 = arith.subi %sign3A_66, %sign3A_69 : i32
    %sign3A_71 = arith.constant 0 : i32
    %sign3A_72 = arith.cmpi sgt, %jit3A_62, %sign3A_71 : i32
    %sign3A_73 = arith.extui %sign3A_72 : i1 to i32
    %sign3A_74 = arith.constant 0 : i32
    %sign3A_75 = arith.cmpi slt, %jit3A_62, %sign3A_74 : i32
    %sign3A_76 = arith.extui %sign3A_75 : i1 to i32
    %sign3A_77 = arith.subi %sign3A_73, %sign3A_76 : i32
    %ne3A_78 = arith.cmpi ne, %sign3A_70, %sign3A_77 : i32
    %rem3A_79 = arith.remsi %select_n3A, %jit3A_62 : i32
    %ne3A_80 = arith.constant 0 : i32
    %ne3A_81 = arith.cmpi ne, %rem3A_79, %ne3A_80 : i32
    %and3A_82 = arith.andi %ne3A_78, %ne3A_81 : i1
    %sub3A_83 = arith.constant 1 : i32
    %sub3A_84 = arith.subi %div3A_63, %sub3A_83 : i32
    %select_n3A_85 = arith.select %and3A_82, %sub3A_84, %div3A_63 : i32
    %mul3A_86 = arith.constant 3200 : i32
    %mul3A_87 = arith.muli %select_n3A_85, %mul3A_86 : i32
    %rem3A_88 = arith.constant 8 : i32
    %rem3A_89 = arith.remsi %add3A_41, %rem3A_88 : i32
    %mul3A_90 = arith.constant 400 : i32
    %mul3A_91 = arith.muli %rem3A_89, %mul3A_90 : i32
    %add3A_92 = arith.addi %mul3A_87, %mul3A_91 : i32
    %mul3A_93 = arith.constant 32 : i32
    %mul3A_94 = arith.muli %rem3A_61, %mul3A_93 : i32
    %dma_start3A_95 = tpu.memref_slice %arg5[%add3A_92, %mul3A_94] : memref<9600x128xf32, #tpu.memory_space<hbm>> -> memref<400x32xf32, #tpu.memory_space<hbm>>
    %dma_start3A_96 = tpu.memref_slice %arg5[%add3A_92, %mul3A_94] : memref<9600x128xf32, #tpu.memory_space<hbm>> -> memref<400x32xf32, #tpu.memory_space<hbm>>
    tpu.enqueue_dma source(%arg8 : memref<400x32xf32, #tpu.memory_space<vmem>>) target(%dma_start3A_96 : memref<400x32xf32, #tpu.memory_space<hbm>>) target_semaphore(%arg16 : memref<!tpu.dma_semaphore, #tpu.memory_space<semaphore_mem>>)
    %dma_wait3A_97 = tpu.memref_slice %arg5[%add3A_92, %mul3A_94] : memref<9600x128xf32, #tpu.memory_space<hbm>> -> memref<400x32xf32, #tpu.memory_space<hbm>>
    %dma_wait3A_98 = tpu.memref_slice %arg5[%add3A_92, %mul3A_94] : memref<9600x128xf32, #tpu.memory_space<hbm>> -> memref<400x32xf32, #tpu.memory_space<hbm>>
    tpu.wait_dma2 semaphore(%arg16 : memref<!tpu.dma_semaphore, #tpu.memory_space<semaphore_mem>>) src(%arg8 : memref<400x32xf32, #tpu.memory_space<vmem>>) dst(%dma_wait3A_98 : memref<400x32xf32, #tpu.memory_space<hbm>>)
    %dma_start3A_99 = arith.constant 800 : i32
    %dma_start3A_100 = tpu.memref_slice %arg6[%dma_start3A_99] : memref<1200xi32, #tpu.memory_space<vmem>> -> memref<400xi32, #tpu.memory_space<vmem>>
    %dma_start3A_101 = arith.constant 0 : i32
    %dma_start3A_102 = arith.constant 0 : i32
    %dma_start3A_103 = tpu.memref_slice %arg2[%dma_start3A_101, %dma_start3A_102] : memref<10000x32xf32, #tpu.memory_space<hbm>> -> memref<10000x32xf32, #tpu.memory_space<hbm>>
    tpu.enqueue_indirect_dma source(%dma_start3A_103 : memref<10000x32xf32, #tpu.memory_space<hbm>>) target(%arg8 : memref<400x32xf32, #tpu.memory_space<vmem>>) offsets(%dma_start3A_100 : memref<400xi32, #tpu.memory_space<vmem>>) semaphore(%arg12 : memref<!tpu.dma_semaphore, #tpu.memory_space<semaphore_mem>>)
    %dma_start3A_104 = arith.constant 800 : i32
    %dma_start3A_105 = tpu.memref_slice %arg7[%dma_start3A_104] : memref<1200xi32, #tpu.memory_space<vmem>> -> memref<400xi32, #tpu.memory_space<vmem>>
    %dma_start3A_106 = arith.constant 0 : i32
    %dma_start3A_107 = arith.constant 0 : i32
    %dma_start3A_108 = tpu.memref_slice %arg3[%dma_start3A_106, %dma_start3A_107] : memref<10000x32xf32, #tpu.memory_space<hbm>> -> memref<10000x32xf32, #tpu.memory_space<hbm>>
    tpu.enqueue_indirect_dma source(%dma_start3A_108 : memref<10000x32xf32, #tpu.memory_space<hbm>>) target(%arg10 : memref<400x32xf32, #tpu.memory_space<vmem>>) offsets(%dma_start3A_105 : memref<400xi32, #tpu.memory_space<vmem>>) semaphore(%arg14 : memref<!tpu.dma_semaphore, #tpu.memory_space<semaphore_mem>>)
    %dma_wait3A_109 = arith.constant 400 : i32
    %dma_wait3A_110 = tpu.memref_slice %arg6[%dma_wait3A_109] : memref<1200xi32, #tpu.memory_space<vmem>> -> memref<400xi32, #tpu.memory_space<vmem>>
    %dma_wait3A_111 = arith.constant 0 : i32
    %dma_wait3A_112 = arith.constant 0 : i32
    %dma_wait3A_113 = tpu.memref_slice %arg2[%dma_wait3A_111, %dma_wait3A_112] : memref<10000x32xf32, #tpu.memory_space<hbm>> -> memref<10000x32xf32, #tpu.memory_space<hbm>>
    tpu.wait_indirect_dma semaphore(%arg13 : memref<!tpu.dma_semaphore, #tpu.memory_space<semaphore_mem>>) src(%dma_wait3A_113 : memref<10000x32xf32, #tpu.memory_space<hbm>>) dst(%arg9 : memref<400x32xf32, #tpu.memory_space<vmem>>)
    %dma_wait3A_114 = arith.constant 400 : i32
    %dma_wait3A_115 = tpu.memref_slice %arg7[%dma_wait3A_114] : memref<1200xi32, #tpu.memory_space<vmem>> -> memref<400xi32, #tpu.memory_space<vmem>>
    %dma_wait3A_116 = arith.constant 0 : i32
    %dma_wait3A_117 = arith.constant 0 : i32
    %dma_wait3A_118 = tpu.memref_slice %arg3[%dma_wait3A_116, %dma_wait3A_117] : memref<10000x32xf32, #tpu.memory_space<hbm>> -> memref<10000x32xf32, #tpu.memory_space<hbm>>
    tpu.wait_indirect_dma semaphore(%arg15 : memref<!tpu.dma_semaphore, #tpu.memory_space<semaphore_mem>>) src(%dma_wait3A_118 : memref<10000x32xf32, #tpu.memory_space<hbm>>) dst(%arg11 : memref<400x32xf32, #tpu.memory_space<vmem>>)
    %scan3A_119 = arith.constant 0 : i32
    %scan3A_120 = arith.constant 400 : i32
    %scan3A_121 = arith.addi %scan3A_119, %scan3A_120 : i32
    %scan3A_122 = arith.constant 1 : i32
    scf.for %scan3A_273 = %scan3A_119 to %scan3A_121 step %scan3A_122  : i32 {
      %mul3A_274 = arith.constant 1 : i32
      %mul3A_275 = arith.muli %scan3A_273, %mul3A_274 : i32
      %add3A_276 = arith.constant 0 : i32
      %add3A_277 = arith.addi %add3A_276, %mul3A_275 : i32
      %get3A = arith.index_cast %add3A_277 : i32 to index
      %get3A_278 = arith.constant 0 : index
      %get3A_279 = tpu.vector_load %arg9[%get3A, %get3A_278] {strides = array<i32>} : memref<400x32xf32, #tpu.memory_space<vmem>>, vector<1x16xf32>,
      %get3A_280 = vector.shape_cast %get3A_279 : vector<1x16xf32> to vector<1x16xf32>
      %get3A_281 = arith.index_cast %add3A_277 : i32 to index
      %get3A_282 = arith.constant 0 : index
      %get3A_283 = tpu.vector_load %arg11[%get3A_281, %get3A_282] {strides = array<i32>} : memref<400x32xf32, #tpu.memory_space<vmem>>, vector<1x16xf32>,
      %get3A_284 = vector.shape_cast %get3A_283 : vector<1x16xf32> to vector<1x16xf32>
      %add3A_285 = arith.addf %get3A_280, %get3A_284 : vector<1x16xf32>
      %swap3A = arith.index_cast %add3A_277 : i32 to index
      %swap3A_286 = arith.constant 0 : index
      %swap3A_287 = tpu.vector_load %arg9[%swap3A, %swap3A_286] {strides = array<i32>} : memref<400x32xf32, #tpu.memory_space<vmem>>, vector<1x16xf32>,
      %swap3A_288 = vector.shape_cast %swap3A_287 : vector<1x16xf32> to vector<1x16xf32>
      %swap3A_289 = vector.shape_cast %add3A_285 : vector<1x16xf32> to vector<1x16xf32>
      tpu.vector_store %arg9[%swap3A, %swap3A_286], %swap3A_289 {strides = array<i32>} : memref<400x32xf32, #tpu.memory_space<vmem>>, vector<1x16xf32>,
      %get3A_290 = arith.index_cast %add3A_277 : i32 to index
      %get3A_291 = arith.constant 16 : index
      %get3A_292 = tpu.vector_load %arg9[%get3A_290, %get3A_291] {strides = array<i32>} : memref<400x32xf32, #tpu.memory_space<vmem>>, vector<1x16xf32>,
      %get3A_293 = vector.shape_cast %get3A_292 : vector<1x16xf32> to vector<1x16xf32>
      %get3A_294 = arith.index_cast %add3A_277 : i32 to index
      %get3A_295 = arith.constant 16 : index
      %get3A_296 = tpu.vector_load %arg11[%get3A_294, %get3A_295] {strides = array<i32>} : memref<400x32xf32, #tpu.memory_space<vmem>>, vector<1x16xf32>,
      %get3A_297 = vector.shape_cast %get3A_296 : vector<1x16xf32> to vector<1x16xf32>
      %add3A_298 = arith.addf %get3A_293, %get3A_297 : vector<1x16xf32>
      %swap3A_299 = arith.index_cast %add3A_277 : i32 to index
      %swap3A_300 = arith.constant 16 : index
      %swap3A_301 = tpu.vector_load %arg9[%swap3A_299, %swap3A_300] {strides = array<i32>} : memref<400x32xf32, #tpu.memory_space<vmem>>, vector<1x16xf32>,
      %swap3A_302 = vector.shape_cast %swap3A_301 : vector<1x16xf32> to vector<1x16xf32>
      %swap3A_303 = vector.shape_cast %add3A_298 : vector<1x16xf32> to vector<1x16xf32>
      tpu.vector_store %arg9[%swap3A_299, %swap3A_300], %swap3A_303 {strides = array<i32>} : memref<400x32xf32, #tpu.memory_space<vmem>>, vector<1x16xf32>,
    }
    %scan3A_123 = arith.constant 400 : i32
    %add3A_124 = arith.constant 1 : i32
    %add3A_125 = arith.addi %mul3A_2, %add3A_124 : i32
    %jit3A_126 = arith.constant 8 : i32
    %div3A_127 = arith.divsi %add3A_125, %jit3A_126 : i32
    %sign3A_128 = arith.constant 0 : i32
    %sign3A_129 = arith.cmpi sgt, %add3A_125, %sign3A_128 : i32
    %sign3A_130 = arith.extui %sign3A_129 : i1 to i32
    %sign3A_131 = arith.constant 0 : i32
    %sign3A_132 = arith.cmpi slt, %add3A_125, %sign3A_131 : i32
    %sign3A_133 = arith.extui %sign3A_132 : i1 to i32
    %sign3A_134 = arith.subi %sign3A_130, %sign3A_133 : i32
    %sign3A_135 = arith.constant 0 : i32
    %sign3A_136 = arith.cmpi sgt, %jit3A_126, %sign3A_135 : i32
    %sign3A_137 = arith.extui %sign3A_136 : i1 to i32
    %sign3A_138 = arith.constant 0 : i32
    %sign3A_139 = arith.cmpi slt, %jit3A_126, %sign3A_138 : i32
    %sign3A_140 = arith.extui %sign3A_139 : i1 to i32
    %sign3A_141 = arith.subi %sign3A_137, %sign3A_140 : i32
    %ne3A_142 = arith.cmpi ne, %sign3A_134, %sign3A_141 : i32
    %rem3A_143 = arith.remsi %add3A_125, %jit3A_126 : i32
    %ne3A_144 = arith.constant 0 : i32
    %ne3A_145 = arith.cmpi ne, %rem3A_143, %ne3A_144 : i32
    %and3A_146 = arith.andi %ne3A_142, %ne3A_145 : i1
    %sub3A_147 = arith.constant 1 : i32
    %sub3A_148 = arith.subi %div3A_127, %sub3A_147 : i32
    %select_n3A_149 = arith.select %and3A_146, %sub3A_148, %div3A_127 : i32
    %add3A_150 = arith.constant 88 : i32
    %add3A_151 = arith.addi %add3A_150, %select_n3A_149 : i32
    %rem3A_152 = arith.constant 4 : i32
    %rem3A_153 = arith.remsi %add3A_151, %rem3A_152 : i32
    %jit3A_154 = arith.constant 4 : i32
    %div3A_155 = arith.divsi %select_n3A_149, %jit3A_154 : i32
    %sign3A_156 = arith.constant 0 : i32
    %sign3A_157 = arith.cmpi sgt, %select_n3A_149, %sign3A_156 : i32
    %sign3A_158 = arith.extui %sign3A_157 : i1 to i32
    %sign3A_159 = arith.constant 0 : i32
    %sign3A_160 = arith.cmpi slt, %select_n3A_149, %sign3A_159 : i32
    %sign3A_161 = arith.extui %sign3A_160 : i1 to i32
    %sign3A_162 = arith.subi %sign3A_158, %sign3A_161 : i32
    %sign3A_163 = arith.constant 0 : i32
    %sign3A_164 = arith.cmpi sgt, %jit3A_154, %sign3A_163 : i32
    %sign3A_165 = arith.extui %sign3A_164 : i1 to i32
    %sign3A_166 = arith.constant 0 : i32
    %sign3A_167 = arith.cmpi slt, %jit3A_154, %sign3A_166 : i32
    %sign3A_168 = arith.extui %sign3A_167 : i1 to i32
    %sign3A_169 = arith.subi %sign3A_165, %sign3A_168 : i32
    %ne3A_170 = arith.cmpi ne, %sign3A_162, %sign3A_169 : i32
    %rem3A_171 = arith.remsi %select_n3A_149, %jit3A_154 : i32
    %ne3A_172 = arith.constant 0 : i32
    %ne3A_173 = arith.cmpi ne, %rem3A_171, %ne3A_172 : i32
    %and3A_174 = arith.andi %ne3A_170, %ne3A_173 : i1
    %sub3A_175 = arith.constant 1 : i32
    %sub3A_176 = arith.subi %div3A_155, %sub3A_175 : i32
    %select_n3A_177 = arith.select %and3A_174, %sub3A_176, %div3A_155 : i32
    %mul3A_178 = arith.constant 3200 : i32
    %mul3A_179 = arith.muli %select_n3A_177, %mul3A_178 : i32
    %rem3A_180 = arith.constant 8 : i32
    %rem3A_181 = arith.remsi %add3A_125, %rem3A_180 : i32
    %mul3A_182 = arith.constant 400 : i32
    %mul3A_183 = arith.muli %rem3A_181, %mul3A_182 : i32
    %add3A_184 = arith.addi %mul3A_179, %mul3A_183 : i32
    %mul3A_185 = arith.constant 32 : i32
    %mul3A_186 = arith.muli %rem3A_153, %mul3A_185 : i32
    %dma_start3A_187 = tpu.memref_slice %arg5[%add3A_184, %mul3A_186] : memref<9600x128xf32, #tpu.memory_space<hbm>> -> memref<400x32xf32, #tpu.memory_space<hbm>>
    %dma_start3A_188 = tpu.memref_slice %arg5[%add3A_184, %mul3A_186] : memref<9600x128xf32, #tpu.memory_space<hbm>> -> memref<400x32xf32, #tpu.memory_space<hbm>>
    tpu.enqueue_dma source(%arg9 : memref<400x32xf32, #tpu.memory_space<vmem>>) target(%dma_start3A_188 : memref<400x32xf32, #tpu.memory_space<hbm>>) target_semaphore(%arg17 : memref<!tpu.dma_semaphore, #tpu.memory_space<semaphore_mem>>)
    %dma_wait3A_189 = arith.constant 800 : i32
    %dma_wait3A_190 = tpu.memref_slice %arg6[%dma_wait3A_189] : memref<1200xi32, #tpu.memory_space<vmem>> -> memref<400xi32, #tpu.memory_space<vmem>>
    %dma_wait3A_191 = arith.constant 0 : i32
    %dma_wait3A_192 = arith.constant 0 : i32
    %dma_wait3A_193 = tpu.memref_slice %arg2[%dma_wait3A_191, %dma_wait3A_192] : memref<10000x32xf32, #tpu.memory_space<hbm>> -> memref<10000x32xf32, #tpu.memory_space<hbm>>
    tpu.wait_indirect_dma semaphore(%arg12 : memref<!tpu.dma_semaphore, #tpu.memory_space<semaphore_mem>>) src(%dma_wait3A_193 : memref<10000x32xf32, #tpu.memory_space<hbm>>) dst(%arg8 : memref<400x32xf32, #tpu.memory_space<vmem>>)
    %dma_wait3A_194 = arith.constant 800 : i32
    %dma_wait3A_195 = tpu.memref_slice %arg7[%dma_wait3A_194] : memref<1200xi32, #tpu.memory_space<vmem>> -> memref<400xi32, #tpu.memory_space<vmem>>
    %dma_wait3A_196 = arith.constant 0 : i32
    %dma_wait3A_197 = arith.constant 0 : i32
    %dma_wait3A_198 = tpu.memref_slice %arg3[%dma_wait3A_196, %dma_wait3A_197] : memref<10000x32xf32, #tpu.memory_space<hbm>> -> memref<10000x32xf32, #tpu.memory_space<hbm>>
    tpu.wait_indirect_dma semaphore(%arg14 : memref<!tpu.dma_semaphore, #tpu.memory_space<semaphore_mem>>) src(%dma_wait3A_198 : memref<10000x32xf32, #tpu.memory_space<hbm>>) dst(%arg10 : memref<400x32xf32, #tpu.memory_space<vmem>>)
    %scan3A_199 = arith.constant 0 : i32
    %scan3A_200 = arith.constant 400 : i32
    %scan3A_201 = arith.addi %scan3A_199, %scan3A_200 : i32
    %scan3A_202 = arith.constant 1 : i32
    scf.for %scan3A_273 = %scan3A_199 to %scan3A_201 step %scan3A_202  : i32 {
      %mul3A_274 = arith.constant 1 : i32
      %mul3A_275 = arith.muli %scan3A_273, %mul3A_274 : i32
      %add3A_276 = arith.constant 0 : i32
      %add3A_277 = arith.addi %add3A_276, %mul3A_275 : i32
      %get3A = arith.index_cast %add3A_277 : i32 to index
      %get3A_278 = arith.constant 0 : index
      %get3A_279 = tpu.vector_load %arg8[%get3A, %get3A_278] {strides = array<i32>} : memref<400x32xf32, #tpu.memory_space<vmem>>, vector<1x16xf32>,
      %get3A_280 = vector.shape_cast %get3A_279 : vector<1x16xf32> to vector<1x16xf32>
      %get3A_281 = arith.index_cast %add3A_277 : i32 to index
      %get3A_282 = arith.constant 0 : index
      %get3A_283 = tpu.vector_load %arg10[%get3A_281, %get3A_282] {strides = array<i32>} : memref<400x32xf32, #tpu.memory_space<vmem>>, vector<1x16xf32>,
      %get3A_284 = vector.shape_cast %get3A_283 : vector<1x16xf32> to vector<1x16xf32>
      %add3A_285 = arith.addf %get3A_280, %get3A_284 : vector<1x16xf32>
      %swap3A = arith.index_cast %add3A_277 : i32 to index
      %swap3A_286 = arith.constant 0 : index
      %swap3A_287 = tpu.vector_load %arg8[%swap3A, %swap3A_286] {strides = array<i32>} : memref<400x32xf32, #tpu.memory_space<vmem>>, vector<1x16xf32>,
      %swap3A_288 = vector.shape_cast %swap3A_287 : vector<1x16xf32> to vector<1x16xf32>
      %swap3A_289 = vector.shape_cast %add3A_285 : vector<1x16xf32> to vector<1x16xf32>
      tpu.vector_store %arg8[%swap3A, %swap3A_286], %swap3A_289 {strides = array<i32>} : memref<400x32xf32, #tpu.memory_space<vmem>>, vector<1x16xf32>,
      %get3A_290 = arith.index_cast %add3A_277 : i32 to index
      %get3A_291 = arith.constant 16 : index
      %get3A_292 = tpu.vector_load %arg8[%get3A_290, %get3A_291] {strides = array<i32>} : memref<400x32xf32, #tpu.memory_space<vmem>>, vector<1x16xf32>,
      %get3A_293 = vector.shape_cast %get3A_292 : vector<1x16xf32> to vector<1x16xf32>
      %get3A_294 = arith.index_cast %add3A_277 : i32 to index
      %get3A_295 = arith.constant 16 : index
      %get3A_296 = tpu.vector_load %arg10[%get3A_294, %get3A_295] {strides = array<i32>} : memref<400x32xf32, #tpu.memory_space<vmem>>, vector<1x16xf32>,
      %get3A_297 = vector.shape_cast %get3A_296 : vector<1x16xf32> to vector<1x16xf32>
      %add3A_298 = arith.addf %get3A_293, %get3A_297 : vector<1x16xf32>
      %swap3A_299 = arith.index_cast %add3A_277 : i32 to index
      %swap3A_300 = arith.constant 16 : index
      %swap3A_301 = tpu.vector_load %arg8[%swap3A_299, %swap3A_300] {strides = array<i32>} : memref<400x32xf32, #tpu.memory_space<vmem>>, vector<1x16xf32>,
      %swap3A_302 = vector.shape_cast %swap3A_301 : vector<1x16xf32> to vector<1x16xf32>
      %swap3A_303 = vector.shape_cast %add3A_298 : vector<1x16xf32> to vector<1x16xf32>
      tpu.vector_store %arg8[%swap3A_299, %swap3A_300], %swap3A_303 {strides = array<i32>} : memref<400x32xf32, #tpu.memory_space<vmem>>, vector<1x16xf32>,
    }
    %scan3A_203 = arith.constant 400 : i32
    %add3A_204 = arith.constant 2 : i32
    %add3A_205 = arith.addi %mul3A_2, %add3A_204 : i32
    %jit3A_206 = arith.constant 8 : i32
    %div3A_207 = arith.divsi %add3A_205, %jit3A_206 : i32
    %sign3A_208 = arith.constant 0 : i32
    %sign3A_209 = arith.cmpi sgt, %add3A_205, %sign3A_208 : i32
    %sign3A_210 = arith.extui %sign3A_209 : i1 to i32
    %sign3A_211 = arith.constant 0 : i32
    %sign3A_212 = arith.cmpi slt, %add3A_205, %sign3A_211 : i32
    %sign3A_213 = arith.extui %sign3A_212 : i1 to i32
    %sign3A_214 = arith.subi %sign3A_210, %sign3A_213 : i32
    %sign3A_215 = arith.constant 0 : i32
    %sign3A_216 = arith.cmpi sgt, %jit3A_206, %sign3A_215 : i32
    %sign3A_217 = arith.extui %sign3A_216 : i1 to i32
    %sign3A_218 = arith.constant 0 : i32
    %sign3A_219 = arith.cmpi slt, %jit3A_206, %sign3A_218 : i32
    %sign3A_220 = arith.extui %sign3A_219 : i1 to i32
    %sign3A_221 = arith.subi %sign3A_217, %sign3A_220 : i32
    %ne3A_222 = arith.cmpi ne, %sign3A_214, %sign3A_221 : i32
    %rem3A_223 = arith.remsi %add3A_205, %jit3A_206 : i32
    %ne3A_224 = arith.constant 0 : i32
    %ne3A_225 = arith.cmpi ne, %rem3A_223, %ne3A_224 : i32
    %and3A_226 = arith.andi %ne3A_222, %ne3A_225 : i1
    %sub3A_227 = arith.constant 1 : i32
    %sub3A_228 = arith.subi %div3A_207, %sub3A_227 : i32
    %select_n3A_229 = arith.select %and3A_226, %sub3A_228, %div3A_207 : i32
    %add3A_230 = arith.constant 88 : i32
    %add3A_231 = arith.addi %add3A_230, %select_n3A_229 : i32
    %rem3A_232 = arith.constant 4 : i32
    %rem3A_233 = arith.remsi %add3A_231, %rem3A_232 : i32
    %jit3A_234 = arith.constant 4 : i32
    %div3A_235 = arith.divsi %select_n3A_229, %jit3A_234 : i32
    %sign3A_236 = arith.constant 0 : i32
    %sign3A_237 = arith.cmpi sgt, %select_n3A_229, %sign3A_236 : i32
    %sign3A_238 = arith.extui %sign3A_237 : i1 to i32
    %sign3A_239 = arith.constant 0 : i32
    %sign3A_240 = arith.cmpi slt, %select_n3A_229, %sign3A_239 : i32
    %sign3A_241 = arith.extui %sign3A_240 : i1 to i32
    %sign3A_242 = arith.subi %sign3A_238, %sign3A_241 : i32
    %sign3A_243 = arith.constant 0 : i32
    %sign3A_244 = arith.cmpi sgt, %jit3A_234, %sign3A_243 : i32
    %sign3A_245 = arith.extui %sign3A_244 : i1 to i32
    %sign3A_246 = arith.constant 0 : i32
    %sign3A_247 = arith.cmpi slt, %jit3A_234, %sign3A_246 : i32
    %sign3A_248 = arith.extui %sign3A_247 : i1 to i32
    %sign3A_249 = arith.subi %sign3A_245, %sign3A_248 : i32
    %ne3A_250 = arith.cmpi ne, %sign3A_242, %sign3A_249 : i32
    %rem3A_251 = arith.remsi %select_n3A_229, %jit3A_234 : i32
    %ne3A_252 = arith.constant 0 : i32
    %ne3A_253 = arith.cmpi ne, %rem3A_251, %ne3A_252 : i32
    %and3A_254 = arith.andi %ne3A_250, %ne3A_253 : i1
    %sub3A_255 = arith.constant 1 : i32
    %sub3A_256 = arith.subi %div3A_235, %sub3A_255 : i32
    %select_n3A_257 = arith.select %and3A_254, %sub3A_256, %div3A_235 : i32
    %mul3A_258 = arith.constant 3200 : i32
    %mul3A_259 = arith.muli %select_n3A_257, %mul3A_258 : i32
    %rem3A_260 = arith.constant 8 : i32
    %rem3A_261 = arith.remsi %add3A_205, %rem3A_260 : i32
    %mul3A_262 = arith.constant 400 : i32
    %mul3A_263 = arith.muli %rem3A_261, %mul3A_262 : i32
    %add3A_264 = arith.addi %mul3A_259, %mul3A_263 : i32
    %mul3A_265 = arith.constant 32 : i32
    %mul3A_266 = arith.muli %rem3A_233, %mul3A_265 : i32
    %dma_start3A_267 = tpu.memref_slice %arg5[%add3A_264, %mul3A_266] : memref<9600x128xf32, #tpu.memory_space<hbm>> -> memref<400x32xf32, #tpu.memory_space<hbm>>
    %dma_start3A_268 = tpu.memref_slice %arg5[%add3A_264, %mul3A_266] : memref<9600x128xf32, #tpu.memory_space<hbm>> -> memref<400x32xf32, #tpu.memory_space<hbm>>
    tpu.enqueue_dma source(%arg8 : memref<400x32xf32, #tpu.memory_space<vmem>>) target(%dma_start3A_268 : memref<400x32xf32, #tpu.memory_space<hbm>>) target_semaphore(%arg16 : memref<!tpu.dma_semaphore, #tpu.memory_space<semaphore_mem>>)
    %dma_wait3A_269 = tpu.memref_slice %arg5[%add3A_264, %mul3A_266] : memref<9600x128xf32, #tpu.memory_space<hbm>> -> memref<400x32xf32, #tpu.memory_space<hbm>>
    %dma_wait3A_270 = tpu.memref_slice %arg5[%add3A_264, %mul3A_266] : memref<9600x128xf32, #tpu.memory_space<hbm>> -> memref<400x32xf32, #tpu.memory_space<hbm>>
    tpu.wait_dma2 semaphore(%arg16 : memref<!tpu.dma_semaphore, #tpu.memory_space<semaphore_mem>>) src(%arg8 : memref<400x32xf32, #tpu.memory_space<vmem>>) dst(%dma_wait3A_270 : memref<400x32xf32, #tpu.memory_space<hbm>>)
    %dma_wait3A_271 = tpu.memref_slice %arg5[%add3A_184, %mul3A_186] : memref<9600x128xf32, #tpu.memory_space<hbm>> -> memref<400x32xf32, #tpu.memory_space<hbm>>
    %dma_wait3A_272 = tpu.memref_slice %arg5[%add3A_184, %mul3A_186] : memref<9600x128xf32, #tpu.memory_space<hbm>> -> memref<400x32xf32, #tpu.memory_space<hbm>>
    tpu.wait_dma2 semaphore(%arg17 : memref<!tpu.dma_semaphore, #tpu.memory_space<semaphore_mem>>) src(%arg9 : memref<400x32xf32, #tpu.memory_space<vmem>>) dst(%dma_wait3A_272 : memref<400x32xf32, #tpu.memory_space<hbm>>)
    return
  }
}

module attributes {stable_mosaic.version = 14 : i64} {
  func.func @_proj_body(%arg0: memref<10000x128xf32, #tpu.memory_space<vmem>>, %arg1: memref<16x272xf32, #tpu.memory_space<vmem>>, %arg2: memref<16x272xf32, #tpu.memory_space<vmem>>, %arg3: memref<10000x32xf32, #tpu.memory_space<vmem>>, %arg4: memref<10000x32xf32, #tpu.memory_space<vmem>>) attributes {dimension_semantics = [], scalar_prefetch = 0 : i64, scratch_operands = 0 : i64, tpu.core_type = #tpu.core_type<tc>} {
    %get3A = arith.constant 0 : index
    %get3A_0 = arith.constant 0 : index
    %get3A_1 = vector.load %arg0[%get3A, %get3A_0] : memref<10000x128xf32, #tpu.memory_space<vmem>>, vector<10000x128xf32>
    %get3A_2 = arith.constant 0 : index
    %get3A_3 = arith.constant 0 : index
    %get3A_4 = vector.load %arg1[%get3A_2, %get3A_3] : memref<16x272xf32, #tpu.memory_space<vmem>>, vector<16x272xf32>
    %get3A_5 = arith.constant 0 : index
    %get3A_6 = arith.constant 0 : index
    %get3A_7 = vector.load %arg2[%get3A_5, %get3A_6] : memref<16x272xf32, #tpu.memory_space<vmem>>, vector<16x272xf32>
    %slice3A = vector.extract_strided_slice %get3A_4 {offsets = [0, 0], sizes = [16, 128], strides = [1, 1]} : vector<16x272xf32> to vector<16x128xf32>
    %dot_general3A = arith.constant dense<0.000000e+00> : vector<10000x16xf32>
    %dot_general3A_8 = tpu.matmul %get3A_1, %slice3A, %dot_general3A {dimension_numbers = #tpu.dot_dimension_numbers<[1], [1], [0], [0], [0, 0, 1, 0], [], []>, transpose_lhs_hint = false} : vector<10000x128xf32>, vector<16x128xf32>, vector<10000x16xf32> -> vector<10000x16xf32>
    %slice3A_9 = vector.extract_strided_slice %get3A_7 {offsets = [0, 0], sizes = [16, 128], strides = [1, 1]} : vector<16x272xf32> to vector<16x128xf32>
    %dot_general3A_10 = arith.constant dense<0.000000e+00> : vector<10000x16xf32>
    %dot_general3A_11 = tpu.matmul %get3A_1, %slice3A_9, %dot_general3A_10 {dimension_numbers = #tpu.dot_dimension_numbers<[1], [1], [0], [0], [0, 0, 1, 0], [], []>, transpose_lhs_hint = false} : vector<10000x128xf32>, vector<16x128xf32>, vector<10000x16xf32> -> vector<10000x16xf32>
    %concatenate3A = tpu.concatenate %dot_general3A_8, %dot_general3A_11 in 1 : vector<10000x16xf32>, vector<10000x16xf32> -> vector<10000x32xf32>
    %swap3A = arith.constant 0 : index
    %swap3A_12 = arith.constant 0 : index
    %swap3A_13 = vector.load %arg3[%swap3A, %swap3A_12] : memref<10000x32xf32, #tpu.memory_space<vmem>>, vector<10000x32xf32>
    tpu.vector_store %arg3[%swap3A, %swap3A_12], %concatenate3A {strides = array<i32>} : memref<10000x32xf32, #tpu.memory_space<vmem>>, vector<10000x32xf32>,
    %slice3A_14 = vector.extract_strided_slice %get3A_4 {offsets = [0, 128], sizes = [16, 128], strides = [1, 1]} : vector<16x272xf32> to vector<16x128xf32>
    %dot_general3A_15 = arith.constant dense<0.000000e+00> : vector<10000x16xf32>
    %dot_general3A_16 = tpu.matmul %get3A_1, %slice3A_14, %dot_general3A_15 {dimension_numbers = #tpu.dot_dimension_numbers<[1], [1], [0], [0], [0, 0, 1, 0], [], []>, transpose_lhs_hint = false} : vector<10000x128xf32>, vector<16x128xf32>, vector<10000x16xf32> -> vector<10000x16xf32>
    %slice3A_17 = vector.extract_strided_slice %get3A_7 {offsets = [0, 128], sizes = [16, 128], strides = [1, 1]} : vector<16x272xf32> to vector<16x128xf32>
    %dot_general3A_18 = arith.constant dense<0.000000e+00> : vector<10000x16xf32>
    %dot_general3A_19 = tpu.matmul %get3A_1, %slice3A_17, %dot_general3A_18 {dimension_numbers = #tpu.dot_dimension_numbers<[1], [1], [0], [0], [0, 0, 1, 0], [], []>, transpose_lhs_hint = false} : vector<10000x128xf32>, vector<16x128xf32>, vector<10000x16xf32> -> vector<10000x16xf32>
    %concatenate3A_20 = tpu.concatenate %dot_general3A_16, %dot_general3A_19 in 1 : vector<10000x16xf32>, vector<10000x16xf32> -> vector<10000x32xf32>
    %swap3A_21 = arith.constant 0 : index
    %swap3A_22 = arith.constant 0 : index
    %swap3A_23 = vector.load %arg4[%swap3A_21, %swap3A_22] : memref<10000x32xf32, #tpu.memory_space<vmem>>, vector<10000x32xf32>
    tpu.vector_store %arg4[%swap3A_21, %swap3A_22], %concatenate3A_20 {strides = array<i32>} : memref<10000x32xf32, #tpu.memory_space<vmem>>, vector<10000x32xf32>,
    return
  }
}

module attributes {stable_mosaic.version = 14 : i64} {
  func.func @_edge_body(%arg0: i32, %arg1: memref<3200x128xf32, #tpu.memory_space<vmem>>, %arg2: memref<16x12800xf32, #tpu.memory_space<vmem>>, %arg3: memref<16x12800xf32, #tpu.memory_space<vmem>>, %arg4: memref<32x16xf32, #tpu.memory_space<vmem>>, %arg5: memref<16x16xf32, #tpu.memory_space<vmem>>, %arg6: memref<16x16xf32, #tpu.memory_space<vmem>>, %arg7: memref<64x1xf32, #tpu.memory_space<vmem>>, %arg8: memref<16x12800xf32, #tpu.memory_space<vmem>>) attributes {dimension_semantics = [#tpu.dimension_semantics<arbitrary>], iteration_bounds = array<i64: 8>, scalar_prefetch = 0 : i64, scratch_operands = 0 : i64, tpu.core_type = #tpu.core_type<tc>, window_params = [{transform_indices = @transform_0, window_bounds = array<i64: 3200, 128>}, {transform_indices = @transform_1, window_bounds = array<i64: 16, 12800>}, {transform_indices = @transform_2, window_bounds = array<i64: 16, 12800>}, {pipeline_mode = #tpu.pipeline_mode<synchronous>, transform_indices = @transform_3, window_bounds = array<i64: 32, 16>}, {pipeline_mode = #tpu.pipeline_mode<synchronous>, transform_indices = @transform_4, window_bounds = array<i64: 16, 16>}, {pipeline_mode = #tpu.pipeline_mode<synchronous>, transform_indices = @transform_5, window_bounds = array<i64: 16, 16>}, {pipeline_mode = #tpu.pipeline_mode<synchronous>, transform_indices = @transform_6, window_bounds = array<i64: 64, 1>}, {transform_indices = @transform_7, window_bounds = array<i64: 16, 12800>}]} {
    %get3A = arith.constant 0 : index
    %get3A_0 = arith.constant 0 : index
    %get3A_1 = vector.load %arg1[%get3A, %get3A_0] : memref<3200x128xf32, #tpu.memory_space<vmem>>, vector<3200x128xf32>
    %transpose3A = tpu.transpose %get3A_1, [1, 0] : vector<3200x128xf32> -> vector<128x3200xf32>
    %get3A_2 = arith.constant 0 : index
    %get3A_3 = arith.constant 0 : index
    %get3A_4 = vector.load %arg7[%get3A_2, %get3A_3] : memref<64x1xf32, #tpu.memory_space<vmem>>, vector<32x1xf32>
    %get3A_5 = arith.constant 32 : index
    %get3A_6 = arith.constant 0 : index
    %get3A_7 = vector.load %arg7[%get3A_5, %get3A_6] : memref<64x1xf32, #tpu.memory_space<vmem>>, vector<16x1xf32>
    %get3A_8 = arith.constant 48 : index
    %get3A_9 = arith.constant 0 : index
    %get3A_10 = vector.load %arg7[%get3A_8, %get3A_9] : memref<64x1xf32, #tpu.memory_space<vmem>>, vector<16x1xf32>
    %slice3A = vector.extract_strided_slice %transpose3A {offsets = [0, 0], sizes = [32, 3200], strides = [1, 1]} : vector<128x3200xf32> to vector<32x3200xf32>
    %get3A_11 = arith.constant 0 : index
    %get3A_12 = arith.constant 0 : index
    %get3A_13 = vector.load %arg2[%get3A_11, %get3A_12] : memref<16x12800xf32, #tpu.memory_space<vmem>>, vector<16x3200xf32>
    %get3A_14 = arith.constant 0 : index
    %get3A_15 = arith.constant 0 : index
    %get3A_16 = vector.load %arg3[%get3A_14, %get3A_15] : memref<16x12800xf32, #tpu.memory_space<vmem>>, vector<16x3200xf32>
    %get3A_17 = arith.constant 0 : index
    %get3A_18 = arith.constant 0 : index
    %get3A_19 = vector.load %arg4[%get3A_17, %get3A_18] : memref<32x16xf32, #tpu.memory_space<vmem>>, vector<32x16xf32>
    %dot_general3A = arith.constant dense<0.000000e+00> : vector<32x3200xf32>
    %dot_general3A_20 = tpu.matmul %get3A_19, %get3A_13, %dot_general3A {dimension_numbers = #tpu.dot_dimension_numbers<[1], [0], [0], [1], [0, 0, 1, 1], [], []>, transpose_lhs_hint = false} : vector<32x16xf32>, vector<16x3200xf32>, vector<32x3200xf32> -> vector<32x3200xf32>
    %add3A = arith.addf %slice3A, %dot_general3A_20 : vector<32x3200xf32>
    %add3A_21 = vector.broadcast %get3A_4 : vector<32x1xf32> to vector<32x3200xf32>
    %add3A_22 = arith.addf %add3A, %add3A_21 : vector<32x3200xf32>
    %slice3A_23 = vector.extract_strided_slice %add3A_22 {offsets = [0, 0], sizes = [16, 3200], strides = [1, 1]} : vector<32x3200xf32> to vector<16x3200xf32>
    %slice3A_24 = vector.extract_strided_slice %add3A_22 {offsets = [16, 0], sizes = [16, 3200], strides = [1, 1]} : vector<32x3200xf32> to vector<16x3200xf32>
    %logistic3A = arith.negf %slice3A_23 : vector<16x3200xf32>
    %logistic3A_25 = math.exp %logistic3A : vector<16x3200xf32>
    %logistic3A_26 = arith.constant 1.000000e+00 : f32
    %logistic3A_27 = vector.broadcast %logistic3A_26 : f32 to vector<16x3200xf32>
    %logistic3A_28 = arith.addf %logistic3A_27, %logistic3A_25 : vector<16x3200xf32>
    %logistic3A_29 = arith.divf %logistic3A_27, %logistic3A_28 : vector<16x3200xf32>
    %mul3A = arith.mulf %slice3A_23, %logistic3A_29 : vector<16x3200xf32>
    %logistic3A_30 = arith.negf %slice3A_24 : vector<16x3200xf32>
    %logistic3A_31 = math.exp %logistic3A_30 : vector<16x3200xf32>
    %logistic3A_32 = arith.constant 1.000000e+00 : f32
    %logistic3A_33 = vector.broadcast %logistic3A_32 : f32 to vector<16x3200xf32>
    %logistic3A_34 = arith.addf %logistic3A_33, %logistic3A_31 : vector<16x3200xf32>
    %logistic3A_35 = arith.divf %logistic3A_33, %logistic3A_34 : vector<16x3200xf32>
    %mul3A_36 = arith.mulf %mul3A, %logistic3A_35 : vector<16x3200xf32>
    %get3A_37 = arith.constant 0 : index
    %get3A_38 = arith.constant 0 : index
    %get3A_39 = vector.load %arg5[%get3A_37, %get3A_38] : memref<16x16xf32, #tpu.memory_space<vmem>>, vector<16x16xf32>
    %dot_general3A_40 = arith.constant dense<0.000000e+00> : vector<16x3200xf32>
    %dot_general3A_41 = tpu.matmul %get3A_39, %mul3A_36, %dot_general3A_40 {dimension_numbers = #tpu.dot_dimension_numbers<[1], [0], [0], [1], [0, 0, 1, 1], [], []>, transpose_lhs_hint = false} : vector<16x16xf32>, vector<16x3200xf32>, vector<16x3200xf32> -> vector<16x3200xf32>
    %add3A_42 = vector.broadcast %get3A_7 : vector<16x1xf32> to vector<16x3200xf32>
    %add3A_43 = arith.addf %dot_general3A_41, %add3A_42 : vector<16x3200xf32>
    %get3A_44 = arith.constant 0 : index
    %get3A_45 = arith.constant 0 : index
    %get3A_46 = vector.load %arg6[%get3A_44, %get3A_45] : memref<16x16xf32, #tpu.memory_space<vmem>>, vector<16x16xf32>
    %dot_general3A_47 = arith.constant dense<0.000000e+00> : vector<16x3200xf32>
    %dot_general3A_48 = tpu.matmul %get3A_46, %get3A_16, %dot_general3A_47 {dimension_numbers = #tpu.dot_dimension_numbers<[1], [0], [0], [1], [0, 0, 1, 1], [], []>, transpose_lhs_hint = false} : vector<16x16xf32>, vector<16x3200xf32>, vector<16x3200xf32> -> vector<16x3200xf32>
    %add3A_49 = vector.broadcast %get3A_10 : vector<16x1xf32> to vector<16x3200xf32>
    %add3A_50 = arith.addf %dot_general3A_48, %add3A_49 : vector<16x3200xf32>
    %logistic3A_51 = arith.negf %add3A_43 : vector<16x3200xf32>
    %logistic3A_52 = math.exp %logistic3A_51 : vector<16x3200xf32>
    %logistic3A_53 = arith.constant 1.000000e+00 : f32
    %logistic3A_54 = vector.broadcast %logistic3A_53 : f32 to vector<16x3200xf32>
    %logistic3A_55 = arith.addf %logistic3A_54, %logistic3A_52 : vector<16x3200xf32>
    %logistic3A_56 = arith.divf %logistic3A_54, %logistic3A_55 : vector<16x3200xf32>
    %mul3A_57 = arith.mulf %add3A_43, %logistic3A_56 : vector<16x3200xf32>
    %mul3A_58 = arith.mulf %mul3A_57, %add3A_50 : vector<16x3200xf32>
    %swap3A = arith.constant 0 : index
    %swap3A_59 = arith.constant 0 : index
    %swap3A_60 = vector.load %arg8[%swap3A, %swap3A_59] : memref<16x12800xf32, #tpu.memory_space<vmem>>, vector<16x3200xf32>
    tpu.vector_store %arg8[%swap3A, %swap3A_59], %mul3A_58 {strides = array<i32>} : memref<16x12800xf32, #tpu.memory_space<vmem>>, vector<16x3200xf32>,
    %slice3A_61 = vector.extract_strided_slice %transpose3A {offsets = [32, 0], sizes = [32, 3200], strides = [1, 1]} : vector<128x3200xf32> to vector<32x3200xf32>
    %get3A_62 = arith.constant 0 : index
    %get3A_63 = arith.constant 3200 : index
    %get3A_64 = vector.load %arg2[%get3A_62, %get3A_63] : memref<16x12800xf32, #tpu.memory_space<vmem>>, vector<16x3200xf32>
    %get3A_65 = arith.constant 0 : index
    %get3A_66 = arith.constant 3200 : index
    %get3A_67 = vector.load %arg3[%get3A_65, %get3A_66] : memref<16x12800xf32, #tpu.memory_space<vmem>>, vector<16x3200xf32>
    %get3A_68 = arith.constant 0 : index
    %get3A_69 = arith.constant 0 : index
    %get3A_70 = vector.load %arg4[%get3A_68, %get3A_69] : memref<32x16xf32, #tpu.memory_space<vmem>>, vector<32x16xf32>
    %dot_general3A_71 = arith.constant dense<0.000000e+00> : vector<32x3200xf32>
    %dot_general3A_72 = tpu.matmul %get3A_70, %get3A_64, %dot_general3A_71 {dimension_numbers = #tpu.dot_dimension_numbers<[1], [0], [0], [1], [0, 0, 1, 1], [], []>, transpose_lhs_hint = false} : vector<32x16xf32>, vector<16x3200xf32>, vector<32x3200xf32> -> vector<32x3200xf32>
    %add3A_73 = arith.addf %slice3A_61, %dot_general3A_72 : vector<32x3200xf32>
    %add3A_74 = vector.broadcast %get3A_4 : vector<32x1xf32> to vector<32x3200xf32>
    %add3A_75 = arith.addf %add3A_73, %add3A_74 : vector<32x3200xf32>
    %slice3A_76 = vector.extract_strided_slice %add3A_75 {offsets = [0, 0], sizes = [16, 3200], strides = [1, 1]} : vector<32x3200xf32> to vector<16x3200xf32>
    %slice3A_77 = vector.extract_strided_slice %add3A_75 {offsets = [16, 0], sizes = [16, 3200], strides = [1, 1]} : vector<32x3200xf32> to vector<16x3200xf32>
    %logistic3A_78 = arith.negf %slice3A_76 : vector<16x3200xf32>
    %logistic3A_79 = math.exp %logistic3A_78 : vector<16x3200xf32>
    %logistic3A_80 = arith.constant 1.000000e+00 : f32
    %logistic3A_81 = vector.broadcast %logistic3A_80 : f32 to vector<16x3200xf32>
    %logistic3A_82 = arith.addf %logistic3A_81, %logistic3A_79 : vector<16x3200xf32>
    %logistic3A_83 = arith.divf %logistic3A_81, %logistic3A_82 : vector<16x3200xf32>
    %mul3A_84 = arith.mulf %slice3A_76, %logistic3A_83 : vector<16x3200xf32>
    %logistic3A_85 = arith.negf %slice3A_77 : vector<16x3200xf32>
    %logistic3A_86 = math.exp %logistic3A_85 : vector<16x3200xf32>
    %logistic3A_87 = arith.constant 1.000000e+00 : f32
    %logistic3A_88 = vector.broadcast %logistic3A_87 : f32 to vector<16x3200xf32>
    %logistic3A_89 = arith.addf %logistic3A_88, %logistic3A_86 : vector<16x3200xf32>
    %logistic3A_90 = arith.divf %logistic3A_88, %logistic3A_89 : vector<16x3200xf32>
    %mul3A_91 = arith.mulf %mul3A_84, %logistic3A_90 : vector<16x3200xf32>
    %get3A_92 = arith.constant 0 : index
    %get3A_93 = arith.constant 0 : index
    %get3A_94 = vector.load %arg5[%get3A_92, %get3A_93] : memref<16x16xf32, #tpu.memory_space<vmem>>, vector<16x16xf32>
    %dot_general3A_95 = arith.constant dense<0.000000e+00> : vector<16x3200xf32>
    %dot_general3A_96 = tpu.matmul %get3A_94, %mul3A_91, %dot_general3A_95 {dimension_numbers = #tpu.dot_dimension_numbers<[1], [0], [0], [1], [0, 0, 1, 1], [], []>, transpose_lhs_hint = false} : vector<16x16xf32>, vector<16x3200xf32>, vector<16x3200xf32> -> vector<16x3200xf32>
    %add3A_97 = vector.broadcast %get3A_7 : vector<16x1xf32> to vector<16x3200xf32>
    %add3A_98 = arith.addf %dot_general3A_96, %add3A_97 : vector<16x3200xf32>
    %get3A_99 = arith.constant 0 : index
    %get3A_100 = arith.constant 0 : index
    %get3A_101 = vector.load %arg6[%get3A_99, %get3A_100] : memref<16x16xf32, #tpu.memory_space<vmem>>, vector<16x16xf32>
    %dot_general3A_102 = arith.constant dense<0.000000e+00> : vector<16x3200xf32>
    %dot_general3A_103 = tpu.matmul %get3A_101, %get3A_67, %dot_general3A_102 {dimension_numbers = #tpu.dot_dimension_numbers<[1], [0], [0], [1], [0, 0, 1, 1], [], []>, transpose_lhs_hint = false} : vector<16x16xf32>, vector<16x3200xf32>, vector<16x3200xf32> -> vector<16x3200xf32>
    %add3A_104 = vector.broadcast %get3A_10 : vector<16x1xf32> to vector<16x3200xf32>
    %add3A_105 = arith.addf %dot_general3A_103, %add3A_104 : vector<16x3200xf32>
    %logistic3A_106 = arith.negf %add3A_98 : vector<16x3200xf32>
    %logistic3A_107 = math.exp %logistic3A_106 : vector<16x3200xf32>
    %logistic3A_108 = arith.constant 1.000000e+00 : f32
    %logistic3A_109 = vector.broadcast %logistic3A_108 : f32 to vector<16x3200xf32>
    %logistic3A_110 = arith.addf %logistic3A_109, %logistic3A_107 : vector<16x3200xf32>
    %logistic3A_111 = arith.divf %logistic3A_109, %logistic3A_110 : vector<16x3200xf32>
    %mul3A_112 = arith.mulf %add3A_98, %logistic3A_111 : vector<16x3200xf32>
    %mul3A_113 = arith.mulf %mul3A_112, %add3A_105 : vector<16x3200xf32>
    %swap3A_114 = arith.constant 0 : index
    %swap3A_115 = arith.constant 3200 : index
    %swap3A_116 = vector.load %arg8[%swap3A_114, %swap3A_115] : memref<16x12800xf32, #tpu.memory_space<vmem>>, vector<16x3200xf32>
    tpu.vector_store %arg8[%swap3A_114, %swap3A_115], %mul3A_113 {strides = array<i32>} : memref<16x12800xf32, #tpu.memory_space<vmem>>, vector<16x3200xf32>,
    %slice3A_117 = vector.extract_strided_slice %transpose3A {offsets = [64, 0], sizes = [32, 3200], strides = [1, 1]} : vector<128x3200xf32> to vector<32x3200xf32>
    %get3A_118 = arith.constant 0 : index
    %get3A_119 = arith.constant 6400 : index
    %get3A_120 = vector.load %arg2[%get3A_118, %get3A_119] : memref<16x12800xf32, #tpu.memory_space<vmem>>, vector<16x3200xf32>
    %get3A_121 = arith.constant 0 : index
    %get3A_122 = arith.constant 6400 : index
    %get3A_123 = vector.load %arg3[%get3A_121, %get3A_122] : memref<16x12800xf32, #tpu.memory_space<vmem>>, vector<16x3200xf32>
    %get3A_124 = arith.constant 0 : index
    %get3A_125 = arith.constant 0 : index
    %get3A_126 = vector.load %arg4[%get3A_124, %get3A_125] : memref<32x16xf32, #tpu.memory_space<vmem>>, vector<32x16xf32>
    %dot_general3A_127 = arith.constant dense<0.000000e+00> : vector<32x3200xf32>
    %dot_general3A_128 = tpu.matmul %get3A_126, %get3A_120, %dot_general3A_127 {dimension_numbers = #tpu.dot_dimension_numbers<[1], [0], [0], [1], [0, 0, 1, 1], [], []>, transpose_lhs_hint = false} : vector<32x16xf32>, vector<16x3200xf32>, vector<32x3200xf32> -> vector<32x3200xf32>
    %add3A_129 = arith.addf %slice3A_117, %dot_general3A_128 : vector<32x3200xf32>
    %add3A_130 = vector.broadcast %get3A_4 : vector<32x1xf32> to vector<32x3200xf32>
    %add3A_131 = arith.addf %add3A_129, %add3A_130 : vector<32x3200xf32>
    %slice3A_132 = vector.extract_strided_slice %add3A_131 {offsets = [0, 0], sizes = [16, 3200], strides = [1, 1]} : vector<32x3200xf32> to vector<16x3200xf32>
    %slice3A_133 = vector.extract_strided_slice %add3A_131 {offsets = [16, 0], sizes = [16, 3200], strides = [1, 1]} : vector<32x3200xf32> to vector<16x3200xf32>
    %logistic3A_134 = arith.negf %slice3A_132 : vector<16x3200xf32>
    %logistic3A_135 = math.exp %logistic3A_134 : vector<16x3200xf32>
    %logistic3A_136 = arith.constant 1.000000e+00 : f32
    %logistic3A_137 = vector.broadcast %logistic3A_136 : f32 to vector<16x3200xf32>
    %logistic3A_138 = arith.addf %logistic3A_137, %logistic3A_135 : vector<16x3200xf32>
    %logistic3A_139 = arith.divf %logistic3A_137, %logistic3A_138 : vector<16x3200xf32>
    %mul3A_140 = arith.mulf %slice3A_132, %logistic3A_139 : vector<16x3200xf32>
    %logistic3A_141 = arith.negf %slice3A_133 : vector<16x3200xf32>
    %logistic3A_142 = math.exp %logistic3A_141 : vector<16x3200xf32>
    %logistic3A_143 = arith.constant 1.000000e+00 : f32
    %logistic3A_144 = vector.broadcast %logistic3A_143 : f32 to vector<16x3200xf32>
    %logistic3A_145 = arith.addf %logistic3A_144, %logistic3A_142 : vector<16x3200xf32>
    %logistic3A_146 = arith.divf %logistic3A_144, %logistic3A_145 : vector<16x3200xf32>
    %mul3A_147 = arith.mulf %mul3A_140, %logistic3A_146 : vector<16x3200xf32>
    %get3A_148 = arith.constant 0 : index
    %get3A_149 = arith.constant 0 : index
    %get3A_150 = vector.load %arg5[%get3A_148, %get3A_149] : memref<16x16xf32, #tpu.memory_space<vmem>>, vector<16x16xf32>
    %dot_general3A_151 = arith.constant dense<0.000000e+00> : vector<16x3200xf32>
    %dot_general3A_152 = tpu.matmul %get3A_150, %mul3A_147, %dot_general3A_151 {dimension_numbers = #tpu.dot_dimension_numbers<[1], [0], [0], [1], [0, 0, 1, 1], [], []>, transpose_lhs_hint = false} : vector<16x16xf32>, vector<16x3200xf32>, vector<16x3200xf32> -> vector<16x3200xf32>
    %add3A_153 = vector.broadcast %get3A_7 : vector<16x1xf32> to vector<16x3200xf32>
    %add3A_154 = arith.addf %dot_general3A_152, %add3A_153 : vector<16x3200xf32>
    %get3A_155 = arith.constant 0 : index
    %get3A_156 = arith.constant 0 : index
    %get3A_157 = vector.load %arg6[%get3A_155, %get3A_156] : memref<16x16xf32, #tpu.memory_space<vmem>>, vector<16x16xf32>
    %dot_general3A_158 = arith.constant dense<0.000000e+00> : vector<16x3200xf32>
    %dot_general3A_159 = tpu.matmul %get3A_157, %get3A_123, %dot_general3A_158 {dimension_numbers = #tpu.dot_dimension_numbers<[1], [0], [0], [1], [0, 0, 1, 1], [], []>, transpose_lhs_hint = false} : vector<16x16xf32>, vector<16x3200xf32>, vector<16x3200xf32> -> vector<16x3200xf32>
    %add3A_160 = vector.broadcast %get3A_10 : vector<16x1xf32> to vector<16x3200xf32>
    %add3A_161 = arith.addf %dot_general3A_159, %add3A_160 : vector<16x3200xf32>
    %logistic3A_162 = arith.negf %add3A_154 : vector<16x3200xf32>
    %logistic3A_163 = math.exp %logistic3A_162 : vector<16x3200xf32>
    %logistic3A_164 = arith.constant 1.000000e+00 : f32
    %logistic3A_165 = vector.broadcast %logistic3A_164 : f32 to vector<16x3200xf32>
    %logistic3A_166 = arith.addf %logistic3A_165, %logistic3A_163 : vector<16x3200xf32>
    %logistic3A_167 = arith.divf %logistic3A_165, %logistic3A_166 : vector<16x3200xf32>
    %mul3A_168 = arith.mulf %add3A_154, %logistic3A_167 : vector<16x3200xf32>
    %mul3A_169 = arith.mulf %mul3A_168, %add3A_161 : vector<16x3200xf32>
    %swap3A_170 = arith.constant 0 : index
    %swap3A_171 = arith.constant 6400 : index
    %swap3A_172 = vector.load %arg8[%swap3A_170, %swap3A_171] : memref<16x12800xf32, #tpu.memory_space<vmem>>, vector<16x3200xf32>
    tpu.vector_store %arg8[%swap3A_170, %swap3A_171], %mul3A_169 {strides = array<i32>} : memref<16x12800xf32, #tpu.memory_space<vmem>>, vector<16x3200xf32>,
    %slice3A_173 = vector.extract_strided_slice %transpose3A {offsets = [96, 0], sizes = [32, 3200], strides = [1, 1]} : vector<128x3200xf32> to vector<32x3200xf32>
    %get3A_174 = arith.constant 0 : index
    %get3A_175 = arith.constant 9600 : index
    %get3A_176 = vector.load %arg2[%get3A_174, %get3A_175] : memref<16x12800xf32, #tpu.memory_space<vmem>>, vector<16x3200xf32>
    %get3A_177 = arith.constant 0 : index
    %get3A_178 = arith.constant 9600 : index
    %get3A_179 = vector.load %arg3[%get3A_177, %get3A_178] : memref<16x12800xf32, #tpu.memory_space<vmem>>, vector<16x3200xf32>
    %get3A_180 = arith.constant 0 : index
    %get3A_181 = arith.constant 0 : index
    %get3A_182 = vector.load %arg4[%get3A_180, %get3A_181] : memref<32x16xf32, #tpu.memory_space<vmem>>, vector<32x16xf32>
    %dot_general3A_183 = arith.constant dense<0.000000e+00> : vector<32x3200xf32>
    %dot_general3A_184 = tpu.matmul %get3A_182, %get3A_176, %dot_general3A_183 {dimension_numbers = #tpu.dot_dimension_numbers<[1], [0], [0], [1], [0, 0, 1, 1], [], []>, transpose_lhs_hint = false} : vector<32x16xf32>, vector<16x3200xf32>, vector<32x3200xf32> -> vector<32x3200xf32>
    %add3A_185 = arith.addf %slice3A_173, %dot_general3A_184 : vector<32x3200xf32>
    %add3A_186 = vector.broadcast %get3A_4 : vector<32x1xf32> to vector<32x3200xf32>
    %add3A_187 = arith.addf %add3A_185, %add3A_186 : vector<32x3200xf32>
    %slice3A_188 = vector.extract_strided_slice %add3A_187 {offsets = [0, 0], sizes = [16, 3200], strides = [1, 1]} : vector<32x3200xf32> to vector<16x3200xf32>
    %slice3A_189 = vector.extract_strided_slice %add3A_187 {offsets = [16, 0], sizes = [16, 3200], strides = [1, 1]} : vector<32x3200xf32> to vector<16x3200xf32>
    %logistic3A_190 = arith.negf %slice3A_188 : vector<16x3200xf32>
    %logistic3A_191 = math.exp %logistic3A_190 : vector<16x3200xf32>
    %logistic3A_192 = arith.constant 1.000000e+00 : f32
    %logistic3A_193 = vector.broadcast %logistic3A_192 : f32 to vector<16x3200xf32>
    %logistic3A_194 = arith.addf %logistic3A_193, %logistic3A_191 : vector<16x3200xf32>
    %logistic3A_195 = arith.divf %logistic3A_193, %logistic3A_194 : vector<16x3200xf32>
    %mul3A_196 = arith.mulf %slice3A_188, %logistic3A_195 : vector<16x3200xf32>
    %logistic3A_197 = arith.negf %slice3A_189 : vector<16x3200xf32>
    %logistic3A_198 = math.exp %logistic3A_197 : vector<16x3200xf32>
    %logistic3A_199 = arith.constant 1.000000e+00 : f32
    %logistic3A_200 = vector.broadcast %logistic3A_199 : f32 to vector<16x3200xf32>
    %logistic3A_201 = arith.addf %logistic3A_200, %logistic3A_198 : vector<16x3200xf32>
    %logistic3A_202 = arith.divf %logistic3A_200, %logistic3A_201 : vector<16x3200xf32>
    %mul3A_203 = arith.mulf %mul3A_196, %logistic3A_202 : vector<16x3200xf32>
    %get3A_204 = arith.constant 0 : index
    %get3A_205 = arith.constant 0 : index
    %get3A_206 = vector.load %arg5[%get3A_204, %get3A_205] : memref<16x16xf32, #tpu.memory_space<vmem>>, vector<16x16xf32>
    %dot_general3A_207 = arith.constant dense<0.000000e+00> : vector<16x3200xf32>
    %dot_general3A_208 = tpu.matmul %get3A_206, %mul3A_203, %dot_general3A_207 {dimension_numbers = #tpu.dot_dimension_numbers<[1], [0], [0], [1], [0, 0, 1, 1], [], []>, transpose_lhs_hint = false} : vector<16x16xf32>, vector<16x3200xf32>, vector<16x3200xf32> -> vector<16x3200xf32>
    %add3A_209 = vector.broadcast %get3A_7 : vector<16x1xf32> to vector<16x3200xf32>
    %add3A_210 = arith.addf %dot_general3A_208, %add3A_209 : vector<16x3200xf32>
    %get3A_211 = arith.constant 0 : index
    %get3A_212 = arith.constant 0 : index
    %get3A_213 = vector.load %arg6[%get3A_211, %get3A_212] : memref<16x16xf32, #tpu.memory_space<vmem>>, vector<16x16xf32>
    %dot_general3A_214 = arith.constant dense<0.000000e+00> : vector<16x3200xf32>
    %dot_general3A_215 = tpu.matmul %get3A_213, %get3A_179, %dot_general3A_214 {dimension_numbers = #tpu.dot_dimension_numbers<[1], [0], [0], [1], [0, 0, 1, 1], [], []>, transpose_lhs_hint = false} : vector<16x16xf32>, vector<16x3200xf32>, vector<16x3200xf32> -> vector<16x3200xf32>
    %add3A_216 = vector.broadcast %get3A_10 : vector<16x1xf32> to vector<16x3200xf32>
    %add3A_217 = arith.addf %dot_general3A_215, %add3A_216 : vector<16x3200xf32>
    %logistic3A_218 = arith.negf %add3A_210 : vector<16x3200xf32>
    %logistic3A_219 = math.exp %logistic3A_218 : vector<16x3200xf32>
    %logistic3A_220 = arith.constant 1.000000e+00 : f32
    %logistic3A_221 = vector.broadcast %logistic3A_220 : f32 to vector<16x3200xf32>
    %logistic3A_222 = arith.addf %logistic3A_221, %logistic3A_219 : vector<16x3200xf32>
    %logistic3A_223 = arith.divf %logistic3A_221, %logistic3A_222 : vector<16x3200xf32>
    %mul3A_224 = arith.mulf %add3A_210, %logistic3A_223 : vector<16x3200xf32>
    %mul3A_225 = arith.mulf %mul3A_224, %add3A_217 : vector<16x3200xf32>
    %swap3A_226 = arith.constant 0 : index
    %swap3A_227 = arith.constant 9600 : index
    %swap3A_228 = vector.load %arg8[%swap3A_226, %swap3A_227] : memref<16x12800xf32, #tpu.memory_space<vmem>>, vector<16x3200xf32>
    tpu.vector_store %arg8[%swap3A_226, %swap3A_227], %mul3A_225 {strides = array<i32>} : memref<16x12800xf32, #tpu.memory_space<vmem>>, vector<16x3200xf32>,
    return
  }
  func.func @transform_0(%arg0: i32) -> (i32, i32) {
    %c0_i32 = arith.constant 0 : i32
    %c0_i32_0 = arith.constant 0 : i32
    return %arg0, %c0_i32 : i32, i32
  }
  func.func @transform_1(%arg0: i32) -> (i32, i32) {
    %add3A = arith.constant 0 : i32
    %add3A_0 = arith.addi %add3A, %arg0 : i32
    %c0_i32 = arith.constant 0 : i32
    %c0_i32_1 = arith.constant 0 : i32
    return %c0_i32, %add3A_0 : i32, i32
  }
  func.func @transform_2(%arg0: i32) -> (i32, i32) {
    %add3A = arith.constant 0 : i32
    %add3A_0 = arith.addi %add3A, %arg0 : i32
    %c0_i32 = arith.constant 0 : i32
    %c0_i32_1 = arith.constant 0 : i32
    return %c0_i32, %add3A_0 : i32, i32
  }
  func.func @transform_3(%arg0: i32) -> (i32, i32) {
    %c0_i32 = arith.constant 0 : i32
    %c0_i32_0 = arith.constant 0 : i32
    %c0_i32_1 = arith.constant 0 : i32
    return %c0_i32, %c0_i32_0 : i32, i32
  }
  func.func @transform_4(%arg0: i32) -> (i32, i32) {
    %c0_i32 = arith.constant 0 : i32
    %c0_i32_0 = arith.constant 0 : i32
    %c0_i32_1 = arith.constant 0 : i32
    return %c0_i32, %c0_i32_0 : i32, i32
  }
  func.func @transform_5(%arg0: i32) -> (i32, i32) {
    %c0_i32 = arith.constant 0 : i32
    %c0_i32_0 = arith.constant 0 : i32
    %c0_i32_1 = arith.constant 0 : i32
    return %c0_i32, %c0_i32_0 : i32, i32
  }
  func.func @transform_6(%arg0: i32) -> (i32, i32) {
    %c0_i32 = arith.constant 0 : i32
    %c0_i32_0 = arith.constant 0 : i32
    %c0_i32_1 = arith.constant 0 : i32
    return %c0_i32, %c0_i32_0 : i32, i32
  }
  func.func @transform_7(%arg0: i32) -> (i32, i32) {
    %add3A = arith.constant 0 : i32
    %add3A_0 = arith.addi %add3A, %arg0 : i32
    %c0_i32 = arith.constant 0 : i32
    %c0_i32_1 = arith.constant 0 : i32
    return %c0_i32, %add3A_0 : i32, i32
  }
}

module attributes {stable_mosaic.version = 14 : i64} {
  func.func @_lambda_(%arg0: i32, %arg1: memref<3200x128xf32, #tpu.memory_space<vmem>>, %arg2: memref<16x12800xf32, #tpu.memory_space<vmem>>, %arg3: memref<16x12800xf32, #tpu.memory_space<vmem>>, %arg4: memref<32x16xf32, #tpu.memory_space<vmem>>, %arg5: memref<16x16xf32, #tpu.memory_space<vmem>>, %arg6: memref<16x16xf32, #tpu.memory_space<vmem>>, %arg7: memref<64x1xf32, #tpu.memory_space<vmem>>, %arg8: memref<16x320000xf32, #tpu.memory_space<any>>, %arg9: memref<16x12800xf32, #tpu.memory_space<vmem>>) attributes {dimension_semantics = [#tpu.dimension_semantics<arbitrary>], iteration_bounds = array<i64: 8>, scalar_prefetch = 0 : i64, scratch_operands = 0 : i64, tpu.core_type = #tpu.core_type<tc>, window_params = [{transform_indices = @transform_0, window_bounds = array<i64: 3200, 128>}, {transform_indices = @transform_1, window_bounds = array<i64: 16, 12800>}, {transform_indices = @transform_2, window_bounds = array<i64: 16, 12800>}, {pipeline_mode = #tpu.pipeline_mode<synchronous>, transform_indices = @transform_3, window_bounds = array<i64: 32, 16>}, {pipeline_mode = #tpu.pipeline_mode<synchronous>, transform_indices = @transform_4, window_bounds = array<i64: 16, 16>}, {pipeline_mode = #tpu.pipeline_mode<synchronous>, transform_indices = @transform_5, window_bounds = array<i64: 16, 16>}, {pipeline_mode = #tpu.pipeline_mode<synchronous>, transform_indices = @transform_6, window_bounds = array<i64: 64, 1>}, {}, {transform_indices = @transform_8, window_bounds = array<i64: 16, 12800>}]} {
    %get3A = arith.constant 0 : index
    %get3A_0 = arith.constant 0 : index
    %get3A_1 = vector.load %arg1[%get3A, %get3A_0] : memref<3200x128xf32, #tpu.memory_space<vmem>>, vector<3200x128xf32>
    %transpose3A = tpu.transpose %get3A_1, [1, 0] : vector<3200x128xf32> -> vector<128x3200xf32>
    %get3A_2 = arith.constant 0 : index
    %get3A_3 = arith.constant 0 : index
    %get3A_4 = vector.load %arg7[%get3A_2, %get3A_3] : memref<64x1xf32, #tpu.memory_space<vmem>>, vector<32x1xf32>
    %get3A_5 = arith.constant 32 : index
    %get3A_6 = arith.constant 0 : index
    %get3A_7 = vector.load %arg7[%get3A_5, %get3A_6] : memref<64x1xf32, #tpu.memory_space<vmem>>, vector<16x1xf32>
    %get3A_8 = arith.constant 48 : index
    %get3A_9 = arith.constant 0 : index
    %get3A_10 = vector.load %arg7[%get3A_8, %get3A_9] : memref<64x1xf32, #tpu.memory_space<vmem>>, vector<16x1xf32>
    %slice3A = vector.extract_strided_slice %transpose3A {offsets = [0, 0], sizes = [32, 3200], strides = [1, 1]} : vector<128x3200xf32> to vector<32x3200xf32>
    %get3A_11 = arith.constant 0 : index
    %get3A_12 = arith.constant 0 : index
    %get3A_13 = vector.load %arg2[%get3A_11, %get3A_12] : memref<16x12800xf32, #tpu.memory_space<vmem>>, vector<16x3200xf32>
    %get3A_14 = arith.constant 0 : index
    %get3A_15 = arith.constant 0 : index
    %get3A_16 = vector.load %arg3[%get3A_14, %get3A_15] : memref<16x12800xf32, #tpu.memory_space<vmem>>, vector<16x3200xf32>
    %get3A_17 = arith.constant 0 : index
    %get3A_18 = arith.constant 0 : index
    %get3A_19 = vector.load %arg4[%get3A_17, %get3A_18] : memref<32x16xf32, #tpu.memory_space<vmem>>, vector<32x16xf32>
    %dot_general3A = arith.constant dense<0.000000e+00> : vector<32x3200xf32>
    %dot_general3A_20 = tpu.matmul %get3A_19, %get3A_13, %dot_general3A {dimension_numbers = #tpu.dot_dimension_numbers<[1], [0], [0], [1], [0, 0, 1, 1], [], []>, transpose_lhs_hint = false} : vector<32x16xf32>, vector<16x3200xf32>, vector<32x3200xf32> -> vector<32x3200xf32>
    %add3A = arith.addf %slice3A, %dot_general3A_20 : vector<32x3200xf32>
    %add3A_21 = vector.broadcast %get3A_4 : vector<32x1xf32> to vector<32x3200xf32>
    %add3A_22 = arith.addf %add3A, %add3A_21 : vector<32x3200xf32>
    %slice3A_23 = vector.extract_strided_slice %add3A_22 {offsets = [0, 0], sizes = [16, 3200], strides = [1, 1]} : vector<32x3200xf32> to vector<16x3200xf32>
    %slice3A_24 = vector.extract_strided_slice %add3A_22 {offsets = [16, 0], sizes = [16, 3200], strides = [1, 1]} : vector<32x3200xf32> to vector<16x3200xf32>
    %logistic3A = arith.negf %slice3A_23 : vector<16x3200xf32>
    %logistic3A_25 = math.exp %logistic3A : vector<16x3200xf32>
    %logistic3A_26 = arith.constant 1.000000e+00 : f32
    %logistic3A_27 = vector.broadcast %logistic3A_26 : f32 to vector<16x3200xf32>
    %logistic3A_28 = arith.addf %logistic3A_27, %logistic3A_25 : vector<16x3200xf32>
    %logistic3A_29 = arith.divf %logistic3A_27, %logistic3A_28 : vector<16x3200xf32>
    %mul3A = arith.mulf %slice3A_23, %logistic3A_29 : vector<16x3200xf32>
    %logistic3A_30 = arith.negf %slice3A_24 : vector<16x3200xf32>
    %logistic3A_31 = math.exp %logistic3A_30 : vector<16x3200xf32>
    %logistic3A_32 = arith.constant 1.000000e+00 : f32
    %logistic3A_33 = vector.broadcast %logistic3A_32 : f32 to vector<16x3200xf32>
    %logistic3A_34 = arith.addf %logistic3A_33, %logistic3A_31 : vector<16x3200xf32>
    %logistic3A_35 = arith.divf %logistic3A_33, %logistic3A_34 : vector<16x3200xf32>
    %mul3A_36 = arith.mulf %mul3A, %logistic3A_35 : vector<16x3200xf32>
    %get3A_37 = arith.constant 0 : index
    %get3A_38 = arith.constant 0 : index
    %get3A_39 = vector.load %arg5[%get3A_37, %get3A_38] : memref<16x16xf32, #tpu.memory_space<vmem>>, vector<16x16xf32>
    %dot_general3A_40 = arith.constant dense<0.000000e+00> : vector<16x3200xf32>
    %dot_general3A_41 = tpu.matmul %get3A_39, %mul3A_36, %dot_general3A_40 {dimension_numbers = #tpu.dot_dimension_numbers<[1], [0], [0], [1], [0, 0, 1, 1], [], []>, transpose_lhs_hint = false} : vector<16x16xf32>, vector<16x3200xf32>, vector<16x3200xf32> -> vector<16x3200xf32>
    %add3A_42 = vector.broadcast %get3A_7 : vector<16x1xf32> to vector<16x3200xf32>
    %add3A_43 = arith.addf %dot_general3A_41, %add3A_42 : vector<16x3200xf32>
    %get3A_44 = arith.constant 0 : index
    %get3A_45 = arith.constant 0 : index
    %get3A_46 = vector.load %arg6[%get3A_44, %get3A_45] : memref<16x16xf32, #tpu.memory_space<vmem>>, vector<16x16xf32>
    %dot_general3A_47 = arith.constant dense<0.000000e+00> : vector<16x3200xf32>
    %dot_general3A_48 = tpu.matmul %get3A_46, %get3A_16, %dot_general3A_47 {dimension_numbers = #tpu.dot_dimension_numbers<[1], [0], [0], [1], [0, 0, 1, 1], [], []>, transpose_lhs_hint = false} : vector<16x16xf32>, vector<16x3200xf32>, vector<16x3200xf32> -> vector<16x3200xf32>
    %add3A_49 = vector.broadcast %get3A_10 : vector<16x1xf32> to vector<16x3200xf32>
    %add3A_50 = arith.addf %dot_general3A_48, %add3A_49 : vector<16x3200xf32>
    %logistic3A_51 = arith.negf %add3A_43 : vector<16x3200xf32>
    %logistic3A_52 = math.exp %logistic3A_51 : vector<16x3200xf32>
    %logistic3A_53 = arith.constant 1.000000e+00 : f32
    %logistic3A_54 = vector.broadcast %logistic3A_53 : f32 to vector<16x3200xf32>
    %logistic3A_55 = arith.addf %logistic3A_54, %logistic3A_52 : vector<16x3200xf32>
    %logistic3A_56 = arith.divf %logistic3A_54, %logistic3A_55 : vector<16x3200xf32>
    %mul3A_57 = arith.mulf %add3A_43, %logistic3A_56 : vector<16x3200xf32>
    %mul3A_58 = arith.mulf %mul3A_57, %add3A_50 : vector<16x3200xf32>
    %swap3A = arith.constant 0 : index
    %swap3A_59 = arith.constant 0 : index
    %swap3A_60 = vector.load %arg9[%swap3A, %swap3A_59] : memref<16x12800xf32, #tpu.memory_space<vmem>>, vector<16x3200xf32>
    tpu.vector_store %arg9[%swap3A, %swap3A_59], %mul3A_58 {strides = array<i32>} : memref<16x12800xf32, #tpu.memory_space<vmem>>, vector<16x3200xf32>,
    %slice3A_61 = vector.extract_strided_slice %transpose3A {offsets = [32, 0], sizes = [32, 3200], strides = [1, 1]} : vector<128x3200xf32> to vector<32x3200xf32>
    %get3A_62 = arith.constant 0 : index
    %get3A_63 = arith.constant 3200 : index
    %get3A_64 = vector.load %arg2[%get3A_62, %get3A_63] : memref<16x12800xf32, #tpu.memory_space<vmem>>, vector<16x3200xf32>
    %get3A_65 = arith.constant 0 : index
    %get3A_66 = arith.constant 3200 : index
    %get3A_67 = vector.load %arg3[%get3A_65, %get3A_66] : memref<16x12800xf32, #tpu.memory_space<vmem>>, vector<16x3200xf32>
    %get3A_68 = arith.constant 0 : index
    %get3A_69 = arith.constant 0 : index
    %get3A_70 = vector.load %arg4[%get3A_68, %get3A_69] : memref<32x16xf32, #tpu.memory_space<vmem>>, vector<32x16xf32>
    %dot_general3A_71 = arith.constant dense<0.000000e+00> : vector<32x3200xf32>
    %dot_general3A_72 = tpu.matmul %get3A_70, %get3A_64, %dot_general3A_71 {dimension_numbers = #tpu.dot_dimension_numbers<[1], [0], [0], [1], [0, 0, 1, 1], [], []>, transpose_lhs_hint = false} : vector<32x16xf32>, vector<16x3200xf32>, vector<32x3200xf32> -> vector<32x3200xf32>
    %add3A_73 = arith.addf %slice3A_61, %dot_general3A_72 : vector<32x3200xf32>
    %add3A_74 = vector.broadcast %get3A_4 : vector<32x1xf32> to vector<32x3200xf32>
    %add3A_75 = arith.addf %add3A_73, %add3A_74 : vector<32x3200xf32>
    %slice3A_76 = vector.extract_strided_slice %add3A_75 {offsets = [0, 0], sizes = [16, 3200], strides = [1, 1]} : vector<32x3200xf32> to vector<16x3200xf32>
    %slice3A_77 = vector.extract_strided_slice %add3A_75 {offsets = [16, 0], sizes = [16, 3200], strides = [1, 1]} : vector<32x3200xf32> to vector<16x3200xf32>
    %logistic3A_78 = arith.negf %slice3A_76 : vector<16x3200xf32>
    %logistic3A_79 = math.exp %logistic3A_78 : vector<16x3200xf32>
    %logistic3A_80 = arith.constant 1.000000e+00 : f32
    %logistic3A_81 = vector.broadcast %logistic3A_80 : f32 to vector<16x3200xf32>
    %logistic3A_82 = arith.addf %logistic3A_81, %logistic3A_79 : vector<16x3200xf32>
    %logistic3A_83 = arith.divf %logistic3A_81, %logistic3A_82 : vector<16x3200xf32>
    %mul3A_84 = arith.mulf %slice3A_76, %logistic3A_83 : vector<16x3200xf32>
    %logistic3A_85 = arith.negf %slice3A_77 : vector<16x3200xf32>
    %logistic3A_86 = math.exp %logistic3A_85 : vector<16x3200xf32>
    %logistic3A_87 = arith.constant 1.000000e+00 : f32
    %logistic3A_88 = vector.broadcast %logistic3A_87 : f32 to vector<16x3200xf32>
    %logistic3A_89 = arith.addf %logistic3A_88, %logistic3A_86 : vector<16x3200xf32>
    %logistic3A_90 = arith.divf %logistic3A_88, %logistic3A_89 : vector<16x3200xf32>
    %mul3A_91 = arith.mulf %mul3A_84, %logistic3A_90 : vector<16x3200xf32>
    %get3A_92 = arith.constant 0 : index
    %get3A_93 = arith.constant 0 : index
    %get3A_94 = vector.load %arg5[%get3A_92, %get3A_93] : memref<16x16xf32, #tpu.memory_space<vmem>>, vector<16x16xf32>
    %dot_general3A_95 = arith.constant dense<0.000000e+00> : vector<16x3200xf32>
    %dot_general3A_96 = tpu.matmul %get3A_94, %mul3A_91, %dot_general3A_95 {dimension_numbers = #tpu.dot_dimension_numbers<[1], [0], [0], [1], [0, 0, 1, 1], [], []>, transpose_lhs_hint = false} : vector<16x16xf32>, vector<16x3200xf32>, vector<16x3200xf32> -> vector<16x3200xf32>
    %add3A_97 = vector.broadcast %get3A_7 : vector<16x1xf32> to vector<16x3200xf32>
    %add3A_98 = arith.addf %dot_general3A_96, %add3A_97 : vector<16x3200xf32>
    %get3A_99 = arith.constant 0 : index
    %get3A_100 = arith.constant 0 : index
    %get3A_101 = vector.load %arg6[%get3A_99, %get3A_100] : memref<16x16xf32, #tpu.memory_space<vmem>>, vector<16x16xf32>
    %dot_general3A_102 = arith.constant dense<0.000000e+00> : vector<16x3200xf32>
    %dot_general3A_103 = tpu.matmul %get3A_101, %get3A_67, %dot_general3A_102 {dimension_numbers = #tpu.dot_dimension_numbers<[1], [0], [0], [1], [0, 0, 1, 1], [], []>, transpose_lhs_hint = false} : vector<16x16xf32>, vector<16x3200xf32>, vector<16x3200xf32> -> vector<16x3200xf32>
    %add3A_104 = vector.broadcast %get3A_10 : vector<16x1xf32> to vector<16x3200xf32>
    %add3A_105 = arith.addf %dot_general3A_103, %add3A_104 : vector<16x3200xf32>
    %logistic3A_106 = arith.negf %add3A_98 : vector<16x3200xf32>
    %logistic3A_107 = math.exp %logistic3A_106 : vector<16x3200xf32>
    %logistic3A_108 = arith.constant 1.000000e+00 : f32
    %logistic3A_109 = vector.broadcast %logistic3A_108 : f32 to vector<16x3200xf32>
    %logistic3A_110 = arith.addf %logistic3A_109, %logistic3A_107 : vector<16x3200xf32>
    %logistic3A_111 = arith.divf %logistic3A_109, %logistic3A_110 : vector<16x3200xf32>
    %mul3A_112 = arith.mulf %add3A_98, %logistic3A_111 : vector<16x3200xf32>
    %mul3A_113 = arith.mulf %mul3A_112, %add3A_105 : vector<16x3200xf32>
    %swap3A_114 = arith.constant 0 : index
    %swap3A_115 = arith.constant 3200 : index
    %swap3A_116 = vector.load %arg9[%swap3A_114, %swap3A_115] : memref<16x12800xf32, #tpu.memory_space<vmem>>, vector<16x3200xf32>
    tpu.vector_store %arg9[%swap3A_114, %swap3A_115], %mul3A_113 {strides = array<i32>} : memref<16x12800xf32, #tpu.memory_space<vmem>>, vector<16x3200xf32>,
    %slice3A_117 = vector.extract_strided_slice %transpose3A {offsets = [64, 0], sizes = [32, 3200], strides = [1, 1]} : vector<128x3200xf32> to vector<32x3200xf32>
    %get3A_118 = arith.constant 0 : index
    %get3A_119 = arith.constant 6400 : index
    %get3A_120 = vector.load %arg2[%get3A_118, %get3A_119] : memref<16x12800xf32, #tpu.memory_space<vmem>>, vector<16x3200xf32>
    %get3A_121 = arith.constant 0 : index
    %get3A_122 = arith.constant 6400 : index
    %get3A_123 = vector.load %arg3[%get3A_121, %get3A_122] : memref<16x12800xf32, #tpu.memory_space<vmem>>, vector<16x3200xf32>
    %get3A_124 = arith.constant 0 : index
    %get3A_125 = arith.constant 0 : index
    %get3A_126 = vector.load %arg4[%get3A_124, %get3A_125] : memref<32x16xf32, #tpu.memory_space<vmem>>, vector<32x16xf32>
    %dot_general3A_127 = arith.constant dense<0.000000e+00> : vector<32x3200xf32>
    %dot_general3A_128 = tpu.matmul %get3A_126, %get3A_120, %dot_general3A_127 {dimension_numbers = #tpu.dot_dimension_numbers<[1], [0], [0], [1], [0, 0, 1, 1], [], []>, transpose_lhs_hint = false} : vector<32x16xf32>, vector<16x3200xf32>, vector<32x3200xf32> -> vector<32x3200xf32>
    %add3A_129 = arith.addf %slice3A_117, %dot_general3A_128 : vector<32x3200xf32>
    %add3A_130 = vector.broadcast %get3A_4 : vector<32x1xf32> to vector<32x3200xf32>
    %add3A_131 = arith.addf %add3A_129, %add3A_130 : vector<32x3200xf32>
    %slice3A_132 = vector.extract_strided_slice %add3A_131 {offsets = [0, 0], sizes = [16, 3200], strides = [1, 1]} : vector<32x3200xf32> to vector<16x3200xf32>
    %slice3A_133 = vector.extract_strided_slice %add3A_131 {offsets = [16, 0], sizes = [16, 3200], strides = [1, 1]} : vector<32x3200xf32> to vector<16x3200xf32>
    %logistic3A_134 = arith.negf %slice3A_132 : vector<16x3200xf32>
    %logistic3A_135 = math.exp %logistic3A_134 : vector<16x3200xf32>
    %logistic3A_136 = arith.constant 1.000000e+00 : f32
    %logistic3A_137 = vector.broadcast %logistic3A_136 : f32 to vector<16x3200xf32>
    %logistic3A_138 = arith.addf %logistic3A_137, %logistic3A_135 : vector<16x3200xf32>
    %logistic3A_139 = arith.divf %logistic3A_137, %logistic3A_138 : vector<16x3200xf32>
    %mul3A_140 = arith.mulf %slice3A_132, %logistic3A_139 : vector<16x3200xf32>
    %logistic3A_141 = arith.negf %slice3A_133 : vector<16x3200xf32>
    %logistic3A_142 = math.exp %logistic3A_141 : vector<16x3200xf32>
    %logistic3A_143 = arith.constant 1.000000e+00 : f32
    %logistic3A_144 = vector.broadcast %logistic3A_143 : f32 to vector<16x3200xf32>
    %logistic3A_145 = arith.addf %logistic3A_144, %logistic3A_142 : vector<16x3200xf32>
    %logistic3A_146 = arith.divf %logistic3A_144, %logistic3A_145 : vector<16x3200xf32>
    %mul3A_147 = arith.mulf %mul3A_140, %logistic3A_146 : vector<16x3200xf32>
    %get3A_148 = arith.constant 0 : index
    %get3A_149 = arith.constant 0 : index
    %get3A_150 = vector.load %arg5[%get3A_148, %get3A_149] : memref<16x16xf32, #tpu.memory_space<vmem>>, vector<16x16xf32>
    %dot_general3A_151 = arith.constant dense<0.000000e+00> : vector<16x3200xf32>
    %dot_general3A_152 = tpu.matmul %get3A_150, %mul3A_147, %dot_general3A_151 {dimension_numbers = #tpu.dot_dimension_numbers<[1], [0], [0], [1], [0, 0, 1, 1], [], []>, transpose_lhs_hint = false} : vector<16x16xf32>, vector<16x3200xf32>, vector<16x3200xf32> -> vector<16x3200xf32>
    %add3A_153 = vector.broadcast %get3A_7 : vector<16x1xf32> to vector<16x3200xf32>
    %add3A_154 = arith.addf %dot_general3A_152, %add3A_153 : vector<16x3200xf32>
    %get3A_155 = arith.constant 0 : index
    %get3A_156 = arith.constant 0 : index
    %get3A_157 = vector.load %arg6[%get3A_155, %get3A_156] : memref<16x16xf32, #tpu.memory_space<vmem>>, vector<16x16xf32>
    %dot_general3A_158 = arith.constant dense<0.000000e+00> : vector<16x3200xf32>
    %dot_general3A_159 = tpu.matmul %get3A_157, %get3A_123, %dot_general3A_158 {dimension_numbers = #tpu.dot_dimension_numbers<[1], [0], [0], [1], [0, 0, 1, 1], [], []>, transpose_lhs_hint = false} : vector<16x16xf32>, vector<16x3200xf32>, vector<16x3200xf32> -> vector<16x3200xf32>
    %add3A_160 = vector.broadcast %get3A_10 : vector<16x1xf32> to vector<16x3200xf32>
    %add3A_161 = arith.addf %dot_general3A_159, %add3A_160 : vector<16x3200xf32>
    %logistic3A_162 = arith.negf %add3A_154 : vector<16x3200xf32>
    %logistic3A_163 = math.exp %logistic3A_162 : vector<16x3200xf32>
    %logistic3A_164 = arith.constant 1.000000e+00 : f32
    %logistic3A_165 = vector.broadcast %logistic3A_164 : f32 to vector<16x3200xf32>
    %logistic3A_166 = arith.addf %logistic3A_165, %logistic3A_163 : vector<16x3200xf32>
    %logistic3A_167 = arith.divf %logistic3A_165, %logistic3A_166 : vector<16x3200xf32>
    %mul3A_168 = arith.mulf %add3A_154, %logistic3A_167 : vector<16x3200xf32>
    %mul3A_169 = arith.mulf %mul3A_168, %add3A_161 : vector<16x3200xf32>
    %swap3A_170 = arith.constant 0 : index
    %swap3A_171 = arith.constant 6400 : index
    %swap3A_172 = vector.load %arg9[%swap3A_170, %swap3A_171] : memref<16x12800xf32, #tpu.memory_space<vmem>>, vector<16x3200xf32>
    tpu.vector_store %arg9[%swap3A_170, %swap3A_171], %mul3A_169 {strides = array<i32>} : memref<16x12800xf32, #tpu.memory_space<vmem>>, vector<16x3200xf32>,
    %slice3A_173 = vector.extract_strided_slice %transpose3A {offsets = [96, 0], sizes = [32, 3200], strides = [1, 1]} : vector<128x3200xf32> to vector<32x3200xf32>
    %get3A_174 = arith.constant 0 : index
    %get3A_175 = arith.constant 9600 : index
    %get3A_176 = vector.load %arg2[%get3A_174, %get3A_175] : memref<16x12800xf32, #tpu.memory_space<vmem>>, vector<16x3200xf32>
    %get3A_177 = arith.constant 0 : index
    %get3A_178 = arith.constant 9600 : index
    %get3A_179 = vector.load %arg3[%get3A_177, %get3A_178] : memref<16x12800xf32, #tpu.memory_space<vmem>>, vector<16x3200xf32>
    %get3A_180 = arith.constant 0 : index
    %get3A_181 = arith.constant 0 : index
    %get3A_182 = vector.load %arg4[%get3A_180, %get3A_181] : memref<32x16xf32, #tpu.memory_space<vmem>>, vector<32x16xf32>
    %dot_general3A_183 = arith.constant dense<0.000000e+00> : vector<32x3200xf32>
    %dot_general3A_184 = tpu.matmul %get3A_182, %get3A_176, %dot_general3A_183 {dimension_numbers = #tpu.dot_dimension_numbers<[1], [0], [0], [1], [0, 0, 1, 1], [], []>, transpose_lhs_hint = false} : vector<32x16xf32>, vector<16x3200xf32>, vector<32x3200xf32> -> vector<32x3200xf32>
    %add3A_185 = arith.addf %slice3A_173, %dot_general3A_184 : vector<32x3200xf32>
    %add3A_186 = vector.broadcast %get3A_4 : vector<32x1xf32> to vector<32x3200xf32>
    %add3A_187 = arith.addf %add3A_185, %add3A_186 : vector<32x3200xf32>
    %slice3A_188 = vector.extract_strided_slice %add3A_187 {offsets = [0, 0], sizes = [16, 3200], strides = [1, 1]} : vector<32x3200xf32> to vector<16x3200xf32>
    %slice3A_189 = vector.extract_strided_slice %add3A_187 {offsets = [16, 0], sizes = [16, 3200], strides = [1, 1]} : vector<32x3200xf32> to vector<16x3200xf32>
    %logistic3A_190 = arith.negf %slice3A_188 : vector<16x3200xf32>
    %logistic3A_191 = math.exp %logistic3A_190 : vector<16x3200xf32>
    %logistic3A_192 = arith.constant 1.000000e+00 : f32
    %logistic3A_193 = vector.broadcast %logistic3A_192 : f32 to vector<16x3200xf32>
    %logistic3A_194 = arith.addf %logistic3A_193, %logistic3A_191 : vector<16x3200xf32>
    %logistic3A_195 = arith.divf %logistic3A_193, %logistic3A_194 : vector<16x3200xf32>
    %mul3A_196 = arith.mulf %slice3A_188, %logistic3A_195 : vector<16x3200xf32>
    %logistic3A_197 = arith.negf %slice3A_189 : vector<16x3200xf32>
    %logistic3A_198 = math.exp %logistic3A_197 : vector<16x3200xf32>
    %logistic3A_199 = arith.constant 1.000000e+00 : f32
    %logistic3A_200 = vector.broadcast %logistic3A_199 : f32 to vector<16x3200xf32>
    %logistic3A_201 = arith.addf %logistic3A_200, %logistic3A_198 : vector<16x3200xf32>
    %logistic3A_202 = arith.divf %logistic3A_200, %logistic3A_201 : vector<16x3200xf32>
    %mul3A_203 = arith.mulf %mul3A_196, %logistic3A_202 : vector<16x3200xf32>
    %get3A_204 = arith.constant 0 : index
    %get3A_205 = arith.constant 0 : index
    %get3A_206 = vector.load %arg5[%get3A_204, %get3A_205] : memref<16x16xf32, #tpu.memory_space<vmem>>, vector<16x16xf32>
    %dot_general3A_207 = arith.constant dense<0.000000e+00> : vector<16x3200xf32>
    %dot_general3A_208 = tpu.matmul %get3A_206, %mul3A_203, %dot_general3A_207 {dimension_numbers = #tpu.dot_dimension_numbers<[1], [0], [0], [1], [0, 0, 1, 1], [], []>, transpose_lhs_hint = false} : vector<16x16xf32>, vector<16x3200xf32>, vector<16x3200xf32> -> vector<16x3200xf32>
    %add3A_209 = vector.broadcast %get3A_7 : vector<16x1xf32> to vector<16x3200xf32>
    %add3A_210 = arith.addf %dot_general3A_208, %add3A_209 : vector<16x3200xf32>
    %get3A_211 = arith.constant 0 : index
    %get3A_212 = arith.constant 0 : index
    %get3A_213 = vector.load %arg6[%get3A_211, %get3A_212] : memref<16x16xf32, #tpu.memory_space<vmem>>, vector<16x16xf32>
    %dot_general3A_214 = arith.constant dense<0.000000e+00> : vector<16x3200xf32>
    %dot_general3A_215 = tpu.matmul %get3A_213, %get3A_179, %dot_general3A_214 {dimension_numbers = #tpu.dot_dimension_numbers<[1], [0], [0], [1], [0, 0, 1, 1], [], []>, transpose_lhs_hint = false} : vector<16x16xf32>, vector<16x3200xf32>, vector<16x3200xf32> -> vector<16x3200xf32>
    %add3A_216 = vector.broadcast %get3A_10 : vector<16x1xf32> to vector<16x3200xf32>
    %add3A_217 = arith.addf %dot_general3A_215, %add3A_216 : vector<16x3200xf32>
    %logistic3A_218 = arith.negf %add3A_210 : vector<16x3200xf32>
    %logistic3A_219 = math.exp %logistic3A_218 : vector<16x3200xf32>
    %logistic3A_220 = arith.constant 1.000000e+00 : f32
    %logistic3A_221 = vector.broadcast %logistic3A_220 : f32 to vector<16x3200xf32>
    %logistic3A_222 = arith.addf %logistic3A_221, %logistic3A_219 : vector<16x3200xf32>
    %logistic3A_223 = arith.divf %logistic3A_221, %logistic3A_222 : vector<16x3200xf32>
    %mul3A_224 = arith.mulf %add3A_210, %logistic3A_223 : vector<16x3200xf32>
    %mul3A_225 = arith.mulf %mul3A_224, %add3A_217 : vector<16x3200xf32>
    %swap3A_226 = arith.constant 0 : index
    %swap3A_227 = arith.constant 9600 : index
    %swap3A_228 = vector.load %arg9[%swap3A_226, %swap3A_227] : memref<16x12800xf32, #tpu.memory_space<vmem>>, vector<16x3200xf32>
    tpu.vector_store %arg9[%swap3A_226, %swap3A_227], %mul3A_225 {strides = array<i32>} : memref<16x12800xf32, #tpu.memory_space<vmem>>, vector<16x3200xf32>,
    return
  }
  func.func @transform_0(%arg0: i32) -> (i32, i32) {
    %c0_i32 = arith.constant 0 : i32
    %c0_i32_0 = arith.constant 0 : i32
    return %arg0, %c0_i32 : i32, i32
  }
  func.func @transform_1(%arg0: i32) -> (i32, i32) {
    %add3A = arith.constant 8 : i32
    %add3A_0 = arith.addi %add3A, %arg0 : i32
    %c0_i32 = arith.constant 0 : i32
    %c0_i32_1 = arith.constant 0 : i32
    return %c0_i32, %add3A_0 : i32, i32
  }
  func.func @transform_2(%arg0: i32) -> (i32, i32) {
    %add3A = arith.constant 8 : i32
    %add3A_0 = arith.addi %add3A, %arg0 : i32
    %c0_i32 = arith.constant 0 : i32
    %c0_i32_1 = arith.constant 0 : i32
    return %c0_i32, %add3A_0 : i32, i32
  }
  func.func @transform_3(%arg0: i32) -> (i32, i32) {
    %c0_i32 = arith.constant 0 : i32
    %c0_i32_0 = arith.constant 0 : i32
    %c0_i32_1 = arith.constant 0 : i32
    return %c0_i32, %c0_i32_0 : i32, i32
  }
  func.func @transform_4(%arg0: i32) -> (i32, i32) {
    %c0_i32 = arith.constant 0 : i32
    %c0_i32_0 = arith.constant 0 : i32
    %c0_i32_1 = arith.constant 0 : i32
    return %c0_i32, %c0_i32_0 : i32, i32
  }
  func.func @transform_5(%arg0: i32) -> (i32, i32) {
    %c0_i32 = arith.constant 0 : i32
    %c0_i32_0 = arith.constant 0 : i32
    %c0_i32_1 = arith.constant 0 : i32
    return %c0_i32, %c0_i32_0 : i32, i32
  }
  func.func @transform_6(%arg0: i32) -> (i32, i32) {
    %c0_i32 = arith.constant 0 : i32
    %c0_i32_0 = arith.constant 0 : i32
    %c0_i32_1 = arith.constant 0 : i32
    return %c0_i32, %c0_i32_0 : i32, i32
  }
  func.func @transform_8(%arg0: i32) -> (i32, i32) {
    %add3A = arith.constant 8 : i32
    %add3A_0 = arith.addi %add3A, %arg0 : i32
    %c0_i32 = arith.constant 0 : i32
    %c0_i32_1 = arith.constant 0 : i32
    return %c0_i32, %add3A_0 : i32, i32
  }
}

module attributes {stable_mosaic.version = 14 : i64} {
  func.func @_lambda_(%arg0: i32, %arg1: memref<3200x128xf32, #tpu.memory_space<vmem>>, %arg2: memref<16x12800xf32, #tpu.memory_space<vmem>>, %arg3: memref<16x12800xf32, #tpu.memory_space<vmem>>, %arg4: memref<32x16xf32, #tpu.memory_space<vmem>>, %arg5: memref<16x16xf32, #tpu.memory_space<vmem>>, %arg6: memref<16x16xf32, #tpu.memory_space<vmem>>, %arg7: memref<64x1xf32, #tpu.memory_space<vmem>>, %arg8: memref<16x320000xf32, #tpu.memory_space<any>>, %arg9: memref<16x12800xf32, #tpu.memory_space<vmem>>) attributes {dimension_semantics = [#tpu.dimension_semantics<arbitrary>], iteration_bounds = array<i64: 6>, scalar_prefetch = 0 : i64, scratch_operands = 0 : i64, tpu.core_type = #tpu.core_type<tc>, window_params = [{transform_indices = @transform_0, window_bounds = array<i64: 3200, 128>}, {transform_indices = @transform_1, window_bounds = array<i64: 16, 12800>}, {transform_indices = @transform_2, window_bounds = array<i64: 16, 12800>}, {pipeline_mode = #tpu.pipeline_mode<synchronous>, transform_indices = @transform_3, window_bounds = array<i64: 32, 16>}, {pipeline_mode = #tpu.pipeline_mode<synchronous>, transform_indices = @transform_4, window_bounds = array<i64: 16, 16>}, {pipeline_mode = #tpu.pipeline_mode<synchronous>, transform_indices = @transform_5, window_bounds = array<i64: 16, 16>}, {pipeline_mode = #tpu.pipeline_mode<synchronous>, transform_indices = @transform_6, window_bounds = array<i64: 64, 1>}, {}, {transform_indices = @transform_8, window_bounds = array<i64: 16, 12800>}]} {
    %get3A = arith.constant 0 : index
    %get3A_0 = arith.constant 0 : index
    %get3A_1 = vector.load %arg1[%get3A, %get3A_0] : memref<3200x128xf32, #tpu.memory_space<vmem>>, vector<3200x128xf32>
    %transpose3A = tpu.transpose %get3A_1, [1, 0] : vector<3200x128xf32> -> vector<128x3200xf32>
    %get3A_2 = arith.constant 0 : index
    %get3A_3 = arith.constant 0 : index
    %get3A_4 = vector.load %arg7[%get3A_2, %get3A_3] : memref<64x1xf32, #tpu.memory_space<vmem>>, vector<32x1xf32>
    %get3A_5 = arith.constant 32 : index
    %get3A_6 = arith.constant 0 : index
    %get3A_7 = vector.load %arg7[%get3A_5, %get3A_6] : memref<64x1xf32, #tpu.memory_space<vmem>>, vector<16x1xf32>
    %get3A_8 = arith.constant 48 : index
    %get3A_9 = arith.constant 0 : index
    %get3A_10 = vector.load %arg7[%get3A_8, %get3A_9] : memref<64x1xf32, #tpu.memory_space<vmem>>, vector<16x1xf32>
    %slice3A = vector.extract_strided_slice %transpose3A {offsets = [0, 0], sizes = [32, 3200], strides = [1, 1]} : vector<128x3200xf32> to vector<32x3200xf32>
    %get3A_11 = arith.constant 0 : index
    %get3A_12 = arith.constant 0 : index
    %get3A_13 = vector.load %arg2[%get3A_11, %get3A_12] : memref<16x12800xf32, #tpu.memory_space<vmem>>, vector<16x3200xf32>
    %get3A_14 = arith.constant 0 : index
    %get3A_15 = arith.constant 0 : index
    %get3A_16 = vector.load %arg3[%get3A_14, %get3A_15] : memref<16x12800xf32, #tpu.memory_space<vmem>>, vector<16x3200xf32>
    %get3A_17 = arith.constant 0 : index
    %get3A_18 = arith.constant 0 : index
    %get3A_19 = vector.load %arg4[%get3A_17, %get3A_18] : memref<32x16xf32, #tpu.memory_space<vmem>>, vector<32x16xf32>
    %dot_general3A = arith.constant dense<0.000000e+00> : vector<32x3200xf32>
    %dot_general3A_20 = tpu.matmul %get3A_19, %get3A_13, %dot_general3A {dimension_numbers = #tpu.dot_dimension_numbers<[1], [0], [0], [1], [0, 0, 1, 1], [], []>, transpose_lhs_hint = false} : vector<32x16xf32>, vector<16x3200xf32>, vector<32x3200xf32> -> vector<32x3200xf32>
    %add3A = arith.addf %slice3A, %dot_general3A_20 : vector<32x3200xf32>
    %add3A_21 = vector.broadcast %get3A_4 : vector<32x1xf32> to vector<32x3200xf32>
    %add3A_22 = arith.addf %add3A, %add3A_21 : vector<32x3200xf32>
    %slice3A_23 = vector.extract_strided_slice %add3A_22 {offsets = [0, 0], sizes = [16, 3200], strides = [1, 1]} : vector<32x3200xf32> to vector<16x3200xf32>
    %slice3A_24 = vector.extract_strided_slice %add3A_22 {offsets = [16, 0], sizes = [16, 3200], strides = [1, 1]} : vector<32x3200xf32> to vector<16x3200xf32>
    %logistic3A = arith.negf %slice3A_23 : vector<16x3200xf32>
    %logistic3A_25 = math.exp %logistic3A : vector<16x3200xf32>
    %logistic3A_26 = arith.constant 1.000000e+00 : f32
    %logistic3A_27 = vector.broadcast %logistic3A_26 : f32 to vector<16x3200xf32>
    %logistic3A_28 = arith.addf %logistic3A_27, %logistic3A_25 : vector<16x3200xf32>
    %logistic3A_29 = arith.divf %logistic3A_27, %logistic3A_28 : vector<16x3200xf32>
    %mul3A = arith.mulf %slice3A_23, %logistic3A_29 : vector<16x3200xf32>
    %logistic3A_30 = arith.negf %slice3A_24 : vector<16x3200xf32>
    %logistic3A_31 = math.exp %logistic3A_30 : vector<16x3200xf32>
    %logistic3A_32 = arith.constant 1.000000e+00 : f32
    %logistic3A_33 = vector.broadcast %logistic3A_32 : f32 to vector<16x3200xf32>
    %logistic3A_34 = arith.addf %logistic3A_33, %logistic3A_31 : vector<16x3200xf32>
    %logistic3A_35 = arith.divf %logistic3A_33, %logistic3A_34 : vector<16x3200xf32>
    %mul3A_36 = arith.mulf %mul3A, %logistic3A_35 : vector<16x3200xf32>
    %get3A_37 = arith.constant 0 : index
    %get3A_38 = arith.constant 0 : index
    %get3A_39 = vector.load %arg5[%get3A_37, %get3A_38] : memref<16x16xf32, #tpu.memory_space<vmem>>, vector<16x16xf32>
    %dot_general3A_40 = arith.constant dense<0.000000e+00> : vector<16x3200xf32>
    %dot_general3A_41 = tpu.matmul %get3A_39, %mul3A_36, %dot_general3A_40 {dimension_numbers = #tpu.dot_dimension_numbers<[1], [0], [0], [1], [0, 0, 1, 1], [], []>, transpose_lhs_hint = false} : vector<16x16xf32>, vector<16x3200xf32>, vector<16x3200xf32> -> vector<16x3200xf32>
    %add3A_42 = vector.broadcast %get3A_7 : vector<16x1xf32> to vector<16x3200xf32>
    %add3A_43 = arith.addf %dot_general3A_41, %add3A_42 : vector<16x3200xf32>
    %get3A_44 = arith.constant 0 : index
    %get3A_45 = arith.constant 0 : index
    %get3A_46 = vector.load %arg6[%get3A_44, %get3A_45] : memref<16x16xf32, #tpu.memory_space<vmem>>, vector<16x16xf32>
    %dot_general3A_47 = arith.constant dense<0.000000e+00> : vector<16x3200xf32>
    %dot_general3A_48 = tpu.matmul %get3A_46, %get3A_16, %dot_general3A_47 {dimension_numbers = #tpu.dot_dimension_numbers<[1], [0], [0], [1], [0, 0, 1, 1], [], []>, transpose_lhs_hint = false} : vector<16x16xf32>, vector<16x3200xf32>, vector<16x3200xf32> -> vector<16x3200xf32>
    %add3A_49 = vector.broadcast %get3A_10 : vector<16x1xf32> to vector<16x3200xf32>
    %add3A_50 = arith.addf %dot_general3A_48, %add3A_49 : vector<16x3200xf32>
    %logistic3A_51 = arith.negf %add3A_43 : vector<16x3200xf32>
    %logistic3A_52 = math.exp %logistic3A_51 : vector<16x3200xf32>
    %logistic3A_53 = arith.constant 1.000000e+00 : f32
    %logistic3A_54 = vector.broadcast %logistic3A_53 : f32 to vector<16x3200xf32>
    %logistic3A_55 = arith.addf %logistic3A_54, %logistic3A_52 : vector<16x3200xf32>
    %logistic3A_56 = arith.divf %logistic3A_54, %logistic3A_55 : vector<16x3200xf32>
    %mul3A_57 = arith.mulf %add3A_43, %logistic3A_56 : vector<16x3200xf32>
    %mul3A_58 = arith.mulf %mul3A_57, %add3A_50 : vector<16x3200xf32>
    %swap3A = arith.constant 0 : index
    %swap3A_59 = arith.constant 0 : index
    %swap3A_60 = vector.load %arg9[%swap3A, %swap3A_59] : memref<16x12800xf32, #tpu.memory_space<vmem>>, vector<16x3200xf32>
    tpu.vector_store %arg9[%swap3A, %swap3A_59], %mul3A_58 {strides = array<i32>} : memref<16x12800xf32, #tpu.memory_space<vmem>>, vector<16x3200xf32>,
    %slice3A_61 = vector.extract_strided_slice %transpose3A {offsets = [32, 0], sizes = [32, 3200], strides = [1, 1]} : vector<128x3200xf32> to vector<32x3200xf32>
    %get3A_62 = arith.constant 0 : index
    %get3A_63 = arith.constant 3200 : index
    %get3A_64 = vector.load %arg2[%get3A_62, %get3A_63] : memref<16x12800xf32, #tpu.memory_space<vmem>>, vector<16x3200xf32>
    %get3A_65 = arith.constant 0 : index
    %get3A_66 = arith.constant 3200 : index
    %get3A_67 = vector.load %arg3[%get3A_65, %get3A_66] : memref<16x12800xf32, #tpu.memory_space<vmem>>, vector<16x3200xf32>
    %get3A_68 = arith.constant 0 : index
    %get3A_69 = arith.constant 0 : index
    %get3A_70 = vector.load %arg4[%get3A_68, %get3A_69] : memref<32x16xf32, #tpu.memory_space<vmem>>, vector<32x16xf32>
    %dot_general3A_71 = arith.constant dense<0.000000e+00> : vector<32x3200xf32>
    %dot_general3A_72 = tpu.matmul %get3A_70, %get3A_64, %dot_general3A_71 {dimension_numbers = #tpu.dot_dimension_numbers<[1], [0], [0], [1], [0, 0, 1, 1], [], []>, transpose_lhs_hint = false} : vector<32x16xf32>, vector<16x3200xf32>, vector<32x3200xf32> -> vector<32x3200xf32>
    %add3A_73 = arith.addf %slice3A_61, %dot_general3A_72 : vector<32x3200xf32>
    %add3A_74 = vector.broadcast %get3A_4 : vector<32x1xf32> to vector<32x3200xf32>
    %add3A_75 = arith.addf %add3A_73, %add3A_74 : vector<32x3200xf32>
    %slice3A_76 = vector.extract_strided_slice %add3A_75 {offsets = [0, 0], sizes = [16, 3200], strides = [1, 1]} : vector<32x3200xf32> to vector<16x3200xf32>
    %slice3A_77 = vector.extract_strided_slice %add3A_75 {offsets = [16, 0], sizes = [16, 3200], strides = [1, 1]} : vector<32x3200xf32> to vector<16x3200xf32>
    %logistic3A_78 = arith.negf %slice3A_76 : vector<16x3200xf32>
    %logistic3A_79 = math.exp %logistic3A_78 : vector<16x3200xf32>
    %logistic3A_80 = arith.constant 1.000000e+00 : f32
    %logistic3A_81 = vector.broadcast %logistic3A_80 : f32 to vector<16x3200xf32>
    %logistic3A_82 = arith.addf %logistic3A_81, %logistic3A_79 : vector<16x3200xf32>
    %logistic3A_83 = arith.divf %logistic3A_81, %logistic3A_82 : vector<16x3200xf32>
    %mul3A_84 = arith.mulf %slice3A_76, %logistic3A_83 : vector<16x3200xf32>
    %logistic3A_85 = arith.negf %slice3A_77 : vector<16x3200xf32>
    %logistic3A_86 = math.exp %logistic3A_85 : vector<16x3200xf32>
    %logistic3A_87 = arith.constant 1.000000e+00 : f32
    %logistic3A_88 = vector.broadcast %logistic3A_87 : f32 to vector<16x3200xf32>
    %logistic3A_89 = arith.addf %logistic3A_88, %logistic3A_86 : vector<16x3200xf32>
    %logistic3A_90 = arith.divf %logistic3A_88, %logistic3A_89 : vector<16x3200xf32>
    %mul3A_91 = arith.mulf %mul3A_84, %logistic3A_90 : vector<16x3200xf32>
    %get3A_92 = arith.constant 0 : index
    %get3A_93 = arith.constant 0 : index
    %get3A_94 = vector.load %arg5[%get3A_92, %get3A_93] : memref<16x16xf32, #tpu.memory_space<vmem>>, vector<16x16xf32>
    %dot_general3A_95 = arith.constant dense<0.000000e+00> : vector<16x3200xf32>
    %dot_general3A_96 = tpu.matmul %get3A_94, %mul3A_91, %dot_general3A_95 {dimension_numbers = #tpu.dot_dimension_numbers<[1], [0], [0], [1], [0, 0, 1, 1], [], []>, transpose_lhs_hint = false} : vector<16x16xf32>, vector<16x3200xf32>, vector<16x3200xf32> -> vector<16x3200xf32>
    %add3A_97 = vector.broadcast %get3A_7 : vector<16x1xf32> to vector<16x3200xf32>
    %add3A_98 = arith.addf %dot_general3A_96, %add3A_97 : vector<16x3200xf32>
    %get3A_99 = arith.constant 0 : index
    %get3A_100 = arith.constant 0 : index
    %get3A_101 = vector.load %arg6[%get3A_99, %get3A_100] : memref<16x16xf32, #tpu.memory_space<vmem>>, vector<16x16xf32>
    %dot_general3A_102 = arith.constant dense<0.000000e+00> : vector<16x3200xf32>
    %dot_general3A_103 = tpu.matmul %get3A_101, %get3A_67, %dot_general3A_102 {dimension_numbers = #tpu.dot_dimension_numbers<[1], [0], [0], [1], [0, 0, 1, 1], [], []>, transpose_lhs_hint = false} : vector<16x16xf32>, vector<16x3200xf32>, vector<16x3200xf32> -> vector<16x3200xf32>
    %add3A_104 = vector.broadcast %get3A_10 : vector<16x1xf32> to vector<16x3200xf32>
    %add3A_105 = arith.addf %dot_general3A_103, %add3A_104 : vector<16x3200xf32>
    %logistic3A_106 = arith.negf %add3A_98 : vector<16x3200xf32>
    %logistic3A_107 = math.exp %logistic3A_106 : vector<16x3200xf32>
    %logistic3A_108 = arith.constant 1.000000e+00 : f32
    %logistic3A_109 = vector.broadcast %logistic3A_108 : f32 to vector<16x3200xf32>
    %logistic3A_110 = arith.addf %logistic3A_109, %logistic3A_107 : vector<16x3200xf32>
    %logistic3A_111 = arith.divf %logistic3A_109, %logistic3A_110 : vector<16x3200xf32>
    %mul3A_112 = arith.mulf %add3A_98, %logistic3A_111 : vector<16x3200xf32>
    %mul3A_113 = arith.mulf %mul3A_112, %add3A_105 : vector<16x3200xf32>
    %swap3A_114 = arith.constant 0 : index
    %swap3A_115 = arith.constant 3200 : index
    %swap3A_116 = vector.load %arg9[%swap3A_114, %swap3A_115] : memref<16x12800xf32, #tpu.memory_space<vmem>>, vector<16x3200xf32>
    tpu.vector_store %arg9[%swap3A_114, %swap3A_115], %mul3A_113 {strides = array<i32>} : memref<16x12800xf32, #tpu.memory_space<vmem>>, vector<16x3200xf32>,
    %slice3A_117 = vector.extract_strided_slice %transpose3A {offsets = [64, 0], sizes = [32, 3200], strides = [1, 1]} : vector<128x3200xf32> to vector<32x3200xf32>
    %get3A_118 = arith.constant 0 : index
    %get3A_119 = arith.constant 6400 : index
    %get3A_120 = vector.load %arg2[%get3A_118, %get3A_119] : memref<16x12800xf32, #tpu.memory_space<vmem>>, vector<16x3200xf32>
    %get3A_121 = arith.constant 0 : index
    %get3A_122 = arith.constant 6400 : index
    %get3A_123 = vector.load %arg3[%get3A_121, %get3A_122] : memref<16x12800xf32, #tpu.memory_space<vmem>>, vector<16x3200xf32>
    %get3A_124 = arith.constant 0 : index
    %get3A_125 = arith.constant 0 : index
    %get3A_126 = vector.load %arg4[%get3A_124, %get3A_125] : memref<32x16xf32, #tpu.memory_space<vmem>>, vector<32x16xf32>
    %dot_general3A_127 = arith.constant dense<0.000000e+00> : vector<32x3200xf32>
    %dot_general3A_128 = tpu.matmul %get3A_126, %get3A_120, %dot_general3A_127 {dimension_numbers = #tpu.dot_dimension_numbers<[1], [0], [0], [1], [0, 0, 1, 1], [], []>, transpose_lhs_hint = false} : vector<32x16xf32>, vector<16x3200xf32>, vector<32x3200xf32> -> vector<32x3200xf32>
    %add3A_129 = arith.addf %slice3A_117, %dot_general3A_128 : vector<32x3200xf32>
    %add3A_130 = vector.broadcast %get3A_4 : vector<32x1xf32> to vector<32x3200xf32>
    %add3A_131 = arith.addf %add3A_129, %add3A_130 : vector<32x3200xf32>
    %slice3A_132 = vector.extract_strided_slice %add3A_131 {offsets = [0, 0], sizes = [16, 3200], strides = [1, 1]} : vector<32x3200xf32> to vector<16x3200xf32>
    %slice3A_133 = vector.extract_strided_slice %add3A_131 {offsets = [16, 0], sizes = [16, 3200], strides = [1, 1]} : vector<32x3200xf32> to vector<16x3200xf32>
    %logistic3A_134 = arith.negf %slice3A_132 : vector<16x3200xf32>
    %logistic3A_135 = math.exp %logistic3A_134 : vector<16x3200xf32>
    %logistic3A_136 = arith.constant 1.000000e+00 : f32
    %logistic3A_137 = vector.broadcast %logistic3A_136 : f32 to vector<16x3200xf32>
    %logistic3A_138 = arith.addf %logistic3A_137, %logistic3A_135 : vector<16x3200xf32>
    %logistic3A_139 = arith.divf %logistic3A_137, %logistic3A_138 : vector<16x3200xf32>
    %mul3A_140 = arith.mulf %slice3A_132, %logistic3A_139 : vector<16x3200xf32>
    %logistic3A_141 = arith.negf %slice3A_133 : vector<16x3200xf32>
    %logistic3A_142 = math.exp %logistic3A_141 : vector<16x3200xf32>
    %logistic3A_143 = arith.constant 1.000000e+00 : f32
    %logistic3A_144 = vector.broadcast %logistic3A_143 : f32 to vector<16x3200xf32>
    %logistic3A_145 = arith.addf %logistic3A_144, %logistic3A_142 : vector<16x3200xf32>
    %logistic3A_146 = arith.divf %logistic3A_144, %logistic3A_145 : vector<16x3200xf32>
    %mul3A_147 = arith.mulf %mul3A_140, %logistic3A_146 : vector<16x3200xf32>
    %get3A_148 = arith.constant 0 : index
    %get3A_149 = arith.constant 0 : index
    %get3A_150 = vector.load %arg5[%get3A_148, %get3A_149] : memref<16x16xf32, #tpu.memory_space<vmem>>, vector<16x16xf32>
    %dot_general3A_151 = arith.constant dense<0.000000e+00> : vector<16x3200xf32>
    %dot_general3A_152 = tpu.matmul %get3A_150, %mul3A_147, %dot_general3A_151 {dimension_numbers = #tpu.dot_dimension_numbers<[1], [0], [0], [1], [0, 0, 1, 1], [], []>, transpose_lhs_hint = false} : vector<16x16xf32>, vector<16x3200xf32>, vector<16x3200xf32> -> vector<16x3200xf32>
    %add3A_153 = vector.broadcast %get3A_7 : vector<16x1xf32> to vector<16x3200xf32>
    %add3A_154 = arith.addf %dot_general3A_152, %add3A_153 : vector<16x3200xf32>
    %get3A_155 = arith.constant 0 : index
    %get3A_156 = arith.constant 0 : index
    %get3A_157 = vector.load %arg6[%get3A_155, %get3A_156] : memref<16x16xf32, #tpu.memory_space<vmem>>, vector<16x16xf32>
    %dot_general3A_158 = arith.constant dense<0.000000e+00> : vector<16x3200xf32>
    %dot_general3A_159 = tpu.matmul %get3A_157, %get3A_123, %dot_general3A_158 {dimension_numbers = #tpu.dot_dimension_numbers<[1], [0], [0], [1], [0, 0, 1, 1], [], []>, transpose_lhs_hint = false} : vector<16x16xf32>, vector<16x3200xf32>, vector<16x3200xf32> -> vector<16x3200xf32>
    %add3A_160 = vector.broadcast %get3A_10 : vector<16x1xf32> to vector<16x3200xf32>
    %add3A_161 = arith.addf %dot_general3A_159, %add3A_160 : vector<16x3200xf32>
    %logistic3A_162 = arith.negf %add3A_154 : vector<16x3200xf32>
    %logistic3A_163 = math.exp %logistic3A_162 : vector<16x3200xf32>
    %logistic3A_164 = arith.constant 1.000000e+00 : f32
    %logistic3A_165 = vector.broadcast %logistic3A_164 : f32 to vector<16x3200xf32>
    %logistic3A_166 = arith.addf %logistic3A_165, %logistic3A_163 : vector<16x3200xf32>
    %logistic3A_167 = arith.divf %logistic3A_165, %logistic3A_166 : vector<16x3200xf32>
    %mul3A_168 = arith.mulf %add3A_154, %logistic3A_167 : vector<16x3200xf32>
    %mul3A_169 = arith.mulf %mul3A_168, %add3A_161 : vector<16x3200xf32>
    %swap3A_170 = arith.constant 0 : index
    %swap3A_171 = arith.constant 6400 : index
    %swap3A_172 = vector.load %arg9[%swap3A_170, %swap3A_171] : memref<16x12800xf32, #tpu.memory_space<vmem>>, vector<16x3200xf32>
    tpu.vector_store %arg9[%swap3A_170, %swap3A_171], %mul3A_169 {strides = array<i32>} : memref<16x12800xf32, #tpu.memory_space<vmem>>, vector<16x3200xf32>,
    %slice3A_173 = vector.extract_strided_slice %transpose3A {offsets = [96, 0], sizes = [32, 3200], strides = [1, 1]} : vector<128x3200xf32> to vector<32x3200xf32>
    %get3A_174 = arith.constant 0 : index
    %get3A_175 = arith.constant 9600 : index
    %get3A_176 = vector.load %arg2[%get3A_174, %get3A_175] : memref<16x12800xf32, #tpu.memory_space<vmem>>, vector<16x3200xf32>
    %get3A_177 = arith.constant 0 : index
    %get3A_178 = arith.constant 9600 : index
    %get3A_179 = vector.load %arg3[%get3A_177, %get3A_178] : memref<16x12800xf32, #tpu.memory_space<vmem>>, vector<16x3200xf32>
    %get3A_180 = arith.constant 0 : index
    %get3A_181 = arith.constant 0 : index
    %get3A_182 = vector.load %arg4[%get3A_180, %get3A_181] : memref<32x16xf32, #tpu.memory_space<vmem>>, vector<32x16xf32>
    %dot_general3A_183 = arith.constant dense<0.000000e+00> : vector<32x3200xf32>
    %dot_general3A_184 = tpu.matmul %get3A_182, %get3A_176, %dot_general3A_183 {dimension_numbers = #tpu.dot_dimension_numbers<[1], [0], [0], [1], [0, 0, 1, 1], [], []>, transpose_lhs_hint = false} : vector<32x16xf32>, vector<16x3200xf32>, vector<32x3200xf32> -> vector<32x3200xf32>
    %add3A_185 = arith.addf %slice3A_173, %dot_general3A_184 : vector<32x3200xf32>
    %add3A_186 = vector.broadcast %get3A_4 : vector<32x1xf32> to vector<32x3200xf32>
    %add3A_187 = arith.addf %add3A_185, %add3A_186 : vector<32x3200xf32>
    %slice3A_188 = vector.extract_strided_slice %add3A_187 {offsets = [0, 0], sizes = [16, 3200], strides = [1, 1]} : vector<32x3200xf32> to vector<16x3200xf32>
    %slice3A_189 = vector.extract_strided_slice %add3A_187 {offsets = [16, 0], sizes = [16, 3200], strides = [1, 1]} : vector<32x3200xf32> to vector<16x3200xf32>
    %logistic3A_190 = arith.negf %slice3A_188 : vector<16x3200xf32>
    %logistic3A_191 = math.exp %logistic3A_190 : vector<16x3200xf32>
    %logistic3A_192 = arith.constant 1.000000e+00 : f32
    %logistic3A_193 = vector.broadcast %logistic3A_192 : f32 to vector<16x3200xf32>
    %logistic3A_194 = arith.addf %logistic3A_193, %logistic3A_191 : vector<16x3200xf32>
    %logistic3A_195 = arith.divf %logistic3A_193, %logistic3A_194 : vector<16x3200xf32>
    %mul3A_196 = arith.mulf %slice3A_188, %logistic3A_195 : vector<16x3200xf32>
    %logistic3A_197 = arith.negf %slice3A_189 : vector<16x3200xf32>
    %logistic3A_198 = math.exp %logistic3A_197 : vector<16x3200xf32>
    %logistic3A_199 = arith.constant 1.000000e+00 : f32
    %logistic3A_200 = vector.broadcast %logistic3A_199 : f32 to vector<16x3200xf32>
    %logistic3A_201 = arith.addf %logistic3A_200, %logistic3A_198 : vector<16x3200xf32>
    %logistic3A_202 = arith.divf %logistic3A_200, %logistic3A_201 : vector<16x3200xf32>
    %mul3A_203 = arith.mulf %mul3A_196, %logistic3A_202 : vector<16x3200xf32>
    %get3A_204 = arith.constant 0 : index
    %get3A_205 = arith.constant 0 : index
    %get3A_206 = vector.load %arg5[%get3A_204, %get3A_205] : memref<16x16xf32, #tpu.memory_space<vmem>>, vector<16x16xf32>
    %dot_general3A_207 = arith.constant dense<0.000000e+00> : vector<16x3200xf32>
    %dot_general3A_208 = tpu.matmul %get3A_206, %mul3A_203, %dot_general3A_207 {dimension_numbers = #tpu.dot_dimension_numbers<[1], [0], [0], [1], [0, 0, 1, 1], [], []>, transpose_lhs_hint = false} : vector<16x16xf32>, vector<16x3200xf32>, vector<16x3200xf32> -> vector<16x3200xf32>
    %add3A_209 = vector.broadcast %get3A_7 : vector<16x1xf32> to vector<16x3200xf32>
    %add3A_210 = arith.addf %dot_general3A_208, %add3A_209 : vector<16x3200xf32>
    %get3A_211 = arith.constant 0 : index
    %get3A_212 = arith.constant 0 : index
    %get3A_213 = vector.load %arg6[%get3A_211, %get3A_212] : memref<16x16xf32, #tpu.memory_space<vmem>>, vector<16x16xf32>
    %dot_general3A_214 = arith.constant dense<0.000000e+00> : vector<16x3200xf32>
    %dot_general3A_215 = tpu.matmul %get3A_213, %get3A_179, %dot_general3A_214 {dimension_numbers = #tpu.dot_dimension_numbers<[1], [0], [0], [1], [0, 0, 1, 1], [], []>, transpose_lhs_hint = false} : vector<16x16xf32>, vector<16x3200xf32>, vector<16x3200xf32> -> vector<16x3200xf32>
    %add3A_216 = vector.broadcast %get3A_10 : vector<16x1xf32> to vector<16x3200xf32>
    %add3A_217 = arith.addf %dot_general3A_215, %add3A_216 : vector<16x3200xf32>
    %logistic3A_218 = arith.negf %add3A_210 : vector<16x3200xf32>
    %logistic3A_219 = math.exp %logistic3A_218 : vector<16x3200xf32>
    %logistic3A_220 = arith.constant 1.000000e+00 : f32
    %logistic3A_221 = vector.broadcast %logistic3A_220 : f32 to vector<16x3200xf32>
    %logistic3A_222 = arith.addf %logistic3A_221, %logistic3A_219 : vector<16x3200xf32>
    %logistic3A_223 = arith.divf %logistic3A_221, %logistic3A_222 : vector<16x3200xf32>
    %mul3A_224 = arith.mulf %add3A_210, %logistic3A_223 : vector<16x3200xf32>
    %mul3A_225 = arith.mulf %mul3A_224, %add3A_217 : vector<16x3200xf32>
    %swap3A_226 = arith.constant 0 : index
    %swap3A_227 = arith.constant 9600 : index
    %swap3A_228 = vector.load %arg9[%swap3A_226, %swap3A_227] : memref<16x12800xf32, #tpu.memory_space<vmem>>, vector<16x3200xf32>
    tpu.vector_store %arg9[%swap3A_226, %swap3A_227], %mul3A_225 {strides = array<i32>} : memref<16x12800xf32, #tpu.memory_space<vmem>>, vector<16x3200xf32>,
    return
  }
  func.func @transform_0(%arg0: i32) -> (i32, i32) {
    %c0_i32 = arith.constant 0 : i32
    %c0_i32_0 = arith.constant 0 : i32
    return %arg0, %c0_i32 : i32, i32
  }
  func.func @transform_1(%arg0: i32) -> (i32, i32) {
    %add3A = arith.constant 16 : i32
    %add3A_0 = arith.addi %add3A, %arg0 : i32
    %c0_i32 = arith.constant 0 : i32
    %c0_i32_1 = arith.constant 0 : i32
    return %c0_i32, %add3A_0 : i32, i32
  }
  func.func @transform_2(%arg0: i32) -> (i32, i32) {
    %add3A = arith.constant 16 : i32
    %add3A_0 = arith.addi %add3A, %arg0 : i32
    %c0_i32 = arith.constant 0 : i32
    %c0_i32_1 = arith.constant 0 : i32
    return %c0_i32, %add3A_0 : i32, i32
  }
  func.func @transform_3(%arg0: i32) -> (i32, i32) {
    %c0_i32 = arith.constant 0 : i32
    %c0_i32_0 = arith.constant 0 : i32
    %c0_i32_1 = arith.constant 0 : i32
    return %c0_i32, %c0_i32_0 : i32, i32
  }
  func.func @transform_4(%arg0: i32) -> (i32, i32) {
    %c0_i32 = arith.constant 0 : i32
    %c0_i32_0 = arith.constant 0 : i32
    %c0_i32_1 = arith.constant 0 : i32
    return %c0_i32, %c0_i32_0 : i32, i32
  }
  func.func @transform_5(%arg0: i32) -> (i32, i32) {
    %c0_i32 = arith.constant 0 : i32
    %c0_i32_0 = arith.constant 0 : i32
    %c0_i32_1 = arith.constant 0 : i32
    return %c0_i32, %c0_i32_0 : i32, i32
  }
  func.func @transform_6(%arg0: i32) -> (i32, i32) {
    %c0_i32 = arith.constant 0 : i32
    %c0_i32_0 = arith.constant 0 : i32
    %c0_i32_1 = arith.constant 0 : i32
    return %c0_i32, %c0_i32_0 : i32, i32
  }
  func.func @transform_8(%arg0: i32) -> (i32, i32) {
    %add3A = arith.constant 16 : i32
    %add3A_0 = arith.addi %add3A, %arg0 : i32
    %c0_i32 = arith.constant 0 : i32
    %c0_i32_1 = arith.constant 0 : i32
    return %c0_i32, %add3A_0 : i32, i32
  }
}

module attributes {stable_mosaic.version = 14 : i64} {
  func.func @_lambda_(%arg0: i32, %arg1: memref<3200x128xf32, #tpu.memory_space<vmem>>, %arg2: memref<16x12800xf32, #tpu.memory_space<vmem>>, %arg3: memref<16x12800xf32, #tpu.memory_space<vmem>>, %arg4: memref<32x16xf32, #tpu.memory_space<vmem>>, %arg5: memref<16x16xf32, #tpu.memory_space<vmem>>, %arg6: memref<16x16xf32, #tpu.memory_space<vmem>>, %arg7: memref<64x1xf32, #tpu.memory_space<vmem>>, %arg8: memref<16x320000xf32, #tpu.memory_space<any>>, %arg9: memref<16x12800xf32, #tpu.memory_space<vmem>>) attributes {dimension_semantics = [#tpu.dimension_semantics<arbitrary>], iteration_bounds = array<i64: 3>, scalar_prefetch = 0 : i64, scratch_operands = 0 : i64, tpu.core_type = #tpu.core_type<tc>, window_params = [{transform_indices = @transform_0, window_bounds = array<i64: 3200, 128>}, {transform_indices = @transform_1, window_bounds = array<i64: 16, 12800>}, {transform_indices = @transform_2, window_bounds = array<i64: 16, 12800>}, {pipeline_mode = #tpu.pipeline_mode<synchronous>, transform_indices = @transform_3, window_bounds = array<i64: 32, 16>}, {pipeline_mode = #tpu.pipeline_mode<synchronous>, transform_indices = @transform_4, window_bounds = array<i64: 16, 16>}, {pipeline_mode = #tpu.pipeline_mode<synchronous>, transform_indices = @transform_5, window_bounds = array<i64: 16, 16>}, {pipeline_mode = #tpu.pipeline_mode<synchronous>, transform_indices = @transform_6, window_bounds = array<i64: 64, 1>}, {}, {transform_indices = @transform_8, window_bounds = array<i64: 16, 12800>}]} {
    %get3A = arith.constant 0 : index
    %get3A_0 = arith.constant 0 : index
    %get3A_1 = vector.load %arg1[%get3A, %get3A_0] : memref<3200x128xf32, #tpu.memory_space<vmem>>, vector<3200x128xf32>
    %transpose3A = tpu.transpose %get3A_1, [1, 0] : vector<3200x128xf32> -> vector<128x3200xf32>
    %get3A_2 = arith.constant 0 : index
    %get3A_3 = arith.constant 0 : index
    %get3A_4 = vector.load %arg7[%get3A_2, %get3A_3] : memref<64x1xf32, #tpu.memory_space<vmem>>, vector<32x1xf32>
    %get3A_5 = arith.constant 32 : index
    %get3A_6 = arith.constant 0 : index
    %get3A_7 = vector.load %arg7[%get3A_5, %get3A_6] : memref<64x1xf32, #tpu.memory_space<vmem>>, vector<16x1xf32>
    %get3A_8 = arith.constant 48 : index
    %get3A_9 = arith.constant 0 : index
    %get3A_10 = vector.load %arg7[%get3A_8, %get3A_9] : memref<64x1xf32, #tpu.memory_space<vmem>>, vector<16x1xf32>
    %slice3A = vector.extract_strided_slice %transpose3A {offsets = [0, 0], sizes = [32, 3200], strides = [1, 1]} : vector<128x3200xf32> to vector<32x3200xf32>
    %get3A_11 = arith.constant 0 : index
    %get3A_12 = arith.constant 0 : index
    %get3A_13 = vector.load %arg2[%get3A_11, %get3A_12] : memref<16x12800xf32, #tpu.memory_space<vmem>>, vector<16x3200xf32>
    %get3A_14 = arith.constant 0 : index
    %get3A_15 = arith.constant 0 : index
    %get3A_16 = vector.load %arg3[%get3A_14, %get3A_15] : memref<16x12800xf32, #tpu.memory_space<vmem>>, vector<16x3200xf32>
    %get3A_17 = arith.constant 0 : index
    %get3A_18 = arith.constant 0 : index
    %get3A_19 = vector.load %arg4[%get3A_17, %get3A_18] : memref<32x16xf32, #tpu.memory_space<vmem>>, vector<32x16xf32>
    %dot_general3A = arith.constant dense<0.000000e+00> : vector<32x3200xf32>
    %dot_general3A_20 = tpu.matmul %get3A_19, %get3A_13, %dot_general3A {dimension_numbers = #tpu.dot_dimension_numbers<[1], [0], [0], [1], [0, 0, 1, 1], [], []>, transpose_lhs_hint = false} : vector<32x16xf32>, vector<16x3200xf32>, vector<32x3200xf32> -> vector<32x3200xf32>
    %add3A = arith.addf %slice3A, %dot_general3A_20 : vector<32x3200xf32>
    %add3A_21 = vector.broadcast %get3A_4 : vector<32x1xf32> to vector<32x3200xf32>
    %add3A_22 = arith.addf %add3A, %add3A_21 : vector<32x3200xf32>
    %slice3A_23 = vector.extract_strided_slice %add3A_22 {offsets = [0, 0], sizes = [16, 3200], strides = [1, 1]} : vector<32x3200xf32> to vector<16x3200xf32>
    %slice3A_24 = vector.extract_strided_slice %add3A_22 {offsets = [16, 0], sizes = [16, 3200], strides = [1, 1]} : vector<32x3200xf32> to vector<16x3200xf32>
    %logistic3A = arith.negf %slice3A_23 : vector<16x3200xf32>
    %logistic3A_25 = math.exp %logistic3A : vector<16x3200xf32>
    %logistic3A_26 = arith.constant 1.000000e+00 : f32
    %logistic3A_27 = vector.broadcast %logistic3A_26 : f32 to vector<16x3200xf32>
    %logistic3A_28 = arith.addf %logistic3A_27, %logistic3A_25 : vector<16x3200xf32>
    %logistic3A_29 = arith.divf %logistic3A_27, %logistic3A_28 : vector<16x3200xf32>
    %mul3A = arith.mulf %slice3A_23, %logistic3A_29 : vector<16x3200xf32>
    %logistic3A_30 = arith.negf %slice3A_24 : vector<16x3200xf32>
    %logistic3A_31 = math.exp %logistic3A_30 : vector<16x3200xf32>
    %logistic3A_32 = arith.constant 1.000000e+00 : f32
    %logistic3A_33 = vector.broadcast %logistic3A_32 : f32 to vector<16x3200xf32>
    %logistic3A_34 = arith.addf %logistic3A_33, %logistic3A_31 : vector<16x3200xf32>
    %logistic3A_35 = arith.divf %logistic3A_33, %logistic3A_34 : vector<16x3200xf32>
    %mul3A_36 = arith.mulf %mul3A, %logistic3A_35 : vector<16x3200xf32>
    %get3A_37 = arith.constant 0 : index
    %get3A_38 = arith.constant 0 : index
    %get3A_39 = vector.load %arg5[%get3A_37, %get3A_38] : memref<16x16xf32, #tpu.memory_space<vmem>>, vector<16x16xf32>
    %dot_general3A_40 = arith.constant dense<0.000000e+00> : vector<16x3200xf32>
    %dot_general3A_41 = tpu.matmul %get3A_39, %mul3A_36, %dot_general3A_40 {dimension_numbers = #tpu.dot_dimension_numbers<[1], [0], [0], [1], [0, 0, 1, 1], [], []>, transpose_lhs_hint = false} : vector<16x16xf32>, vector<16x3200xf32>, vector<16x3200xf32> -> vector<16x3200xf32>
    %add3A_42 = vector.broadcast %get3A_7 : vector<16x1xf32> to vector<16x3200xf32>
    %add3A_43 = arith.addf %dot_general3A_41, %add3A_42 : vector<16x3200xf32>
    %get3A_44 = arith.constant 0 : index
    %get3A_45 = arith.constant 0 : index
    %get3A_46 = vector.load %arg6[%get3A_44, %get3A_45] : memref<16x16xf32, #tpu.memory_space<vmem>>, vector<16x16xf32>
    %dot_general3A_47 = arith.constant dense<0.000000e+00> : vector<16x3200xf32>
    %dot_general3A_48 = tpu.matmul %get3A_46, %get3A_16, %dot_general3A_47 {dimension_numbers = #tpu.dot_dimension_numbers<[1], [0], [0], [1], [0, 0, 1, 1], [], []>, transpose_lhs_hint = false} : vector<16x16xf32>, vector<16x3200xf32>, vector<16x3200xf32> -> vector<16x3200xf32>
    %add3A_49 = vector.broadcast %get3A_10 : vector<16x1xf32> to vector<16x3200xf32>
    %add3A_50 = arith.addf %dot_general3A_48, %add3A_49 : vector<16x3200xf32>
    %logistic3A_51 = arith.negf %add3A_43 : vector<16x3200xf32>
    %logistic3A_52 = math.exp %logistic3A_51 : vector<16x3200xf32>
    %logistic3A_53 = arith.constant 1.000000e+00 : f32
    %logistic3A_54 = vector.broadcast %logistic3A_53 : f32 to vector<16x3200xf32>
    %logistic3A_55 = arith.addf %logistic3A_54, %logistic3A_52 : vector<16x3200xf32>
    %logistic3A_56 = arith.divf %logistic3A_54, %logistic3A_55 : vector<16x3200xf32>
    %mul3A_57 = arith.mulf %add3A_43, %logistic3A_56 : vector<16x3200xf32>
    %mul3A_58 = arith.mulf %mul3A_57, %add3A_50 : vector<16x3200xf32>
    %swap3A = arith.constant 0 : index
    %swap3A_59 = arith.constant 0 : index
    %swap3A_60 = vector.load %arg9[%swap3A, %swap3A_59] : memref<16x12800xf32, #tpu.memory_space<vmem>>, vector<16x3200xf32>
    tpu.vector_store %arg9[%swap3A, %swap3A_59], %mul3A_58 {strides = array<i32>} : memref<16x12800xf32, #tpu.memory_space<vmem>>, vector<16x3200xf32>,
    %slice3A_61 = vector.extract_strided_slice %transpose3A {offsets = [32, 0], sizes = [32, 3200], strides = [1, 1]} : vector<128x3200xf32> to vector<32x3200xf32>
    %get3A_62 = arith.constant 0 : index
    %get3A_63 = arith.constant 3200 : index
    %get3A_64 = vector.load %arg2[%get3A_62, %get3A_63] : memref<16x12800xf32, #tpu.memory_space<vmem>>, vector<16x3200xf32>
    %get3A_65 = arith.constant 0 : index
    %get3A_66 = arith.constant 3200 : index
    %get3A_67 = vector.load %arg3[%get3A_65, %get3A_66] : memref<16x12800xf32, #tpu.memory_space<vmem>>, vector<16x3200xf32>
    %get3A_68 = arith.constant 0 : index
    %get3A_69 = arith.constant 0 : index
    %get3A_70 = vector.load %arg4[%get3A_68, %get3A_69] : memref<32x16xf32, #tpu.memory_space<vmem>>, vector<32x16xf32>
    %dot_general3A_71 = arith.constant dense<0.000000e+00> : vector<32x3200xf32>
    %dot_general3A_72 = tpu.matmul %get3A_70, %get3A_64, %dot_general3A_71 {dimension_numbers = #tpu.dot_dimension_numbers<[1], [0], [0], [1], [0, 0, 1, 1], [], []>, transpose_lhs_hint = false} : vector<32x16xf32>, vector<16x3200xf32>, vector<32x3200xf32> -> vector<32x3200xf32>
    %add3A_73 = arith.addf %slice3A_61, %dot_general3A_72 : vector<32x3200xf32>
    %add3A_74 = vector.broadcast %get3A_4 : vector<32x1xf32> to vector<32x3200xf32>
    %add3A_75 = arith.addf %add3A_73, %add3A_74 : vector<32x3200xf32>
    %slice3A_76 = vector.extract_strided_slice %add3A_75 {offsets = [0, 0], sizes = [16, 3200], strides = [1, 1]} : vector<32x3200xf32> to vector<16x3200xf32>
    %slice3A_77 = vector.extract_strided_slice %add3A_75 {offsets = [16, 0], sizes = [16, 3200], strides = [1, 1]} : vector<32x3200xf32> to vector<16x3200xf32>
    %logistic3A_78 = arith.negf %slice3A_76 : vector<16x3200xf32>
    %logistic3A_79 = math.exp %logistic3A_78 : vector<16x3200xf32>
    %logistic3A_80 = arith.constant 1.000000e+00 : f32
    %logistic3A_81 = vector.broadcast %logistic3A_80 : f32 to vector<16x3200xf32>
    %logistic3A_82 = arith.addf %logistic3A_81, %logistic3A_79 : vector<16x3200xf32>
    %logistic3A_83 = arith.divf %logistic3A_81, %logistic3A_82 : vector<16x3200xf32>
    %mul3A_84 = arith.mulf %slice3A_76, %logistic3A_83 : vector<16x3200xf32>
    %logistic3A_85 = arith.negf %slice3A_77 : vector<16x3200xf32>
    %logistic3A_86 = math.exp %logistic3A_85 : vector<16x3200xf32>
    %logistic3A_87 = arith.constant 1.000000e+00 : f32
    %logistic3A_88 = vector.broadcast %logistic3A_87 : f32 to vector<16x3200xf32>
    %logistic3A_89 = arith.addf %logistic3A_88, %logistic3A_86 : vector<16x3200xf32>
    %logistic3A_90 = arith.divf %logistic3A_88, %logistic3A_89 : vector<16x3200xf32>
    %mul3A_91 = arith.mulf %mul3A_84, %logistic3A_90 : vector<16x3200xf32>
    %get3A_92 = arith.constant 0 : index
    %get3A_93 = arith.constant 0 : index
    %get3A_94 = vector.load %arg5[%get3A_92, %get3A_93] : memref<16x16xf32, #tpu.memory_space<vmem>>, vector<16x16xf32>
    %dot_general3A_95 = arith.constant dense<0.000000e+00> : vector<16x3200xf32>
    %dot_general3A_96 = tpu.matmul %get3A_94, %mul3A_91, %dot_general3A_95 {dimension_numbers = #tpu.dot_dimension_numbers<[1], [0], [0], [1], [0, 0, 1, 1], [], []>, transpose_lhs_hint = false} : vector<16x16xf32>, vector<16x3200xf32>, vector<16x3200xf32> -> vector<16x3200xf32>
    %add3A_97 = vector.broadcast %get3A_7 : vector<16x1xf32> to vector<16x3200xf32>
    %add3A_98 = arith.addf %dot_general3A_96, %add3A_97 : vector<16x3200xf32>
    %get3A_99 = arith.constant 0 : index
    %get3A_100 = arith.constant 0 : index
    %get3A_101 = vector.load %arg6[%get3A_99, %get3A_100] : memref<16x16xf32, #tpu.memory_space<vmem>>, vector<16x16xf32>
    %dot_general3A_102 = arith.constant dense<0.000000e+00> : vector<16x3200xf32>
    %dot_general3A_103 = tpu.matmul %get3A_101, %get3A_67, %dot_general3A_102 {dimension_numbers = #tpu.dot_dimension_numbers<[1], [0], [0], [1], [0, 0, 1, 1], [], []>, transpose_lhs_hint = false} : vector<16x16xf32>, vector<16x3200xf32>, vector<16x3200xf32> -> vector<16x3200xf32>
    %add3A_104 = vector.broadcast %get3A_10 : vector<16x1xf32> to vector<16x3200xf32>
    %add3A_105 = arith.addf %dot_general3A_103, %add3A_104 : vector<16x3200xf32>
    %logistic3A_106 = arith.negf %add3A_98 : vector<16x3200xf32>
    %logistic3A_107 = math.exp %logistic3A_106 : vector<16x3200xf32>
    %logistic3A_108 = arith.constant 1.000000e+00 : f32
    %logistic3A_109 = vector.broadcast %logistic3A_108 : f32 to vector<16x3200xf32>
    %logistic3A_110 = arith.addf %logistic3A_109, %logistic3A_107 : vector<16x3200xf32>
    %logistic3A_111 = arith.divf %logistic3A_109, %logistic3A_110 : vector<16x3200xf32>
    %mul3A_112 = arith.mulf %add3A_98, %logistic3A_111 : vector<16x3200xf32>
    %mul3A_113 = arith.mulf %mul3A_112, %add3A_105 : vector<16x3200xf32>
    %swap3A_114 = arith.constant 0 : index
    %swap3A_115 = arith.constant 3200 : index
    %swap3A_116 = vector.load %arg9[%swap3A_114, %swap3A_115] : memref<16x12800xf32, #tpu.memory_space<vmem>>, vector<16x3200xf32>
    tpu.vector_store %arg9[%swap3A_114, %swap3A_115], %mul3A_113 {strides = array<i32>} : memref<16x12800xf32, #tpu.memory_space<vmem>>, vector<16x3200xf32>,
    %slice3A_117 = vector.extract_strided_slice %transpose3A {offsets = [64, 0], sizes = [32, 3200], strides = [1, 1]} : vector<128x3200xf32> to vector<32x3200xf32>
    %get3A_118 = arith.constant 0 : index
    %get3A_119 = arith.constant 6400 : index
    %get3A_120 = vector.load %arg2[%get3A_118, %get3A_119] : memref<16x12800xf32, #tpu.memory_space<vmem>>, vector<16x3200xf32>
    %get3A_121 = arith.constant 0 : index
    %get3A_122 = arith.constant 6400 : index
    %get3A_123 = vector.load %arg3[%get3A_121, %get3A_122] : memref<16x12800xf32, #tpu.memory_space<vmem>>, vector<16x3200xf32>
    %get3A_124 = arith.constant 0 : index
    %get3A_125 = arith.constant 0 : index
    %get3A_126 = vector.load %arg4[%get3A_124, %get3A_125] : memref<32x16xf32, #tpu.memory_space<vmem>>, vector<32x16xf32>
    %dot_general3A_127 = arith.constant dense<0.000000e+00> : vector<32x3200xf32>
    %dot_general3A_128 = tpu.matmul %get3A_126, %get3A_120, %dot_general3A_127 {dimension_numbers = #tpu.dot_dimension_numbers<[1], [0], [0], [1], [0, 0, 1, 1], [], []>, transpose_lhs_hint = false} : vector<32x16xf32>, vector<16x3200xf32>, vector<32x3200xf32> -> vector<32x3200xf32>
    %add3A_129 = arith.addf %slice3A_117, %dot_general3A_128 : vector<32x3200xf32>
    %add3A_130 = vector.broadcast %get3A_4 : vector<32x1xf32> to vector<32x3200xf32>
    %add3A_131 = arith.addf %add3A_129, %add3A_130 : vector<32x3200xf32>
    %slice3A_132 = vector.extract_strided_slice %add3A_131 {offsets = [0, 0], sizes = [16, 3200], strides = [1, 1]} : vector<32x3200xf32> to vector<16x3200xf32>
    %slice3A_133 = vector.extract_strided_slice %add3A_131 {offsets = [16, 0], sizes = [16, 3200], strides = [1, 1]} : vector<32x3200xf32> to vector<16x3200xf32>
    %logistic3A_134 = arith.negf %slice3A_132 : vector<16x3200xf32>
    %logistic3A_135 = math.exp %logistic3A_134 : vector<16x3200xf32>
    %logistic3A_136 = arith.constant 1.000000e+00 : f32
    %logistic3A_137 = vector.broadcast %logistic3A_136 : f32 to vector<16x3200xf32>
    %logistic3A_138 = arith.addf %logistic3A_137, %logistic3A_135 : vector<16x3200xf32>
    %logistic3A_139 = arith.divf %logistic3A_137, %logistic3A_138 : vector<16x3200xf32>
    %mul3A_140 = arith.mulf %slice3A_132, %logistic3A_139 : vector<16x3200xf32>
    %logistic3A_141 = arith.negf %slice3A_133 : vector<16x3200xf32>
    %logistic3A_142 = math.exp %logistic3A_141 : vector<16x3200xf32>
    %logistic3A_143 = arith.constant 1.000000e+00 : f32
    %logistic3A_144 = vector.broadcast %logistic3A_143 : f32 to vector<16x3200xf32>
    %logistic3A_145 = arith.addf %logistic3A_144, %logistic3A_142 : vector<16x3200xf32>
    %logistic3A_146 = arith.divf %logistic3A_144, %logistic3A_145 : vector<16x3200xf32>
    %mul3A_147 = arith.mulf %mul3A_140, %logistic3A_146 : vector<16x3200xf32>
    %get3A_148 = arith.constant 0 : index
    %get3A_149 = arith.constant 0 : index
    %get3A_150 = vector.load %arg5[%get3A_148, %get3A_149] : memref<16x16xf32, #tpu.memory_space<vmem>>, vector<16x16xf32>
    %dot_general3A_151 = arith.constant dense<0.000000e+00> : vector<16x3200xf32>
    %dot_general3A_152 = tpu.matmul %get3A_150, %mul3A_147, %dot_general3A_151 {dimension_numbers = #tpu.dot_dimension_numbers<[1], [0], [0], [1], [0, 0, 1, 1], [], []>, transpose_lhs_hint = false} : vector<16x16xf32>, vector<16x3200xf32>, vector<16x3200xf32> -> vector<16x3200xf32>
    %add3A_153 = vector.broadcast %get3A_7 : vector<16x1xf32> to vector<16x3200xf32>
    %add3A_154 = arith.addf %dot_general3A_152, %add3A_153 : vector<16x3200xf32>
    %get3A_155 = arith.constant 0 : index
    %get3A_156 = arith.constant 0 : index
    %get3A_157 = vector.load %arg6[%get3A_155, %get3A_156] : memref<16x16xf32, #tpu.memory_space<vmem>>, vector<16x16xf32>
    %dot_general3A_158 = arith.constant dense<0.000000e+00> : vector<16x3200xf32>
    %dot_general3A_159 = tpu.matmul %get3A_157, %get3A_123, %dot_general3A_158 {dimension_numbers = #tpu.dot_dimension_numbers<[1], [0], [0], [1], [0, 0, 1, 1], [], []>, transpose_lhs_hint = false} : vector<16x16xf32>, vector<16x3200xf32>, vector<16x3200xf32> -> vector<16x3200xf32>
    %add3A_160 = vector.broadcast %get3A_10 : vector<16x1xf32> to vector<16x3200xf32>
    %add3A_161 = arith.addf %dot_general3A_159, %add3A_160 : vector<16x3200xf32>
    %logistic3A_162 = arith.negf %add3A_154 : vector<16x3200xf32>
    %logistic3A_163 = math.exp %logistic3A_162 : vector<16x3200xf32>
    %logistic3A_164 = arith.constant 1.000000e+00 : f32
    %logistic3A_165 = vector.broadcast %logistic3A_164 : f32 to vector<16x3200xf32>
    %logistic3A_166 = arith.addf %logistic3A_165, %logistic3A_163 : vector<16x3200xf32>
    %logistic3A_167 = arith.divf %logistic3A_165, %logistic3A_166 : vector<16x3200xf32>
    %mul3A_168 = arith.mulf %add3A_154, %logistic3A_167 : vector<16x3200xf32>
    %mul3A_169 = arith.mulf %mul3A_168, %add3A_161 : vector<16x3200xf32>
    %swap3A_170 = arith.constant 0 : index
    %swap3A_171 = arith.constant 6400 : index
    %swap3A_172 = vector.load %arg9[%swap3A_170, %swap3A_171] : memref<16x12800xf32, #tpu.memory_space<vmem>>, vector<16x3200xf32>
    tpu.vector_store %arg9[%swap3A_170, %swap3A_171], %mul3A_169 {strides = array<i32>} : memref<16x12800xf32, #tpu.memory_space<vmem>>, vector<16x3200xf32>,
    %slice3A_173 = vector.extract_strided_slice %transpose3A {offsets = [96, 0], sizes = [32, 3200], strides = [1, 1]} : vector<128x3200xf32> to vector<32x3200xf32>
    %get3A_174 = arith.constant 0 : index
    %get3A_175 = arith.constant 9600 : index
    %get3A_176 = vector.load %arg2[%get3A_174, %get3A_175] : memref<16x12800xf32, #tpu.memory_space<vmem>>, vector<16x3200xf32>
    %get3A_177 = arith.constant 0 : index
    %get3A_178 = arith.constant 9600 : index
    %get3A_179 = vector.load %arg3[%get3A_177, %get3A_178] : memref<16x12800xf32, #tpu.memory_space<vmem>>, vector<16x3200xf32>
    %get3A_180 = arith.constant 0 : index
    %get3A_181 = arith.constant 0 : index
    %get3A_182 = vector.load %arg4[%get3A_180, %get3A_181] : memref<32x16xf32, #tpu.memory_space<vmem>>, vector<32x16xf32>
    %dot_general3A_183 = arith.constant dense<0.000000e+00> : vector<32x3200xf32>
    %dot_general3A_184 = tpu.matmul %get3A_182, %get3A_176, %dot_general3A_183 {dimension_numbers = #tpu.dot_dimension_numbers<[1], [0], [0], [1], [0, 0, 1, 1], [], []>, transpose_lhs_hint = false} : vector<32x16xf32>, vector<16x3200xf32>, vector<32x3200xf32> -> vector<32x3200xf32>
    %add3A_185 = arith.addf %slice3A_173, %dot_general3A_184 : vector<32x3200xf32>
    %add3A_186 = vector.broadcast %get3A_4 : vector<32x1xf32> to vector<32x3200xf32>
    %add3A_187 = arith.addf %add3A_185, %add3A_186 : vector<32x3200xf32>
    %slice3A_188 = vector.extract_strided_slice %add3A_187 {offsets = [0, 0], sizes = [16, 3200], strides = [1, 1]} : vector<32x3200xf32> to vector<16x3200xf32>
    %slice3A_189 = vector.extract_strided_slice %add3A_187 {offsets = [16, 0], sizes = [16, 3200], strides = [1, 1]} : vector<32x3200xf32> to vector<16x3200xf32>
    %logistic3A_190 = arith.negf %slice3A_188 : vector<16x3200xf32>
    %logistic3A_191 = math.exp %logistic3A_190 : vector<16x3200xf32>
    %logistic3A_192 = arith.constant 1.000000e+00 : f32
    %logistic3A_193 = vector.broadcast %logistic3A_192 : f32 to vector<16x3200xf32>
    %logistic3A_194 = arith.addf %logistic3A_193, %logistic3A_191 : vector<16x3200xf32>
    %logistic3A_195 = arith.divf %logistic3A_193, %logistic3A_194 : vector<16x3200xf32>
    %mul3A_196 = arith.mulf %slice3A_188, %logistic3A_195 : vector<16x3200xf32>
    %logistic3A_197 = arith.negf %slice3A_189 : vector<16x3200xf32>
    %logistic3A_198 = math.exp %logistic3A_197 : vector<16x3200xf32>
    %logistic3A_199 = arith.constant 1.000000e+00 : f32
    %logistic3A_200 = vector.broadcast %logistic3A_199 : f32 to vector<16x3200xf32>
    %logistic3A_201 = arith.addf %logistic3A_200, %logistic3A_198 : vector<16x3200xf32>
    %logistic3A_202 = arith.divf %logistic3A_200, %logistic3A_201 : vector<16x3200xf32>
    %mul3A_203 = arith.mulf %mul3A_196, %logistic3A_202 : vector<16x3200xf32>
    %get3A_204 = arith.constant 0 : index
    %get3A_205 = arith.constant 0 : index
    %get3A_206 = vector.load %arg5[%get3A_204, %get3A_205] : memref<16x16xf32, #tpu.memory_space<vmem>>, vector<16x16xf32>
    %dot_general3A_207 = arith.constant dense<0.000000e+00> : vector<16x3200xf32>
    %dot_general3A_208 = tpu.matmul %get3A_206, %mul3A_203, %dot_general3A_207 {dimension_numbers = #tpu.dot_dimension_numbers<[1], [0], [0], [1], [0, 0, 1, 1], [], []>, transpose_lhs_hint = false} : vector<16x16xf32>, vector<16x3200xf32>, vector<16x3200xf32> -> vector<16x3200xf32>
    %add3A_209 = vector.broadcast %get3A_7 : vector<16x1xf32> to vector<16x3200xf32>
    %add3A_210 = arith.addf %dot_general3A_208, %add3A_209 : vector<16x3200xf32>
    %get3A_211 = arith.constant 0 : index
    %get3A_212 = arith.constant 0 : index
    %get3A_213 = vector.load %arg6[%get3A_211, %get3A_212] : memref<16x16xf32, #tpu.memory_space<vmem>>, vector<16x16xf32>
    %dot_general3A_214 = arith.constant dense<0.000000e+00> : vector<16x3200xf32>
    %dot_general3A_215 = tpu.matmul %get3A_213, %get3A_179, %dot_general3A_214 {dimension_numbers = #tpu.dot_dimension_numbers<[1], [0], [0], [1], [0, 0, 1, 1], [], []>, transpose_lhs_hint = false} : vector<16x16xf32>, vector<16x3200xf32>, vector<16x3200xf32> -> vector<16x3200xf32>
    %add3A_216 = vector.broadcast %get3A_10 : vector<16x1xf32> to vector<16x3200xf32>
    %add3A_217 = arith.addf %dot_general3A_215, %add3A_216 : vector<16x3200xf32>
    %logistic3A_218 = arith.negf %add3A_210 : vector<16x3200xf32>
    %logistic3A_219 = math.exp %logistic3A_218 : vector<16x3200xf32>
    %logistic3A_220 = arith.constant 1.000000e+00 : f32
    %logistic3A_221 = vector.broadcast %logistic3A_220 : f32 to vector<16x3200xf32>
    %logistic3A_222 = arith.addf %logistic3A_221, %logistic3A_219 : vector<16x3200xf32>
    %logistic3A_223 = arith.divf %logistic3A_221, %logistic3A_222 : vector<16x3200xf32>
    %mul3A_224 = arith.mulf %add3A_210, %logistic3A_223 : vector<16x3200xf32>
    %mul3A_225 = arith.mulf %mul3A_224, %add3A_217 : vector<16x3200xf32>
    %swap3A_226 = arith.constant 0 : index
    %swap3A_227 = arith.constant 9600 : index
    %swap3A_228 = vector.load %arg9[%swap3A_226, %swap3A_227] : memref<16x12800xf32, #tpu.memory_space<vmem>>, vector<16x3200xf32>
    tpu.vector_store %arg9[%swap3A_226, %swap3A_227], %mul3A_225 {strides = array<i32>} : memref<16x12800xf32, #tpu.memory_space<vmem>>, vector<16x3200xf32>,
    return
  }
  func.func @transform_0(%arg0: i32) -> (i32, i32) {
    %c0_i32 = arith.constant 0 : i32
    %c0_i32_0 = arith.constant 0 : i32
    return %arg0, %c0_i32 : i32, i32
  }
  func.func @transform_1(%arg0: i32) -> (i32, i32) {
    %add3A = arith.constant 22 : i32
    %add3A_0 = arith.addi %add3A, %arg0 : i32
    %c0_i32 = arith.constant 0 : i32
    %c0_i32_1 = arith.constant 0 : i32
    return %c0_i32, %add3A_0 : i32, i32
  }
  func.func @transform_2(%arg0: i32) -> (i32, i32) {
    %add3A = arith.constant 22 : i32
    %add3A_0 = arith.addi %add3A, %arg0 : i32
    %c0_i32 = arith.constant 0 : i32
    %c0_i32_1 = arith.constant 0 : i32
    return %c0_i32, %add3A_0 : i32, i32
  }
  func.func @transform_3(%arg0: i32) -> (i32, i32) {
    %c0_i32 = arith.constant 0 : i32
    %c0_i32_0 = arith.constant 0 : i32
    %c0_i32_1 = arith.constant 0 : i32
    return %c0_i32, %c0_i32_0 : i32, i32
  }
  func.func @transform_4(%arg0: i32) -> (i32, i32) {
    %c0_i32 = arith.constant 0 : i32
    %c0_i32_0 = arith.constant 0 : i32
    %c0_i32_1 = arith.constant 0 : i32
    return %c0_i32, %c0_i32_0 : i32, i32
  }
  func.func @transform_5(%arg0: i32) -> (i32, i32) {
    %c0_i32 = arith.constant 0 : i32
    %c0_i32_0 = arith.constant 0 : i32
    %c0_i32_1 = arith.constant 0 : i32
    return %c0_i32, %c0_i32_0 : i32, i32
  }
  func.func @transform_6(%arg0: i32) -> (i32, i32) {
    %c0_i32 = arith.constant 0 : i32
    %c0_i32_0 = arith.constant 0 : i32
    %c0_i32_1 = arith.constant 0 : i32
    return %c0_i32, %c0_i32_0 : i32, i32
  }
  func.func @transform_8(%arg0: i32) -> (i32, i32) {
    %add3A = arith.constant 22 : i32
    %add3A_0 = arith.addi %add3A, %arg0 : i32
    %c0_i32 = arith.constant 0 : i32
    %c0_i32_1 = arith.constant 0 : i32
    return %c0_i32, %add3A_0 : i32, i32
  }
}

</mosaic_0001>

<sc_bundles>
// kernel: kernel.11.cloned.1.call-start
scs
__scs_entry_jumppad:
0x0: {  	(pc) =	sbr.rel $0x88, $3  }
0x1: {  	(tag) =	ssettag $0x0;
	lr =	simm.s32 $0x1  }
0x2: {  	[smem:$0x3F95] =	sst lr;
	_ =	strace $0xD0000000  }
0x3: {  	_ = 	snop  }
0x4: {  	_ = 	snop  }
0x5: {  	_ = 	snop  }
0x6: {  	_ = 	snop  }
0x7: {  	_ = 	snop  }
__scs_overlays_trampoline_lowered:
0x8: {  	[smem:$0x3FA4] =	sst s0  }
0x9: {  	[smem:$0x3FA5] =	sst s1  }
0xa: {  	[smem:$0x3FA6] =	sst s2  }
0xb: {  	[smem:$0x3FA7] =	sst s3  }
0xc: {  	[smem:$0x3FA8] =	sst s4  }
0xd: {  	[smem:$0x3FA9] =	sst s5  }
0xe: {  	[smem:$0x3FAA] =	sst s6  }
0xf: {  	[smem:$0x3FAB] =	sst s7  }
0x10: {  	[smem:$0x3FAC] =	sst s8  }
0x11: {  	[smem:$0x3FAD] =	sst s9;
	s0 =	simm.s32 @!p0 $0x0  }
0x12: {  	s1 =	sld [smem:$0x3F93];
	s0 =	simm.s32 @p0 $0x1  }
0x13: {  	[smem:$0x3FAE] =	sst s0;
	s0 =	simm.s32 @!p1 $0x0  }
0x14: {  	s2 =	sld [smem:$0x3F92];
	s0 =	simm.s32 @p1 $0x1  }
0x15: {  	[smem:$0x3FAF] =	sst s0;
	s0 =	simm.s32 @!p2 $0x0  }
0x16: {  	s3 =	sld [smem:$0x3FDB];
	s0 =	simm.s32 @p2 $0x1  }
0x17: {  	s4 =	simm.s32 $0x1BF5;
	[smem:$0x3FB1] =	sst s0  }
0x18: {  	s0 =	sld [smem:$0x3F94];
	_ =	swait.ge [sflag:s4], $0x0  }
0x19: {  	s7 =	sld [smem:$0x3F95]  }
0x1a: {  	s8 =	sadd.s32 $0xFFFFE003, lr  }
0x1b: {  	s9 =	sadd.s32 $0xFFFFFEF7, lr;
	s5 =	simm.s32 $0xFFFFFFFF;
	p2 =	slt.u32 s8, $0xFFFFF086  }
0x1c: {  	p1 =	slt.u32 s9, $0xF7A;
	s5 =	simm.s32 @!p2 $0x0  }
0x1d: {  	s5 =	simm.s32 @p1 $0x1;
	p0 =	seq.s32 s7, s2  }
0x1e: {  	s7 =	smul.u32 @!p0 $0xF7A, s2;
	p2 =	seq.s32 @!p0 s5, $0x0  }
0x1f: {  	s9 =	smul.u32 $0xF7A, s1;
	s8 =	simm.s32 @!p0 $0x1BF5;
	p2 =	por !p2, p0  }
0x20: {  	[sflag:s8] =	ssyncset.s32 @!p0 $0xFFFFF086;
	s6 =	sadd.s32 @!p0 s3, s7;
	s7 =	simm.s32 @!p0 $0x108  }
0x21: {  	s3 =	sadd.s32 s3, s9;
	s6 =	sadd.s32 @!p0 $0x88, s6;
	s7 =	simm.s32 @p2 $0x1082  }
0x22: {  	[simem:s7], [sflag:s8] =	dma.local @!p0 [hbm:s6], $0xF7A  }
0x23: {  	s9 =	sor.u32 $0xD0000000, s2;
	s6 =	simm.s32 $0x108;
	_ =	swait.ge @!p0 [sflag:s8], $0x0  }
0x24: {  	s3 =	sadd.s32 $0x88, s3;
	s6 =	simm.s32 @!p1 $0x1082;
	[sflag:s4] =	ssyncset.s32 $0xFFFFF086  }
0x25: {  	[simem:s6], [sflag:s4] =	dma.local [hbm:s3], $0xF7A  }
0x26: {  	[smem:$0x3F95] =	sst s1;
	(tag) =	ssettag s2;
	_ =	strace s9  }
0x27: {  	s1 =	sld [smem:$0x3FA5]  }
0x28: {  	s2 =	sld [smem:$0x3FA6]  }
0x29: {  	s4 =	sld [smem:$0x3FA8]  }
0x2a: {  	p0 =	seq.s32 s5, $0x0;
	s5 =	sld [smem:$0x3FA9]  }
0x2b: {  	s6 =	sld [smem:$0x3FAA]  }
0x2c: {  	s7 =	sld [smem:$0x3FAB]  }
0x2d: {  	s3 =	simm.s32 $0x108;
	s8 =	sld [smem:$0x3FAC]  }
0x2e: {  	s3 =	simm.s32 @!p0 $0x1082;
	s9 =	sld [smem:$0x3FAD]  }
0x2f: {  	lr =	sadd.s32 s0, s3;
	s0 =	sld [smem:$0x3FA4]  }
0x30: {  	s3 =	sld [smem:$0x3FA7]  }
0x31: {  	[smem:$0x3FB0] =	sst s10  }
0x32: {  	s10 =	sld [smem:$0x3FAE];
	_ =	sdelay $0x3  }
0x33: {  	p0 =	seq.s32 s10, $0x1;
	s10 =	sld [smem:$0x3FB0];
	_ =	sdelay $0x3  }
0x34: {  	[smem:$0x3FB0] =	sst s10  }
0x35: {  	s10 =	sld [smem:$0x3FAF];
	_ =	sdelay $0x3  }
0x36: {  	p1 =	seq.s32 s10, $0x1;
	s10 =	sld [smem:$0x3FB0];
	_ =	sdelay $0x3  }
0x37: {  	[smem:$0x3FB0] =	sst s10  }
0x38: {  	s10 =	sld [smem:$0x3FB1]  }
0x39: {  	_ = 	snop;
	(pc) =	sbr.ind lr, $3  }
0x3a: {  	_ = 	snop  }
0x3b: {  	_ = 	snop  }
0x3c: {  	p2 =	seq.s32 s10, $0x1;
	s10 =	sld [smem:$0x3FB0]  }
0x3d: {  	_ =	shalt  }
0x3e: {  	_ =	shalt  }
0x3f: {  	_ =	shalt  }
0x40: {  	_ =	shalt  }
0x41: {  	_ =	shalt  }
0x42: {  	_ =	shalt  }
0x43: {  	_ =	shalt  }
0x44: {  	_ =	shalt  }
0x45: {  	_ =	shalt  }
0x46: {  	_ =	shalt  }
0x47: {  	_ =	shalt  }
0x48: {  	_ =	shalt  }
0x49: {  	_ =	shalt  }
0x4a: {  	_ =	shalt  }
0x4b: {  	_ =	shalt  }
0x4c: {  	_ =	shalt  }
0x4d: {  	_ =	shalt  }
0x4e: {  	_ =	shalt  }
0x4f: {  	_ =	shalt  }
0x50: {  	_ =	shalt  }
0x51: {  	_ =	shalt  }
0x52: {  	_ =	shalt  }
0x53: {  	_ =	shalt  }
0x54: {  	_ =	shalt  }
0x55: {  	_ =	shalt  }
0x56: {  	_ =	shalt  }
0x57: {  	_ =	shalt  }
0x58: {  	_ =	shalt  }
0x59: {  	_ =	shalt  }
0x5a: {  	_ =	shalt  }
0x5b: {  	_ =	shalt  }
0x5c: {  	_ =	shalt  }
0x5d: {  	_ =	shalt  }
0x5e: {  	_ =	shalt  }
0x5f: {  	_ =	shalt  }
0x60: {  	_ =	shalt  }
0x61: {  	_ =	shalt  }
0x62: {  	_ =	shalt  }
0x63: {  	_ =	shalt  }
0x64: {  	_ =	shalt  }
0x65: {  	_ =	shalt  }
0x66: {  	_ =	shalt  }
0x67: {  	_ =	shalt  }
0x68: {  	_ =	shalt  }
0x69: {  	_ =	shalt  }
0x6a: {  	_ =	shalt  }
0x6b: {  	_ =	shalt  }
0x6c: {  	_ =	shalt  }
0x6d: {  	_ =	shalt  }
0x6e: {  	_ =	shalt  }
0x6f: {  	_ =	shalt  }
0x70: {  	_ =	shalt  }
0x71: {  	_ =	shalt  }
0x72: {  	_ =	shalt  }
0x73: {  	_ =	shalt  }
0x74: {  	_ =	shalt  }
0x75: {  	_ =	shalt  }
0x76: {  	_ =	shalt  }
0x77: {  	_ =	shalt  }
0x78: {  	_ =	shalt  }
0x79: {  	_ =	shalt  }
0x7a: {  	_ =	shalt  }
0x7b: {  	_ =	shalt  }
0x7c: {  	_ =	shalt  }
0x7d: {  	_ =	shalt  }
0x7e: {  	_ =	shalt  }
0x7f: {  	_ =	shalt  }
0x80: {  	_ =	shalt  }
0x81: {  	_ =	shalt  }
0x82: {  	_ =	shalt  }
0x83: {  	_ =	shalt  }
0x84: {  	_ =	shalt  }
0x85: {  	_ =	shalt  }
0x86: {  	_ =	shalt  }
0x87: {  	_ =	shalt  }
.Lfunc_end0:
.L_simem_size_0:
called_computation_lowered:
.L_overlay_start_0:
0x88: {  	s2 =	sld [smem:$0x3FD9]  }
0x89: {  	s3 =	sld [smem:$0x3FFE];
	_ =	sdelay $0x1  }
0x8a: {  	s1 =	srdreg.scid  }
0x8b: {  	s0 =	sand.u32 $0x1, s1  }
0x8c: {  	s17 =	sshll.u32 s0, $0xA;
	s2 =	sadd.s32 s3, s2  }
0x8d: {  	s2 =	sadd.s32 s2, s17  }
0x8e: {  	[smem:$0x3FBC] =	sst s2  }
0x8f: {  	_ = 	snop  }
0x90: {  	s2 =	sld [smem:$0x3FD0];
	(tm) =	ssettm $0x1  }
0x91: {  	s18 =	sld [smem:$0x3FFB];
	_ =	sdelay $0x3  }
0x92: {  	_ =	strace s18  }
0x93: {  	s3 =	sld [smem:$0x3FFC];
	_ =	sdelay $0x3  }
0x94: {  	_ =	strace s3  }
0x95: {  	s3 =	sld [smem:$0x3FFD];
	_ =	sdelay $0x3  }
0x96: {  	_ =	strace s3  }
0x97: {  	_ =	strace $0x8FFFFFFF  }
0x98: {  	s19 =	sld [smem:$0x3FDB];
	_ =	sdelay $0x1  }
0x99: {  	s4 =	simm.s32 $_scs_section_size  }
0x9a: {  	s5 =	simm.s32 $_size__tile_overlayer_lowered;
	s6 =	simm.s32 $_tile_overlayer_lowered  }
0x9b: {  	s22 =	simm.s32 $0x1BFF;
	s21 =	sshll.u32 s6, $0x1;
	s3 =	sadd.s32 s4, s19  }
0x9c: {  	s7 =	simm.s32 $0x0;
	s20 =	sshll.u32 s5, $0x1;
	s5 =	sadd.s32 s21, s3  }
0x9d: {  	[timem:s7], [sflag:s22] =	dma.local [hbm:s5], s20  }
0x9e: {  	_ =	swait.ge [sflag:s22], s20  }
0x9f: {  	s4 =	ssub.s32 $0x0, s20;
	[sflag:s22] =	ssyncset.done $0x0  }
0xa0: {  	[sflag:s22] =	ssyncadd.s32 s4;
	_ =	sdelay $0x1  }
0xa1: {  	s23 =	simm.s32 $0x1B8B  }
0xa2: {  	_ =	swait.ge [sflag:s23], $0x1  }
0xa3: {  	[sflag:s23] =	ssyncset.done $0x0  }
0xa4: {  	s25 =	simm.s32 $0x1B8E;
	s24 =	sld [smem:$0x3FFE];
	[sflag:s23] =	ssyncadd.s32 $0xFFFFFFFF  }
0xa5: {  	s26 =	simm.s32 $execute0_lowered;
	[smem:$0x3FD2] =	sst s25  }
0xa6: {  	s5 =	sshll.u32 s26, $0x1;
	_ =	strace $0x80000046;
	[dreg:$0x1] =	wrdreg $0xFFFFFFFF  }
0xa7: {  	s28 =	simm.s32 $_size_execute0_lowered;
	s3 =	sadd.s32 s3, s5;
	[dreg:$0x0] =	wrdreg $0x0  }
0xa8: {  	s5 =	sshll.u32 s28, $0x1;
	[dreg:$0x2] =	wrdreg s3  }
0xa9: {  	[dreg:$0x3] =	wrdreg s5  }
0xaa: {  	[dreg:$0x4] =	wrdreg $0xC0  }
0xab: {  	_ =	task [dreg:s7], $0x5FFFF  }
0xac: {  	[dreg:$0x1] =	wrdreg $0xFFFFFFFF  }
0xad: {  	[dreg:$0x0] =	wrdreg $0x60  }
0xae: {  	[dreg:$0x2] =	wrdreg s24  }
0xaf: {  	[dreg:$0x3] =	wrdreg s2  }
0xb0: {  	[dreg:$0x4] =	wrdreg $0x9  }
0xb1: {  	_ =	task.clear_ibuf [dreg:s7], $0x5FFFF;
	_ =	strace $0x90000046  }
0xb2: {  	s29 =	simm.s32 $0x9;
	_ =	strace $0x80000048  }
0xb3: {  	_ =	swait.ge [sflag:s29], $0x1  }
0xb4: {  	[sflag:s29] =	ssyncadd.s32 $0xFFFFFFFF  }
0xb5: {  	_ =	strace $0x90000048  }
0xb6: {  	_ =	sfence  }
0xb7: {  	s30 =	sld [smem:$0x0];
	_ =	sdelay $0x2  }
0xb8: {  	s31 =	sshll.u32 s1, $0xD;
	s1 =	sshrl.u32 s1, $0x2  }
0xb9: {  	s3 =	sand.u32 $0x4000, s31;
	s1 =	sadd.s32 s1, s30  }
0xba: {  	s0 =	sor.u32 s3, s0;
	s1 =	sshll.u32 s1, $0x11  }
0xbb: {  	s0 =	sor.u32 s1, s0  }
0xbc: {  	s0 =	sadd.s32 $0x8F2B, s0  }
0xbd: {  	[sflag:s0] =	ssyncadd.remote.s32 $0x1  }
0xbe: {  	_ =	sfence.sel $0xFFFF  }
0xbf: {  	[dreg:$0x0] =	wrdreg $0xFFFFFFFF;
	(pc) =	sbr.abs _section_cstart, $3  }
0xc0: {  	[dreg:$0x1] =	wrdreg $0xFFFFFFFF  }
0xc1: {  	_ =	task.clear_ibuf [dreg:s7], $0x2FFFF;
	_ =	strace $0x9FFFFFFF  }
0xc2: {  	(tm) =	ssettm $0x7FFFFFFF  }
0xc3: {  	_ =	shalt  }
tec
execute0_lowered:
.L_overlay_start_1:
0x0: {  	(tag) =	ssettag $0x1  }
0x1: {  	s0 =	rddreg [dreg:$0x0]  }
0x2: {  	s1 =	rddreg [dreg:$0x1]  }
0x3: {  	s3 =	srdreg.scid;
	s7 =	stileid.u32  }
0x4: {  	s2 =	simm.s32 $0x0;
	s16 =	simm.s32 $0x7;
	s17 =	simm.s32 $0xC80  }
0x5: {  	s18 =	simm.s32 $0x190;
	s28 =	simm.s32 $0x80;
	s29 =	simm.s32 $0x5  }
0x6: {  	s30 =	simm.s32 $0x0;
	s5 =	sand.u32 $0x1, s3;
	s19 =	sshll.u32 s7, $0x1  }
0x7: {  	[smem:$0x7FF] =	sst s2;
	s7 =	sshrl.u32 s7, $0x1;
	s3 =	sadd.s32 $0xD400, s0  }
0x8: {  	s4 =	sor.u32 s5, s19;
	_ =	strace $0x80000047;
	s7 =	smul.u32 $0x64000, s7  }
0x9: {  	s5 =	ssub.s32 $0x2, s5;
	s19 =	simm.s32 $0x1900;
	s6 =	smul.u32 $0xC80, s4  }
0xa: {  	s8 =	sshll.u32 s4, $0x5;
	s4 =	sadd.s32 $0x3600, s0;
	s9 =	sshrl.u32 s5, $0x1  }
0xb: {  	s8 =	sand.u32 $0x60, s8;
	s5 =	ssub.s32 s5, s9;
	s6 =	sshrl.u32 s6, $0x3  }
0xc: {  	s12 =	sor.u32 s7, s8;
	s15 =	smax.u32 s5, $0x1;
	s0 =	sadd.s32 s6, s0  }
0xd: {  	s20 =	sadd.s32 $0xC800, s12;
	s22 =	sshrl.u32 s12, $0x3;
	s24 =	sadd.s32 $0x19000, s12  }
0xe: {  	s25 =	sadd.s32 $0x25800, s12;
	s10 =	sadd.s32 $0x32000, s12;
	s26 =	sadd.s32 $0x3E800, s12  }
0xf: {  	s31 =	sadd.s32 $0x4B000, s12;
	s12 =	sadd.s32 $0x57800, s12;
	s21 =	sadd.s32 $0x17200, s0  }
0x10: {  	s23 =	sshrl.u32 s20, $0x3;
	s0 =	sadd.s32 $0x20E40, s0;
	s7 =	sadd.s32 s1, s22  }
0x11: {  	s11 =	sshrl.u32 s25, $0x3;
	s13 =	sshrl.u32 s10, $0x3;
	s14 =	sshrl.u32 s12, $0x3  }
0x12: {  	s20 =	simm.s32 $0x7D00;
	s25 =	simm.s32 $0x3;
	[dreg:$0x3] =	wrdreg s21  }
0x13: {  	s22 =	simm.s32 $0x6;
	[dreg:$0x4] =	wrdreg s0;
	s8 =	sadd.s32 s1, s23  }
0x14: {  	s0 =	sshrl.u32 s24, $0x3;
	s10 =	sadd.s32 s1, s11;
	s11 =	sadd.s32 s1, s13  }
0x15: {  	s13 =	sshrl.u32 s31, $0x3;
	s14 =	sadd.s32 s1, s14;
	s21 =	simm.s32 $0x4B00  }
0x16: {  	s23 =	simm.s32 $0xAF00;
	s24 =	simm.s32 $0x1;
	s9 =	sadd.s32 s1, s0  }
0x17: {  	s0 =	sshrl.u32 s26, $0x3;
	s13 =	sadd.s32 s1, s13;
	s26 =	simm.s32 $0x20  }
0x18: {  	s12 =	sadd.s32 s1, s0;
	s0 =	simm.s32 $0x2;
	s1 =	simm.s32 $0x4  }
.LBB2_1:
0x19: {  	s5 =	rddreg [dreg:$0x3]  }
0x1a: {  	[tilespmem:s2], [sflag:$0x7] =	stream.linear.gather [hbm4b:s5+s2], $0xC80, $0x38;
	[tilespmem:$0xE100] =	vst v63  }
0x1b: {  	_ =	swait.ge [sflag:s16], $0xC80  }
0x1c: {  	[sflag:s16] =	ssyncset.done $0x0  }
0x1d: {  	s6 =	rddreg [dreg:$0x4];
	[sflag:s16] =	ssyncadd.s32 $0xFFFFF380  }
0x1e: {  	[tilespmem:s17], [sflag:$0x7] =	stream.linear.gather [hbm4b:s6+s2], $0xC80, $0x38;
	[tilespmem:$0xE100] =	vst v63  }
0x1f: {  	_ =	swait.ge [sflag:s16], $0xC80  }
0x20: {  	[sflag:s16] =	ssyncset.done $0x0  }
0x21: {  	[sflag:s16] =	ssyncadd.s32 $0xFFFFF380  }
0x22: {  	[tilespmem:s19], [sflag:$0x1] =	stream.indirect.gather [hbm4b:s3+s18], $0x20, s2, s18, $0xb8;
	[tilespmem:$0xE100] =	vst v63  }
0x23: {  	_ = 	snop  }
0x24: {  	[tilespmem:s20], [sflag:$0x3] =	stream.indirect.gather [hbm4b:s4+s18], $0x20, s17, s18, $0xb8;
	[tilespmem:$0xE100] =	vst v63  }
0x25: {  	_ = 	snop  }
0x26: {  	[tilespmem:s21], [sflag:$0x2] =	stream.indirect.gather [hbm4b:s3+s18], $0x20, s18, s18, $0xb8;
	[tilespmem:$0xE100] =	vst v63  }
0x27: {  	s6 =	simm.s32 $0xE10  }
0x28: {  	[tilespmem:s23], [sflag:$0x4] =	stream.indirect.gather [hbm4b:s4+s18], $0x20, s6, s18, $0xb8;
	[tilespmem:$0xE100] =	vst v63  }
0x29: {  	_ =	swait.ge [sflag:s24], $0x3200  }
0x2a: {  	[sflag:s24] =	ssyncset.done $0x0  }
0x2b: {  	[sflag:s24] =	ssyncadd.s32 $0xFFFFCE00  }
0x2c: {  	_ =	swait.ge [sflag:s25], $0x3200  }
0x2d: {  	[sflag:s25] =	ssyncset.done $0x0  }
0x2e: {  	s31 =	simm.s32 $0x0;
	[sflag:s25] =	ssyncadd.s32 $0xFFFFCE00  }
0x2f: {  	v0 =	vld [tilespmem:s31+$0x7D00]  }
0x30: {  	v1 =	vld [tilespmem:s31+$0x7D10]  }
0x31: {  	s5 =	simm.s32 $0x80;
	v2 =	vld [tilespmem:s31+$0x1900]  }
.LBB2_2:
0x32: {  	p0 =	sne.s32 s5, $0xC780;
	v3 =	vld [tilespmem:s31+$0x1910];
	_ =	sdelay $0x2  }
.Ltmp0:
0x33: {  	(pc) =	sbr.rel @p0 .LBB2_2-.Ltmp0, $4  }
0x34: {  	s6 =	sshra.s32 s5, $0x2;
	v2 =	vadd.f32 v0, v2  }
0x35: {  	v0 =	vld [tilespmem:s6+$0x7D00];
	v3 =	vadd.f32 v1, v3  }
0x36: {  	v1 =	vld [tilespmem:s6+$0x7D10];
	[tilespmem:s31+$0x1900] =	vst v2  }
0x37: {  	s5 =	sadd.s32 $0x80, s5;
	v2 =	vld [tilespmem:s6+$0x1900];
	[tilespmem:s31+$0x1910] =	vst v3;
	s31 =	smov.u32 s6  }
0x38: {  	v3 =	vld [tilespmem:s31+$0x1910];
	_ =	sdelay $0x3  }
0x39: {  	v0 =	vadd.f32 v0, v2  }
0x3a: {  	v1 =	vadd.f32 v1, v3  }
0x3b: {  	[tilespmem:s31+$0x1900] =	vst v0  }
0x3c: {  	[tilespmem:s31+$0x1910] =	vst v1  }
0x3d: {  	[hbm4b:s7+s26] =	stream.strided.scatter [tilespmem:s19], [sflag:$0x5], $0x3200, s28, s26, $0x38;
	[tilespmem:$0xE100] =	vst v63  }
0x3e: {  	_ =	swait.ge [sflag:s29], $0x3200  }
0x3f: {  	[sflag:s29] =	ssyncset.done $0x0  }
0x40: {  	s5 =	simm.s32 $0x320;
	[sflag:s29] =	ssyncadd.s32 $0xFFFFCE00  }
0x41: {  	[tilespmem:s19], [sflag:$0x1] =	stream.indirect.gather [hbm4b:s3+s18], $0x20, s5, s18, $0xb8;
	[tilespmem:$0xE100] =	vst v63  }
0x42: {  	s6 =	simm.s32 $0xFA0  }
0x43: {  	[tilespmem:s20], [sflag:$0x3] =	stream.indirect.gather [hbm4b:s4+s18], $0x20, s6, s18, $0xb8;
	[tilespmem:$0xE100] =	vst v63  }
0x44: {  	_ =	swait.ge [sflag:s0], $0x3200  }
0x45: {  	[sflag:s0] =	ssyncset.done $0x0  }
0x46: {  	[sflag:s0] =	ssyncadd.s32 $0xFFFFCE00  }
0x47: {  	_ =	swait.ge [sflag:s1], $0x3200  }
0x48: {  	[sflag:s1] =	ssyncset.done $0x0  }
0x49: {  	s31 =	simm.s32 $0x0;
	[sflag:s1] =	ssyncadd.s32 $0xFFFFCE00  }
0x4a: {  	v0 =	vld [tilespmem:s31+$0xAF00]  }
0x4b: {  	v1 =	vld [tilespmem:s31+$0xAF10]  }
0x4c: {  	s5 =	simm.s32 $0x80;
	v2 =	vld [tilespmem:s31+$0x4B00]  }
.LBB2_4:
0x4d: {  	p0 =	sne.s32 s5, $0xC780;
	v3 =	vld [tilespmem:s31+$0x4B10];
	_ =	sdelay $0x2  }
.Ltmp1:
0x4e: {  	(pc) =	sbr.rel @p0 .LBB2_4-.Ltmp1, $4  }
0x4f: {  	s6 =	sshra.s32 s5, $0x2;
	v2 =	vadd.f32 v0, v2  }
0x50: {  	v0 =	vld [tilespmem:s6+$0xAF00];
	v3 =	vadd.f32 v1, v3  }
0x51: {  	v1 =	vld [tilespmem:s6+$0xAF10];
	[tilespmem:s31+$0x4B00] =	vst v2  }
0x52: {  	s5 =	sadd.s32 $0x80, s5;
	v2 =	vld [tilespmem:s6+$0x4B00];
	[tilespmem:s31+$0x4B10] =	vst v3;
	s31 =	smov.u32 s6  }
0x53: {  	v3 =	vld [tilespmem:s31+$0x4B10];
	_ =	sdelay $0x3  }
0x54: {  	v0 =	vadd.f32 v0, v2  }
0x55: {  	v1 =	vadd.f32 v1, v3  }
0x56: {  	[tilespmem:s31+$0x4B00] =	vst v0  }
0x57: {  	[tilespmem:s31+$0x4B10] =	vst v1  }
0x58: {  	[hbm4b:s8+s26] =	stream.strided.scatter [tilespmem:s21], [sflag:$0x6], $0x3200, s28, s26, $0x38;
	[tilespmem:$0xE100] =	vst v63  }
0x59: {  	_ =	swait.ge [sflag:s22], $0x3200  }
0x5a: {  	[sflag:s22] =	ssyncset.done $0x0  }
0x5b: {  	s5 =	simm.s32 $0x4B0;
	[sflag:s22] =	ssyncadd.s32 $0xFFFFCE00  }
0x5c: {  	[tilespmem:s21], [sflag:$0x2] =	stream.indirect.gather [hbm4b:s3+s18], $0x20, s5, s18, $0xb8;
	[tilespmem:$0xE100] =	vst v63  }
0x5d: {  	s6 =	simm.s32 $0x1130  }
0x5e: {  	[tilespmem:s23], [sflag:$0x4] =	stream.indirect.gather [hbm4b:s4+s18], $0x20, s6, s18, $0xb8;
	[tilespmem:$0xE100] =	vst v63  }
0x5f: {  	_ =	swait.ge [sflag:s24], $0x3200  }
0x60: {  	[sflag:s24] =	ssyncset.done $0x0  }
0x61: {  	[sflag:s24] =	ssyncadd.s32 $0xFFFFCE00  }
0x62: {  	_ =	swait.ge [sflag:s25], $0x3200  }
0x63: {  	[sflag:s25] =	ssyncset.done $0x0  }
0x64: {  	s31 =	simm.s32 $0x0;
	[sflag:s25] =	ssyncadd.s32 $0xFFFFCE00  }
0x65: {  	v0 =	vld [tilespmem:s31+$0x7D00]  }
0x66: {  	v1 =	vld [tilespmem:s31+$0x7D10]  }
0x67: {  	s5 =	simm.s32 $0x80;
	v2 =	vld [tilespmem:s31+$0x1900]  }
.LBB2_6:
0x68: {  	p0 =	sne.s32 s5, $0xC780;
	v3 =	vld [tilespmem:s31+$0x1910];
	_ =	sdelay $0x2  }
.Ltmp2:
0x69: {  	(pc) =	sbr.rel @p0 .LBB2_6-.Ltmp2, $4  }
0x6a: {  	s6 =	sshra.s32 s5, $0x2;
	v2 =	vadd.f32 v0, v2  }
0x6b: {  	v0 =	vld [tilespmem:s6+$0x7D00];
	v3 =	vadd.f32 v1, v3  }
0x6c: {  	v1 =	vld [tilespmem:s6+$0x7D10];
	[tilespmem:s31+$0x1900] =	vst v2  }
0x6d: {  	s5 =	sadd.s32 $0x80, s5;
	v2 =	vld [tilespmem:s6+$0x1900];
	[tilespmem:s31+$0x1910] =	vst v3;
	s31 =	smov.u32 s6  }
0x6e: {  	v3 =	vld [tilespmem:s31+$0x1910];
	_ =	sdelay $0x3  }
0x6f: {  	v0 =	vadd.f32 v0, v2  }
0x70: {  	v1 =	vadd.f32 v1, v3  }
0x71: {  	[tilespmem:s31+$0x1900] =	vst v0  }
0x72: {  	[tilespmem:s31+$0x1910] =	vst v1  }
0x73: {  	[hbm4b:s9+s26] =	stream.strided.scatter [tilespmem:s19], [sflag:$0x5], $0x3200, s28, s26, $0x38;
	[tilespmem:$0xE100] =	vst v63  }
0x74: {  	_ =	swait.ge [sflag:s29], $0x3200  }
0x75: {  	[sflag:s29] =	ssyncset.done $0x0  }
0x76: {  	s5 =	simm.s32 $0x640;
	[sflag:s29] =	ssyncadd.s32 $0xFFFFCE00  }
0x77: {  	[tilespmem:s19], [sflag:$0x1] =	stream.indirect.gather [hbm4b:s3+s18], $0x20, s5, s18, $0xb8;
	[tilespmem:$0xE100] =	vst v63  }
0x78: {  	s6 =	simm.s32 $0x12C0  }
0x79: {  	[tilespmem:s20], [sflag:$0x3] =	stream.indirect.gather [hbm4b:s4+s18], $0x20, s6, s18, $0xb8;
	[tilespmem:$0xE100] =	vst v63  }
0x7a: {  	_ =	swait.ge [sflag:s0], $0x3200  }
0x7b: {  	[sflag:s0] =	ssyncset.done $0x0  }
0x7c: {  	[sflag:s0] =	ssyncadd.s32 $0xFFFFCE00  }
0x7d: {  	_ =	swait.ge [sflag:s1], $0x3200  }
0x7e: {  	[sflag:s1] =	ssyncset.done $0x0  }
0x7f: {  	s31 =	simm.s32 $0x0;
	[sflag:s1] =	ssyncadd.s32 $0xFFFFCE00  }
0x80: {  	v0 =	vld [tilespmem:s31+$0xAF00]  }
0x81: {  	v1 =	vld [tilespmem:s31+$0xAF10]  }
0x82: {  	s5 =	simm.s32 $0x80;
	v2 =	vld [tilespmem:s31+$0x4B00]  }
.LBB2_8:
0x83: {  	p0 =	sne.s32 s5, $0xC780;
	v3 =	vld [tilespmem:s31+$0x4B10];
	_ =	sdelay $0x2  }
.Ltmp3:
0x84: {  	(pc) =	sbr.rel @p0 .LBB2_8-.Ltmp3, $4  }
0x85: {  	s6 =	sshra.s32 s5, $0x2;
	v2 =	vadd.f32 v0, v2  }
0x86: {  	v0 =	vld [tilespmem:s6+$0xAF00];
	v3 =	vadd.f32 v1, v3  }
0x87: {  	v1 =	vld [tilespmem:s6+$0xAF10];
	[tilespmem:s31+$0x4B00] =	vst v2  }
0x88: {  	s5 =	sadd.s32 $0x80, s5;
	v2 =	vld [tilespmem:s6+$0x4B00];
	[tilespmem:s31+$0x4B10] =	vst v3;
	s31 =	smov.u32 s6  }
0x89: {  	v3 =	vld [tilespmem:s31+$0x4B10];
	_ =	sdelay $0x3  }
0x8a: {  	v0 =	vadd.f32 v0, v2  }
0x8b: {  	v1 =	vadd.f32 v1, v3  }
0x8c: {  	[tilespmem:s31+$0x4B00] =	vst v0  }
0x8d: {  	[tilespmem:s31+$0x4B10] =	vst v1  }
0x8e: {  	[hbm4b:s10+s26] =	stream.strided.scatter [tilespmem:s21], [sflag:$0x6], $0x3200, s28, s26, $0x38;
	[tilespmem:$0xE100] =	vst v63  }
0x8f: {  	_ =	swait.ge [sflag:s22], $0x3200  }
0x90: {  	[sflag:s22] =	ssyncset.done $0x0  }
0x91: {  	s5 =	simm.s32 $0x7D0;
	[sflag:s22] =	ssyncadd.s32 $0xFFFFCE00  }
0x92: {  	[tilespmem:s21], [sflag:$0x2] =	stream.indirect.gather [hbm4b:s3+s18], $0x20, s5, s18, $0xb8;
	[tilespmem:$0xE100] =	vst v63  }
0x93: {  	s6 =	simm.s32 $0x1450  }
0x94: {  	[tilespmem:s23], [sflag:$0x4] =	stream.indirect.gather [hbm4b:s4+s18], $0x20, s6, s18, $0xb8;
	[tilespmem:$0xE100] =	vst v63  }
0x95: {  	_ =	swait.ge [sflag:s24], $0x3200  }
0x96: {  	[sflag:s24] =	ssyncset.done $0x0  }
0x97: {  	[sflag:s24] =	ssyncadd.s32 $0xFFFFCE00  }
0x98: {  	_ =	swait.ge [sflag:s25], $0x3200  }
0x99: {  	[sflag:s25] =	ssyncset.done $0x0  }
0x9a: {  	s31 =	simm.s32 $0x0;
	[sflag:s25] =	ssyncadd.s32 $0xFFFFCE00  }
0x9b: {  	v0 =	vld [tilespmem:s31+$0x7D00]  }
0x9c: {  	v1 =	vld [tilespmem:s31+$0x7D10]  }
0x9d: {  	s5 =	simm.s32 $0x80;
	v2 =	vld [tilespmem:s31+$0x1900]  }
.LBB2_10:
0x9e: {  	p0 =	sne.s32 s5, $0xC780;
	v3 =	vld [tilespmem:s31+$0x1910];
	_ =	sdelay $0x2  }
.Ltmp4:
0x9f: {  	(pc) =	sbr.rel @p0 .LBB2_10-.Ltmp4, $4  }
0xa0: {  	s6 =	sshra.s32 s5, $0x2;
	v2 =	vadd.f32 v0, v2  }
0xa1: {  	v0 =	vld [tilespmem:s6+$0x7D00];
	v3 =	vadd.f32 v1, v3  }
0xa2: {  	v1 =	vld [tilespmem:s6+$0x7D10];
	[tilespmem:s31+$0x1900] =	vst v2  }
0xa3: {  	s5 =	sadd.s32 $0x80, s5;
	v2 =	vld [tilespmem:s6+$0x1900];
	[tilespmem:s31+$0x1910] =	vst v3;
	s31 =	smov.u32 s6  }
0xa4: {  	v3 =	vld [tilespmem:s31+$0x1910];
	_ =	sdelay $0x3  }
0xa5: {  	v0 =	vadd.f32 v0, v2  }
0xa6: {  	v1 =	vadd.f32 v1, v3  }
0xa7: {  	[tilespmem:s31+$0x1900] =	vst v0  }
0xa8: {  	[tilespmem:s31+$0x1910] =	vst v1  }
0xa9: {  	[hbm4b:s11+s26] =	stream.strided.scatter [tilespmem:s19], [sflag:$0x5], $0x3200, s28, s26, $0x38;
	[tilespmem:$0xE100] =	vst v63  }
0xaa: {  	_ =	swait.ge [sflag:s29], $0x3200  }
0xab: {  	[sflag:s29] =	ssyncset.done $0x0  }
0xac: {  	s5 =	simm.s32 $0x960;
	[sflag:s29] =	ssyncadd.s32 $0xFFFFCE00  }
0xad: {  	[tilespmem:s19], [sflag:$0x1] =	stream.indirect.gather [hbm4b:s3+s18], $0x20, s5, s18, $0xb8;
	[tilespmem:$0xE100] =	vst v63  }
0xae: {  	s6 =	simm.s32 $0x15E0  }
0xaf: {  	[tilespmem:s20], [sflag:$0x3] =	stream.indirect.gather [hbm4b:s4+s18], $0x20, s6, s18, $0xb8;
	[tilespmem:$0xE100] =	vst v63  }
0xb0: {  	_ =	swait.ge [sflag:s0], $0x3200  }
0xb1: {  	[sflag:s0] =	ssyncset.done $0x0  }
0xb2: {  	[sflag:s0] =	ssyncadd.s32 $0xFFFFCE00  }
0xb3: {  	_ =	swait.ge [sflag:s1], $0x3200  }
0xb4: {  	[sflag:s1] =	ssyncset.done $0x0  }
0xb5: {  	s31 =	simm.s32 $0x0;
	[sflag:s1] =	ssyncadd.s32 $0xFFFFCE00  }
0xb6: {  	v0 =	vld [tilespmem:s31+$0xAF00]  }
0xb7: {  	v1 =	vld [tilespmem:s31+$0xAF10]  }
0xb8: {  	s5 =	simm.s32 $0x80;
	v2 =	vld [tilespmem:s31+$0x4B00]  }
.LBB2_12:
0xb9: {  	p0 =	sne.s32 s5, $0xC780;
	v3 =	vld [tilespmem:s31+$0x4B10];
	_ =	sdelay $0x2  }
.Ltmp5:
0xba: {  	(pc) =	sbr.rel @p0 .LBB2_12-.Ltmp5, $4  }
0xbb: {  	s6 =	sshra.s32 s5, $0x2;
	v2 =	vadd.f32 v0, v2  }
0xbc: {  	v0 =	vld [tilespmem:s6+$0xAF00];
	v3 =	vadd.f32 v1, v3  }
0xbd: {  	v1 =	vld [tilespmem:s6+$0xAF10];
	[tilespmem:s31+$0x4B00] =	vst v2  }
0xbe: {  	s5 =	sadd.s32 $0x80, s5;
	v2 =	vld [tilespmem:s6+$0x4B00];
	[tilespmem:s31+$0x4B10] =	vst v3;
	s31 =	smov.u32 s6  }
0xbf: {  	v3 =	vld [tilespmem:s31+$0x4B10];
	_ =	sdelay $0x3  }
0xc0: {  	v0 =	vadd.f32 v0, v2  }
0xc1: {  	v1 =	vadd.f32 v1, v3  }
0xc2: {  	[tilespmem:s31+$0x4B00] =	vst v0  }
0xc3: {  	[tilespmem:s31+$0x4B10] =	vst v1  }
0xc4: {  	[hbm4b:s12+s26] =	stream.strided.scatter [tilespmem:s21], [sflag:$0x6], $0x3200, s28, s26, $0x38;
	[tilespmem:$0xE100] =	vst v63  }
0xc5: {  	_ =	swait.ge [sflag:s22], $0x3200  }
0xc6: {  	[sflag:s22] =	ssyncset.done $0x0  }
0xc7: {  	s5 =	simm.s32 $0xAF0;
	[sflag:s22] =	ssyncadd.s32 $0xFFFFCE00  }
0xc8: {  	[tilespmem:s21], [sflag:$0x2] =	stream.indirect.gather [hbm4b:s3+s18], $0x20, s5, s18, $0xb8;
	[tilespmem:$0xE100] =	vst v63  }
0xc9: {  	s6 =	simm.s32 $0x1770  }
0xca: {  	[tilespmem:s23], [sflag:$0x4] =	stream.indirect.gather [hbm4b:s4+s18], $0x20, s6, s18, $0xb8;
	[tilespmem:$0xE100] =	vst v63  }
0xcb: {  	_ =	swait.ge [sflag:s24], $0x3200  }
0xcc: {  	[sflag:s24] =	ssyncset.done $0x0  }
0xcd: {  	[sflag:s24] =	ssyncadd.s32 $0xFFFFCE00  }
0xce: {  	_ =	swait.ge [sflag:s25], $0x3200  }
0xcf: {  	[sflag:s25] =	ssyncset.done $0x0  }
0xd0: {  	s31 =	simm.s32 $0x0;
	[sflag:s25] =	ssyncadd.s32 $0xFFFFCE00  }
0xd1: {  	v0 =	vld [tilespmem:s31+$0x7D00]  }
0xd2: {  	v1 =	vld [tilespmem:s31+$0x7D10]  }
0xd3: {  	s5 =	simm.s32 $0x80;
	v2 =	vld [tilespmem:s31+$0x1900]  }
.LBB2_14:
0xd4: {  	p0 =	sne.s32 s5, $0xC780;
	v3 =	vld [tilespmem:s31+$0x1910];
	_ =	sdelay $0x2  }
.Ltmp6:
0xd5: {  	(pc) =	sbr.rel @p0 .LBB2_14-.Ltmp6, $4  }
0xd6: {  	s6 =	sshra.s32 s5, $0x2;
	v2 =	vadd.f32 v0, v2  }
0xd7: {  	v0 =	vld [tilespmem:s6+$0x7D00];
	v3 =	vadd.f32 v1, v3  }
0xd8: {  	v1 =	vld [tilespmem:s6+$0x7D10];
	[tilespmem:s31+$0x1900] =	vst v2  }
0xd9: {  	s5 =	sadd.s32 $0x80, s5;
	v2 =	vld [tilespmem:s6+$0x1900];
	[tilespmem:s31+$0x1910] =	vst v3;
	s31 =	smov.u32 s6  }
0xda: {  	v3 =	vld [tilespmem:s31+$0x1910];
	_ =	sdelay $0x3  }
0xdb: {  	v0 =	vadd.f32 v0, v2  }
0xdc: {  	v1 =	vadd.f32 v1, v3  }
0xdd: {  	[tilespmem:s31+$0x1900] =	vst v0  }
0xde: {  	[tilespmem:s31+$0x1910] =	vst v1  }
0xdf: {  	[hbm4b:s13+s26] =	stream.strided.scatter [tilespmem:s19], [sflag:$0x5], $0x3200, s28, s26, $0x38;
	[tilespmem:$0xE100] =	vst v63  }
0xe0: {  	_ =	swait.ge [sflag:s0], $0x3200  }
0xe1: {  	[sflag:s0] =	ssyncset.done $0x0  }
0xe2: {  	[sflag:s0] =	ssyncadd.s32 $0xFFFFCE00  }
0xe3: {  	_ =	swait.ge [sflag:s1], $0x3200  }
0xe4: {  	[sflag:s1] =	ssyncset.done $0x0  }
0xe5: {  	s31 =	simm.s32 $0x0;
	[sflag:s1] =	ssyncadd.s32 $0xFFFFCE00  }
0xe6: {  	v0 =	vld [tilespmem:s31+$0xAF00]  }
0xe7: {  	v1 =	vld [tilespmem:s31+$0xAF10]  }
0xe8: {  	s5 =	simm.s32 $0x80;
	v2 =	vld [tilespmem:s31+$0x4B00]  }
.LBB2_16:
0xe9: {  	p0 =	sne.s32 s5, $0xC780;
	v3 =	vld [tilespmem:s31+$0x4B10];
	_ =	sdelay $0x2  }
.Ltmp7:
0xea: {  	(pc) =	sbr.rel @p0 .LBB2_16-.Ltmp7, $4  }
0xeb: {  	s6 =	sshra.s32 s5, $0x2;
	v2 =	vadd.f32 v0, v2  }
0xec: {  	v0 =	vld [tilespmem:s6+$0xAF00];
	v3 =	vadd.f32 v1, v3  }
0xed: {  	v1 =	vld [tilespmem:s6+$0xAF10];
	[tilespmem:s31+$0x4B00] =	vst v2  }
0xee: {  	s5 =	sadd.s32 $0x80, s5;
	v2 =	vld [tilespmem:s6+$0x4B00];
	[tilespmem:s31+$0x4B10] =	vst v3;
	s31 =	smov.u32 s6  }
0xef: {  	v3 =	vld [tilespmem:s31+$0x4B10];
	_ =	sdelay $0x3  }
0xf0: {  	v0 =	vadd.f32 v0, v2  }
0xf1: {  	v1 =	vadd.f32 v1, v3  }
0xf2: {  	[tilespmem:s31+$0x4B00] =	vst v0  }
0xf3: {  	s30 =	sadd.s32 $0x1, s30;
	[tilespmem:s31+$0x4B10] =	vst v1  }
0xf4: {  	[hbm4b:s14+s26] =	stream.strided.scatter [tilespmem:s21], [sflag:$0x6], $0x3200, s28, s26, $0x38;
	[tilespmem:$0xE100] =	vst v63  }
0xf5: {  	p0 =	sne.s32 s30, s15;
	_ =	swait.ge [sflag:s29], $0x3200  }
.Ltmp8:
0xf6: {  	[sflag:s29] =	ssyncset.done $0x0;
	(pc) =	sbr.rel @p0 .LBB2_1-.Ltmp8, $4  }
0xf7: {  	[sflag:s29] =	ssyncadd.s32 $0xFFFFCE00  }
0xf8: {  	_ =	swait.ge [sflag:s22], $0x3200  }
0xf9: {  	[sflag:s22] =	ssyncset.done $0x0  }
0xfa: {  	[sflag:s22] =	ssyncadd.s32 $0xFFFFCE00  }
0xfb: {  	_ =	sfence.sel $0x180000  }
0xfc: {  	[bflag:$0x0] =	sbarrier.arrive $0xFFFF  }
0xfd: {  	_ =	strace $0x90000047  }
0xfe: {  	s0 =	stileid.u32;
	[bflag:$0x2] =	sbarrier.arrive $0xFFFF  }
0xff: {  	p0 =	sne.s32 s0, $0x0;
	s0 =	rddreg [dreg:$0x2]  }
0x100: {  	s0 =	sadd.s32 @!p0 $0x100000, s0  }
0x101: {  	[sflag:s0] =	ssyncadd.tile.s32 @!p0 $0x1;
	_ =	shalt  }
.Lfunc_end2:
_tile_overlayer_lowered:
.L_overlay_start_2:
0x102: {  	(tag) =	ssettag $0x2  }
0x103: {  	s0 =	rddreg [dreg:$0x0];
	s2 =	stileid.u32  }
0x104: {  	s1 =	rddreg [dreg:$0x1];
	p0 =	sne.s32 s2, $0x0  }
0x105: {  	s3 =	rddreg [dreg:$0x2];
	[bflag:$0x3] =	sbarrier.arrive $0xFFFF;
	s2 =	simm.s32 @!p0 $0x1C07  }
0x106: {  	[timem:s3], [sflag:s2] =	dma.local @!p0 [hbm:s0], s1  }
0x107: {  	s0 =	simm.s32 @!p0 $0x7  }
0x108: {  	_ =	swait.ge @!p0 [sflag:s0], s1  }
0x109: {  	s1 =	ssub.s32 @!p0 $0x0, s1;
	[sflag:s0] =	ssyncset.done @!p0 $0x0  }
0x10a: {  	[sflag:s0] =	ssyncadd.s32 @!p0 s1  }
0x10b: {  	[bflag:$0x3] =	sbarrier.arrive $0xFFFF  }
0x10c: {  	_ =	shalt  }

// kernel: kernel.14.cloned.1.call-start
scs
__scs_entry_jumppad:
0x0: {  	(pc) =	sbr.rel $0x88, $3  }
0x1: {  	(tag) =	ssettag $0x0;
	lr =	simm.s32 $0x1  }
0x2: {  	[smem:$0x3F95] =	sst lr;
	_ =	strace $0xD0000000  }
0x3: {  	_ = 	snop  }
0x4: {  	_ = 	snop  }
0x5: {  	_ = 	snop  }
0x6: {  	_ = 	snop  }
0x7: {  	_ = 	snop  }
__scs_overlays_trampoline_lowered:
0x8: {  	[smem:$0x3FA4] =	sst s0  }
0x9: {  	[smem:$0x3FA5] =	sst s1  }
0xa: {  	[smem:$0x3FA6] =	sst s2  }
0xb: {  	[smem:$0x3FA7] =	sst s3  }
0xc: {  	[smem:$0x3FA8] =	sst s4  }
0xd: {  	[smem:$0x3FA9] =	sst s5  }
0xe: {  	[smem:$0x3FAA] =	sst s6  }
0xf: {  	[smem:$0x3FAB] =	sst s7  }
0x10: {  	[smem:$0x3FAC] =	sst s8  }
0x11: {  	[smem:$0x3FAD] =	sst s9;
	s0 =	simm.s32 @!p0 $0x0  }
0x12: {  	s1 =	sld [smem:$0x3F93];
	s0 =	simm.s32 @p0 $0x1  }
0x13: {  	[smem:$0x3FAE] =	sst s0;
	s0 =	simm.s32 @!p1 $0x0  }
0x14: {  	s2 =	sld [smem:$0x3F92];
	s0 =	simm.s32 @p1 $0x1  }
0x15: {  	[smem:$0x3FAF] =	sst s0;
	s0 =	simm.s32 @!p2 $0x0  }
0x16: {  	s3 =	sld [smem:$0x3FDB];
	s0 =	simm.s32 @p2 $0x1  }
0x17: {  	s4 =	simm.s32 $0x1BF5;
	[smem:$0x3FB1] =	sst s0  }
0x18: {  	s0 =	sld [smem:$0x3F94];
	_ =	swait.ge [sflag:s4], $0x0  }
0x19: {  	s7 =	sld [smem:$0x3F95]  }
0x1a: {  	s8 =	sadd.s32 $0xFFFFE003, lr  }
0x1b: {  	s9 =	sadd.s32 $0xFFFFFEF7, lr;
	s5 =	simm.s32 $0xFFFFFFFF;
	p2 =	slt.u32 s8, $0xFFFFF086  }
0x1c: {  	p1 =	slt.u32 s9, $0xF7A;
	s5 =	simm.s32 @!p2 $0x0  }
0x1d: {  	s5 =	simm.s32 @p1 $0x1;
	p0 =	seq.s32 s7, s2  }
0x1e: {  	s7 =	smul.u32 @!p0 $0xF7A, s2;
	p2 =	seq.s32 @!p0 s5, $0x0  }
0x1f: {  	s9 =	smul.u32 $0xF7A, s1;
	s8 =	simm.s32 @!p0 $0x1BF5;
	p2 =	por !p2, p0  }
0x20: {  	[sflag:s8] =	ssyncset.s32 @!p0 $0xFFFFF086;
	s6 =	sadd.s32 @!p0 s3, s7;
	s7 =	simm.s32 @!p0 $0x108  }
0x21: {  	s3 =	sadd.s32 s3, s9;
	s6 =	sadd.s32 @!p0 $0x88, s6;
	s7 =	simm.s32 @p2 $0x1082  }
0x22: {  	[simem:s7], [sflag:s8] =	dma.local @!p0 [hbm:s6], $0xF7A  }
0x23: {  	s9 =	sor.u32 $0xD0000000, s2;
	s6 =	simm.s32 $0x108;
	_ =	swait.ge @!p0 [sflag:s8], $0x0  }
0x24: {  	s3 =	sadd.s32 $0x88, s3;
	s6 =	simm.s32 @!p1 $0x1082;
	[sflag:s4] =	ssyncset.s32 $0xFFFFF086  }
0x25: {  	[simem:s6], [sflag:s4] =	dma.local [hbm:s3], $0xF7A  }
0x26: {  	[smem:$0x3F95] =	sst s1;
	(tag) =	ssettag s2;
	_ =	strace s9  }
0x27: {  	s1 =	sld [smem:$0x3FA5]  }
0x28: {  	s2 =	sld [smem:$0x3FA6]  }
0x29: {  	s4 =	sld [smem:$0x3FA8]  }
0x2a: {  	p0 =	seq.s32 s5, $0x0;
	s5 =	sld [smem:$0x3FA9]  }
0x2b: {  	s6 =	sld [smem:$0x3FAA]  }
0x2c: {  	s7 =	sld [smem:$0x3FAB]  }
0x2d: {  	s3 =	simm.s32 $0x108;
	s8 =	sld [smem:$0x3FAC]  }
0x2e: {  	s3 =	simm.s32 @!p0 $0x1082;
	s9 =	sld [smem:$0x3FAD]  }
0x2f: {  	lr =	sadd.s32 s0, s3;
	s0 =	sld [smem:$0x3FA4]  }
0x30: {  	s3 =	sld [smem:$0x3FA7]  }
0x31: {  	[smem:$0x3FB0] =	sst s10  }
0x32: {  	s10 =	sld [smem:$0x3FAE];
	_ =	sdelay $0x3  }
0x33: {  	p0 =	seq.s32 s10, $0x1;
	s10 =	sld [smem:$0x3FB0];
	_ =	sdelay $0x3  }
0x34: {  	[smem:$0x3FB0] =	sst s10  }
0x35: {  	s10 =	sld [smem:$0x3FAF];
	_ =	sdelay $0x3  }
0x36: {  	p1 =	seq.s32 s10, $0x1;
	s10 =	sld [smem:$0x3FB0];
	_ =	sdelay $0x3  }
0x37: {  	[smem:$0x3FB0] =	sst s10  }
0x38: {  	s10 =	sld [smem:$0x3FB1]  }
0x39: {  	_ = 	snop;
	(pc) =	sbr.ind lr, $3  }
0x3a: {  	_ = 	snop  }
0x3b: {  	_ = 	snop  }
0x3c: {  	p2 =	seq.s32 s10, $0x1;
	s10 =	sld [smem:$0x3FB0]  }
0x3d: {  	_ =	shalt  }
0x3e: {  	_ =	shalt  }
0x3f: {  	_ =	shalt  }
0x40: {  	_ =	shalt  }
0x41: {  	_ =	shalt  }
0x42: {  	_ =	shalt  }
0x43: {  	_ =	shalt  }
0x44: {  	_ =	shalt  }
0x45: {  	_ =	shalt  }
0x46: {  	_ =	shalt  }
0x47: {  	_ =	shalt  }
0x48: {  	_ =	shalt  }
0x49: {  	_ =	shalt  }
0x4a: {  	_ =	shalt  }
0x4b: {  	_ =	shalt  }
0x4c: {  	_ =	shalt  }
0x4d: {  	_ =	shalt  }
0x4e: {  	_ =	shalt  }
0x4f: {  	_ =	shalt  }
0x50: {  	_ =	shalt  }
0x51: {  	_ =	shalt  }
0x52: {  	_ =	shalt  }
0x53: {  	_ =	shalt  }
0x54: {  	_ =	shalt  }
0x55: {  	_ =	shalt  }
0x56: {  	_ =	shalt  }
0x57: {  	_ =	shalt  }
0x58: {  	_ =	shalt  }
0x59: {  	_ =	shalt  }
0x5a: {  	_ =	shalt  }
0x5b: {  	_ =	shalt  }
0x5c: {  	_ =	shalt  }
0x5d: {  	_ =	shalt  }
0x5e: {  	_ =	shalt  }
0x5f: {  	_ =	shalt  }
0x60: {  	_ =	shalt  }
0x61: {  	_ =	shalt  }
0x62: {  	_ =	shalt  }
0x63: {  	_ =	shalt  }
0x64: {  	_ =	shalt  }
0x65: {  	_ =	shalt  }
0x66: {  	_ =	shalt  }
0x67: {  	_ =	shalt  }
0x68: {  	_ =	shalt  }
0x69: {  	_ =	shalt  }
0x6a: {  	_ =	shalt  }
0x6b: {  	_ =	shalt  }
0x6c: {  	_ =	shalt  }
0x6d: {  	_ =	shalt  }
0x6e: {  	_ =	shalt  }
0x6f: {  	_ =	shalt  }
0x70: {  	_ =	shalt  }
0x71: {  	_ =	shalt  }
0x72: {  	_ =	shalt  }
0x73: {  	_ =	shalt  }
0x74: {  	_ =	shalt  }
0x75: {  	_ =	shalt  }
0x76: {  	_ =	shalt  }
0x77: {  	_ =	shalt  }
0x78: {  	_ =	shalt  }
0x79: {  	_ =	shalt  }
0x7a: {  	_ =	shalt  }
0x7b: {  	_ =	shalt  }
0x7c: {  	_ =	shalt  }
0x7d: {  	_ =	shalt  }
0x7e: {  	_ =	shalt  }
0x7f: {  	_ =	shalt  }
0x80: {  	_ =	shalt  }
0x81: {  	_ =	shalt  }
0x82: {  	_ =	shalt  }
0x83: {  	_ =	shalt  }
0x84: {  	_ =	shalt  }
0x85: {  	_ =	shalt  }
0x86: {  	_ =	shalt  }
0x87: {  	_ =	shalt  }
.Lfunc_end0:
.L_simem_size_0:
called_computation.1_lowered:
.L_overlay_start_0:
0x88: {  	s2 =	sld [smem:$0x3FD9]  }
0x89: {  	s3 =	sld [smem:$0x3FFE];
	_ =	sdelay $0x1  }
0x8a: {  	s1 =	srdreg.scid  }
0x8b: {  	s0 =	sand.u32 $0x1, s1  }
0x8c: {  	s17 =	sshll.u32 s0, $0xA;
	s2 =	sadd.s32 s3, s2  }
0x8d: {  	s2 =	sadd.s32 s2, s17  }
0x8e: {  	[smem:$0x3FBC] =	sst s2  }
0x8f: {  	_ = 	snop  }
0x90: {  	(tm) =	ssettm $0x1  }
0x91: {  	s18 =	sld [smem:$0x3FFB];
	_ =	sdelay $0x3  }
0x92: {  	_ =	strace s18  }
0x93: {  	s2 =	sld [smem:$0x3FFC];
	_ =	sdelay $0x3  }
0x94: {  	_ =	strace s2  }
0x95: {  	s2 =	sld [smem:$0x3FFD];
	_ =	sdelay $0x3  }
0x96: {  	_ =	strace s2  }
0x97: {  	_ =	strace $0x8FFFFFFF  }
0x98: {  	s19 =	sld [smem:$0x3FDB];
	_ =	sdelay $0x1  }
0x99: {  	s20 =	simm.s32 $_scs_section_size  }
0x9a: {  	s4 =	simm.s32 $_size__tile_overlayer_lowered;
	s5 =	simm.s32 $_tile_overlayer_lowered  }
0x9b: {  	s6 =	simm.s32 $0x1BFF;
	s21 =	sshll.u32 s5, $0x1;
	s3 =	sadd.s32 s20, s19  }
0x9c: {  	s22 =	simm.s32 $0x0;
	s4 =	sshll.u32 s4, $0x1;
	s5 =	sadd.s32 s21, s3  }
0x9d: {  	[timem:s22], [sflag:s6] =	dma.local [hbm:s5], s4  }
0x9e: {  	_ =	swait.ge [sflag:s6], s4  }
0x9f: {  	s4 =	ssub.s32 $0x0, s4;
	[sflag:s6] =	ssyncset.done $0x0  }
0xa0: {  	[sflag:s6] =	ssyncadd.s32 s4;
	_ =	sdelay $0x1  }
0xa1: {  	s23 =	simm.s32 $0x1B8B  }
0xa2: {  	_ =	swait.ge [sflag:s23], $0x1  }
0xa3: {  	[sflag:s23] =	ssyncset.done $0x0  }
0xa4: {  	[sflag:s23] =	ssyncadd.s32 $0xFFFFFFFF  }
0xa5: {  	s4 =	sld [smem:$0x0]  }
0xa6: {  	s5 =	sand.u32 $0xFFFFFFFE, s1  }
0xa7: {  	p0 =	sne.s32 s1, s5  }
0xa8: {  	s5 =	sshll.u32 @p0 s5, $0xE  }
0xa9: {  	s5 =	sadd.s32 @p0 $0x11B8D, s5;
	s6 =	sshll.u32 @p0 s4, $0x11  }
0xaa: {  	s5 =	sor.u32 @p0 s6, s5  }
0xab: {  	[sflag:s5] =	ssyncadd.remote.s32 @p0 $0x1;
	_ =	sdelay $0x1  }
0xac: {  	s5 =	simm.s32 @p0 $0x1B8D  }
0xad: {  	_ =	swait.eq @p0 [sflag:s5], $0x1  }
0xae: {  	[sflag:s5] =	ssyncadd.s32 @p0 $0xFFFFFFFF  }
0xaf: {  	s6 =	sshll.u32 @!p0 s1, $0xE  }
0xb0: {  	s6 =	sor.u32 @!p0 $0x4000, s6;
	s5 =	simm.s32 @!p0 $0x1B8D  }
0xb1: {  	s4 =	sshll.u32 @!p0 s4, $0x11;
	s6 =	sadd.s32 @!p0 $0x11B8D, s6;
	_ =	swait.eq @!p0 [sflag:s5], $0x1  }
0xb2: {  	s4 =	sor.u32 @!p0 s4, s6;
	[sflag:s5] =	ssyncadd.s32 @!p0 $0xFFFFFFFF  }
0xb3: {  	s25 =	simm.s32 $0x1B8E;
	s24 =	sld [smem:$0x3FFE];
	[sflag:s4] =	ssyncadd.remote.s32 @!p0 $0x1  }
0xb4: {  	s26 =	simm.s32 $execute0_lowered;
	[smem:$0x3FD2] =	sst s25  }
0xb5: {  	s5 =	sshll.u32 s26, $0x1;
	_ =	strace $0x80000049;
	[dreg:$0x1] =	wrdreg $0xFFFFFFFF  }
0xb6: {  	s28 =	simm.s32 $_size_execute0_lowered;
	s3 =	sadd.s32 s3, s5;
	[dreg:$0x0] =	wrdreg $0x0  }
0xb7: {  	s5 =	sshll.u32 s28, $0x1;
	[dreg:$0x2] =	wrdreg s3  }
0xb8: {  	[dreg:$0x3] =	wrdreg s5  }
0xb9: {  	[dreg:$0x4] =	wrdreg $0xC0  }
0xba: {  	_ =	task [dreg:s22], $0x5FFFF  }
0xbb: {  	[dreg:$0x1] =	wrdreg $0xFFFFFFFF  }
0xbc: {  	[dreg:$0x0] =	wrdreg $0x60  }
0xbd: {  	[dreg:$0x2] =	wrdreg s24  }
0xbe: {  	[dreg:$0x3] =	wrdreg $0xA  }
0xbf: {  	_ =	task.clear_ibuf [dreg:s22], $0x4FFFF;
	_ =	strace $0x90000049  }
0xc0: {  	s29 =	simm.s32 $0xA;
	_ =	strace $0x8000004B  }
0xc1: {  	_ =	swait.ge [sflag:s29], $0x1  }
0xc2: {  	[sflag:s29] =	ssyncadd.s32 $0xFFFFFFFF  }
0xc3: {  	_ =	strace $0x9000004B  }
0xc4: {  	_ =	sfence  }
0xc5: {  	s30 =	sld [smem:$0x0];
	_ =	sdelay $0x2  }
0xc6: {  	s31 =	sshll.u32 s1, $0xD;
	s1 =	sshrl.u32 s1, $0x2  }
0xc7: {  	s4 =	sand.u32 $0x4000, s31;
	s1 =	sadd.s32 s1, s30  }
0xc8: {  	s0 =	sor.u32 s4, s0;
	s1 =	sshll.u32 s1, $0x11  }
0xc9: {  	s0 =	sor.u32 s1, s0  }
0xca: {  	s0 =	sadd.s32 $0x8F2B, s0  }
0xcb: {  	[sflag:s0] =	ssyncadd.remote.s32 $0x1  }
0xcc: {  	_ =	sfence.sel $0xFFFF  }
0xcd: {  	[dreg:$0x0] =	wrdreg $0xFFFFFFFF;
	(pc) =	sbr.abs _section_cstart, $3  }
0xce: {  	[dreg:$0x1] =	wrdreg $0xFFFFFFFF  }
0xcf: {  	_ =	task.clear_ibuf [dreg:s22], $0x2FFFF;
	_ =	strace $0x9FFFFFFF  }
0xd0: {  	(tm) =	ssettm $0x7FFFFFFF  }
0xd1: {  	_ =	shalt  }
tec
execute0_lowered:
.L_overlay_start_1:
0x0: {  	(tag) =	ssettag $0x1  }
0x1: {  	s0 =	rddreg [dreg:$0x0]  }
0x2: {  	s2 =	simm.s32 $0x0;
	s1 =	srdreg.scid;
	s4 =	stileid.u32  }
0x3: {  	s16 =	simm.s32 $0x7;
	s17 =	simm.s32 $0xC80;
	s18 =	simm.s32 $0x190  }
0x4: {  	s19 =	simm.s32 $0x1900;
	s20 =	simm.s32 $0x7D00;
	s21 =	simm.s32 $0x4B00  }
0x5: {  	s23 =	simm.s32 $0xAF00;
	s24 =	simm.s32 $0x1;
	s28 =	simm.s32 $0x80  }
0x6: {  	s29 =	simm.s32 $0x5;
	s22 =	simm.s32 $0x6;
	s30 =	simm.s32 $0x0  }
0x7: {  	[smem:$0x7FF] =	sst s2;
	s1 =	sand.u32 $0x1, s1;
	s3 =	sshll.u32 s4, $0x1  }
0x8: {  	s7 =	sshrl.u32 s4, $0x1;
	s4 =	sadd.s32 $0x3600, s0;
	_ =	strace $0x8000004A  }
0x9: {  	s5 =	sor.u32 s1, s3;
	s7 =	smul.u32 $0x64000, s7;
	s1 =	ssub.s32 $0x2, s1  }
0xa: {  	s6 =	smul.u32 $0xC80, s5;
	s5 =	sshll.u32 s5, $0x5;
	s8 =	sshrl.u32 s1, $0x1  }
0xb: {  	s3 =	sadd.s32 $0xD400, s0;
	s5 =	sand.u32 $0x60, s5;
	s1 =	ssub.s32 s1, s8  }
0xc: {  	s6 =	sshrl.u32 s6, $0x3;
	s5 =	sor.u32 s7, s5;
	s15 =	smax.u32 s1, $0x1  }
0xd: {  	s1 =	simm.s32 $0x4;
	s6 =	sadd.s32 s6, s0;
	s0 =	sadd.s32 $0x2AC00, s0  }
0xe: {  	s7 =	sadd.s32 $0xC800, s5;
	s26 =	sshrl.u32 s5, $0x3;
	s31 =	sadd.s32 $0x19000, s5  }
0xf: {  	s10 =	sadd.s32 $0x25800, s5;
	s11 =	sadd.s32 $0x32000, s5;
	s12 =	sadd.s32 $0x3E800, s5  }
0x10: {  	s13 =	sadd.s32 $0x4B000, s5;
	s5 =	sadd.s32 $0x57800, s5;
	s25 =	sadd.s32 $0x1A400, s6  }
0x11: {  	s9 =	sshrl.u32 s7, $0x3;
	s6 =	sadd.s32 $0x24040, s6;
	s7 =	sadd.s32 s0, s26  }
0x12: {  	s10 =	sshrl.u32 s10, $0x3;
	s11 =	sshrl.u32 s11, $0x3;
	s12 =	sshrl.u32 s12, $0x3  }
0x13: {  	s13 =	sshrl.u32 s13, $0x3;
	s5 =	sshrl.u32 s5, $0x3;
	[dreg:$0x2] =	wrdreg s25  }
0x14: {  	s26 =	simm.s32 $0x20;
	[dreg:$0x3] =	wrdreg s6;
	s8 =	sadd.s32 s0, s9  }
0x15: {  	s9 =	sshrl.u32 s31, $0x3;
	s10 =	sadd.s32 s0, s10;
	s11 =	sadd.s32 s0, s11  }
0x16: {  	s12 =	sadd.s32 s0, s12;
	s13 =	sadd.s32 s0, s13;
	s14 =	sadd.s32 s0, s5  }
0x17: {  	s25 =	simm.s32 $0x3;
	s9 =	sadd.s32 s0, s9;
	s0 =	simm.s32 $0x2  }
.LBB2_1:
0x18: {  	s5 =	rddreg [dreg:$0x2]  }
0x19: {  	[tilespmem:s2], [sflag:$0x7] =	stream.linear.gather [hbm4b:s5+s2], $0xC80, $0x38;
	[tilespmem:$0xE100] =	vst v63  }
0x1a: {  	_ =	swait.ge [sflag:s16], $0xC80  }
0x1b: {  	[sflag:s16] =	ssyncset.done $0x0  }
0x1c: {  	s6 =	rddreg [dreg:$0x3];
	[sflag:s16] =	ssyncadd.s32 $0xFFFFF380  }
0x1d: {  	[tilespmem:s17], [sflag:$0x7] =	stream.linear.gather [hbm4b:s6+s2], $0xC80, $0x38;
	[tilespmem:$0xE100] =	vst v63  }
0x1e: {  	_ =	swait.ge [sflag:s16], $0xC80  }
0x1f: {  	[sflag:s16] =	ssyncset.done $0x0  }
0x20: {  	[sflag:s16] =	ssyncadd.s32 $0xFFFFF380  }
0x21: {  	[tilespmem:s19], [sflag:$0x1] =	stream.indirect.gather [hbm4b:s3+s18], $0x20, s2, s18, $0xb8;
	[tilespmem:$0xE100] =	vst v63  }
0x22: {  	_ = 	snop  }
0x23: {  	[tilespmem:s20], [sflag:$0x3] =	stream.indirect.gather [hbm4b:s4+s18], $0x20, s17, s18, $0xb8;
	[tilespmem:$0xE100] =	vst v63  }
0x24: {  	_ = 	snop  }
0x25: {  	[tilespmem:s21], [sflag:$0x2] =	stream.indirect.gather [hbm4b:s3+s18], $0x20, s18, s18, $0xb8;
	[tilespmem:$0xE100] =	vst v63  }
0x26: {  	s6 =	simm.s32 $0xE10  }
0x27: {  	[tilespmem:s23], [sflag:$0x4] =	stream.indirect.gather [hbm4b:s4+s18], $0x20, s6, s18, $0xb8;
	[tilespmem:$0xE100] =	vst v63  }
0x28: {  	_ =	swait.ge [sflag:s24], $0x3200  }
0x29: {  	[sflag:s24] =	ssyncset.done $0x0  }
0x2a: {  	[sflag:s24] =	ssyncadd.s32 $0xFFFFCE00  }
0x2b: {  	_ =	swait.ge [sflag:s25], $0x3200  }
0x2c: {  	[sflag:s25] =	ssyncset.done $0x0  }
0x2d: {  	s31 =	simm.s32 $0x0;
	[sflag:s25] =	ssyncadd.s32 $0xFFFFCE00  }
0x2e: {  	v0 =	vld [tilespmem:s31+$0x7D00]  }
0x2f: {  	v1 =	vld [tilespmem:s31+$0x7D10]  }
0x30: {  	s5 =	simm.s32 $0x80;
	v2 =	vld [tilespmem:s31+$0x1900]  }
.LBB2_2:
0x31: {  	p0 =	sne.s32 s5, $0xC780;
	v3 =	vld [tilespmem:s31+$0x1910];
	_ =	sdelay $0x2  }
.Ltmp0:
0x32: {  	(pc) =	sbr.rel @p0 .LBB2_2-.Ltmp0, $4  }
0x33: {  	s6 =	sshra.s32 s5, $0x2;
	v2 =	vadd.f32 v0, v2  }
0x34: {  	v0 =	vld [tilespmem:s6+$0x7D00];
	v3 =	vadd.f32 v1, v3  }
0x35: {  	v1 =	vld [tilespmem:s6+$0x7D10];
	[tilespmem:s31+$0x1900] =	vst v2  }
0x36: {  	s5 =	sadd.s32 $0x80, s5;
	v2 =	vld [tilespmem:s6+$0x1900];
	[tilespmem:s31+$0x1910] =	vst v3;
	s31 =	smov.u32 s6  }
0x37: {  	v3 =	vld [tilespmem:s31+$0x1910];
	_ =	sdelay $0x3  }
0x38: {  	v0 =	vadd.f32 v0, v2  }
0x39: {  	v1 =	vadd.f32 v1, v3  }
0x3a: {  	[tilespmem:s31+$0x1900] =	vst v0  }
0x3b: {  	[tilespmem:s31+$0x1910] =	vst v1  }
0x3c: {  	[hbm4b:s7+s26] =	stream.strided.scatter [tilespmem:s19], [sflag:$0x5], $0x3200, s28, s26, $0x38;
	[tilespmem:$0xE100] =	vst v63  }
0x3d: {  	_ =	swait.ge [sflag:s29], $0x3200  }
0x3e: {  	[sflag:s29] =	ssyncset.done $0x0  }
0x3f: {  	s5 =	simm.s32 $0x320;
	[sflag:s29] =	ssyncadd.s32 $0xFFFFCE00  }
0x40: {  	[tilespmem:s19], [sflag:$0x1] =	stream.indirect.gather [hbm4b:s3+s18], $0x20, s5, s18, $0xb8;
	[tilespmem:$0xE100] =	vst v63  }
0x41: {  	s6 =	simm.s32 $0xFA0  }
0x42: {  	[tilespmem:s20], [sflag:$0x3] =	stream.indirect.gather [hbm4b:s4+s18], $0x20, s6, s18, $0xb8;
	[tilespmem:$0xE100] =	vst v63  }
0x43: {  	_ =	swait.ge [sflag:s0], $0x3200  }
0x44: {  	[sflag:s0] =	ssyncset.done $0x0  }
0x45: {  	[sflag:s0] =	ssyncadd.s32 $0xFFFFCE00  }
0x46: {  	_ =	swait.ge [sflag:s1], $0x3200  }
0x47: {  	[sflag:s1] =	ssyncset.done $0x0  }
0x48: {  	s31 =	simm.s32 $0x0;
	[sflag:s1] =	ssyncadd.s32 $0xFFFFCE00  }
0x49: {  	v0 =	vld [tilespmem:s31+$0xAF00]  }
0x4a: {  	v1 =	vld [tilespmem:s31+$0xAF10]  }
0x4b: {  	s5 =	simm.s32 $0x80;
	v2 =	vld [tilespmem:s31+$0x4B00]  }
.LBB2_4:
0x4c: {  	p0 =	sne.s32 s5, $0xC780;
	v3 =	vld [tilespmem:s31+$0x4B10];
	_ =	sdelay $0x2  }
.Ltmp1:
0x4d: {  	(pc) =	sbr.rel @p0 .LBB2_4-.Ltmp1, $4  }
0x4e: {  	s6 =	sshra.s32 s5, $0x2;
	v2 =	vadd.f32 v0, v2  }
0x4f: {  	v0 =	vld [tilespmem:s6+$0xAF00];
	v3 =	vadd.f32 v1, v3  }
0x50: {  	v1 =	vld [tilespmem:s6+$0xAF10];
	[tilespmem:s31+$0x4B00] =	vst v2  }
0x51: {  	s5 =	sadd.s32 $0x80, s5;
	v2 =	vld [tilespmem:s6+$0x4B00];
	[tilespmem:s31+$0x4B10] =	vst v3;
	s31 =	smov.u32 s6  }
0x52: {  	v3 =	vld [tilespmem:s31+$0x4B10];
	_ =	sdelay $0x3  }
0x53: {  	v0 =	vadd.f32 v0, v2  }
0x54: {  	v1 =	vadd.f32 v1, v3  }
0x55: {  	[tilespmem:s31+$0x4B00] =	vst v0  }
0x56: {  	[tilespmem:s31+$0x4B10] =	vst v1  }
0x57: {  	[hbm4b:s8+s26] =	stream.strided.scatter [tilespmem:s21], [sflag:$0x6], $0x3200, s28, s26, $0x38;
	[tilespmem:$0xE100] =	vst v63  }
0x58: {  	_ =	swait.ge [sflag:s22], $0x3200  }
0x59: {  	[sflag:s22] =	ssyncset.done $0x0  }
0x5a: {  	s5 =	simm.s32 $0x4B0;
	[sflag:s22] =	ssyncadd.s32 $0xFFFFCE00  }
0x5b: {  	[tilespmem:s21], [sflag:$0x2] =	stream.indirect.gather [hbm4b:s3+s18], $0x20, s5, s18, $0xb8;
	[tilespmem:$0xE100] =	vst v63  }
0x5c: {  	s6 =	simm.s32 $0x1130  }
0x5d: {  	[tilespmem:s23], [sflag:$0x4] =	stream.indirect.gather [hbm4b:s4+s18], $0x20, s6, s18, $0xb8;
	[tilespmem:$0xE100] =	vst v63  }
0x5e: {  	_ =	swait.ge [sflag:s24], $0x3200  }
0x5f: {  	[sflag:s24] =	ssyncset.done $0x0  }
0x60: {  	[sflag:s24] =	ssyncadd.s32 $0xFFFFCE00  }
0x61: {  	_ =	swait.ge [sflag:s25], $0x3200  }
0x62: {  	[sflag:s25] =	ssyncset.done $0x0  }
0x63: {  	s31 =	simm.s32 $0x0;
	[sflag:s25] =	ssyncadd.s32 $0xFFFFCE00  }
0x64: {  	v0 =	vld [tilespmem:s31+$0x7D00]  }
0x65: {  	v1 =	vld [tilespmem:s31+$0x7D10]  }
0x66: {  	s5 =	simm.s32 $0x80;
	v2 =	vld [tilespmem:s31+$0x1900]  }
.LBB2_6:
0x67: {  	p0 =	sne.s32 s5, $0xC780;
	v3 =	vld [tilespmem:s31+$0x1910];
	_ =	sdelay $0x2  }
.Ltmp2:
0x68: {  	(pc) =	sbr.rel @p0 .LBB2_6-.Ltmp2, $4  }
0x69: {  	s6 =	sshra.s32 s5, $0x2;
	v2 =	vadd.f32 v0, v2  }
0x6a: {  	v0 =	vld [tilespmem:s6+$0x7D00];
	v3 =	vadd.f32 v1, v3  }
0x6b: {  	v1 =	vld [tilespmem:s6+$0x7D10];
	[tilespmem:s31+$0x1900] =	vst v2  }
0x6c: {  	s5 =	sadd.s32 $0x80, s5;
	v2 =	vld [tilespmem:s6+$0x1900];
	[tilespmem:s31+$0x1910] =	vst v3;
	s31 =	smov.u32 s6  }
0x6d: {  	v3 =	vld [tilespmem:s31+$0x1910];
	_ =	sdelay $0x3  }
0x6e: {  	v0 =	vadd.f32 v0, v2  }
0x6f: {  	v1 =	vadd.f32 v1, v3  }
0x70: {  	[tilespmem:s31+$0x1900] =	vst v0  }
0x71: {  	[tilespmem:s31+$0x1910] =	vst v1  }
0x72: {  	[hbm4b:s9+s26] =	stream.strided.scatter [tilespmem:s19], [sflag:$0x5], $0x3200, s28, s26, $0x38;
	[tilespmem:$0xE100] =	vst v63  }
0x73: {  	_ =	swait.ge [sflag:s29], $0x3200  }
0x74: {  	[sflag:s29] =	ssyncset.done $0x0  }
0x75: {  	s5 =	simm.s32 $0x640;
	[sflag:s29] =	ssyncadd.s32 $0xFFFFCE00  }
0x76: {  	[tilespmem:s19], [sflag:$0x1] =	stream.indirect.gather [hbm4b:s3+s18], $0x20, s5, s18, $0xb8;
	[tilespmem:$0xE100] =	vst v63  }
0x77: {  	s6 =	simm.s32 $0x12C0  }
0x78: {  	[tilespmem:s20], [sflag:$0x3] =	stream.indirect.gather [hbm4b:s4+s18], $0x20, s6, s18, $0xb8;
	[tilespmem:$0xE100] =	vst v63  }
0x79: {  	_ =	swait.ge [sflag:s0], $0x3200  }
0x7a: {  	[sflag:s0] =	ssyncset.done $0x0  }
0x7b: {  	[sflag:s0] =	ssyncadd.s32 $0xFFFFCE00  }
0x7c: {  	_ =	swait.ge [sflag:s1], $0x3200  }
0x7d: {  	[sflag:s1] =	ssyncset.done $0x0  }
0x7e: {  	s31 =	simm.s32 $0x0;
	[sflag:s1] =	ssyncadd.s32 $0xFFFFCE00  }
0x7f: {  	v0 =	vld [tilespmem:s31+$0xAF00]  }
0x80: {  	v1 =	vld [tilespmem:s31+$0xAF10]  }
0x81: {  	s5 =	simm.s32 $0x80;
	v2 =	vld [tilespmem:s31+$0x4B00]  }
.LBB2_8:
0x82: {  	p0 =	sne.s32 s5, $0xC780;
	v3 =	vld [tilespmem:s31+$0x4B10];
	_ =	sdelay $0x2  }
.Ltmp3:
0x83: {  	(pc) =	sbr.rel @p0 .LBB2_8-.Ltmp3, $4  }
0x84: {  	s6 =	sshra.s32 s5, $0x2;
	v2 =	vadd.f32 v0, v2  }
0x85: {  	v0 =	vld [tilespmem:s6+$0xAF00];
	v3 =	vadd.f32 v1, v3  }
0x86: {  	v1 =	vld [tilespmem:s6+$0xAF10];
	[tilespmem:s31+$0x4B00] =	vst v2  }
0x87: {  	s5 =	sadd.s32 $0x80, s5;
	v2 =	vld [tilespmem:s6+$0x4B00];
	[tilespmem:s31+$0x4B10] =	vst v3;
	s31 =	smov.u32 s6  }
0x88: {  	v3 =	vld [tilespmem:s31+$0x4B10];
	_ =	sdelay $0x3  }
0x89: {  	v0 =	vadd.f32 v0, v2  }
0x8a: {  	v1 =	vadd.f32 v1, v3  }
0x8b: {  	[tilespmem:s31+$0x4B00] =	vst v0  }
0x8c: {  	[tilespmem:s31+$0x4B10] =	vst v1  }
0x8d: {  	[hbm4b:s10+s26] =	stream.strided.scatter [tilespmem:s21], [sflag:$0x6], $0x3200, s28, s26, $0x38;
	[tilespmem:$0xE100] =	vst v63  }
0x8e: {  	_ =	swait.ge [sflag:s22], $0x3200  }
0x8f: {  	[sflag:s22] =	ssyncset.done $0x0  }
0x90: {  	s5 =	simm.s32 $0x7D0;
	[sflag:s22] =	ssyncadd.s32 $0xFFFFCE00  }
0x91: {  	[tilespmem:s21], [sflag:$0x2] =	stream.indirect.gather [hbm4b:s3+s18], $0x20, s5, s18, $0xb8;
	[tilespmem:$0xE100] =	vst v63  }
0x92: {  	s6 =	simm.s32 $0x1450  }
0x93: {  	[tilespmem:s23], [sflag:$0x4] =	stream.indirect.gather [hbm4b:s4+s18], $0x20, s6, s18, $0xb8;
	[tilespmem:$0xE100] =	vst v63  }
0x94: {  	_ =	swait.ge [sflag:s24], $0x3200  }
0x95: {  	[sflag:s24] =	ssyncset.done $0x0  }
0x96: {  	[sflag:s24] =	ssyncadd.s32 $0xFFFFCE00  }
0x97: {  	_ =	swait.ge [sflag:s25], $0x3200  }
0x98: {  	[sflag:s25] =	ssyncset.done $0x0  }
0x99: {  	s31 =	simm.s32 $0x0;
	[sflag:s25] =	ssyncadd.s32 $0xFFFFCE00  }
0x9a: {  	v0 =	vld [tilespmem:s31+$0x7D00]  }
0x9b: {  	v1 =	vld [tilespmem:s31+$0x7D10]  }
0x9c: {  	s5 =	simm.s32 $0x80;
	v2 =	vld [tilespmem:s31+$0x1900]  }
.LBB2_10:
0x9d: {  	p0 =	sne.s32 s5, $0xC780;
	v3 =	vld [tilespmem:s31+$0x1910];
	_ =	sdelay $0x2  }
.Ltmp4:
0x9e: {  	(pc) =	sbr.rel @p0 .LBB2_10-.Ltmp4, $4  }
0x9f: {  	s6 =	sshra.s32 s5, $0x2;
	v2 =	vadd.f32 v0, v2  }
0xa0: {  	v0 =	vld [tilespmem:s6+$0x7D00];
	v3 =	vadd.f32 v1, v3  }
0xa1: {  	v1 =	vld [tilespmem:s6+$0x7D10];
	[tilespmem:s31+$0x1900] =	vst v2  }
0xa2: {  	s5 =	sadd.s32 $0x80, s5;
	v2 =	vld [tilespmem:s6+$0x1900];
	[tilespmem:s31+$0x1910] =	vst v3;
	s31 =	smov.u32 s6  }
0xa3: {  	v3 =	vld [tilespmem:s31+$0x1910];
	_ =	sdelay $0x3  }
0xa4: {  	v0 =	vadd.f32 v0, v2  }
0xa5: {  	v1 =	vadd.f32 v1, v3  }
0xa6: {  	[tilespmem:s31+$0x1900] =	vst v0  }
0xa7: {  	[tilespmem:s31+$0x1910] =	vst v1  }
0xa8: {  	[hbm4b:s11+s26] =	stream.strided.scatter [tilespmem:s19], [sflag:$0x5], $0x3200, s28, s26, $0x38;
	[tilespmem:$0xE100] =	vst v63  }
0xa9: {  	_ =	swait.ge [sflag:s29], $0x3200  }
0xaa: {  	[sflag:s29] =	ssyncset.done $0x0  }
0xab: {  	s5 =	simm.s32 $0x960;
	[sflag:s29] =	ssyncadd.s32 $0xFFFFCE00  }
0xac: {  	[tilespmem:s19], [sflag:$0x1] =	stream.indirect.gather [hbm4b:s3+s18], $0x20, s5, s18, $0xb8;
	[tilespmem:$0xE100] =	vst v63  }
0xad: {  	s6 =	simm.s32 $0x15E0  }
0xae: {  	[tilespmem:s20], [sflag:$0x3] =	stream.indirect.gather [hbm4b:s4+s18], $0x20, s6, s18, $0xb8;
	[tilespmem:$0xE100] =	vst v63  }
0xaf: {  	_ =	swait.ge [sflag:s0], $0x3200  }
0xb0: {  	[sflag:s0] =	ssyncset.done $0x0  }
0xb1: {  	[sflag:s0] =	ssyncadd.s32 $0xFFFFCE00  }
0xb2: {  	_ =	swait.ge [sflag:s1], $0x3200  }
0xb3: {  	[sflag:s1] =	ssyncset.done $0x0  }
0xb4: {  	s31 =	simm.s32 $0x0;
	[sflag:s1] =	ssyncadd.s32 $0xFFFFCE00  }
0xb5: {  	v0 =	vld [tilespmem:s31+$0xAF00]  }
0xb6: {  	v1 =	vld [tilespmem:s31+$0xAF10]  }
0xb7: {  	s5 =	simm.s32 $0x80;
	v2 =	vld [tilespmem:s31+$0x4B00]  }
.LBB2_12:
0xb8: {  	p0 =	sne.s32 s5, $0xC780;
	v3 =	vld [tilespmem:s31+$0x4B10];
	_ =	sdelay $0x2  }
.Ltmp5:
0xb9: {  	(pc) =	sbr.rel @p0 .LBB2_12-.Ltmp5, $4  }
0xba: {  	s6 =	sshra.s32 s5, $0x2;
	v2 =	vadd.f32 v0, v2  }
0xbb: {  	v0 =	vld [tilespmem:s6+$0xAF00];
	v3 =	vadd.f32 v1, v3  }
0xbc: {  	v1 =	vld [tilespmem:s6+$0xAF10];
	[tilespmem:s31+$0x4B00] =	vst v2  }
0xbd: {  	s5 =	sadd.s32 $0x80, s5;
	v2 =	vld [tilespmem:s6+$0x4B00];
	[tilespmem:s31+$0x4B10] =	vst v3;
	s31 =	smov.u32 s6  }
0xbe: {  	v3 =	vld [tilespmem:s31+$0x4B10];
	_ =	sdelay $0x3  }
0xbf: {  	v0 =	vadd.f32 v0, v2  }
0xc0: {  	v1 =	vadd.f32 v1, v3  }
0xc1: {  	[tilespmem:s31+$0x4B00] =	vst v0  }
0xc2: {  	[tilespmem:s31+$0x4B10] =	vst v1  }
0xc3: {  	[hbm4b:s12+s26] =	stream.strided.scatter [tilespmem:s21], [sflag:$0x6], $0x3200, s28, s26, $0x38;
	[tilespmem:$0xE100] =	vst v63  }
0xc4: {  	_ =	swait.ge [sflag:s22], $0x3200  }
0xc5: {  	[sflag:s22] =	ssyncset.done $0x0  }
0xc6: {  	s5 =	simm.s32 $0xAF0;
	[sflag:s22] =	ssyncadd.s32 $0xFFFFCE00  }
0xc7: {  	[tilespmem:s21], [sflag:$0x2] =	stream.indirect.gather [hbm4b:s3+s18], $0x20, s5, s18, $0xb8;
	[tilespmem:$0xE100] =	vst v63  }
0xc8: {  	s6 =	simm.s32 $0x1770  }
0xc9: {  	[tilespmem:s23], [sflag:$0x4] =	stream.indirect.gather [hbm4b:s4+s18], $0x20, s6, s18, $0xb8;
	[tilespmem:$0xE100] =	vst v63  }
0xca: {  	_ =	swait.ge [sflag:s24], $0x3200  }
0xcb: {  	[sflag:s24] =	ssyncset.done $0x0  }
0xcc: {  	[sflag:s24] =	ssyncadd.s32 $0xFFFFCE00  }
0xcd: {  	_ =	swait.ge [sflag:s25], $0x3200  }
0xce: {  	[sflag:s25] =	ssyncset.done $0x0  }
0xcf: {  	s31 =	simm.s32 $0x0;
	[sflag:s25] =	ssyncadd.s32 $0xFFFFCE00  }
0xd0: {  	v0 =	vld [tilespmem:s31+$0x7D00]  }
0xd1: {  	v1 =	vld [tilespmem:s31+$0x7D10]  }
0xd2: {  	s5 =	simm.s32 $0x80;
	v2 =	vld [tilespmem:s31+$0x1900]  }
.LBB2_14:
0xd3: {  	p0 =	sne.s32 s5, $0xC780;
	v3 =	vld [tilespmem:s31+$0x1910];
	_ =	sdelay $0x2  }
.Ltmp6:
0xd4: {  	(pc) =	sbr.rel @p0 .LBB2_14-.Ltmp6, $4  }
0xd5: {  	s6 =	sshra.s32 s5, $0x2;
	v2 =	vadd.f32 v0, v2  }
0xd6: {  	v0 =	vld [tilespmem:s6+$0x7D00];
	v3 =	vadd.f32 v1, v3  }
0xd7: {  	v1 =	vld [tilespmem:s6+$0x7D10];
	[tilespmem:s31+$0x1900] =	vst v2  }
0xd8: {  	s5 =	sadd.s32 $0x80, s5;
	v2 =	vld [tilespmem:s6+$0x1900];
	[tilespmem:s31+$0x1910] =	vst v3;
	s31 =	smov.u32 s6  }
0xd9: {  	v3 =	vld [tilespmem:s31+$0x1910];
	_ =	sdelay $0x3  }
0xda: {  	v0 =	vadd.f32 v0, v2  }
0xdb: {  	v1 =	vadd.f32 v1, v3  }
0xdc: {  	[tilespmem:s31+$0x1900] =	vst v0  }
0xdd: {  	[tilespmem:s31+$0x1910] =	vst v1  }
0xde: {  	[hbm4b:s13+s26] =	stream.strided.scatter [tilespmem:s19], [sflag:$0x5], $0x3200, s28, s26, $0x38;
	[tilespmem:$0xE100] =	vst v63  }
0xdf: {  	_ =	swait.ge [sflag:s0], $0x3200  }
0xe0: {  	[sflag:s0] =	ssyncset.done $0x0  }
0xe1: {  	[sflag:s0] =	ssyncadd.s32 $0xFFFFCE00  }
0xe2: {  	_ =	swait.ge [sflag:s1], $0x3200  }
0xe3: {  	[sflag:s1] =	ssyncset.done $0x0  }
0xe4: {  	s31 =	simm.s32 $0x0;
	[sflag:s1] =	ssyncadd.s32 $0xFFFFCE00  }
0xe5: {  	v0 =	vld [tilespmem:s31+$0xAF00]  }
0xe6: {  	v1 =	vld [tilespmem:s31+$0xAF10]  }
0xe7: {  	s5 =	simm.s32 $0x80;
	v2 =	vld [tilespmem:s31+$0x4B00]  }
.LBB2_16:
0xe8: {  	p0 =	sne.s32 s5, $0xC780;
	v3 =	vld [tilespmem:s31+$0x4B10];
	_ =	sdelay $0x2  }
.Ltmp7:
0xe9: {  	(pc) =	sbr.rel @p0 .LBB2_16-.Ltmp7, $4  }
0xea: {  	s6 =	sshra.s32 s5, $0x2;
	v2 =	vadd.f32 v0, v2  }
0xeb: {  	v0 =	vld [tilespmem:s6+$0xAF00];
	v3 =	vadd.f32 v1, v3  }
0xec: {  	v1 =	vld [tilespmem:s6+$0xAF10];
	[tilespmem:s31+$0x4B00] =	vst v2  }
0xed: {  	s5 =	sadd.s32 $0x80, s5;
	v2 =	vld [tilespmem:s6+$0x4B00];
	[tilespmem:s31+$0x4B10] =	vst v3;
	s31 =	smov.u32 s6  }
0xee: {  	v3 =	vld [tilespmem:s31+$0x4B10];
	_ =	sdelay $0x3  }
0xef: {  	v0 =	vadd.f32 v0, v2  }
0xf0: {  	v1 =	vadd.f32 v1, v3  }
0xf1: {  	[tilespmem:s31+$0x4B00] =	vst v0  }
0xf2: {  	s30 =	sadd.s32 $0x1, s30;
	[tilespmem:s31+$0x4B10] =	vst v1  }
0xf3: {  	[hbm4b:s14+s26] =	stream.strided.scatter [tilespmem:s21], [sflag:$0x6], $0x3200, s28, s26, $0x38;
	[tilespmem:$0xE100] =	vst v63  }
0xf4: {  	p0 =	sne.s32 s30, s15;
	_ =	swait.ge [sflag:s29], $0x3200  }
.Ltmp8:
0xf5: {  	[sflag:s29] =	ssyncset.done $0x0;
	(pc) =	sbr.rel @p0 .LBB2_1-.Ltmp8, $4  }
0xf6: {  	[sflag:s29] =	ssyncadd.s32 $0xFFFFCE00  }
0xf7: {  	_ =	swait.ge [sflag:s22], $0x3200  }
0xf8: {  	[sflag:s22] =	ssyncset.done $0x0  }
0xf9: {  	[sflag:s22] =	ssyncadd.s32 $0xFFFFCE00  }
0xfa: {  	_ =	sfence.sel $0x180000  }
0xfb: {  	[bflag:$0x0] =	sbarrier.arrive $0xFFFF  }
0xfc: {  	_ =	strace $0x9000004A  }
0xfd: {  	s0 =	stileid.u32;
	[bflag:$0x2] =	sbarrier.arrive $0xFFFF  }
0xfe: {  	p0 =	sne.s32 s0, $0x0;
	s0 =	rddreg [dreg:$0x1]  }
0xff: {  	s0 =	sadd.s32 @!p0 $0x100000, s0  }
0x100: {  	[sflag:s0] =	ssyncadd.tile.s32 @!p0 $0x1;
	_ =	shalt  }
.Lfunc_end2:
_tile_overlayer_lowered:
.L_overlay_start_2:
0x101: {  	(tag) =	ssettag $0x2  }
0x102: {  	s0 =	rddreg [dreg:$0x0];
	s2 =	stileid.u32  }
0x103: {  	s1 =	rddreg [dreg:$0x1];
	p0 =	sne.s32 s2, $0x0  }
0x104: {  	s3 =	rddreg [dreg:$0x2];
	[bflag:$0x3] =	sbarrier.arrive $0xFFFF;
	s2 =	simm.s32 @!p0 $0x1C07  }
0x105: {  	[timem:s3], [sflag:s2] =	dma.local @!p0 [hbm:s0], s1  }
0x106: {  	s0 =	simm.s32 @!p0 $0x7  }
0x107: {  	_ =	swait.ge @!p0 [sflag:s0], s1  }
0x108: {  	s1 =	ssub.s32 @!p0 $0x0, s1;
	[sflag:s0] =	ssyncset.done @!p0 $0x0  }
0x109: {  	[sflag:s0] =	ssyncadd.s32 @!p0 s1  }
0x10a: {  	[bflag:$0x3] =	sbarrier.arrive $0xFFFF  }
0x10b: {  	_ =	shalt  }

// kernel: kernel.17.cloned.1.call-start
scs
__scs_entry_jumppad:
0x0: {  	(pc) =	sbr.rel $0x88, $3  }
0x1: {  	(tag) =	ssettag $0x0;
	lr =	simm.s32 $0x1  }
0x2: {  	[smem:$0x3F95] =	sst lr;
	_ =	strace $0xD0000000  }
0x3: {  	_ = 	snop  }
0x4: {  	_ = 	snop  }
0x5: {  	_ = 	snop  }
0x6: {  	_ = 	snop  }
0x7: {  	_ = 	snop  }
__scs_overlays_trampoline_lowered:
0x8: {  	[smem:$0x3FA4] =	sst s0  }
0x9: {  	[smem:$0x3FA5] =	sst s1  }
0xa: {  	[smem:$0x3FA6] =	sst s2  }
0xb: {  	[smem:$0x3FA7] =	sst s3  }
0xc: {  	[smem:$0x3FA8] =	sst s4  }
0xd: {  	[smem:$0x3FA9] =	sst s5  }
0xe: {  	[smem:$0x3FAA] =	sst s6  }
0xf: {  	[smem:$0x3FAB] =	sst s7  }
0x10: {  	[smem:$0x3FAC] =	sst s8  }
0x11: {  	[smem:$0x3FAD] =	sst s9;
	s0 =	simm.s32 @!p0 $0x0  }
0x12: {  	s1 =	sld [smem:$0x3F93];
	s0 =	simm.s32 @p0 $0x1  }
0x13: {  	[smem:$0x3FAE] =	sst s0;
	s0 =	simm.s32 @!p1 $0x0  }
0x14: {  	s2 =	sld [smem:$0x3F92];
	s0 =	simm.s32 @p1 $0x1  }
0x15: {  	[smem:$0x3FAF] =	sst s0;
	s0 =	simm.s32 @!p2 $0x0  }
0x16: {  	s3 =	sld [smem:$0x3FDB];
	s0 =	simm.s32 @p2 $0x1  }
0x17: {  	s4 =	simm.s32 $0x1BF5;
	[smem:$0x3FB1] =	sst s0  }
0x18: {  	s0 =	sld [smem:$0x3F94];
	_ =	swait.ge [sflag:s4], $0x0  }
0x19: {  	s7 =	sld [smem:$0x3F95]  }
0x1a: {  	s8 =	sadd.s32 $0xFFFFE003, lr  }
0x1b: {  	s9 =	sadd.s32 $0xFFFFFEF7, lr;
	s5 =	simm.s32 $0xFFFFFFFF;
	p2 =	slt.u32 s8, $0xFFFFF086  }
0x1c: {  	p1 =	slt.u32 s9, $0xF7A;
	s5 =	simm.s32 @!p2 $0x0  }
0x1d: {  	s5 =	simm.s32 @p1 $0x1;
	p0 =	seq.s32 s7, s2  }
0x1e: {  	s7 =	smul.u32 @!p0 $0xF7A, s2;
	p2 =	seq.s32 @!p0 s5, $0x0  }
0x1f: {  	s9 =	smul.u32 $0xF7A, s1;
	s8 =	simm.s32 @!p0 $0x1BF5;
	p2 =	por !p2, p0  }
0x20: {  	[sflag:s8] =	ssyncset.s32 @!p0 $0xFFFFF086;
	s6 =	sadd.s32 @!p0 s3, s7;
	s7 =	simm.s32 @!p0 $0x108  }
0x21: {  	s3 =	sadd.s32 s3, s9;
	s6 =	sadd.s32 @!p0 $0x88, s6;
	s7 =	simm.s32 @p2 $0x1082  }
0x22: {  	[simem:s7], [sflag:s8] =	dma.local @!p0 [hbm:s6], $0xF7A  }
0x23: {  	s9 =	sor.u32 $0xD0000000, s2;
	s6 =	simm.s32 $0x108;
	_ =	swait.ge @!p0 [sflag:s8], $0x0  }
0x24: {  	s3 =	sadd.s32 $0x88, s3;
	s6 =	simm.s32 @!p1 $0x1082;
	[sflag:s4] =	ssyncset.s32 $0xFFFFF086  }
0x25: {  	[simem:s6], [sflag:s4] =	dma.local [hbm:s3], $0xF7A  }
0x26: {  	[smem:$0x3F95] =	sst s1;
	(tag) =	ssettag s2;
	_ =	strace s9  }
0x27: {  	s1 =	sld [smem:$0x3FA5]  }
0x28: {  	s2 =	sld [smem:$0x3FA6]  }
0x29: {  	s4 =	sld [smem:$0x3FA8]  }
0x2a: {  	p0 =	seq.s32 s5, $0x0;
	s5 =	sld [smem:$0x3FA9]  }
0x2b: {  	s6 =	sld [smem:$0x3FAA]  }
0x2c: {  	s7 =	sld [smem:$0x3FAB]  }
0x2d: {  	s3 =	simm.s32 $0x108;
	s8 =	sld [smem:$0x3FAC]  }
0x2e: {  	s3 =	simm.s32 @!p0 $0x1082;
	s9 =	sld [smem:$0x3FAD]  }
0x2f: {  	lr =	sadd.s32 s0, s3;
	s0 =	sld [smem:$0x3FA4]  }
0x30: {  	s3 =	sld [smem:$0x3FA7]  }
0x31: {  	[smem:$0x3FB0] =	sst s10  }
0x32: {  	s10 =	sld [smem:$0x3FAE];
	_ =	sdelay $0x3  }
0x33: {  	p0 =	seq.s32 s10, $0x1;
	s10 =	sld [smem:$0x3FB0];
	_ =	sdelay $0x3  }
0x34: {  	[smem:$0x3FB0] =	sst s10  }
0x35: {  	s10 =	sld [smem:$0x3FAF];
	_ =	sdelay $0x3  }
0x36: {  	p1 =	seq.s32 s10, $0x1;
	s10 =	sld [smem:$0x3FB0];
	_ =	sdelay $0x3  }
0x37: {  	[smem:$0x3FB0] =	sst s10  }
0x38: {  	s10 =	sld [smem:$0x3FB1]  }
0x39: {  	_ = 	snop;
	(pc) =	sbr.ind lr, $3  }
0x3a: {  	_ = 	snop  }
0x3b: {  	_ = 	snop  }
0x3c: {  	p2 =	seq.s32 s10, $0x1;
	s10 =	sld [smem:$0x3FB0]  }
0x3d: {  	_ =	shalt  }
0x3e: {  	_ =	shalt  }
0x3f: {  	_ =	shalt  }
0x40: {  	_ =	shalt  }
0x41: {  	_ =	shalt  }
0x42: {  	_ =	shalt  }
0x43: {  	_ =	shalt  }
0x44: {  	_ =	shalt  }
0x45: {  	_ =	shalt  }
0x46: {  	_ =	shalt  }
0x47: {  	_ =	shalt  }
0x48: {  	_ =	shalt  }
0x49: {  	_ =	shalt  }
0x4a: {  	_ =	shalt  }
0x4b: {  	_ =	shalt  }
0x4c: {  	_ =	shalt  }
0x4d: {  	_ =	shalt  }
0x4e: {  	_ =	shalt  }
0x4f: {  	_ =	shalt  }
0x50: {  	_ =	shalt  }
0x51: {  	_ =	shalt  }
0x52: {  	_ =	shalt  }
0x53: {  	_ =	shalt  }
0x54: {  	_ =	shalt  }
0x55: {  	_ =	shalt  }
0x56: {  	_ =	shalt  }
0x57: {  	_ =	shalt  }
0x58: {  	_ =	shalt  }
0x59: {  	_ =	shalt  }
0x5a: {  	_ =	shalt  }
0x5b: {  	_ =	shalt  }
0x5c: {  	_ =	shalt  }
0x5d: {  	_ =	shalt  }
0x5e: {  	_ =	shalt  }
0x5f: {  	_ =	shalt  }
0x60: {  	_ =	shalt  }
0x61: {  	_ =	shalt  }
0x62: {  	_ =	shalt  }
0x63: {  	_ =	shalt  }
0x64: {  	_ =	shalt  }
0x65: {  	_ =	shalt  }
0x66: {  	_ =	shalt  }
0x67: {  	_ =	shalt  }
0x68: {  	_ =	shalt  }
0x69: {  	_ =	shalt  }
0x6a: {  	_ =	shalt  }
0x6b: {  	_ =	shalt  }
0x6c: {  	_ =	shalt  }
0x6d: {  	_ =	shalt  }
0x6e: {  	_ =	shalt  }
0x6f: {  	_ =	shalt  }
0x70: {  	_ =	shalt  }
0x71: {  	_ =	shalt  }
0x72: {  	_ =	shalt  }
0x73: {  	_ =	shalt  }
0x74: {  	_ =	shalt  }
0x75: {  	_ =	shalt  }
0x76: {  	_ =	shalt  }
0x77: {  	_ =	shalt  }
0x78: {  	_ =	shalt  }
0x79: {  	_ =	shalt  }
0x7a: {  	_ =	shalt  }
0x7b: {  	_ =	shalt  }
0x7c: {  	_ =	shalt  }
0x7d: {  	_ =	shalt  }
0x7e: {  	_ =	shalt  }
0x7f: {  	_ =	shalt  }
0x80: {  	_ =	shalt  }
0x81: {  	_ =	shalt  }
0x82: {  	_ =	shalt  }
0x83: {  	_ =	shalt  }
0x84: {  	_ =	shalt  }
0x85: {  	_ =	shalt  }
0x86: {  	_ =	shalt  }
0x87: {  	_ =	shalt  }
.Lfunc_end0:
.L_simem_size_0:
called_computation.2_lowered:
.L_overlay_start_0:
0x88: {  	s2 =	sld [smem:$0x3FD9]  }
0x89: {  	s3 =	sld [smem:$0x3FFE];
	_ =	sdelay $0x1  }
0x8a: {  	s1 =	srdreg.scid  }
0x8b: {  	s0 =	sand.u32 $0x1, s1  }
0x8c: {  	s17 =	sshll.u32 s0, $0xA;
	s2 =	sadd.s32 s3, s2  }
0x8d: {  	s2 =	sadd.s32 s2, s17  }
0x8e: {  	[smem:$0x3FBC] =	sst s2  }
0x8f: {  	_ = 	snop  }
0x90: {  	(tm) =	ssettm $0x1  }
0x91: {  	s18 =	sld [smem:$0x3FFB];
	_ =	sdelay $0x3  }
0x92: {  	_ =	strace s18  }
0x93: {  	s2 =	sld [smem:$0x3FFC];
	_ =	sdelay $0x3  }
0x94: {  	_ =	strace s2  }
0x95: {  	s2 =	sld [smem:$0x3FFD];
	_ =	sdelay $0x3  }
0x96: {  	_ =	strace s2  }
0x97: {  	_ =	strace $0x8FFFFFFF  }
0x98: {  	s19 =	sld [smem:$0x3FDB];
	_ =	sdelay $0x1  }
0x99: {  	s20 =	simm.s32 $_scs_section_size  }
0x9a: {  	s4 =	simm.s32 $_size__tile_overlayer_lowered;
	s5 =	simm.s32 $_tile_overlayer_lowered  }
0x9b: {  	s6 =	simm.s32 $0x1BFF;
	s21 =	sshll.u32 s5, $0x1;
	s3 =	sadd.s32 s20, s19  }
0x9c: {  	s22 =	simm.s32 $0x0;
	s4 =	sshll.u32 s4, $0x1;
	s5 =	sadd.s32 s21, s3  }
0x9d: {  	[timem:s22], [sflag:s6] =	dma.local [hbm:s5], s4  }
0x9e: {  	_ =	swait.ge [sflag:s6], s4  }
0x9f: {  	s4 =	ssub.s32 $0x0, s4;
	[sflag:s6] =	ssyncset.done $0x0  }
0xa0: {  	[sflag:s6] =	ssyncadd.s32 s4;
	_ =	sdelay $0x1  }
0xa1: {  	s23 =	simm.s32 $0x1B8B  }
0xa2: {  	_ =	swait.ge [sflag:s23], $0x1  }
0xa3: {  	[sflag:s23] =	ssyncset.done $0x0  }
0xa4: {  	[sflag:s23] =	ssyncadd.s32 $0xFFFFFFFF  }
0xa5: {  	s4 =	sld [smem:$0x0]  }
0xa6: {  	s5 =	sand.u32 $0xFFFFFFFE, s1  }
0xa7: {  	p0 =	sne.s32 s1, s5  }
0xa8: {  	s5 =	sshll.u32 @p0 s5, $0xE  }
0xa9: {  	s5 =	sadd.s32 @p0 $0x11B8D, s5;
	s6 =	sshll.u32 @p0 s4, $0x11  }
0xaa: {  	s5 =	sor.u32 @p0 s6, s5  }
0xab: {  	[sflag:s5] =	ssyncadd.remote.s32 @p0 $0x1;
	_ =	sdelay $0x1  }
0xac: {  	s5 =	simm.s32 @p0 $0x1B8D  }
0xad: {  	_ =	swait.eq @p0 [sflag:s5], $0x1  }
0xae: {  	[sflag:s5] =	ssyncadd.s32 @p0 $0xFFFFFFFF  }
0xaf: {  	s6 =	sshll.u32 @!p0 s1, $0xE  }
0xb0: {  	s6 =	sor.u32 @!p0 $0x4000, s6;
	s5 =	simm.s32 @!p0 $0x1B8D  }
0xb1: {  	s4 =	sshll.u32 @!p0 s4, $0x11;
	s6 =	sadd.s32 @!p0 $0x11B8D, s6;
	_ =	swait.eq @!p0 [sflag:s5], $0x1  }
0xb2: {  	s4 =	sor.u32 @!p0 s4, s6;
	[sflag:s5] =	ssyncadd.s32 @!p0 $0xFFFFFFFF  }
0xb3: {  	s25 =	simm.s32 $0x1B8E;
	s24 =	sld [smem:$0x3FFE];
	[sflag:s4] =	ssyncadd.remote.s32 @!p0 $0x1  }
0xb4: {  	s26 =	simm.s32 $execute0_lowered;
	[smem:$0x3FD2] =	sst s25  }
0xb5: {  	s5 =	sshll.u32 s26, $0x1;
	_ =	strace $0x8000004C;
	[dreg:$0x1] =	wrdreg $0xFFFFFFFF  }
0xb6: {  	s28 =	simm.s32 $_size_execute0_lowered;
	s3 =	sadd.s32 s3, s5;
	[dreg:$0x0] =	wrdreg $0x0  }
0xb7: {  	s5 =	sshll.u32 s28, $0x1;
	[dreg:$0x2] =	wrdreg s3  }
0xb8: {  	[dreg:$0x3] =	wrdreg s5  }
0xb9: {  	[dreg:$0x4] =	wrdreg $0xC0  }
0xba: {  	_ =	task [dreg:s22], $0x5FFFF  }
0xbb: {  	[dreg:$0x1] =	wrdreg $0xFFFFFFFF  }
0xbc: {  	[dreg:$0x0] =	wrdreg $0x60  }
0xbd: {  	[dreg:$0x2] =	wrdreg s24  }
0xbe: {  	[dreg:$0x3] =	wrdreg $0xB  }
0xbf: {  	_ =	task.clear_ibuf [dreg:s22], $0x4FFFF;
	_ =	strace $0x9000004C  }
0xc0: {  	s29 =	simm.s32 $0xB;
	_ =	strace $0x8000004E  }
0xc1: {  	_ =	swait.ge [sflag:s29], $0x1  }
0xc2: {  	[sflag:s29] =	ssyncadd.s32 $0xFFFFFFFF  }
0xc3: {  	_ =	strace $0x9000004E  }
0xc4: {  	_ =	sfence  }
0xc5: {  	s30 =	sld [smem:$0x0];
	_ =	sdelay $0x2  }
0xc6: {  	s31 =	sshll.u32 s1, $0xD;
	s1 =	sshrl.u32 s1, $0x2  }
0xc7: {  	s4 =	sand.u32 $0x4000, s31;
	s1 =	sadd.s32 s1, s30  }
0xc8: {  	s0 =	sor.u32 s4, s0;
	s1 =	sshll.u32 s1, $0x11  }
0xc9: {  	s0 =	sor.u32 s1, s0  }
0xca: {  	s0 =	sadd.s32 $0x8F2B, s0  }
0xcb: {  	[sflag:s0] =	ssyncadd.remote.s32 $0x1  }
0xcc: {  	_ =	sfence.sel $0xFFFF  }
0xcd: {  	[dreg:$0x0] =	wrdreg $0xFFFFFFFF;
	(pc) =	sbr.abs _section_cstart, $3  }
0xce: {  	[dreg:$0x1] =	wrdreg $0xFFFFFFFF  }
0xcf: {  	_ =	task.clear_ibuf [dreg:s22], $0x2FFFF;
	_ =	strace $0x9FFFFFFF  }
0xd0: {  	(tm) =	ssettm $0x7FFFFFFF  }
0xd1: {  	_ =	shalt  }
tec
execute0_lowered:
.L_overlay_start_1:
0x0: {  	(tag) =	ssettag $0x1  }
0x1: {  	s0 =	srdreg.scid  }
0x2: {  	s2 =	stileid.u32;
	s1 =	rddreg [dreg:$0x0];
	s30 =	simm.s32 $0x2  }
0x3: {  	s31 =	simm.s32 $0x4;
	s0 =	sand.u32 $0x1, s0;
	s3 =	sshll.u32 s2, $0x1  }
0x4: {  	s28 =	simm.s32 $0x0;
	s2 =	simm.s32 $0x0;
	s3 =	sor.u32 s0, s3  }
0x5: {  	[smem:$0x7FF] =	sst s2;
	s7 =	ssub.s32 $0x2, s0;
	s10 =	smul.u32 $0x6, s3  }
0x6: {  	s0 =	sadd.s32 $0x8EC00, s1;
	_ =	strace $0x8000004D;
	s5 =	smul.u32 $0x960, s3  }
0x7: {  	s3 =	sadd.s32 $0xD400, s1;
	s13 =	sshrl.u32 s7, $0x1;
	s4 =	sshrl.u32 s10, $0x3  }
0x8: {  	s6 =	sand.u32 $0x18, s10;
	s5 =	sshrl.u32 s5, $0x3;
	s8 =	sshrl.u32 s10, $0x5  }
0x9: {  	s15 =	sand.u32 $0x6, s10;
	s11 =	sadd.s32 $0x2, s10;
	s16 =	sshll.u32 s10, $0x2  }
0xa: {  	s29 =	sadd.s32 $0x5, s10;
	p0 =	seq.s32 s4, $0x0;
	p1 =	sne.s32 s6, $0x0  }
0xb: {  	s4 =	sadd.s32 $0x3600, s1;
	s12 =	sadd.s32 s5, s1;
	p0 =	por !p0, !p1  }
0xc: {  	s5 =	simm.s32 $0x1;
	s1 =	ssub.s32 s7, s13;
	p0 =	por !p0, !p0  }
0xd: {  	s9 =	sshrl.u32 s11, $0x3;
	s18 =	sshrl.u32 s11, $0x5;
	s5 =	simm.s32 @!p0 $0x0  }
0xe: {  	s19 =	sand.u32 $0x6, s11;
	s5 =	ssub.s32 s8, s5;
	s8 =	smul.u32 $0x190, s15  }
0xf: {  	s6 =	sadd.s32 $0x27240, s12;
	p5 =	seq.s32 s9, $0x0;
	s14 =	smul.u32 $0xC80, s5  }
0x10: {  	s5 =	sadd.s32 $0x1D600, s12;
	s12 =	sand.u32 $0x18, s11;
	s11 =	sshll.u32 s11, $0x2  }
0x11: {  	s9 =	simm.s32 $0x1;
	p6 =	sne.s32 s12, $0x0;
	s11 =	sand.u32 $0x60, s11  }
0x12: {  	s7 =	sadd.s32 s8, s14;
	p0 =	por !p5, !p6;
	s8 =	sand.u32 $0x60, s16  }
0x13: {  	s14 =	sadd.s32 $0x3, s10;
	s7 =	sshll.u32 s7, $0x7;
	p0 =	por !p0, !p0  }
0x14: {  	s15 =	sshrl.u32 s14, $0x3;
	s16 =	sand.u32 $0x18, s14;
	s21 =	sshrl.u32 s14, $0x5  }
0x15: {  	s17 =	sor.u32 s8, s7;
	s9 =	simm.s32 @!p0 $0x0;
	s7 =	simm.s32 $0x1  }
0x16: {  	p1 =	seq.s32 s15, $0x0;
	p2 =	sne.s32 s16, $0x0;
	s15 =	simm.s32 $0x1  }
0x17: {  	s13 =	sshrl.u32 s17, $0x3;
	s9 =	ssub.s32 s18, s9;
	s12 =	sadd.s32 $0xC800, s17  }
0x18: {  	p0 =	por !p1, !p2;
	s17 =	sand.u32 $0x7, s14;
	s18 =	sshrl.u32 s29, $0x3  }
0x19: {  	s14 =	sshll.u32 s14, $0x2;
	s8 =	sadd.s32 s0, s13;
	s9 =	smul.u32 $0xC80, s9  }
0x1a: {  	s13 =	smul.u32 $0x190, s19;
	s12 =	sshrl.u32 s12, $0x3;
	p0 =	por !p0, !p0  }
0x1b: {  	s25 =	smul.u32 $0x190, s17;
	s19 =	sand.u32 $0x18, s29;
	p5 =	seq.s32 s18, $0x0  }
0x1c: {  	s14 =	sand.u32 $0x60, s14;
	s17 =	simm.s32 $0x190;
	s13 =	sadd.s32 s13, s9  }
0x1d: {  	p6 =	sne.s32 s19, $0x0;
	s20 =	sshll.u32 s13, $0x7;
	s13 =	simm.s32 $0x1  }
0x1e: {  	s19 =	simm.s32 $0x76C0;
	s9 =	sadd.s32 s0, s12;
	s13 =	simm.s32 @!p0 $0x0  }
0x1f: {  	s11 =	sor.u32 s11, s20;
	s22 =	ssub.s32 s21, s13;
	s13 =	sadd.s32 $0x4, s10  }
0x20: {  	s11 =	sshrl.u32 s11, $0x3;
	s10 =	simm.s32 $0x1;
	s21 =	sshrl.u32 s29, $0x5  }
0x21: {  	s12 =	smul.u32 $0xC80, s22;
	s23 =	sshrl.u32 s13, $0x3;
	s24 =	sand.u32 $0x18, s13  }
0x22: {  	s26 =	sshrl.u32 s13, $0x5;
	s20 =	sand.u32 $0x6, s13;
	s22 =	sand.u32 $0x7, s29  }
0x23: {  	p3 =	seq.s32 s23, $0x0;
	p4 =	sne.s32 s24, $0x0;
	s16 =	smul.u32 $0x190, s20  }
0x24: {  	s13 =	sshll.u32 s13, $0x2;
	s18 =	smul.u32 $0x190, s22;
	p0 =	por !p3, !p4  }
0x25: {  	s13 =	sand.u32 $0x60, s13;
	s20 =	simm.s32 $0x44C0;
	p0 =	por !p0, !p0  }
0x26: {  	s22 =	simm.s32 $0xA8C0;
	s10 =	simm.s32 @!p0 $0x0;
	p0 =	por !p5, !p6  }
0x27: {  	s12 =	sadd.s32 s25, s12;
	s10 =	ssub.s32 s26, s10;
	p0 =	por !p0, !p0  }
0x28: {  	s12 =	sshll.u32 s12, $0x7;
	s10 =	smul.u32 $0xC80, s10;
	s15 =	simm.s32 @!p0 $0x0  }
0x29: {  	s23 =	sor.u32 s14, s12;
	s26 =	sshll.u32 s29, $0x2;
	s15 =	ssub.s32 s21, s15  }
0x2a: {  	s15 =	smul.u32 $0xC80, s15;
	s16 =	sadd.s32 s16, s10;
	s10 =	sadd.s32 s0, s11  }
0x2b: {  	s11 =	sshrl.u32 s23, $0x3;
	s23 =	simm.s32 $0x3;
	s24 =	sshll.u32 s16, $0x7  }
0x2c: {  	s11 =	sadd.s32 s0, s11;
	s16 =	simm.s32 $0x960;
	s25 =	sadd.s32 s18, s15  }
0x2d: {  	s15 =	sand.u32 $0x60, s26;
	s12 =	sor.u32 s13, s24;
	s18 =	simm.s32 $0x12C0  }
0x2e: {  	s24 =	simm.s32 $0x20;
	s26 =	simm.s32 $0x5;
	s14 =	sshll.u32 s25, $0x7  }
0x2f: {  	s12 =	sshrl.u32 s12, $0x3;
	s25 =	simm.s32 $0x80;
	s29 =	sor.u32 s15, s14  }
0x30: {  	s12 =	sadd.s32 s0, s12;
	s14 =	smax.u32 s1, $0x1;
	s13 =	sshrl.u32 s29, $0x3  }
0x31: {  	s15 =	simm.s32 $0x7;
	s1 =	simm.s32 $0x6;
	s13 =	sadd.s32 s0, s13  }
.LBB2_1:
0x32: {  	[tilespmem:s2], [sflag:$0x7] =	stream.linear.gather [hbm4b:s5+s2], $0x960, $0x38;
	[tilespmem:$0xDAC0] =	vst v63  }
0x33: {  	_ =	swait.ge [sflag:s15], $0x960  }
0x34: {  	[sflag:s15] =	ssyncset.done $0x0  }
0x35: {  	[sflag:s15] =	ssyncadd.s32 $0xFFFFF6A0  }
0x36: {  	[tilespmem:s16], [sflag:$0x7] =	stream.linear.gather [hbm4b:s6+s2], $0x960, $0x38;
	[tilespmem:$0xDAC0] =	vst v63  }
0x37: {  	_ =	swait.ge [sflag:s15], $0x960  }
0x38: {  	[sflag:s15] =	ssyncset.done $0x0  }
0x39: {  	[sflag:s15] =	ssyncadd.s32 $0xFFFFF6A0  }
0x3a: {  	[tilespmem:s18], [sflag:$0x1] =	stream.indirect.gather [hbm4b:s3+s17], $0x20, s2, s17, $0xb8;
	[tilespmem:$0xDAC0] =	vst v63  }
0x3b: {  	_ = 	snop  }
0x3c: {  	[tilespmem:s19], [sflag:$0x3] =	stream.indirect.gather [hbm4b:s4+s17], $0x20, s16, s17, $0xb8;
	[tilespmem:$0xDAC0] =	vst v63  }
0x3d: {  	_ = 	snop  }
0x3e: {  	[tilespmem:s20], [sflag:$0x2] =	stream.indirect.gather [hbm4b:s3+s17], $0x20, s17, s17, $0xb8;
	[tilespmem:$0xDAC0] =	vst v63  }
0x3f: {  	s0 =	simm.s32 $0xAF0  }
0x40: {  	[tilespmem:s22], [sflag:$0x4] =	stream.indirect.gather [hbm4b:s4+s17], $0x20, s0, s17, $0xb8;
	[tilespmem:$0xDAC0] =	vst v63  }
0x41: {  	_ =	swait.ge [sflag:s7], $0x3200  }
0x42: {  	[sflag:s7] =	ssyncset.done $0x0  }
0x43: {  	[sflag:s7] =	ssyncadd.s32 $0xFFFFCE00  }
0x44: {  	_ =	swait.ge [sflag:s23], $0x3200  }
0x45: {  	[sflag:s23] =	ssyncset.done $0x0  }
0x46: {  	s29 =	simm.s32 $0x0;
	[sflag:s23] =	ssyncadd.s32 $0xFFFFCE00  }
0x47: {  	v0 =	vld [tilespmem:s29+$0x76C0]  }
0x48: {  	v1 =	vld [tilespmem:s29+$0x76D0]  }
0x49: {  	s0 =	simm.s32 $0x80;
	v2 =	vld [tilespmem:s29+$0x12C0]  }
.LBB2_2:
0x4a: {  	p0 =	sne.s32 s0, $0xC780;
	v3 =	vld [tilespmem:s29+$0x12D0];
	_ =	sdelay $0x2  }
.Ltmp0:
0x4b: {  	(pc) =	sbr.rel @p0 .LBB2_2-.Ltmp0, $4  }
0x4c: {  	s21 =	sshra.s32 s0, $0x2;
	v2 =	vadd.f32 v0, v2  }
0x4d: {  	v0 =	vld [tilespmem:s21+$0x76C0];
	v3 =	vadd.f32 v1, v3  }
0x4e: {  	v1 =	vld [tilespmem:s21+$0x76D0];
	[tilespmem:s29+$0x12C0] =	vst v2  }
0x4f: {  	s0 =	sadd.s32 $0x80, s0;
	v2 =	vld [tilespmem:s21+$0x12C0];
	[tilespmem:s29+$0x12D0] =	vst v3;
	s29 =	smov.u32 s21  }
0x50: {  	v3 =	vld [tilespmem:s29+$0x12D0];
	_ =	sdelay $0x3  }
0x51: {  	v0 =	vadd.f32 v0, v2  }
0x52: {  	v1 =	vadd.f32 v1, v3  }
0x53: {  	[tilespmem:s29+$0x12C0] =	vst v0  }
0x54: {  	[tilespmem:s29+$0x12D0] =	vst v1  }
0x55: {  	[hbm4b:s8+s24] =	stream.strided.scatter [tilespmem:s18], [sflag:$0x5], $0x3200, s25, s24, $0x38;
	[tilespmem:$0xDAC0] =	vst v63  }
0x56: {  	_ =	swait.ge [sflag:s26], $0x3200  }
0x57: {  	[sflag:s26] =	ssyncset.done $0x0  }
0x58: {  	s0 =	simm.s32 $0x320;
	[sflag:s26] =	ssyncadd.s32 $0xFFFFCE00  }
0x59: {  	[tilespmem:s18], [sflag:$0x1] =	stream.indirect.gather [hbm4b:s3+s17], $0x20, s0, s17, $0xb8;
	[tilespmem:$0xDAC0] =	vst v63  }
0x5a: {  	s21 =	simm.s32 $0xC80  }
0x5b: {  	[tilespmem:s19], [sflag:$0x3] =	stream.indirect.gather [hbm4b:s4+s17], $0x20, s21, s17, $0xb8;
	[tilespmem:$0xDAC0] =	vst v63  }
0x5c: {  	_ =	swait.ge [sflag:s30], $0x3200  }
0x5d: {  	[sflag:s30] =	ssyncset.done $0x0  }
0x5e: {  	[sflag:s30] =	ssyncadd.s32 $0xFFFFCE00  }
0x5f: {  	_ =	swait.ge [sflag:s31], $0x3200  }
0x60: {  	[sflag:s31] =	ssyncset.done $0x0  }
0x61: {  	s29 =	simm.s32 $0x0;
	[sflag:s31] =	ssyncadd.s32 $0xFFFFCE00  }
0x62: {  	v0 =	vld [tilespmem:s29+$0xA8C0]  }
0x63: {  	v1 =	vld [tilespmem:s29+$0xA8D0]  }
0x64: {  	s0 =	simm.s32 $0x80;
	v2 =	vld [tilespmem:s29+$0x44C0]  }
.LBB2_4:
0x65: {  	p0 =	sne.s32 s0, $0xC780;
	v3 =	vld [tilespmem:s29+$0x44D0];
	_ =	sdelay $0x2  }
.Ltmp1:
0x66: {  	(pc) =	sbr.rel @p0 .LBB2_4-.Ltmp1, $4  }
0x67: {  	s21 =	sshra.s32 s0, $0x2;
	v2 =	vadd.f32 v0, v2  }
0x68: {  	v0 =	vld [tilespmem:s21+$0xA8C0];
	v3 =	vadd.f32 v1, v3  }
0x69: {  	v1 =	vld [tilespmem:s21+$0xA8D0];
	[tilespmem:s29+$0x44C0] =	vst v2  }
0x6a: {  	s0 =	sadd.s32 $0x80, s0;
	v2 =	vld [tilespmem:s21+$0x44C0];
	[tilespmem:s29+$0x44D0] =	vst v3;
	s29 =	smov.u32 s21  }
0x6b: {  	v3 =	vld [tilespmem:s29+$0x44D0];
	_ =	sdelay $0x3  }
0x6c: {  	v0 =	vadd.f32 v0, v2  }
0x6d: {  	v1 =	vadd.f32 v1, v3  }
0x6e: {  	[tilespmem:s29+$0x44C0] =	vst v0  }
0x6f: {  	[tilespmem:s29+$0x44D0] =	vst v1  }
0x70: {  	[hbm4b:s9+s24] =	stream.strided.scatter [tilespmem:s20], [sflag:$0x6], $0x3200, s25, s24, $0x38;
	[tilespmem:$0xDAC0] =	vst v63  }
0x71: {  	_ =	swait.ge [sflag:s1], $0x3200  }
0x72: {  	[sflag:s1] =	ssyncset.done $0x0  }
0x73: {  	s0 =	simm.s32 $0x4B0;
	[sflag:s1] =	ssyncadd.s32 $0xFFFFCE00  }
0x74: {  	[tilespmem:s20], [sflag:$0x2] =	stream.indirect.gather [hbm4b:s3+s17], $0x20, s0, s17, $0xb8;
	[tilespmem:$0xDAC0] =	vst v63  }
0x75: {  	s21 =	simm.s32 $0xE10  }
0x76: {  	[tilespmem:s22], [sflag:$0x4] =	stream.indirect.gather [hbm4b:s4+s17], $0x20, s21, s17, $0xb8;
	[tilespmem:$0xDAC0] =	vst v63  }
0x77: {  	_ =	swait.ge [sflag:s7], $0x3200  }
0x78: {  	[sflag:s7] =	ssyncset.done $0x0  }
0x79: {  	[sflag:s7] =	ssyncadd.s32 $0xFFFFCE00  }
0x7a: {  	_ =	swait.ge [sflag:s23], $0x3200  }
0x7b: {  	[sflag:s23] =	ssyncset.done $0x0  }
0x7c: {  	s29 =	simm.s32 $0x0;
	[sflag:s23] =	ssyncadd.s32 $0xFFFFCE00  }
0x7d: {  	v0 =	vld [tilespmem:s29+$0x76C0]  }
0x7e: {  	v1 =	vld [tilespmem:s29+$0x76D0]  }
0x7f: {  	s0 =	simm.s32 $0x80;
	v2 =	vld [tilespmem:s29+$0x12C0]  }
.LBB2_6:
0x80: {  	p0 =	sne.s32 s0, $0xC780;
	v3 =	vld [tilespmem:s29+$0x12D0];
	_ =	sdelay $0x2  }
.Ltmp2:
0x81: {  	(pc) =	sbr.rel @p0 .LBB2_6-.Ltmp2, $4  }
0x82: {  	s21 =	sshra.s32 s0, $0x2;
	v2 =	vadd.f32 v0, v2  }
0x83: {  	v0 =	vld [tilespmem:s21+$0x76C0];
	v3 =	vadd.f32 v1, v3  }
0x84: {  	v1 =	vld [tilespmem:s21+$0x76D0];
	[tilespmem:s29+$0x12C0] =	vst v2  }
0x85: {  	s0 =	sadd.s32 $0x80, s0;
	v2 =	vld [tilespmem:s21+$0x12C0];
	[tilespmem:s29+$0x12D0] =	vst v3;
	s29 =	smov.u32 s21  }
0x86: {  	v3 =	vld [tilespmem:s29+$0x12D0];
	_ =	sdelay $0x3  }
0x87: {  	v0 =	vadd.f32 v0, v2  }
0x88: {  	v1 =	vadd.f32 v1, v3  }
0x89: {  	[tilespmem:s29+$0x12C0] =	vst v0  }
0x8a: {  	[tilespmem:s29+$0x12D0] =	vst v1  }
0x8b: {  	[hbm4b:s10+s24] =	stream.strided.scatter [tilespmem:s18], [sflag:$0x5], $0x3200, s25, s24, $0x38;
	[tilespmem:$0xDAC0] =	vst v63  }
0x8c: {  	_ =	swait.ge [sflag:s26], $0x3200  }
0x8d: {  	[sflag:s26] =	ssyncset.done $0x0  }
0x8e: {  	s0 =	simm.s32 $0x640;
	[sflag:s26] =	ssyncadd.s32 $0xFFFFCE00  }
0x8f: {  	[tilespmem:s18], [sflag:$0x1] =	stream.indirect.gather [hbm4b:s3+s17], $0x20, s0, s17, $0xb8;
	[tilespmem:$0xDAC0] =	vst v63  }
0x90: {  	s21 =	simm.s32 $0xFA0  }
0x91: {  	[tilespmem:s19], [sflag:$0x3] =	stream.indirect.gather [hbm4b:s4+s17], $0x20, s21, s17, $0xb8;
	[tilespmem:$0xDAC0] =	vst v63  }
0x92: {  	_ =	swait.ge [sflag:s30], $0x3200  }
0x93: {  	[sflag:s30] =	ssyncset.done $0x0  }
0x94: {  	[sflag:s30] =	ssyncadd.s32 $0xFFFFCE00  }
0x95: {  	_ =	swait.ge [sflag:s31], $0x3200  }
0x96: {  	[sflag:s31] =	ssyncset.done $0x0  }
0x97: {  	s29 =	simm.s32 $0x0;
	[sflag:s31] =	ssyncadd.s32 $0xFFFFCE00  }
0x98: {  	v0 =	vld [tilespmem:s29+$0xA8C0]  }
0x99: {  	v1 =	vld [tilespmem:s29+$0xA8D0]  }
0x9a: {  	s0 =	simm.s32 $0x80;
	v2 =	vld [tilespmem:s29+$0x44C0]  }
.LBB2_8:
0x9b: {  	p0 =	sne.s32 s0, $0xC780;
	v3 =	vld [tilespmem:s29+$0x44D0];
	_ =	sdelay $0x2  }
.Ltmp3:
0x9c: {  	(pc) =	sbr.rel @p0 .LBB2_8-.Ltmp3, $4  }
0x9d: {  	s21 =	sshra.s32 s0, $0x2;
	v2 =	vadd.f32 v0, v2  }
0x9e: {  	v0 =	vld [tilespmem:s21+$0xA8C0];
	v3 =	vadd.f32 v1, v3  }
0x9f: {  	v1 =	vld [tilespmem:s21+$0xA8D0];
	[tilespmem:s29+$0x44C0] =	vst v2  }
0xa0: {  	s0 =	sadd.s32 $0x80, s0;
	v2 =	vld [tilespmem:s21+$0x44C0];
	[tilespmem:s29+$0x44D0] =	vst v3;
	s29 =	smov.u32 s21  }
0xa1: {  	v3 =	vld [tilespmem:s29+$0x44D0];
	_ =	sdelay $0x3  }
0xa2: {  	v0 =	vadd.f32 v0, v2  }
0xa3: {  	v1 =	vadd.f32 v1, v3  }
0xa4: {  	[tilespmem:s29+$0x44C0] =	vst v0  }
0xa5: {  	[tilespmem:s29+$0x44D0] =	vst v1  }
0xa6: {  	[hbm4b:s11+s24] =	stream.strided.scatter [tilespmem:s20], [sflag:$0x6], $0x3200, s25, s24, $0x38;
	[tilespmem:$0xDAC0] =	vst v63  }
0xa7: {  	_ =	swait.ge [sflag:s1], $0x3200  }
0xa8: {  	[sflag:s1] =	ssyncset.done $0x0  }
0xa9: {  	s0 =	simm.s32 $0x7D0;
	[sflag:s1] =	ssyncadd.s32 $0xFFFFCE00  }
0xaa: {  	[tilespmem:s20], [sflag:$0x2] =	stream.indirect.gather [hbm4b:s3+s17], $0x20, s0, s17, $0xb8;
	[tilespmem:$0xDAC0] =	vst v63  }
0xab: {  	s21 =	simm.s32 $0x1130  }
0xac: {  	[tilespmem:s22], [sflag:$0x4] =	stream.indirect.gather [hbm4b:s4+s17], $0x20, s21, s17, $0xb8;
	[tilespmem:$0xDAC0] =	vst v63  }
0xad: {  	_ =	swait.ge [sflag:s7], $0x3200  }
0xae: {  	[sflag:s7] =	ssyncset.done $0x0  }
0xaf: {  	[sflag:s7] =	ssyncadd.s32 $0xFFFFCE00  }
0xb0: {  	_ =	swait.ge [sflag:s23], $0x3200  }
0xb1: {  	[sflag:s23] =	ssyncset.done $0x0  }
0xb2: {  	s29 =	simm.s32 $0x0;
	[sflag:s23] =	ssyncadd.s32 $0xFFFFCE00  }
0xb3: {  	v0 =	vld [tilespmem:s29+$0x76C0]  }
0xb4: {  	v1 =	vld [tilespmem:s29+$0x76D0]  }
0xb5: {  	s0 =	simm.s32 $0x80;
	v2 =	vld [tilespmem:s29+$0x12C0]  }
.LBB2_10:
0xb6: {  	p0 =	sne.s32 s0, $0xC780;
	v3 =	vld [tilespmem:s29+$0x12D0];
	_ =	sdelay $0x2  }
.Ltmp4:
0xb7: {  	(pc) =	sbr.rel @p0 .LBB2_10-.Ltmp4, $4  }
0xb8: {  	s21 =	sshra.s32 s0, $0x2;
	v2 =	vadd.f32 v0, v2  }
0xb9: {  	v0 =	vld [tilespmem:s21+$0x76C0];
	v3 =	vadd.f32 v1, v3  }
0xba: {  	v1 =	vld [tilespmem:s21+$0x76D0];
	[tilespmem:s29+$0x12C0] =	vst v2  }
0xbb: {  	s0 =	sadd.s32 $0x80, s0;
	v2 =	vld [tilespmem:s21+$0x12C0];
	[tilespmem:s29+$0x12D0] =	vst v3;
	s29 =	smov.u32 s21  }
0xbc: {  	v3 =	vld [tilespmem:s29+$0x12D0];
	_ =	sdelay $0x3  }
0xbd: {  	v0 =	vadd.f32 v0, v2  }
0xbe: {  	v1 =	vadd.f32 v1, v3  }
0xbf: {  	[tilespmem:s29+$0x12C0] =	vst v0  }
0xc0: {  	[tilespmem:s29+$0x12D0] =	vst v1  }
0xc1: {  	[hbm4b:s12+s24] =	stream.strided.scatter [tilespmem:s18], [sflag:$0x5], $0x3200, s25, s24, $0x38;
	[tilespmem:$0xDAC0] =	vst v63  }
0xc2: {  	_ =	swait.ge [sflag:s30], $0x3200  }
0xc3: {  	[sflag:s30] =	ssyncset.done $0x0  }
0xc4: {  	[sflag:s30] =	ssyncadd.s32 $0xFFFFCE00  }
0xc5: {  	_ =	swait.ge [sflag:s31], $0x3200  }
0xc6: {  	[sflag:s31] =	ssyncset.done $0x0  }
0xc7: {  	s29 =	simm.s32 $0x0;
	[sflag:s31] =	ssyncadd.s32 $0xFFFFCE00  }
0xc8: {  	v0 =	vld [tilespmem:s29+$0xA8C0]  }
0xc9: {  	v1 =	vld [tilespmem:s29+$0xA8D0]  }
0xca: {  	s0 =	simm.s32 $0x80;
	v2 =	vld [tilespmem:s29+$0x44C0]  }
.LBB2_12:
0xcb: {  	p0 =	sne.s32 s0, $0xC780;
	v3 =	vld [tilespmem:s29+$0x44D0];
	_ =	sdelay $0x2  }
.Ltmp5:
0xcc: {  	(pc) =	sbr.rel @p0 .LBB2_12-.Ltmp5, $4  }
0xcd: {  	s21 =	sshra.s32 s0, $0x2;
	v2 =	vadd.f32 v0, v2  }
0xce: {  	v0 =	vld [tilespmem:s21+$0xA8C0];
	v3 =	vadd.f32 v1, v3  }
0xcf: {  	v1 =	vld [tilespmem:s21+$0xA8D0];
	[tilespmem:s29+$0x44C0] =	vst v2  }
0xd0: {  	s0 =	sadd.s32 $0x80, s0;
	v2 =	vld [tilespmem:s21+$0x44C0];
	[tilespmem:s29+$0x44D0] =	vst v3;
	s29 =	smov.u32 s21  }
0xd1: {  	v3 =	vld [tilespmem:s29+$0x44D0];
	_ =	sdelay $0x3  }
0xd2: {  	v0 =	vadd.f32 v0, v2  }
0xd3: {  	v1 =	vadd.f32 v1, v3  }
0xd4: {  	[tilespmem:s29+$0x44C0] =	vst v0  }
0xd5: {  	s28 =	sadd.s32 $0x1, s28;
	[tilespmem:s29+$0x44D0] =	vst v1  }
0xd6: {  	[hbm4b:s13+s24] =	stream.strided.scatter [tilespmem:s20], [sflag:$0x6], $0x3200, s25, s24, $0x38;
	[tilespmem:$0xDAC0] =	vst v63  }
0xd7: {  	p0 =	sne.s32 s28, s14;
	_ =	swait.ge [sflag:s26], $0x3200  }
.Ltmp6:
0xd8: {  	[sflag:s26] =	ssyncset.done $0x0;
	(pc) =	sbr.rel @p0 .LBB2_1-.Ltmp6, $4  }
0xd9: {  	[sflag:s26] =	ssyncadd.s32 $0xFFFFCE00  }
0xda: {  	_ =	swait.ge [sflag:s1], $0x3200  }
0xdb: {  	[sflag:s1] =	ssyncset.done $0x0  }
0xdc: {  	[sflag:s1] =	ssyncadd.s32 $0xFFFFCE00  }
0xdd: {  	_ =	sfence.sel $0x180000  }
0xde: {  	[bflag:$0x0] =	sbarrier.arrive $0xFFFF  }
0xdf: {  	_ =	strace $0x9000004D  }
0xe0: {  	s0 =	stileid.u32;
	[bflag:$0x2] =	sbarrier.arrive $0xFFFF  }
0xe1: {  	p0 =	sne.s32 s0, $0x0;
	s0 =	rddreg [dreg:$0x1]  }
0xe2: {  	s0 =	sadd.s32 @!p0 $0x100000, s0  }
0xe3: {  	[sflag:s0] =	ssyncadd.tile.s32 @!p0 $0x1;
	_ =	shalt  }
.Lfunc_end2:
_tile_overlayer_lowered:
.L_overlay_start_2:
0xe4: {  	(tag) =	ssettag $0x2  }
0xe5: {  	s0 =	rddreg [dreg:$0x0];
	s2 =	stileid.u32  }
0xe6: {  	s1 =	rddreg [dreg:$0x1];
	p0 =	sne.s32 s2, $0x0  }
0xe7: {  	s3 =	rddreg [dreg:$0x2];
	[bflag:$0x3] =	sbarrier.arrive $0xFFFF;
	s2 =	simm.s32 @!p0 $0x1C07  }
0xe8: {  	[timem:s3], [sflag:s2] =	dma.local @!p0 [hbm:s0], s1  }
0xe9: {  	s0 =	simm.s32 @!p0 $0x7  }
0xea: {  	_ =	swait.ge @!p0 [sflag:s0], s1  }
0xeb: {  	s1 =	ssub.s32 @!p0 $0x0, s1;
	[sflag:s0] =	ssyncset.done @!p0 $0x0  }
0xec: {  	[sflag:s0] =	ssyncadd.s32 @!p0 s1  }
0xed: {  	[bflag:$0x3] =	sbarrier.arrive $0xFFFF  }
0xee: {  	_ =	shalt  }

// kernel: kernel.20.cloned.1.call-start
scs
__scs_entry_jumppad:
0x0: {  	(pc) =	sbr.rel $0x88, $3  }
0x1: {  	(tag) =	ssettag $0x0;
	lr =	simm.s32 $0x1  }
0x2: {  	[smem:$0x3F95] =	sst lr;
	_ =	strace $0xD0000000  }
0x3: {  	_ = 	snop  }
0x4: {  	_ = 	snop  }
0x5: {  	_ = 	snop  }
0x6: {  	_ = 	snop  }
0x7: {  	_ = 	snop  }
__scs_overlays_trampoline_lowered:
0x8: {  	[smem:$0x3FA4] =	sst s0  }
0x9: {  	[smem:$0x3FA5] =	sst s1  }
0xa: {  	[smem:$0x3FA6] =	sst s2  }
0xb: {  	[smem:$0x3FA7] =	sst s3  }
0xc: {  	[smem:$0x3FA8] =	sst s4  }
0xd: {  	[smem:$0x3FA9] =	sst s5  }
0xe: {  	[smem:$0x3FAA] =	sst s6  }
0xf: {  	[smem:$0x3FAB] =	sst s7  }
0x10: {  	[smem:$0x3FAC] =	sst s8  }
0x11: {  	[smem:$0x3FAD] =	sst s9;
	s0 =	simm.s32 @!p0 $0x0  }
0x12: {  	s1 =	sld [smem:$0x3F93];
	s0 =	simm.s32 @p0 $0x1  }
0x13: {  	[smem:$0x3FAE] =	sst s0;
	s0 =	simm.s32 @!p1 $0x0  }
0x14: {  	s2 =	sld [smem:$0x3F92];
	s0 =	simm.s32 @p1 $0x1  }
0x15: {  	[smem:$0x3FAF] =	sst s0;
	s0 =	simm.s32 @!p2 $0x0  }
0x16: {  	s3 =	sld [smem:$0x3FDB];
	s0 =	simm.s32 @p2 $0x1  }
0x17: {  	s4 =	simm.s32 $0x1BF5;
	[smem:$0x3FB1] =	sst s0  }
0x18: {  	s0 =	sld [smem:$0x3F94];
	_ =	swait.ge [sflag:s4], $0x0  }
0x19: {  	s7 =	sld [smem:$0x3F95]  }
0x1a: {  	s8 =	sadd.s32 $0xFFFFE003, lr  }
0x1b: {  	s9 =	sadd.s32 $0xFFFFFEF7, lr;
	s5 =	simm.s32 $0xFFFFFFFF;
	p2 =	slt.u32 s8, $0xFFFFF086  }
0x1c: {  	p1 =	slt.u32 s9, $0xF7A;
	s5 =	simm.s32 @!p2 $0x0  }
0x1d: {  	s5 =	simm.s32 @p1 $0x1;
	p0 =	seq.s32 s7, s2  }
0x1e: {  	s7 =	smul.u32 @!p0 $0xF7A, s2;
	p2 =	seq.s32 @!p0 s5, $0x0  }
0x1f: {  	s9 =	smul.u32 $0xF7A, s1;
	s8 =	simm.s32 @!p0 $0x1BF5;
	p2 =	por !p2, p0  }
0x20: {  	[sflag:s8] =	ssyncset.s32 @!p0 $0xFFFFF086;
	s6 =	sadd.s32 @!p0 s3, s7;
	s7 =	simm.s32 @!p0 $0x108  }
0x21: {  	s3 =	sadd.s32 s3, s9;
	s6 =	sadd.s32 @!p0 $0x88, s6;
	s7 =	simm.s32 @p2 $0x1082  }
0x22: {  	[simem:s7], [sflag:s8] =	dma.local @!p0 [hbm:s6], $0xF7A  }
0x23: {  	s9 =	sor.u32 $0xD0000000, s2;
	s6 =	simm.s32 $0x108;
	_ =	swait.ge @!p0 [sflag:s8], $0x0  }
0x24: {  	s3 =	sadd.s32 $0x88, s3;
	s6 =	simm.s32 @!p1 $0x1082;
	[sflag:s4] =	ssyncset.s32 $0xFFFFF086  }
0x25: {  	[simem:s6], [sflag:s4] =	dma.local [hbm:s3], $0xF7A  }
0x26: {  	[smem:$0x3F95] =	sst s1;
	(tag) =	ssettag s2;
	_ =	strace s9  }
0x27: {  	s1 =	sld [smem:$0x3FA5]  }
0x28: {  	s2 =	sld [smem:$0x3FA6]  }
0x29: {  	s4 =	sld [smem:$0x3FA8]  }
0x2a: {  	p0 =	seq.s32 s5, $0x0;
	s5 =	sld [smem:$0x3FA9]  }
0x2b: {  	s6 =	sld [smem:$0x3FAA]  }
0x2c: {  	s7 =	sld [smem:$0x3FAB]  }
0x2d: {  	s3 =	simm.s32 $0x108;
	s8 =	sld [smem:$0x3FAC]  }
0x2e: {  	s3 =	simm.s32 @!p0 $0x1082;
	s9 =	sld [smem:$0x3FAD]  }
0x2f: {  	lr =	sadd.s32 s0, s3;
	s0 =	sld [smem:$0x3FA4]  }
0x30: {  	s3 =	sld [smem:$0x3FA7]  }
0x31: {  	[smem:$0x3FB0] =	sst s10  }
0x32: {  	s10 =	sld [smem:$0x3FAE];
	_ =	sdelay $0x3  }
0x33: {  	p0 =	seq.s32 s10, $0x1;
	s10 =	sld [smem:$0x3FB0];
	_ =	sdelay $0x3  }
0x34: {  	[smem:$0x3FB0] =	sst s10  }
0x35: {  	s10 =	sld [smem:$0x3FAF];
	_ =	sdelay $0x3  }
0x36: {  	p1 =	seq.s32 s10, $0x1;
	s10 =	sld [smem:$0x3FB0];
	_ =	sdelay $0x3  }
0x37: {  	[smem:$0x3FB0] =	sst s10  }
0x38: {  	s10 =	sld [smem:$0x3FB1]  }
0x39: {  	_ = 	snop;
	(pc) =	sbr.ind lr, $3  }
0x3a: {  	_ = 	snop  }
0x3b: {  	_ = 	snop  }
0x3c: {  	p2 =	seq.s32 s10, $0x1;
	s10 =	sld [smem:$0x3FB0]  }
0x3d: {  	_ =	shalt  }
0x3e: {  	_ =	shalt  }
0x3f: {  	_ =	shalt  }
0x40: {  	_ =	shalt  }
0x41: {  	_ =	shalt  }
0x42: {  	_ =	shalt  }
0x43: {  	_ =	shalt  }
0x44: {  	_ =	shalt  }
0x45: {  	_ =	shalt  }
0x46: {  	_ =	shalt  }
0x47: {  	_ =	shalt  }
0x48: {  	_ =	shalt  }
0x49: {  	_ =	shalt  }
0x4a: {  	_ =	shalt  }
0x4b: {  	_ =	shalt  }
0x4c: {  	_ =	shalt  }
0x4d: {  	_ =	shalt  }
0x4e: {  	_ =	shalt  }
0x4f: {  	_ =	shalt  }
0x50: {  	_ =	shalt  }
0x51: {  	_ =	shalt  }
0x52: {  	_ =	shalt  }
0x53: {  	_ =	shalt  }
0x54: {  	_ =	shalt  }
0x55: {  	_ =	shalt  }
0x56: {  	_ =	shalt  }
0x57: {  	_ =	shalt  }
0x58: {  	_ =	shalt  }
0x59: {  	_ =	shalt  }
0x5a: {  	_ =	shalt  }
0x5b: {  	_ =	shalt  }
0x5c: {  	_ =	shalt  }
0x5d: {  	_ =	shalt  }
0x5e: {  	_ =	shalt  }
0x5f: {  	_ =	shalt  }
0x60: {  	_ =	shalt  }
0x61: {  	_ =	shalt  }
0x62: {  	_ =	shalt  }
0x63: {  	_ =	shalt  }
0x64: {  	_ =	shalt  }
0x65: {  	_ =	shalt  }
0x66: {  	_ =	shalt  }
0x67: {  	_ =	shalt  }
0x68: {  	_ =	shalt  }
0x69: {  	_ =	shalt  }
0x6a: {  	_ =	shalt  }
0x6b: {  	_ =	shalt  }
0x6c: {  	_ =	shalt  }
0x6d: {  	_ =	shalt  }
0x6e: {  	_ =	shalt  }
0x6f: {  	_ =	shalt  }
0x70: {  	_ =	shalt  }
0x71: {  	_ =	shalt  }
0x72: {  	_ =	shalt  }
0x73: {  	_ =	shalt  }
0x74: {  	_ =	shalt  }
0x75: {  	_ =	shalt  }
0x76: {  	_ =	shalt  }
0x77: {  	_ =	shalt  }
0x78: {  	_ =	shalt  }
0x79: {  	_ =	shalt  }
0x7a: {  	_ =	shalt  }
0x7b: {  	_ =	shalt  }
0x7c: {  	_ =	shalt  }
0x7d: {  	_ =	shalt  }
0x7e: {  	_ =	shalt  }
0x7f: {  	_ =	shalt  }
0x80: {  	_ =	shalt  }
0x81: {  	_ =	shalt  }
0x82: {  	_ =	shalt  }
0x83: {  	_ =	shalt  }
0x84: {  	_ =	shalt  }
0x85: {  	_ =	shalt  }
0x86: {  	_ =	shalt  }
0x87: {  	_ =	shalt  }
.Lfunc_end0:
.L_simem_size_0:
called_computation.3_lowered:
.L_overlay_start_0:
0x88: {  	s2 =	sld [smem:$0x3FD9]  }
0x89: {  	s3 =	sld [smem:$0x3FFE];
	_ =	sdelay $0x1  }
0x8a: {  	s1 =	srdreg.scid  }
0x8b: {  	s0 =	sand.u32 $0x1, s1  }
0x8c: {  	s17 =	sshll.u32 s0, $0xA;
	s2 =	sadd.s32 s3, s2  }
0x8d: {  	s2 =	sadd.s32 s2, s17  }
0x8e: {  	[smem:$0x3FBC] =	sst s2  }
0x8f: {  	_ = 	snop  }
0x90: {  	(tm) =	ssettm $0x1  }
0x91: {  	s18 =	sld [smem:$0x3FFB];
	_ =	sdelay $0x3  }
0x92: {  	_ =	strace s18  }
0x93: {  	s2 =	sld [smem:$0x3FFC];
	_ =	sdelay $0x3  }
0x94: {  	_ =	strace s2  }
0x95: {  	s2 =	sld [smem:$0x3FFD];
	_ =	sdelay $0x3  }
0x96: {  	_ =	strace s2  }
0x97: {  	_ =	strace $0x8FFFFFFF  }
0x98: {  	s19 =	sld [smem:$0x3FDB];
	_ =	sdelay $0x1  }
0x99: {  	s20 =	simm.s32 $_scs_section_size  }
0x9a: {  	s4 =	simm.s32 $_size__tile_overlayer_lowered;
	s5 =	simm.s32 $_tile_overlayer_lowered  }
0x9b: {  	s6 =	simm.s32 $0x1BFF;
	s21 =	sshll.u32 s5, $0x1;
	s3 =	sadd.s32 s20, s19  }
0x9c: {  	s22 =	simm.s32 $0x0;
	s4 =	sshll.u32 s4, $0x1;
	s5 =	sadd.s32 s21, s3  }
0x9d: {  	[timem:s22], [sflag:s6] =	dma.local [hbm:s5], s4  }
0x9e: {  	_ =	swait.ge [sflag:s6], s4  }
0x9f: {  	s4 =	ssub.s32 $0x0, s4;
	[sflag:s6] =	ssyncset.done $0x0  }
0xa0: {  	[sflag:s6] =	ssyncadd.s32 s4;
	_ =	sdelay $0x1  }
0xa1: {  	s23 =	simm.s32 $0x1B8B  }
0xa2: {  	_ =	swait.ge [sflag:s23], $0x1  }
0xa3: {  	[sflag:s23] =	ssyncset.done $0x0  }
0xa4: {  	[sflag:s23] =	ssyncadd.s32 $0xFFFFFFFF  }
0xa5: {  	s4 =	sld [smem:$0x0]  }
0xa6: {  	s5 =	sand.u32 $0xFFFFFFFE, s1  }
0xa7: {  	p0 =	sne.s32 s1, s5  }
0xa8: {  	s5 =	sshll.u32 @p0 s5, $0xE  }
0xa9: {  	s5 =	sadd.s32 @p0 $0x11B8D, s5;
	s6 =	sshll.u32 @p0 s4, $0x11  }
0xaa: {  	s5 =	sor.u32 @p0 s6, s5  }
0xab: {  	[sflag:s5] =	ssyncadd.remote.s32 @p0 $0x1;
	_ =	sdelay $0x1  }
0xac: {  	s5 =	simm.s32 @p0 $0x1B8D  }
0xad: {  	_ =	swait.eq @p0 [sflag:s5], $0x1  }
0xae: {  	[sflag:s5] =	ssyncadd.s32 @p0 $0xFFFFFFFF  }
0xaf: {  	s6 =	sshll.u32 @!p0 s1, $0xE  }
0xb0: {  	s6 =	sor.u32 @!p0 $0x4000, s6;
	s5 =	simm.s32 @!p0 $0x1B8D  }
0xb1: {  	s4 =	sshll.u32 @!p0 s4, $0x11;
	s6 =	sadd.s32 @!p0 $0x11B8D, s6;
	_ =	swait.eq @!p0 [sflag:s5], $0x1  }
0xb2: {  	s4 =	sor.u32 @!p0 s4, s6;
	[sflag:s5] =	ssyncadd.s32 @!p0 $0xFFFFFFFF  }
0xb3: {  	s25 =	simm.s32 $0x1B8E;
	s24 =	sld [smem:$0x3FFE];
	[sflag:s4] =	ssyncadd.remote.s32 @!p0 $0x1  }
0xb4: {  	s26 =	simm.s32 $execute0_lowered;
	[smem:$0x3FD2] =	sst s25  }
0xb5: {  	s5 =	sshll.u32 s26, $0x1;
	_ =	strace $0x8000004F;
	[dreg:$0x1] =	wrdreg $0xFFFFFFFF  }
0xb6: {  	s28 =	simm.s32 $_size_execute0_lowered;
	s3 =	sadd.s32 s3, s5;
	[dreg:$0x0] =	wrdreg $0x0  }
0xb7: {  	s5 =	sshll.u32 s28, $0x1;
	[dreg:$0x2] =	wrdreg s3  }
0xb8: {  	[dreg:$0x3] =	wrdreg s5  }
0xb9: {  	[dreg:$0x4] =	wrdreg $0xC0  }
0xba: {  	_ =	task [dreg:s22], $0x5FFFF  }
0xbb: {  	[dreg:$0x1] =	wrdreg $0xFFFFFFFF  }
0xbc: {  	[dreg:$0x0] =	wrdreg $0x60  }
0xbd: {  	[dreg:$0x2] =	wrdreg s24  }
0xbe: {  	[dreg:$0x3] =	wrdreg $0xC  }
0xbf: {  	_ =	task.clear_ibuf [dreg:s22], $0x4FFFF;
	_ =	strace $0x9000004F  }
0xc0: {  	s29 =	simm.s32 $0xC;
	_ =	strace $0x80000051  }
0xc1: {  	_ =	swait.ge [sflag:s29], $0x1  }
0xc2: {  	[sflag:s29] =	ssyncadd.s32 $0xFFFFFFFF  }
0xc3: {  	_ =	strace $0x90000051  }
0xc4: {  	_ =	sfence  }
0xc5: {  	s30 =	sld [smem:$0x0];
	_ =	sdelay $0x2  }
0xc6: {  	s31 =	sshll.u32 s1, $0xD;
	s1 =	sshrl.u32 s1, $0x2  }
0xc7: {  	s4 =	sand.u32 $0x4000, s31;
	s1 =	sadd.s32 s1, s30  }
0xc8: {  	s0 =	sor.u32 s4, s0;
	s1 =	sshll.u32 s1, $0x11  }
0xc9: {  	s0 =	sor.u32 s1, s0  }
0xca: {  	s0 =	sadd.s32 $0x8F2B, s0  }
0xcb: {  	[sflag:s0] =	ssyncadd.remote.s32 $0x1  }
0xcc: {  	_ =	sfence.sel $0xFFFF  }
0xcd: {  	[dreg:$0x0] =	wrdreg $0xFFFFFFFF;
	(pc) =	sbr.abs _section_cstart, $3  }
0xce: {  	[dreg:$0x1] =	wrdreg $0xFFFFFFFF  }
0xcf: {  	_ =	task.clear_ibuf [dreg:s22], $0x2FFFF;
	_ =	strace $0x9FFFFFFF  }
0xd0: {  	(tm) =	ssettm $0x7FFFFFFF  }
0xd1: {  	_ =	shalt  }
tec
execute0_lowered:
.L_overlay_start_1:
0x0: {  	(tag) =	ssettag $0x1  }
0x1: {  	s1 =	srdreg.scid  }
0x2: {  	s0 =	stileid.u32;
	s5 =	rddreg [dreg:$0x0];
	s14 =	simm.s32 $0x1  }
0x3: {  	s28 =	simm.s32 $0x4;
	s29 =	simm.s32 $0x6;
	s30 =	simm.s32 $0x0  }
0x4: {  	s1 =	sand.u32 $0x1, s1;
	s2 =	sshll.u32 s0, $0x1;
	s4 =	sadd.s32 $0x3600, s5  }
0x5: {  	s10 =	sadd.s32 $0xD9C00, s5;
	s3 =	sor.u32 s1, s2;
	s2 =	simm.s32 $0x0  }
0x6: {  	s1 =	ssub.s32 $0x2, s1;
	s6 =	smul.u32 $0x4B0, s3;
	[smem:$0x7FF] =	sst s2  }
0x7: {  	s7 =	smul.u32 $0x3, s3;
	s3 =	sadd.s32 $0xD400, s5;
	s15 =	sshrl.u32 s1, $0x1  }
0x8: {  	_ =	strace $0x80000050;
	s1 =	ssub.s32 s1, s15;
	s6 =	sshrl.u32 s6, $0x3  }
0x9: {  	s8 =	sshrl.u32 s7, $0x3;
	s9 =	sand.u32 $0x18, s7;
	s16 =	sshrl.u32 s7, $0x5  }
0xa: {  	s17 =	sadd.s32 $0x1, s7;
	s13 =	sand.u32 $0x7, s7;
	s20 =	sadd.s32 $0x2, s7  }
0xb: {  	s7 =	sshll.u32 s7, $0x2;
	s6 =	sadd.s32 s6, s5;
	p0 =	seq.s32 s8, $0x0  }
0xc: {  	p1 =	sne.s32 s9, $0x0;
	s8 =	simm.s32 $0x1;
	s11 =	sshrl.u32 s17, $0x3  }
0xd: {  	s12 =	sand.u32 $0x18, s17;
	s18 =	smul.u32 $0x190, s13;
	s19 =	sshrl.u32 s17, $0x5  }
0xe: {  	s15 =	sshrl.u32 s20, $0x3;
	s22 =	sand.u32 $0x7, s17;
	s23 =	sshrl.u32 s20, $0x5  }
0xf: {  	s24 =	sand.u32 $0x7, s20;
	s25 =	sand.u32 $0x60, s7;
	s7 =	simm.s32 $0x1  }
0x10: {  	s9 =	sshll.u32 s17, $0x2;
	s13 =	sshll.u32 s20, $0x2;
	s17 =	simm.s32 $0x3B60  }
0x11: {  	p0 =	por !p0, !p1;
	s5 =	sadd.s32 $0x1FB80, s6;
	p3 =	seq.s32 s11, $0x0  }
0x12: {  	p4 =	sne.s32 s12, $0x0;
	s6 =	sadd.s32 $0x297C0, s6;
	p5 =	seq.s32 s15, $0x0  }
0x13: {  	s12 =	simm.s32 $0x1;
	s26 =	smul.u32 $0x190, s24;
	s9 =	sand.u32 $0x60, s9  }
0x14: {  	s13 =	sand.u32 $0x60, s13;
	s15 =	simm.s32 $0x960;
	p0 =	por !p0, !p0  }
0x15: {  	s24 =	simm.s32 $0x320;
	s8 =	simm.s32 @!p0 $0x0;
	p0 =	por !p3, !p4  }
0x16: {  	s8 =	ssub.s32 s16, s8;
	p0 =	por !p0, !p0;
	s16 =	sand.u32 $0x18, s20  }
0x17: {  	s20 =	simm.s32 $0x3;
	s8 =	smul.u32 $0xC80, s8;
	s14 =	simm.s32 @!p0 $0x0  }
0x18: {  	p6 =	sne.s32 s16, $0x0;
	s16 =	simm.s32 $0x6D60;
	s21 =	ssub.s32 s19, s14  }
0x19: {  	p0 =	por !p5, !p6;
	s14 =	smul.u32 $0x190, s22;
	s19 =	simm.s32 $0x9F60  }
0x1a: {  	s22 =	simm.s32 $0x80;
	s8 =	sadd.s32 s18, s8;
	p0 =	por !p0, !p0  }
0x1b: {  	s11 =	smul.u32 $0xC80, s21;
	s18 =	simm.s32 $0x640;
	s12 =	simm.s32 @!p0 $0x0  }
0x1c: {  	s21 =	simm.s32 $0x20;
	s8 =	sshll.u32 s8, $0x7;
	s12 =	ssub.s32 s23, s12  }
0x1d: {  	s11 =	sadd.s32 s14, s11;
	s8 =	sor.u32 s25, s8;
	s12 =	smul.u32 $0xC80, s12  }
0x1e: {  	s14 =	simm.s32 $0x190;
	s23 =	simm.s32 $0x5;
	s25 =	simm.s32 $0x7D0  }
0x1f: {  	s11 =	sshll.u32 s11, $0x7;
	s8 =	sshrl.u32 s8, $0x3;
	s12 =	sadd.s32 s26, s12  }
0x20: {  	s9 =	sor.u32 s9, s11;
	s8 =	sadd.s32 s10, s8;
	s12 =	sshll.u32 s12, $0x7  }
0x21: {  	s9 =	sshrl.u32 s9, $0x3;
	s26 =	simm.s32 $0x2;
	s31 =	sor.u32 s13, s12  }
0x22: {  	s9 =	sadd.s32 s10, s9;
	s12 =	simm.s32 $0x7;
	s11 =	sshrl.u32 s31, $0x3  }
0x23: {  	s13 =	simm.s32 $0x4B0;
	s10 =	sadd.s32 s10, s11;
	s11 =	smax.u32 s1, $0x1  }
.LBB2_1:
0x24: {  	[tilespmem:s2], [sflag:$0x7] =	stream.linear.gather [hbm4b:s5+s2], $0x4B0, $0x38;
	[tilespmem:$0xD160] =	vst v63  }
0x25: {  	_ =	swait.ge [sflag:s12], $0x4B0  }
0x26: {  	[sflag:s12] =	ssyncset.done $0x0  }
0x27: {  	[sflag:s12] =	ssyncadd.s32 $0xFFFFFB50  }
0x28: {  	[tilespmem:s13], [sflag:$0x7] =	stream.linear.gather [hbm4b:s6+s2], $0x4B0, $0x38;
	[tilespmem:$0xD160] =	vst v63  }
0x29: {  	_ =	swait.ge [sflag:s12], $0x4B0  }
0x2a: {  	[sflag:s12] =	ssyncset.done $0x0  }
0x2b: {  	[sflag:s12] =	ssyncadd.s32 $0xFFFFFB50  }
0x2c: {  	[tilespmem:s15], [sflag:$0x1] =	stream.indirect.gather [hbm4b:s3+s14], $0x20, s2, s14, $0xb8;
	[tilespmem:$0xD160] =	vst v63  }
0x2d: {  	_ = 	snop  }
0x2e: {  	[tilespmem:s16], [sflag:$0x3] =	stream.indirect.gather [hbm4b:s4+s14], $0x20, s13, s14, $0xb8;
	[tilespmem:$0xD160] =	vst v63  }
0x2f: {  	_ = 	snop  }
0x30: {  	[tilespmem:s17], [sflag:$0x2] =	stream.indirect.gather [hbm4b:s3+s14], $0x20, s14, s14, $0xb8;
	[tilespmem:$0xD160] =	vst v63  }
0x31: {  	_ = 	snop  }
0x32: {  	[tilespmem:s19], [sflag:$0x4] =	stream.indirect.gather [hbm4b:s4+s14], $0x20, s18, s14, $0xb8;
	[tilespmem:$0xD160] =	vst v63  }
0x33: {  	_ =	swait.ge [sflag:s7], $0x3200  }
0x34: {  	[sflag:s7] =	ssyncset.done $0x0  }
0x35: {  	[sflag:s7] =	ssyncadd.s32 $0xFFFFCE00  }
0x36: {  	_ =	swait.ge [sflag:s20], $0x3200  }
0x37: {  	[sflag:s20] =	ssyncset.done $0x0  }
0x38: {  	s31 =	simm.s32 $0x0;
	[sflag:s20] =	ssyncadd.s32 $0xFFFFCE00  }
0x39: {  	v0 =	vld [tilespmem:s31+$0x6D60]  }
0x3a: {  	v1 =	vld [tilespmem:s31+$0x6D70]  }
0x3b: {  	s1 =	simm.s32 $0x80;
	v2 =	vld [tilespmem:s31+$0x960]  }
.LBB2_2:
0x3c: {  	p0 =	sne.s32 s1, $0xC780;
	v3 =	vld [tilespmem:s31+$0x970];
	_ =	sdelay $0x2  }
.Ltmp0:
0x3d: {  	(pc) =	sbr.rel @p0 .LBB2_2-.Ltmp0, $4  }
0x3e: {  	s0 =	sshra.s32 s1, $0x2;
	v2 =	vadd.f32 v0, v2  }
0x3f: {  	v0 =	vld [tilespmem:s0+$0x6D60];
	v3 =	vadd.f32 v1, v3  }
0x40: {  	v1 =	vld [tilespmem:s0+$0x6D70];
	[tilespmem:s31+$0x960] =	vst v2  }
0x41: {  	s1 =	sadd.s32 $0x80, s1;
	v2 =	vld [tilespmem:s0+$0x960];
	[tilespmem:s31+$0x970] =	vst v3;
	s31 =	smov.u32 s0  }
0x42: {  	v3 =	vld [tilespmem:s31+$0x970];
	_ =	sdelay $0x3  }
0x43: {  	v0 =	vadd.f32 v0, v2  }
0x44: {  	v1 =	vadd.f32 v1, v3  }
0x45: {  	[tilespmem:s31+$0x960] =	vst v0  }
0x46: {  	[tilespmem:s31+$0x970] =	vst v1  }
0x47: {  	[hbm4b:s8+s21] =	stream.strided.scatter [tilespmem:s15], [sflag:$0x5], $0x3200, s22, s21, $0x38;
	[tilespmem:$0xD160] =	vst v63  }
0x48: {  	_ =	swait.ge [sflag:s23], $0x3200  }
0x49: {  	[sflag:s23] =	ssyncset.done $0x0  }
0x4a: {  	[sflag:s23] =	ssyncadd.s32 $0xFFFFCE00  }
0x4b: {  	[tilespmem:s15], [sflag:$0x1] =	stream.indirect.gather [hbm4b:s3+s14], $0x20, s24, s14, $0xb8;
	[tilespmem:$0xD160] =	vst v63  }
0x4c: {  	_ = 	snop  }
0x4d: {  	[tilespmem:s16], [sflag:$0x3] =	stream.indirect.gather [hbm4b:s4+s14], $0x20, s25, s14, $0xb8;
	[tilespmem:$0xD160] =	vst v63  }
0x4e: {  	_ =	swait.ge [sflag:s26], $0x3200  }
0x4f: {  	[sflag:s26] =	ssyncset.done $0x0  }
0x50: {  	[sflag:s26] =	ssyncadd.s32 $0xFFFFCE00  }
0x51: {  	_ =	swait.ge [sflag:s28], $0x3200  }
0x52: {  	[sflag:s28] =	ssyncset.done $0x0  }
0x53: {  	s31 =	simm.s32 $0x0;
	[sflag:s28] =	ssyncadd.s32 $0xFFFFCE00  }
0x54: {  	v0 =	vld [tilespmem:s31+$0x9F60]  }
0x55: {  	v1 =	vld [tilespmem:s31+$0x9F70]  }
0x56: {  	s1 =	simm.s32 $0x80;
	v2 =	vld [tilespmem:s31+$0x3B60]  }
.LBB2_4:
0x57: {  	p0 =	sne.s32 s1, $0xC780;
	v3 =	vld [tilespmem:s31+$0x3B70];
	_ =	sdelay $0x2  }
.Ltmp1:
0x58: {  	(pc) =	sbr.rel @p0 .LBB2_4-.Ltmp1, $4  }
0x59: {  	s0 =	sshra.s32 s1, $0x2;
	v2 =	vadd.f32 v0, v2  }
0x5a: {  	v0 =	vld [tilespmem:s0+$0x9F60];
	v3 =	vadd.f32 v1, v3  }
0x5b: {  	v1 =	vld [tilespmem:s0+$0x9F70];
	[tilespmem:s31+$0x3B60] =	vst v2  }
0x5c: {  	s1 =	sadd.s32 $0x80, s1;
	v2 =	vld [tilespmem:s0+$0x3B60];
	[tilespmem:s31+$0x3B70] =	vst v3;
	s31 =	smov.u32 s0  }
0x5d: {  	v3 =	vld [tilespmem:s31+$0x3B70];
	_ =	sdelay $0x3  }
0x5e: {  	v0 =	vadd.f32 v0, v2  }
0x5f: {  	v1 =	vadd.f32 v1, v3  }
0x60: {  	[tilespmem:s31+$0x3B60] =	vst v0  }
0x61: {  	[tilespmem:s31+$0x3B70] =	vst v1  }
0x62: {  	[hbm4b:s9+s21] =	stream.strided.scatter [tilespmem:s17], [sflag:$0x6], $0x3200, s22, s21, $0x38;
	[tilespmem:$0xD160] =	vst v63  }
0x63: {  	_ =	swait.ge [sflag:s7], $0x3200  }
0x64: {  	[sflag:s7] =	ssyncset.done $0x0  }
0x65: {  	[sflag:s7] =	ssyncadd.s32 $0xFFFFCE00  }
0x66: {  	_ =	swait.ge [sflag:s20], $0x3200  }
0x67: {  	[sflag:s20] =	ssyncset.done $0x0  }
0x68: {  	s31 =	simm.s32 $0x0;
	[sflag:s20] =	ssyncadd.s32 $0xFFFFCE00  }
0x69: {  	v0 =	vld [tilespmem:s31+$0x6D60]  }
0x6a: {  	v1 =	vld [tilespmem:s31+$0x6D70]  }
0x6b: {  	s1 =	simm.s32 $0x80;
	v2 =	vld [tilespmem:s31+$0x960]  }
.LBB2_6:
0x6c: {  	p0 =	sne.s32 s1, $0xC780;
	v3 =	vld [tilespmem:s31+$0x970];
	_ =	sdelay $0x2  }
.Ltmp2:
0x6d: {  	(pc) =	sbr.rel @p0 .LBB2_6-.Ltmp2, $4  }
0x6e: {  	s0 =	sshra.s32 s1, $0x2;
	v2 =	vadd.f32 v0, v2  }
0x6f: {  	v0 =	vld [tilespmem:s0+$0x6D60];
	v3 =	vadd.f32 v1, v3  }
0x70: {  	v1 =	vld [tilespmem:s0+$0x6D70];
	[tilespmem:s31+$0x960] =	vst v2  }
0x71: {  	s1 =	sadd.s32 $0x80, s1;
	v2 =	vld [tilespmem:s0+$0x960];
	[tilespmem:s31+$0x970] =	vst v3;
	s31 =	smov.u32 s0  }
0x72: {  	v3 =	vld [tilespmem:s31+$0x970];
	_ =	sdelay $0x3  }
0x73: {  	v0 =	vadd.f32 v0, v2  }
0x74: {  	v1 =	vadd.f32 v1, v3  }
0x75: {  	[tilespmem:s31+$0x960] =	vst v0  }
0x76: {  	s30 =	sadd.s32 $0x1, s30;
	[tilespmem:s31+$0x970] =	vst v1  }
0x77: {  	[hbm4b:s10+s21] =	stream.strided.scatter [tilespmem:s15], [sflag:$0x5], $0x3200, s22, s21, $0x38;
	[tilespmem:$0xD160] =	vst v63  }
0x78: {  	p0 =	sne.s32 s30, s11;
	_ =	swait.ge [sflag:s23], $0x3200  }
.Ltmp3:
0x79: {  	[sflag:s23] =	ssyncset.done $0x0;
	(pc) =	sbr.rel @p0 .LBB2_1-.Ltmp3, $4  }
0x7a: {  	[sflag:s23] =	ssyncadd.s32 $0xFFFFCE00  }
0x7b: {  	_ =	swait.ge [sflag:s29], $0x3200  }
0x7c: {  	[sflag:s29] =	ssyncset.done $0x0  }
0x7d: {  	[sflag:s29] =	ssyncadd.s32 $0xFFFFCE00  }
0x7e: {  	_ =	sfence.sel $0x180000  }
0x7f: {  	[bflag:$0x0] =	sbarrier.arrive $0xFFFF  }
0x80: {  	_ =	strace $0x90000050  }
0x81: {  	s0 =	stileid.u32;
	[bflag:$0x2] =	sbarrier.arrive $0xFFFF  }
0x82: {  	p0 =	sne.s32 s0, $0x0;
	s0 =	rddreg [dreg:$0x1]  }
0x83: {  	s0 =	sadd.s32 @!p0 $0x100000, s0  }
0x84: {  	[sflag:s0] =	ssyncadd.tile.s32 @!p0 $0x1;
	_ =	shalt  }
.Lfunc_end2:
_tile_overlayer_lowered:
.L_overlay_start_2:
0x85: {  	(tag) =	ssettag $0x2  }
0x86: {  	s0 =	rddreg [dreg:$0x0];
	s2 =	stileid.u32  }
0x87: {  	s1 =	rddreg [dreg:$0x1];
	p0 =	sne.s32 s2, $0x0  }
0x88: {  	s3 =	rddreg [dreg:$0x2];
	[bflag:$0x3] =	sbarrier.arrive $0xFFFF;
	s2 =	simm.s32 @!p0 $0x1C07  }
0x89: {  	[timem:s3], [sflag:s2] =	dma.local @!p0 [hbm:s0], s1  }
0x8a: {  	s0 =	simm.s32 @!p0 $0x7  }
0x8b: {  	_ =	swait.ge @!p0 [sflag:s0], s1  }
0x8c: {  	s1 =	ssub.s32 @!p0 $0x0, s1;
	[sflag:s0] =	ssyncset.done @!p0 $0x0  }
0x8d: {  	[sflag:s0] =	ssyncadd.s32 @!p0 s1  }
0x8e: {  	[bflag:$0x3] =	sbarrier.arrive $0xFFFF  }
0x8f: {  	_ =	shalt  }

</sc_bundles>
